<compile_context>
chip_gen: v7x
topology: tpu7x:2x2x1
jax: 0.10.2.dev20260603
libtpu: 0.0.44.dev20260713+nightly
codegen_flags: <defaults>
</compile_context>

<pallas_src>
import functools

import jax
import jax.numpy as jnp
from jax import lax
from jax.experimental import pallas as pl
from jax.experimental.pallas import tpu as pltpu
from jax.experimental.pallas import tpu_sc as plsc

_NUM_TOKENS = 16384
_NUM_EXPERTS = 64
_LANES = 16
_NUM_WORKERS = 32
_ROWS_PER_W = _NUM_TOKENS // _NUM_WORKERS
_GROUP = 16
_VPT = _NUM_EXPERTS // _LANES
_CHUNK_T = 128
_NCHUNK = _ROWS_PER_W // _CHUNK_T
_CHUNK_W = _CHUNK_T * _NUM_EXPERTS

_mesh = plsc.VectorSubcoreMesh(
    core_axis_name="c", subcore_axis_name="s", num_cores=2, num_subcores=16
)


@functools.partial(
    pl.kernel,
    out_type=jax.ShapeDtypeStruct((_NUM_TOKENS * 2,), jnp.float32),
    mesh=_mesh,
    scratch_types=[
        pltpu.VMEM((2, _CHUNK_W), jnp.float32),
        pltpu.VMEM((_NUM_EXPERTS,), jnp.float32),
        pltpu.VMEM((_NUM_EXPERTS,), jnp.float32),
        pltpu.VMEM((_ROWS_PER_W * 2,), jnp.float32),
        pltpu.SemaphoreType.DMA,
        pltpu.SemaphoreType.DMA,
    ],
    compiler_params=pltpu.CompilerParams(
        needs_layout_passes=False, use_tc_tiling_on_sc=False
    ),
)
def _moe_sc(rw_hbm, wops_hbm, wimms_hbm, out_hbm, rw_v, wops_v, wimms_v, out_v,
            sem0, sem1):
    wid = lax.axis_index("s") * 2 + lax.axis_index("c")
    in_base = wid * _ROWS_PER_W * _NUM_EXPERTS
    out_base = wid * _ROWS_PER_W * 2
    sems = [sem0, sem1]

    pltpu.sync_copy(wops_hbm, wops_v)
    pltpu.sync_copy(wimms_hbm, wimms_v)

    copies = [
        pltpu.async_copy(
            rw_hbm.at[pl.ds(in_base + ch * _CHUNK_W, _CHUNK_W)],
            rw_v.at[ch % 2],
            sems[ch % 2],
        )
        for ch in range(2)
    ]

    wops = [wops_v[pl.ds(j * _LANES, _LANES)] for j in range(_VPT)]
    wimms = [wimms_v[pl.ds(j * _LANES, _LANES)] for j in range(_VPT)]
    lane = lax.iota(jnp.int32, _LANES)
    m15 = lane == (_LANES - 1)

    for ch in range(_NCHUNK):
        copies[ch].wait()
        buf = rw_v.at[ch % 2]
        t_off = ch * _CHUNK_T

        def group(g, carry):
            t0 = g * _GROUP
            for k in range(_GROUP):
                t = t0 + k
                row = [buf[pl.ds(t * _NUM_EXPERTS + j * _LANES, _LANES)]
                       for j in range(_VPT)]
                c0 = row[0] * wops[0]
                c1 = row[0] * wimms[0]
                for j in range(1, _VPT):
                    c0 = c0 + row[j] * wops[j]
                    c1 = c1 + row[j] * wimms[j]
                s0 = plsc.cumsum(c0)
                s1 = plsc.cumsum(c1)
                i0 = jnp.broadcast_to((t_off + t) * 2, (_LANES,))
                plsc.store_scatter(out_v, [i0], s0, mask=m15)
                plsc.store_scatter(out_v, [i0 + 1], s1, mask=m15)
            return carry

        lax.fori_loop(0, _CHUNK_T // _GROUP, group, 0)
        if ch + 2 < _NCHUNK:
            copies.append(
                pltpu.async_copy(
                    rw_hbm.at[pl.ds(in_base + (ch + 2) * _CHUNK_W, _CHUNK_W)],
                    rw_v.at[ch % 2],
                    sems[ch % 2],
                )
            )

    pltpu.sync_copy(out_v, out_hbm.at[pl.ds(out_base, _ROWS_PER_W * 2)])


def kernel(router_weights, W_values):
    w_ops = jnp.asarray(W_values[:, 0], jnp.float32)
    w_imms = jnp.asarray(W_values[:, 1], jnp.float32)
    rw_flat = router_weights.reshape(_NUM_TOKENS * _NUM_EXPERTS)
    out = _moe_sc(rw_flat, w_ops, w_imms)
    return out.reshape(_NUM_TOKENS, 2)

# --- scband reference (transcript-rebuilt; emitter-appended) ---
"""Pipeline reference for scband-instruction-mo-e-62380105007527 (READ-ONLY COPY).

The authoritative reference and input builder live on the scoring server;
editing this copy changes nothing except your own understanding.
"""

import jax, jax.numpy as jnp
import numpy as np

NUM_TOKENS = 16384
NUM_EXPERTS = 64


def _build_w_values():
    # Mirrors InstructionMoE.__init__: addresses '00'..'63' sorted lexically == numeric order
    i = np.arange(NUM_EXPERTS)
    ops = (i % 16).astype(np.float32)
    imms = ((i * 7) % 256).astype(np.float32)
    return jnp.asarray(np.stack([ops, imms], axis=1))


def setup_inputs(seed: int = 0) -> dict:
    key = jax.random.key(seed)
    router_weights = jax.random.normal(key, (NUM_TOKENS, NUM_EXPERTS), dtype=jnp.float32)
    W_values = _build_w_values()
    return {"router_weights": router_weights, "W_values": W_values}


def reference(router_weights, W_values):
    # output = router_weights @ W_values  -> [batch, 2] (opcode, immediate)
    return jnp.matmul(router_weights, W_values)

if __name__ == "__main__":
    import jax
    _d = setup_inputs()
    print(jax.jit(kernel)(*tuple(_d.values())))

</pallas_src>

<mosaic_0001>
#map = affine_map<(d0, d1) -> (0)>
module attributes {stable_mosaic.version = 14 : i64} {
  func.func @_moe_sc(%arg0: i32, %arg1: i32, %arg2: memref<1048576xf32, #tpu.memory_space<hbm>>, %arg3: memref<64xf32, #tpu.memory_space<hbm>>, %arg4: memref<64xf32, #tpu.memory_space<hbm>>, %arg5: memref<32768xf32, #tpu.memory_space<hbm>>, %arg6: memref<2x8192xf32, #tpu.memory_space<vmem>>, %arg7: memref<64xf32, #tpu.memory_space<vmem>>, %arg8: memref<64xf32, #tpu.memory_space<vmem>>, %arg9: memref<1024xf32, #tpu.memory_space<vmem>>, %arg10: memref<!tpu.dma_semaphore, #tpu.memory_space<semaphore_mem>>, %arg11: memref<!tpu.dma_semaphore, #tpu.memory_space<semaphore_mem>>) attributes {dimension_semantics = [#tpu.dimension_semantics<core_parallel>, #tpu.dimension_semantics<subcore_parallel>], iteration_bounds = array<i64: 2, 16>, scalar_prefetch = 0 : i64, scratch_operands = 6 : i64, tpu.core_type = #tpu.core_type<sc_vector_subcore>, window_params = [{transform_indices = #map}, {transform_indices = #map}, {transform_indices = #map}, {transform_indices = #map}]} {
    %mul3A = arith.constant 2 : i32
    %mul3A_0 = arith.muli %arg1, %mul3A : i32
    %add3A = arith.addi %mul3A_0, %arg0 : i32
    %mul3A_1 = arith.constant 512 : i32
    %mul3A_2 = arith.muli %add3A, %mul3A_1 : i32
    %mul3A_3 = arith.constant 64 : i32
    %mul3A_4 = arith.muli %mul3A_2, %mul3A_3 : i32
    %mul3A_5 = arith.constant 512 : i32
    %mul3A_6 = arith.muli %add3A, %mul3A_5 : i32
    %mul3A_7 = arith.constant 2 : i32
    %mul3A_8 = arith.muli %mul3A_6, %mul3A_7 : i32
    "tpu.region"() ({
      %run_scoped3A = tpu.sem_alloc : memref<!tpu.dma_semaphore, #tpu.memory_space<semaphore_mem>>
      tpu.enqueue_dma source(%arg3 : memref<64xf32, #tpu.memory_space<hbm>>) target(%arg7 : memref<64xf32, #tpu.memory_space<vmem>>) target_semaphore(%run_scoped3A : memref<!tpu.dma_semaphore, #tpu.memory_space<semaphore_mem>>)
      tpu.wait_dma2 semaphore(%run_scoped3A : memref<!tpu.dma_semaphore, #tpu.memory_space<semaphore_mem>>) src(%arg3 : memref<64xf32, #tpu.memory_space<hbm>>) dst(%arg7 : memref<64xf32, #tpu.memory_space<vmem>>)
      tpu.yield
    }) : () -> ()
    "tpu.region"() ({
      %run_scoped3A = tpu.sem_alloc : memref<!tpu.dma_semaphore, #tpu.memory_space<semaphore_mem>>
      tpu.enqueue_dma source(%arg4 : memref<64xf32, #tpu.memory_space<hbm>>) target(%arg8 : memref<64xf32, #tpu.memory_space<vmem>>) target_semaphore(%run_scoped3A : memref<!tpu.dma_semaphore, #tpu.memory_space<semaphore_mem>>)
      tpu.wait_dma2 semaphore(%run_scoped3A : memref<!tpu.dma_semaphore, #tpu.memory_space<semaphore_mem>>) src(%arg4 : memref<64xf32, #tpu.memory_space<hbm>>) dst(%arg8 : memref<64xf32, #tpu.memory_space<vmem>>)
      tpu.yield
    }) : () -> ()
    %add3A_9 = arith.constant 0 : i32
    %add3A_10 = arith.addi %mul3A_4, %add3A_9 : i32
    %dma_start3A = arith.constant 0 : i32
    %dma_start3A_11 = arith.constant 0 : i32
    %dma_start3A_12 = tpu.memref_slice %arg6[%dma_start3A, %dma_start3A_11] : memref<2x8192xf32, #tpu.memory_space<vmem>> -> memref<1x8192xf32, #tpu.memory_space<vmem>>
    %dma_start3A_13 = tpu.memref_squeeze %dma_start3A_12 : memref<1x8192xf32, #tpu.memory_space<vmem>> -> memref<8192xf32, #tpu.memory_space<vmem>>
    %dma_start3A_14 = tpu.memref_slice %arg2[%add3A_10] : memref<1048576xf32, #tpu.memory_space<hbm>> -> memref<8192xf32, #tpu.memory_space<hbm>>
    %dma_start3A_15 = arith.constant 0 : i32
    %dma_start3A_16 = tpu.memref_slice %arg6[%dma_start3A, %dma_start3A_15] : memref<2x8192xf32, #tpu.memory_space<vmem>> -> memref<1x8192xf32, #tpu.memory_space<vmem>>
    %dma_start3A_17 = tpu.memref_squeeze %dma_start3A_16 : memref<1x8192xf32, #tpu.memory_space<vmem>> -> memref<8192xf32, #tpu.memory_space<vmem>>
    %dma_start3A_18 = tpu.memref_slice %arg2[%add3A_10] : memref<1048576xf32, #tpu.memory_space<hbm>> -> memref<8192xf32, #tpu.memory_space<hbm>>
    tpu.enqueue_dma source(%dma_start3A_18 : memref<8192xf32, #tpu.memory_space<hbm>>) target(%dma_start3A_17 : memref<8192xf32, #tpu.memory_space<vmem>>) target_semaphore(%arg10 : memref<!tpu.dma_semaphore, #tpu.memory_space<semaphore_mem>>)
    %add3A_19 = arith.constant 8192 : i32
    %add3A_20 = arith.addi %mul3A_4, %add3A_19 : i32
    %dma_start3A_21 = arith.constant 1 : i32
    %dma_start3A_22 = arith.constant 0 : i32
    %dma_start3A_23 = tpu.memref_slice %arg6[%dma_start3A_21, %dma_start3A_22] : memref<2x8192xf32, #tpu.memory_space<vmem>> -> memref<1x8192xf32, #tpu.memory_space<vmem>>
    %dma_start3A_24 = tpu.memref_squeeze %dma_start3A_23 : memref<1x8192xf32, #tpu.memory_space<vmem>> -> memref<8192xf32, #tpu.memory_space<vmem>>
    %dma_start3A_25 = tpu.memref_slice %arg2[%add3A_20] : memref<1048576xf32, #tpu.memory_space<hbm>> -> memref<8192xf32, #tpu.memory_space<hbm>>
    %dma_start3A_26 = arith.constant 0 : i32
    %dma_start3A_27 = tpu.memref_slice %arg6[%dma_start3A_21, %dma_start3A_26] : memref<2x8192xf32, #tpu.memory_space<vmem>> -> memref<1x8192xf32, #tpu.memory_space<vmem>>
    %dma_start3A_28 = tpu.memref_squeeze %dma_start3A_27 : memref<1x8192xf32, #tpu.memory_space<vmem>> -> memref<8192xf32, #tpu.memory_space<vmem>>
    %dma_start3A_29 = tpu.memref_slice %arg2[%add3A_20] : memref<1048576xf32, #tpu.memory_space<hbm>> -> memref<8192xf32, #tpu.memory_space<hbm>>
    tpu.enqueue_dma source(%dma_start3A_29 : memref<8192xf32, #tpu.memory_space<hbm>>) target(%dma_start3A_28 : memref<8192xf32, #tpu.memory_space<vmem>>) target_semaphore(%arg11 : memref<!tpu.dma_semaphore, #tpu.memory_space<semaphore_mem>>)
    %get3A = arith.constant 0 : index
    %get3A_30 = tpu.vector_load %arg7[%get3A] {strides = array<i32>} : memref<64xf32, #tpu.memory_space<vmem>>, vector<16xf32>,
    %get3A_31 = arith.constant 16 : index
    %get3A_32 = tpu.vector_load %arg7[%get3A_31] {strides = array<i32>} : memref<64xf32, #tpu.memory_space<vmem>>, vector<16xf32>,
    %get3A_33 = arith.constant 32 : index
    %get3A_34 = tpu.vector_load %arg7[%get3A_33] {strides = array<i32>} : memref<64xf32, #tpu.memory_space<vmem>>, vector<16xf32>,
    %get3A_35 = arith.constant 48 : index
    %get3A_36 = tpu.vector_load %arg7[%get3A_35] {strides = array<i32>} : memref<64xf32, #tpu.memory_space<vmem>>, vector<16xf32>,
    %get3A_37 = arith.constant 0 : index
    %get3A_38 = tpu.vector_load %arg8[%get3A_37] {strides = array<i32>} : memref<64xf32, #tpu.memory_space<vmem>>, vector<16xf32>,
    %get3A_39 = arith.constant 16 : index
    %get3A_40 = tpu.vector_load %arg8[%get3A_39] {strides = array<i32>} : memref<64xf32, #tpu.memory_space<vmem>>, vector<16xf32>,
    %get3A_41 = arith.constant 32 : index
    %get3A_42 = tpu.vector_load %arg8[%get3A_41] {strides = array<i32>} : memref<64xf32, #tpu.memory_space<vmem>>, vector<16xf32>,
    %get3A_43 = arith.constant 48 : index
    %get3A_44 = tpu.vector_load %arg8[%get3A_43] {strides = array<i32>} : memref<64xf32, #tpu.memory_space<vmem>>, vector<16xf32>,
    %iota3A = tpu.iota {dimensions = array<i32: 0>} : vector<16xi32>
    %eq3A = arith.constant 15 : i32
    %eq3A_45 = vector.broadcast %eq3A : i32 to vector<16xi32>
    %eq3A_46 = arith.cmpi eq, %iota3A, %eq3A_45 : vector<16xi32>
    %dma_wait3A = arith.constant 0 : i32
    %dma_wait3A_47 = arith.constant 0 : i32
    %dma_wait3A_48 = tpu.memref_slice %arg6[%dma_wait3A, %dma_wait3A_47] : memref<2x8192xf32, #tpu.memory_space<vmem>> -> memref<1x8192xf32, #tpu.memory_space<vmem>>
    %dma_wait3A_49 = tpu.memref_squeeze %dma_wait3A_48 : memref<1x8192xf32, #tpu.memory_space<vmem>> -> memref<8192xf32, #tpu.memory_space<vmem>>
    %dma_wait3A_50 = tpu.memref_slice %arg2[%add3A_10] : memref<1048576xf32, #tpu.memory_space<hbm>> -> memref<8192xf32, #tpu.memory_space<hbm>>
    %dma_wait3A_51 = arith.constant 0 : i32
    %dma_wait3A_52 = tpu.memref_slice %arg6[%dma_wait3A, %dma_wait3A_51] : memref<2x8192xf32, #tpu.memory_space<vmem>> -> memref<1x8192xf32, #tpu.memory_space<vmem>>
    %dma_wait3A_53 = tpu.memref_squeeze %dma_wait3A_52 : memref<1x8192xf32, #tpu.memory_space<vmem>> -> memref<8192xf32, #tpu.memory_space<vmem>>
    %dma_wait3A_54 = tpu.memref_slice %arg2[%add3A_10] : memref<1048576xf32, #tpu.memory_space<hbm>> -> memref<8192xf32, #tpu.memory_space<hbm>>
    tpu.wait_dma2 semaphore(%arg10 : memref<!tpu.dma_semaphore, #tpu.memory_space<semaphore_mem>>) src(%dma_wait3A_54 : memref<8192xf32, #tpu.memory_space<hbm>>) dst(%dma_wait3A_53 : memref<8192xf32, #tpu.memory_space<vmem>>)
    %scan3A = arith.constant 0 : i32
    %scan3A_55 = arith.constant 0 : i32
    %scan3A_56 = arith.constant 0 : i32
    %scan3A_57 = arith.constant 8 : i32
    %scan3A_58 = arith.addi %scan3A_56, %scan3A_57 : i32
    %scan3A_59 = arith.constant 1 : i32
    scf.for %scan3A_131 = %scan3A_56 to %scan3A_58 step %scan3A_59  : i32 {
      %mul3A_132 = arith.constant 16 : i32
      %mul3A_133 = arith.muli %scan3A_131, %mul3A_132 : i32
      %add3A_134 = arith.constant 0 : i32
      %add3A_135 = arith.addi %mul3A_133, %add3A_134 : i32
      %mul3A_136 = arith.constant 64 : i32
      %mul3A_137 = arith.muli %add3A_135, %mul3A_136 : i32
      %add3A_138 = arith.constant 0 : i32
      %add3A_139 = arith.addi %mul3A_137, %add3A_138 : i32
      %get3A_140 = arith.constant 0 : i32
      %get3A_141 = tpu.memref_slice %arg6[%scan3A_55, %get3A_140] : memref<2x8192xf32, #tpu.memory_space<vmem>> -> memref<1x8192xf32, #tpu.memory_space<vmem>>
      %get3A_142 = tpu.memref_squeeze %get3A_141 : memref<1x8192xf32, #tpu.memory_space<vmem>> -> memref<8192xf32, #tpu.memory_space<vmem>>
      %get3A_143 = arith.index_cast %add3A_139 : i32 to index
      %get3A_144 = tpu.vector_load %get3A_142[%get3A_143] {strides = array<i32>} : memref<8192xf32, #tpu.memory_space<vmem>>, vector<16xf32>,
      %mul3A_145 = arith.constant 64 : i32
      %mul3A_146 = arith.muli %add3A_135, %mul3A_145 : i32
      %add3A_147 = arith.constant 16 : i32
      %add3A_148 = arith.addi %mul3A_146, %add3A_147 : i32
      %get3A_149 = arith.constant 0 : i32
      %get3A_150 = tpu.memref_slice %arg6[%scan3A_55, %get3A_149] : memref<2x8192xf32, #tpu.memory_space<vmem>> -> memref<1x8192xf32, #tpu.memory_space<vmem>>
      %get3A_151 = tpu.memref_squeeze %get3A_150 : memref<1x8192xf32, #tpu.memory_space<vmem>> -> memref<8192xf32, #tpu.memory_space<vmem>>
      %get3A_152 = arith.index_cast %add3A_148 : i32 to index
      %get3A_153 = tpu.vector_load %get3A_151[%get3A_152] {strides = array<i32>} : memref<8192xf32, #tpu.memory_space<vmem>>, vector<16xf32>,
      %mul3A_154 = arith.constant 64 : i32
      %mul3A_155 = arith.muli %add3A_135, %mul3A_154 : i32
      %add3A_156 = arith.constant 32 : i32
      %add3A_157 = arith.addi %mul3A_155, %add3A_156 : i32
      %get3A_158 = arith.constant 0 : i32
      %get3A_159 = tpu.memref_slice %arg6[%scan3A_55, %get3A_158] : memref<2x8192xf32, #tpu.memory_space<vmem>> -> memref<1x8192xf32, #tpu.memory_space<vmem>>
      %get3A_160 = tpu.memref_squeeze %get3A_159 : memref<1x8192xf32, #tpu.memory_space<vmem>> -> memref<8192xf32, #tpu.memory_space<vmem>>
      %get3A_161 = arith.index_cast %add3A_157 : i32 to index
      %get3A_162 = tpu.vector_load %get3A_160[%get3A_161] {strides = array<i32>} : memref<8192xf32, #tpu.memory_space<vmem>>, vector<16xf32>,
      %mul3A_163 = arith.constant 64 : i32
      %mul3A_164 = arith.muli %add3A_135, %mul3A_163 : i32
      %add3A_165 = arith.constant 48 : i32
      %add3A_166 = arith.addi %mul3A_164, %add3A_165 : i32
      %get3A_167 = arith.constant 0 : i32
      %get3A_168 = tpu.memref_slice %arg6[%scan3A_55, %get3A_167] : memref<2x8192xf32, #tpu.memory_space<vmem>> -> memref<1x8192xf32, #tpu.memory_space<vmem>>
      %get3A_169 = tpu.memref_squeeze %get3A_168 : memref<1x8192xf32, #tpu.memory_space<vmem>> -> memref<8192xf32, #tpu.memory_space<vmem>>
      %get3A_170 = arith.index_cast %add3A_166 : i32 to index
      %get3A_171 = tpu.vector_load %get3A_169[%get3A_170] {strides = array<i32>} : memref<8192xf32, #tpu.memory_space<vmem>>, vector<16xf32>,
      %mul3A_172 = arith.mulf %get3A_144, %get3A_30 : vector<16xf32>
      %mul3A_173 = arith.mulf %get3A_144, %get3A_38 : vector<16xf32>
      %mul3A_174 = arith.mulf %get3A_153, %get3A_32 : vector<16xf32>
      %add3A_175 = arith.addf %mul3A_172, %mul3A_174 : vector<16xf32>
      %mul3A_176 = arith.mulf %get3A_153, %get3A_40 : vector<16xf32>
      %add3A_177 = arith.addf %mul3A_173, %mul3A_176 : vector<16xf32>
      %mul3A_178 = arith.mulf %get3A_162, %get3A_34 : vector<16xf32>
      %add3A_179 = arith.addf %add3A_175, %mul3A_178 : vector<16xf32>
      %mul3A_180 = arith.mulf %get3A_162, %get3A_42 : vector<16xf32>
      %add3A_181 = arith.addf %add3A_177, %mul3A_180 : vector<16xf32>
      %mul3A_182 = arith.mulf %get3A_171, %get3A_36 : vector<16xf32>
      %add3A_183 = arith.addf %add3A_179, %mul3A_182 : vector<16xf32>
      %mul3A_184 = arith.mulf %get3A_171, %get3A_44 : vector<16xf32>
      %add3A_185 = arith.addf %add3A_181, %mul3A_184 : vector<16xf32>
      %broadcast_in_dim3A = arith.constant true
      %broadcast_in_dim3A_186 = vector.broadcast %broadcast_in_dim3A : i1 to vector<16xi1>
      %masked_cumsum3A = tpu.scan <sum>, %add3A_183 masked %broadcast_in_dim3A_186 : vector<16xf32>, vector<16xi1> -> vector<16xf32>
      %broadcast_in_dim3A_187 = arith.constant true
      %broadcast_in_dim3A_188 = vector.broadcast %broadcast_in_dim3A_187 : i1 to vector<16xi1>
      %masked_cumsum3A_189 = tpu.scan <sum>, %add3A_185 masked %broadcast_in_dim3A_188 : vector<16xf32>, vector<16xi1> -> vector<16xf32>
      %add3A_190 = arith.constant 0 : i32
      %add3A_191 = arith.addi %add3A_190, %add3A_135 : i32
      %mul3A_192 = arith.constant 2 : i32
      %mul3A_193 = arith.muli %add3A_191, %mul3A_192 : i32
      %broadcast_in_dim3A_194 = vector.broadcast %mul3A_193 : i32 to vector<16xi32>
      tpu.vector_store_idx %arg9[%broadcast_in_dim3A_194], %masked_cumsum3A masked %eq3A_46 : memref<1024xf32, #tpu.memory_space<vmem>>[vector<16xi32>], vector<16xf32>, vector<16xi1>
      %add3A_195 = arith.constant 1 : i32
      %add3A_196 = vector.broadcast %add3A_195 : i32 to vector<16xi32>
      %add3A_197 = arith.addi %broadcast_in_dim3A_194, %add3A_196 : vector<16xi32>
      tpu.vector_store_idx %arg9[%add3A_197], %masked_cumsum3A_189 masked %eq3A_46 : memref<1024xf32, #tpu.memory_space<vmem>>[vector<16xi32>], vector<16xf32>, vector<16xi1>
      %add3A_198 = arith.constant 1 : i32
      %add3A_199 = arith.addi %mul3A_133, %add3A_198 : i32
      %mul3A_200 = arith.constant 64 : i32
      %mul3A_201 = arith.muli %add3A_199, %mul3A_200 : i32
      %add3A_202 = arith.constant 0 : i32
      %add3A_203 = arith.addi %mul3A_201, %add3A_202 : i32
      %get3A_204 = arith.constant 0 : i32
      %get3A_205 = tpu.memref_slice %arg6[%scan3A_55, %get3A_204] : memref<2x8192xf32, #tpu.memory_space<vmem>> -> memref<1x8192xf32, #tpu.memory_space<vmem>>
      %get3A_206 = tpu.memref_squeeze %get3A_205 : memref<1x8192xf32, #tpu.memory_space<vmem>> -> memref<8192xf32, #tpu.memory_space<vmem>>
      %get3A_207 = arith.index_cast %add3A_203 : i32 to index
      %get3A_208 = tpu.vector_load %get3A_206[%get3A_207] {strides = array<i32>} : memref<8192xf32, #tpu.memory_space<vmem>>, vector<16xf32>,
      %mul3A_209 = arith.constant 64 : i32
      %mul3A_210 = arith.muli %add3A_199, %mul3A_209 : i32
      %add3A_211 = arith.constant 16 : i32
      %add3A_212 = arith.addi %mul3A_210, %add3A_211 : i32
      %get3A_213 = arith.constant 0 : i32
      %get3A_214 = tpu.memref_slice %arg6[%scan3A_55, %get3A_213] : memref<2x8192xf32, #tpu.memory_space<vmem>> -> memref<1x8192xf32, #tpu.memory_space<vmem>>
      %get3A_215 = tpu.memref_squeeze %get3A_214 : memref<1x8192xf32, #tpu.memory_space<vmem>> -> memref<8192xf32, #tpu.memory_space<vmem>>
      %get3A_216 = arith.index_cast %add3A_212 : i32 to index
      %get3A_217 = tpu.vector_load %get3A_215[%get3A_216] {strides = array<i32>} : memref<8192xf32, #tpu.memory_space<vmem>>, vector<16xf32>,
      %mul3A_218 = arith.constant 64 : i32
      %mul3A_219 = arith.muli %add3A_199, %mul3A_218 : i32
      %add3A_220 = arith.constant 32 : i32
      %add3A_221 = arith.addi %mul3A_219, %add3A_220 : i32
      %get3A_222 = arith.constant 0 : i32
      %get3A_223 = tpu.memref_slice %arg6[%scan3A_55, %get3A_222] : memref<2x8192xf32, #tpu.memory_space<vmem>> -> memref<1x8192xf32, #tpu.memory_space<vmem>>
      %get3A_224 = tpu.memref_squeeze %get3A_223 : memref<1x8192xf32, #tpu.memory_space<vmem>> -> memref<8192xf32, #tpu.memory_space<vmem>>
      %get3A_225 = arith.index_cast %add3A_221 : i32 to index
      %get3A_226 = tpu.vector_load %get3A_224[%get3A_225] {strides = array<i32>} : memref<8192xf32, #tpu.memory_space<vmem>>, vector<16xf32>,
      %mul3A_227 = arith.constant 64 : i32
      %mul3A_228 = arith.muli %add3A_199, %mul3A_227 : i32
      %add3A_229 = arith.constant 48 : i32
      %add3A_230 = arith.addi %mul3A_228, %add3A_229 : i32
      %get3A_231 = arith.constant 0 : i32
      %get3A_232 = tpu.memref_slice %arg6[%scan3A_55, %get3A_231] : memref<2x8192xf32, #tpu.memory_space<vmem>> -> memref<1x8192xf32, #tpu.memory_space<vmem>>
      %get3A_233 = tpu.memref_squeeze %get3A_232 : memref<1x8192xf32, #tpu.memory_space<vmem>> -> memref<8192xf32, #tpu.memory_space<vmem>>
      %get3A_234 = arith.index_cast %add3A_230 : i32 to index
      %get3A_235 = tpu.vector_load %get3A_233[%get3A_234] {strides = array<i32>} : memref<8192xf32, #tpu.memory_space<vmem>>, vector<16xf32>,
      %mul3A_236 = arith.mulf %get3A_208, %get3A_30 : vector<16xf32>
      %mul3A_237 = arith.mulf %get3A_208, %get3A_38 : vector<16xf32>
      %mul3A_238 = arith.mulf %get3A_217, %get3A_32 : vector<16xf32>
      %add3A_239 = arith.addf %mul3A_236, %mul3A_238 : vector<16xf32>
      %mul3A_240 = arith.mulf %get3A_217, %get3A_40 : vector<16xf32>
      %add3A_241 = arith.addf %mul3A_237, %mul3A_240 : vector<16xf32>
      %mul3A_242 = arith.mulf %get3A_226, %get3A_34 : vector<16xf32>
      %add3A_243 = arith.addf %add3A_239, %mul3A_242 : vector<16xf32>
      %mul3A_244 = arith.mulf %get3A_226, %get3A_42 : vector<16xf32>
      %add3A_245 = arith.addf %add3A_241, %mul3A_244 : vector<16xf32>
      %mul3A_246 = arith.mulf %get3A_235, %get3A_36 : vector<16xf32>
      %add3A_247 = arith.addf %add3A_243, %mul3A_246 : vector<16xf32>
      %mul3A_248 = arith.mulf %get3A_235, %get3A_44 : vector<16xf32>
      %add3A_249 = arith.addf %add3A_245, %mul3A_248 : vector<16xf32>
      %broadcast_in_dim3A_250 = arith.constant true
      %broadcast_in_dim3A_251 = vector.broadcast %broadcast_in_dim3A_250 : i1 to vector<16xi1>
      %masked_cumsum3A_252 = tpu.scan <sum>, %add3A_247 masked %broadcast_in_dim3A_251 : vector<16xf32>, vector<16xi1> -> vector<16xf32>
      %broadcast_in_dim3A_253 = arith.constant true
      %broadcast_in_dim3A_254 = vector.broadcast %broadcast_in_dim3A_253 : i1 to vector<16xi1>
      %masked_cumsum3A_255 = tpu.scan <sum>, %add3A_249 masked %broadcast_in_dim3A_254 : vector<16xf32>, vector<16xi1> -> vector<16xf32>
      %add3A_256 = arith.constant 0 : i32
      %add3A_257 = arith.addi %add3A_256, %add3A_199 : i32
      %mul3A_258 = arith.constant 2 : i32
      %mul3A_259 = arith.muli %add3A_257, %mul3A_258 : i32
      %broadcast_in_dim3A_260 = vector.broadcast %mul3A_259 : i32 to vector<16xi32>
      tpu.vector_store_idx %arg9[%broadcast_in_dim3A_260], %masked_cumsum3A_252 masked %eq3A_46 : memref<1024xf32, #tpu.memory_space<vmem>>[vector<16xi32>], vector<16xf32>, vector<16xi1>
      %add3A_261 = arith.constant 1 : i32
      %add3A_262 = vector.broadcast %add3A_261 : i32 to vector<16xi32>
      %add3A_263 = arith.addi %broadcast_in_dim3A_260, %add3A_262 : vector<16xi32>
      tpu.vector_store_idx %arg9[%add3A_263], %masked_cumsum3A_255 masked %eq3A_46 : memref<1024xf32, #tpu.memory_space<vmem>>[vector<16xi32>], vector<16xf32>, vector<16xi1>
      %add3A_264 = arith.constant 2 : i32
      %add3A_265 = arith.addi %mul3A_133, %add3A_264 : i32
      %mul3A_266 = arith.constant 64 : i32
      %mul3A_267 = arith.muli %add3A_265, %mul3A_266 : i32
      %add3A_268 = arith.constant 0 : i32
      %add3A_269 = arith.addi %mul3A_267, %add3A_268 : i32
      %get3A_270 = arith.constant 0 : i32
      %get3A_271 = tpu.memref_slice %arg6[%scan3A_55, %get3A_270] : memref<2x8192xf32, #tpu.memory_space<vmem>> -> memref<1x8192xf32, #tpu.memory_space<vmem>>
      %get3A_272 = tpu.memref_squeeze %get3A_271 : memref<1x8192xf32, #tpu.memory_space<vmem>> -> memref<8192xf32, #tpu.memory_space<vmem>>
      %get3A_273 = arith.index_cast %add3A_269 : i32 to index
      %get3A_274 = tpu.vector_load %get3A_272[%get3A_273] {strides = array<i32>} : memref<8192xf32, #tpu.memory_space<vmem>>, vector<16xf32>,
      %mul3A_275 = arith.constant 64 : i32
      %mul3A_276 = arith.muli %add3A_265, %mul3A_275 : i32
      %add3A_277 = arith.constant 16 : i32
      %add3A_278 = arith.addi %mul3A_276, %add3A_277 : i32
      %get3A_279 = arith.constant 0 : i32
      %get3A_280 = tpu.memref_slice %arg6[%scan3A_55, %get3A_279] : memref<2x8192xf32, #tpu.memory_space<vmem>> -> memref<1x8192xf32, #tpu.memory_space<vmem>>
      %get3A_281 = tpu.memref_squeeze %get3A_280 : memref<1x8192xf32, #tpu.memory_space<vmem>> -> memref<8192xf32, #tpu.memory_space<vmem>>
      %get3A_282 = arith.index_cast %add3A_278 : i32 to index
      %get3A_283 = tpu.vector_load %get3A_281[%get3A_282] {strides = array<i32>} : memref<8192xf32, #tpu.memory_space<vmem>>, vector<16xf32>,
      %mul3A_284 = arith.constant 64 : i32
      %mul3A_285 = arith.muli %add3A_265, %mul3A_284 : i32
      %add3A_286 = arith.constant 32 : i32
      %add3A_287 = arith.addi %mul3A_285, %add3A_286 : i32
      %get3A_288 = arith.constant 0 : i32
      %get3A_289 = tpu.memref_slice %arg6[%scan3A_55, %get3A_288] : memref<2x8192xf32, #tpu.memory_space<vmem>> -> memref<1x8192xf32, #tpu.memory_space<vmem>>
      %get3A_290 = tpu.memref_squeeze %get3A_289 : memref<1x8192xf32, #tpu.memory_space<vmem>> -> memref<8192xf32, #tpu.memory_space<vmem>>
      %get3A_291 = arith.index_cast %add3A_287 : i32 to index
      %get3A_292 = tpu.vector_load %get3A_290[%get3A_291] {strides = array<i32>} : memref<8192xf32, #tpu.memory_space<vmem>>, vector<16xf32>,
      %mul3A_293 = arith.constant 64 : i32
      %mul3A_294 = arith.muli %add3A_265, %mul3A_293 : i32
      %add3A_295 = arith.constant 48 : i32
      %add3A_296 = arith.addi %mul3A_294, %add3A_295 : i32
      %get3A_297 = arith.constant 0 : i32
      %get3A_298 = tpu.memref_slice %arg6[%scan3A_55, %get3A_297] : memref<2x8192xf32, #tpu.memory_space<vmem>> -> memref<1x8192xf32, #tpu.memory_space<vmem>>
      %get3A_299 = tpu.memref_squeeze %get3A_298 : memref<1x8192xf32, #tpu.memory_space<vmem>> -> memref<8192xf32, #tpu.memory_space<vmem>>
      %get3A_300 = arith.index_cast %add3A_296 : i32 to index
      %get3A_301 = tpu.vector_load %get3A_299[%get3A_300] {strides = array<i32>} : memref<8192xf32, #tpu.memory_space<vmem>>, vector<16xf32>,
      %mul3A_302 = arith.mulf %get3A_274, %get3A_30 : vector<16xf32>
      %mul3A_303 = arith.mulf %get3A_274, %get3A_38 : vector<16xf32>
      %mul3A_304 = arith.mulf %get3A_283, %get3A_32 : vector<16xf32>
      %add3A_305 = arith.addf %mul3A_302, %mul3A_304 : vector<16xf32>
      %mul3A_306 = arith.mulf %get3A_283, %get3A_40 : vector<16xf32>
      %add3A_307 = arith.addf %mul3A_303, %mul3A_306 : vector<16xf32>
      %mul3A_308 = arith.mulf %get3A_292, %get3A_34 : vector<16xf32>
      %add3A_309 = arith.addf %add3A_305, %mul3A_308 : vector<16xf32>
      %mul3A_310 = arith.mulf %get3A_292, %get3A_42 : vector<16xf32>
      %add3A_311 = arith.addf %add3A_307, %mul3A_310 : vector<16xf32>
      %mul3A_312 = arith.mulf %get3A_301, %get3A_36 : vector<16xf32>
      %add3A_313 = arith.addf %add3A_309, %mul3A_312 : vector<16xf32>
      %mul3A_314 = arith.mulf %get3A_301, %get3A_44 : vector<16xf32>
      %add3A_315 = arith.addf %add3A_311, %mul3A_314 : vector<16xf32>
      %broadcast_in_dim3A_316 = arith.constant true
      %broadcast_in_dim3A_317 = vector.broadcast %broadcast_in_dim3A_316 : i1 to vector<16xi1>
      %masked_cumsum3A_318 = tpu.scan <sum>, %add3A_313 masked %broadcast_in_dim3A_317 : vector<16xf32>, vector<16xi1> -> vector<16xf32>
      %broadcast_in_dim3A_319 = arith.constant true
      %broadcast_in_dim3A_320 = vector.broadcast %broadcast_in_dim3A_319 : i1 to vector<16xi1>
      %masked_cumsum3A_321 = tpu.scan <sum>, %add3A_315 masked %broadcast_in_dim3A_320 : vector<16xf32>, vector<16xi1> -> vector<16xf32>
      %add3A_322 = arith.constant 0 : i32
      %add3A_323 = arith.addi %add3A_322, %add3A_265 : i32
      %mul3A_324 = arith.constant 2 : i32
      %mul3A_325 = arith.muli %add3A_323, %mul3A_324 : i32
      %broadcast_in_dim3A_326 = vector.broadcast %mul3A_325 : i32 to vector<16xi32>
      tpu.vector_store_idx %arg9[%broadcast_in_dim3A_326], %masked_cumsum3A_318 masked %eq3A_46 : memref<1024xf32, #tpu.memory_space<vmem>>[vector<16xi32>], vector<16xf32>, vector<16xi1>
      %add3A_327 = arith.constant 1 : i32
      %add3A_328 = vector.broadcast %add3A_327 : i32 to vector<16xi32>
      %add3A_329 = arith.addi %broadcast_in_dim3A_326, %add3A_328 : vector<16xi32>
      tpu.vector_store_idx %arg9[%add3A_329], %masked_cumsum3A_321 masked %eq3A_46 : memref<1024xf32, #tpu.memory_space<vmem>>[vector<16xi32>], vector<16xf32>, vector<16xi1>
      %add3A_330 = arith.constant 3 : i32
      %add3A_331 = arith.addi %mul3A_133, %add3A_330 : i32
      %mul3A_332 = arith.constant 64 : i32
      %mul3A_333 = arith.muli %add3A_331, %mul3A_332 : i32
      %add3A_334 = arith.constant 0 : i32
      %add3A_335 = arith.addi %mul3A_333, %add3A_334 : i32
      %get3A_336 = arith.constant 0 : i32
      %get3A_337 = tpu.memref_slice %arg6[%scan3A_55, %get3A_336] : memref<2x8192xf32, #tpu.memory_space<vmem>> -> memref<1x8192xf32, #tpu.memory_space<vmem>>
      %get3A_338 = tpu.memref_squeeze %get3A_337 : memref<1x8192xf32, #tpu.memory_space<vmem>> -> memref<8192xf32, #tpu.memory_space<vmem>>
      %get3A_339 = arith.index_cast %add3A_335 : i32 to index
      %get3A_340 = tpu.vector_load %get3A_338[%get3A_339] {strides = array<i32>} : memref<8192xf32, #tpu.memory_space<vmem>>, vector<16xf32>,
      %mul3A_341 = arith.constant 64 : i32
      %mul3A_342 = arith.muli %add3A_331, %mul3A_341 : i32
      %add3A_343 = arith.constant 16 : i32
      %add3A_344 = arith.addi %mul3A_342, %add3A_343 : i32
      %get3A_345 = arith.constant 0 : i32
      %get3A_346 = tpu.memref_slice %arg6[%scan3A_55, %get3A_345] : memref<2x8192xf32, #tpu.memory_space<vmem>> -> memref<1x8192xf32, #tpu.memory_space<vmem>>
      %get3A_347 = tpu.memref_squeeze %get3A_346 : memref<1x8192xf32, #tpu.memory_space<vmem>> -> memref<8192xf32, #tpu.memory_space<vmem>>
      %get3A_348 = arith.index_cast %add3A_344 : i32 to index
      %get3A_349 = tpu.vector_load %get3A_347[%get3A_348] {strides = array<i32>} : memref<8192xf32, #tpu.memory_space<vmem>>, vector<16xf32>,
      %mul3A_350 = arith.constant 64 : i32
      %mul3A_351 = arith.muli %add3A_331, %mul3A_350 : i32
      %add3A_352 = arith.constant 32 : i32
      %add3A_353 = arith.addi %mul3A_351, %add3A_352 : i32
      %get3A_354 = arith.constant 0 : i32
      %get3A_355 = tpu.memref_slice %arg6[%scan3A_55, %get3A_354] : memref<2x8192xf32, #tpu.memory_space<vmem>> -> memref<1x8192xf32, #tpu.memory_space<vmem>>
      %get3A_356 = tpu.memref_squeeze %get3A_355 : memref<1x8192xf32, #tpu.memory_space<vmem>> -> memref<8192xf32, #tpu.memory_space<vmem>>
      %get3A_357 = arith.index_cast %add3A_353 : i32 to index
      %get3A_358 = tpu.vector_load %get3A_356[%get3A_357] {strides = array<i32>} : memref<8192xf32, #tpu.memory_space<vmem>>, vector<16xf32>,
      %mul3A_359 = arith.constant 64 : i32
      %mul3A_360 = arith.muli %add3A_331, %mul3A_359 : i32
      %add3A_361 = arith.constant 48 : i32
      %add3A_362 = arith.addi %mul3A_360, %add3A_361 : i32
      %get3A_363 = arith.constant 0 : i32
      %get3A_364 = tpu.memref_slice %arg6[%scan3A_55, %get3A_363] : memref<2x8192xf32, #tpu.memory_space<vmem>> -> memref<1x8192xf32, #tpu.memory_space<vmem>>
      %get3A_365 = tpu.memref_squeeze %get3A_364 : memref<1x8192xf32, #tpu.memory_space<vmem>> -> memref<8192xf32, #tpu.memory_space<vmem>>
      %get3A_366 = arith.index_cast %add3A_362 : i32 to index
      %get3A_367 = tpu.vector_load %get3A_365[%get3A_366] {strides = array<i32>} : memref<8192xf32, #tpu.memory_space<vmem>>, vector<16xf32>,
      %mul3A_368 = arith.mulf %get3A_340, %get3A_30 : vector<16xf32>
      %mul3A_369 = arith.mulf %get3A_340, %get3A_38 : vector<16xf32>
      %mul3A_370 = arith.mulf %get3A_349, %get3A_32 : vector<16xf32>
      %add3A_371 = arith.addf %mul3A_368, %mul3A_370 : vector<16xf32>
      %mul3A_372 = arith.mulf %get3A_349, %get3A_40 : vector<16xf32>
      %add3A_373 = arith.addf %mul3A_369, %mul3A_372 : vector<16xf32>
      %mul3A_374 = arith.mulf %get3A_358, %get3A_34 : vector<16xf32>
      %add3A_375 = arith.addf %add3A_371, %mul3A_374 : vector<16xf32>
      %mul3A_376 = arith.mulf %get3A_358, %get3A_42 : vector<16xf32>
      %add3A_377 = arith.addf %add3A_373, %mul3A_376 : vector<16xf32>
      %mul3A_378 = arith.mulf %get3A_367, %get3A_36 : vector<16xf32>
      %add3A_379 = arith.addf %add3A_375, %mul3A_378 : vector<16xf32>
      %mul3A_380 = arith.mulf %get3A_367, %get3A_44 : vector<16xf32>
      %add3A_381 = arith.addf %add3A_377, %mul3A_380 : vector<16xf32>
      %broadcast_in_dim3A_382 = arith.constant true
      %broadcast_in_dim3A_383 = vector.broadcast %broadcast_in_dim3A_382 : i1 to vector<16xi1>
      %masked_cumsum3A_384 = tpu.scan <sum>, %add3A_379 masked %broadcast_in_dim3A_383 : vector<16xf32>, vector<16xi1> -> vector<16xf32>
      %broadcast_in_dim3A_385 = arith.constant true
      %broadcast_in_dim3A_386 = vector.broadcast %broadcast_in_dim3A_385 : i1 to vector<16xi1>
      %masked_cumsum3A_387 = tpu.scan <sum>, %add3A_381 masked %broadcast_in_dim3A_386 : vector<16xf32>, vector<16xi1> -> vector<16xf32>
      %add3A_388 = arith.constant 0 : i32
      %add3A_389 = arith.addi %add3A_388, %add3A_331 : i32
      %mul3A_390 = arith.constant 2 : i32
      %mul3A_391 = arith.muli %add3A_389, %mul3A_390 : i32
      %broadcast_in_dim3A_392 = vector.broadcast %mul3A_391 : i32 to vector<16xi32>
      tpu.vector_store_idx %arg9[%broadcast_in_dim3A_392], %masked_cumsum3A_384 masked %eq3A_46 : memref<1024xf32, #tpu.memory_space<vmem>>[vector<16xi32>], vector<16xf32>, vector<16xi1>
      %add3A_393 = arith.constant 1 : i32
      %add3A_394 = vector.broadcast %add3A_393 : i32 to vector<16xi32>
      %add3A_395 = arith.addi %broadcast_in_dim3A_392, %add3A_394 : vector<16xi32>
      tpu.vector_store_idx %arg9[%add3A_395], %masked_cumsum3A_387 masked %eq3A_46 : memref<1024xf32, #tpu.memory_space<vmem>>[vector<16xi32>], vector<16xf32>, vector<16xi1>
      %add3A_396 = arith.constant 4 : i32
      %add3A_397 = arith.addi %mul3A_133, %add3A_396 : i32
      %mul3A_398 = arith.constant 64 : i32
      %mul3A_399 = arith.muli %add3A_397, %mul3A_398 : i32
      %add3A_400 = arith.constant 0 : i32
      %add3A_401 = arith.addi %mul3A_399, %add3A_400 : i32
      %get3A_402 = arith.constant 0 : i32
      %get3A_403 = tpu.memref_slice %arg6[%scan3A_55, %get3A_402] : memref<2x8192xf32, #tpu.memory_space<vmem>> -> memref<1x8192xf32, #tpu.memory_space<vmem>>
      %get3A_404 = tpu.memref_squeeze %get3A_403 : memref<1x8192xf32, #tpu.memory_space<vmem>> -> memref<8192xf32, #tpu.memory_space<vmem>>
      %get3A_405 = arith.index_cast %add3A_401 : i32 to index
      %get3A_406 = tpu.vector_load %get3A_404[%get3A_405] {strides = array<i32>} : memref<8192xf32, #tpu.memory_space<vmem>>, vector<16xf32>,
      %mul3A_407 = arith.constant 64 : i32
      %mul3A_408 = arith.muli %add3A_397, %mul3A_407 : i32
      %add3A_409 = arith.constant 16 : i32
      %add3A_410 = arith.addi %mul3A_408, %add3A_409 : i32
      %get3A_411 = arith.constant 0 : i32
      %get3A_412 = tpu.memref_slice %arg6[%scan3A_55, %get3A_411] : memref<2x8192xf32, #tpu.memory_space<vmem>> -> memref<1x8192xf32, #tpu.memory_space<vmem>>
      %get3A_413 = tpu.memref_squeeze %get3A_412 : memref<1x8192xf32, #tpu.memory_space<vmem>> -> memref<8192xf32, #tpu.memory_space<vmem>>
      %get3A_414 = arith.index_cast %add3A_410 : i32 to index
      %get3A_415 = tpu.vector_load %get3A_413[%get3A_414] {strides = array<i32>} : memref<8192xf32, #tpu.memory_space<vmem>>, vector<16xf32>,
      %mul3A_416 = arith.constant 64 : i32
      %mul3A_417 = arith.muli %add3A_397, %mul3A_416 : i32
      %add3A_418 = arith.constant 32 : i32
      %add3A_419 = arith.addi %mul3A_417, %add3A_418 : i32
      %get3A_420 = arith.constant 0 : i32
      %get3A_421 = tpu.memref_slice %arg6[%scan3A_55, %get3A_420] : memref<2x8192xf32, #tpu.memory_space<vmem>> -> memref<1x8192xf32, #tpu.memory_space<vmem>>
      %get3A_422 = tpu.memref_squeeze %get3A_421 : memref<1x8192xf32, #tpu.memory_space<vmem>> -> memref<8192xf32, #tpu.memory_space<vmem>>
      %get3A_423 = arith.index_cast %add3A_419 : i32 to index
      %get3A_424 = tpu.vector_load %get3A_422[%get3A_423] {strides = array<i32>} : memref<8192xf32, #tpu.memory_space<vmem>>, vector<16xf32>,
      %mul3A_425 = arith.constant 64 : i32
      %mul3A_426 = arith.muli %add3A_397, %mul3A_425 : i32
      %add3A_427 = arith.constant 48 : i32
      %add3A_428 = arith.addi %mul3A_426, %add3A_427 : i32
      %get3A_429 = arith.constant 0 : i32
      %get3A_430 = tpu.memref_slice %arg6[%scan3A_55, %get3A_429] : memref<2x8192xf32, #tpu.memory_space<vmem>> -> memref<1x8192xf32, #tpu.memory_space<vmem>>
      %get3A_431 = tpu.memref_squeeze %get3A_430 : memref<1x8192xf32, #tpu.memory_space<vmem>> -> memref<8192xf32, #tpu.memory_space<vmem>>
      %get3A_432 = arith.index_cast %add3A_428 : i32 to index
      %get3A_433 = tpu.vector_load %get3A_431[%get3A_432] {strides = array<i32>} : memref<8192xf32, #tpu.memory_space<vmem>>, vector<16xf32>,
      %mul3A_434 = arith.mulf %get3A_406, %get3A_30 : vector<16xf32>
      %mul3A_435 = arith.mulf %get3A_406, %get3A_38 : vector<16xf32>
      %mul3A_436 = arith.mulf %get3A_415, %get3A_32 : vector<16xf32>
      %add3A_437 = arith.addf %mul3A_434, %mul3A_436 : vector<16xf32>
      %mul3A_438 = arith.mulf %get3A_415, %get3A_40 : vector<16xf32>
      %add3A_439 = arith.addf %mul3A_435, %mul3A_438 : vector<16xf32>
      %mul3A_440 = arith.mulf %get3A_424, %get3A_34 : vector<16xf32>
      %add3A_441 = arith.addf %add3A_437, %mul3A_440 : vector<16xf32>
      %mul3A_442 = arith.mulf %get3A_424, %get3A_42 : vector<16xf32>
      %add3A_443 = arith.addf %add3A_439, %mul3A_442 : vector<16xf32>
      %mul3A_444 = arith.mulf %get3A_433, %get3A_36 : vector<16xf32>
      %add3A_445 = arith.addf %add3A_441, %mul3A_444 : vector<16xf32>
      %mul3A_446 = arith.mulf %get3A_433, %get3A_44 : vector<16xf32>
      %add3A_447 = arith.addf %add3A_443, %mul3A_446 : vector<16xf32>
      %broadcast_in_dim3A_448 = arith.constant true
      %broadcast_in_dim3A_449 = vector.broadcast %broadcast_in_dim3A_448 : i1 to vector<16xi1>
      %masked_cumsum3A_450 = tpu.scan <sum>, %add3A_445 masked %broadcast_in_dim3A_449 : vector<16xf32>, vector<16xi1> -> vector<16xf32>
      %broadcast_in_dim3A_451 = arith.constant true
      %broadcast_in_dim3A_452 = vector.broadcast %broadcast_in_dim3A_451 : i1 to vector<16xi1>
      %masked_cumsum3A_453 = tpu.scan <sum>, %add3A_447 masked %broadcast_in_dim3A_452 : vector<16xf32>, vector<16xi1> -> vector<16xf32>
      %add3A_454 = arith.constant 0 : i32
      %add3A_455 = arith.addi %add3A_454, %add3A_397 : i32
      %mul3A_456 = arith.constant 2 : i32
      %mul3A_457 = arith.muli %add3A_455, %mul3A_456 : i32
      %broadcast_in_dim3A_458 = vector.broadcast %mul3A_457 : i32 to vector<16xi32>
      tpu.vector_store_idx %arg9[%broadcast_in_dim3A_458], %masked_cumsum3A_450 masked %eq3A_46 : memref<1024xf32, #tpu.memory_space<vmem>>[vector<16xi32>], vector<16xf32>, vector<16xi1>
      %add3A_459 = arith.constant 1 : i32
      %add3A_460 = vector.broadcast %add3A_459 : i32 to vector<16xi32>
      %add3A_461 = arith.addi %broadcast_in_dim3A_458, %add3A_460 : vector<16xi32>
      tpu.vector_store_idx %arg9[%add3A_461], %masked_cumsum3A_453 masked %eq3A_46 : memref<1024xf32, #tpu.memory_space<vmem>>[vector<16xi32>], vector<16xf32>, vector<16xi1>
      %add3A_462 = arith.constant 5 : i32
      %add3A_463 = arith.addi %mul3A_133, %add3A_462 : i32
      %mul3A_464 = arith.constant 64 : i32
      %mul3A_465 = arith.muli %add3A_463, %mul3A_464 : i32
      %add3A_466 = arith.constant 0 : i32
      %add3A_467 = arith.addi %mul3A_465, %add3A_466 : i32
      %get3A_468 = arith.constant 0 : i32
      %get3A_469 = tpu.memref_slice %arg6[%scan3A_55, %get3A_468] : memref<2x8192xf32, #tpu.memory_space<vmem>> -> memref<1x8192xf32, #tpu.memory_space<vmem>>
      %get3A_470 = tpu.memref_squeeze %get3A_469 : memref<1x8192xf32, #tpu.memory_space<vmem>> -> memref<8192xf32, #tpu.memory_space<vmem>>
      %get3A_471 = arith.index_cast %add3A_467 : i32 to index
      %get3A_472 = tpu.vector_load %get3A_470[%get3A_471] {strides = array<i32>} : memref<8192xf32, #tpu.memory_space<vmem>>, vector<16xf32>,
      %mul3A_473 = arith.constant 64 : i32
      %mul3A_474 = arith.muli %add3A_463, %mul3A_473 : i32
      %add3A_475 = arith.constant 16 : i32
      %add3A_476 = arith.addi %mul3A_474, %add3A_475 : i32
      %get3A_477 = arith.constant 0 : i32
      %get3A_478 = tpu.memref_slice %arg6[%scan3A_55, %get3A_477] : memref<2x8192xf32, #tpu.memory_space<vmem>> -> memref<1x8192xf32, #tpu.memory_space<vmem>>
      %get3A_479 = tpu.memref_squeeze %get3A_478 : memref<1x8192xf32, #tpu.memory_space<vmem>> -> memref<8192xf32, #tpu.memory_space<vmem>>
      %get3A_480 = arith.index_cast %add3A_476 : i32 to index
      %get3A_481 = tpu.vector_load %get3A_479[%get3A_480] {strides = array<i32>} : memref<8192xf32, #tpu.memory_space<vmem>>, vector<16xf32>,
      %mul3A_482 = arith.constant 64 : i32
      %mul3A_483 = arith.muli %add3A_463, %mul3A_482 : i32
      %add3A_484 = arith.constant 32 : i32
      %add3A_485 = arith.addi %mul3A_483, %add3A_484 : i32
      %get3A_486 = arith.constant 0 : i32
      %get3A_487 = tpu.memref_slice %arg6[%scan3A_55, %get3A_486] : memref<2x8192xf32, #tpu.memory_space<vmem>> -> memref<1x8192xf32, #tpu.memory_space<vmem>>
      %get3A_488 = tpu.memref_squeeze %get3A_487 : memref<1x8192xf32, #tpu.memory_space<vmem>> -> memref<8192xf32, #tpu.memory_space<vmem>>
      %get3A_489 = arith.index_cast %add3A_485 : i32 to index
      %get3A_490 = tpu.vector_load %get3A_488[%get3A_489] {strides = array<i32>} : memref<8192xf32, #tpu.memory_space<vmem>>, vector<16xf32>,
      %mul3A_491 = arith.constant 64 : i32
      %mul3A_492 = arith.muli %add3A_463, %mul3A_491 : i32
      %add3A_493 = arith.constant 48 : i32
      %add3A_494 = arith.addi %mul3A_492, %add3A_493 : i32
      %get3A_495 = arith.constant 0 : i32
      %get3A_496 = tpu.memref_slice %arg6[%scan3A_55, %get3A_495] : memref<2x8192xf32, #tpu.memory_space<vmem>> -> memref<1x8192xf32, #tpu.memory_space<vmem>>
      %get3A_497 = tpu.memref_squeeze %get3A_496 : memref<1x8192xf32, #tpu.memory_space<vmem>> -> memref<8192xf32, #tpu.memory_space<vmem>>
      %get3A_498 = arith.index_cast %add3A_494 : i32 to index
      %get3A_499 = tpu.vector_load %get3A_497[%get3A_498] {strides = array<i32>} : memref<8192xf32, #tpu.memory_space<vmem>>, vector<16xf32>,
      %mul3A_500 = arith.mulf %get3A_472, %get3A_30 : vector<16xf32>
      %mul3A_501 = arith.mulf %get3A_472, %get3A_38 : vector<16xf32>
      %mul3A_502 = arith.mulf %get3A_481, %get3A_32 : vector<16xf32>
      %add3A_503 = arith.addf %mul3A_500, %mul3A_502 : vector<16xf32>
      %mul3A_504 = arith.mulf %get3A_481, %get3A_40 : vector<16xf32>
      %add3A_505 = arith.addf %mul3A_501, %mul3A_504 : vector<16xf32>
      %mul3A_506 = arith.mulf %get3A_490, %get3A_34 : vector<16xf32>
      %add3A_507 = arith.addf %add3A_503, %mul3A_506 : vector<16xf32>
      %mul3A_508 = arith.mulf %get3A_490, %get3A_42 : vector<16xf32>
      %add3A_509 = arith.addf %add3A_505, %mul3A_508 : vector<16xf32>
      %mul3A_510 = arith.mulf %get3A_499, %get3A_36 : vector<16xf32>
      %add3A_511 = arith.addf %add3A_507, %mul3A_510 : vector<16xf32>
      %mul3A_512 = arith.mulf %get3A_499, %get3A_44 : vector<16xf32>
      %add3A_513 = arith.addf %add3A_509, %mul3A_512 : vector<16xf32>
      %broadcast_in_dim3A_514 = arith.constant true
      %broadcast_in_dim3A_515 = vector.broadcast %broadcast_in_dim3A_514 : i1 to vector<16xi1>
      %masked_cumsum3A_516 = tpu.scan <sum>, %add3A_511 masked %broadcast_in_dim3A_515 : vector<16xf32>, vector<16xi1> -> vector<16xf32>
      %broadcast_in_dim3A_517 = arith.constant true
      %broadcast_in_dim3A_518 = vector.broadcast %broadcast_in_dim3A_517 : i1 to vector<16xi1>
      %masked_cumsum3A_519 = tpu.scan <sum>, %add3A_513 masked %broadcast_in_dim3A_518 : vector<16xf32>, vector<16xi1> -> vector<16xf32>
      %add3A_520 = arith.constant 0 : i32
      %add3A_521 = arith.addi %add3A_520, %add3A_463 : i32
      %mul3A_522 = arith.constant 2 : i32
      %mul3A_523 = arith.muli %add3A_521, %mul3A_522 : i32
      %broadcast_in_dim3A_524 = vector.broadcast %mul3A_523 : i32 to vector<16xi32>
      tpu.vector_store_idx %arg9[%broadcast_in_dim3A_524], %masked_cumsum3A_516 masked %eq3A_46 : memref<1024xf32, #tpu.memory_space<vmem>>[vector<16xi32>], vector<16xf32>, vector<16xi1>
      %add3A_525 = arith.constant 1 : i32
      %add3A_526 = vector.broadcast %add3A_525 : i32 to vector<16xi32>
      %add3A_527 = arith.addi %broadcast_in_dim3A_524, %add3A_526 : vector<16xi32>
      tpu.vector_store_idx %arg9[%add3A_527], %masked_cumsum3A_519 masked %eq3A_46 : memref<1024xf32, #tpu.memory_space<vmem>>[vector<16xi32>], vector<16xf32>, vector<16xi1>
      %add3A_528 = arith.constant 6 : i32
      %add3A_529 = arith.addi %mul3A_133, %add3A_528 : i32
      %mul3A_530 = arith.constant 64 : i32
      %mul3A_531 = arith.muli %add3A_529, %mul3A_530 : i32
      %add3A_532 = arith.constant 0 : i32
      %add3A_533 = arith.addi %mul3A_531, %add3A_532 : i32
      %get3A_534 = arith.constant 0 : i32
      %get3A_535 = tpu.memref_slice %arg6[%scan3A_55, %get3A_534] : memref<2x8192xf32, #tpu.memory_space<vmem>> -> memref<1x8192xf32, #tpu.memory_space<vmem>>
      %get3A_536 = tpu.memref_squeeze %get3A_535 : memref<1x8192xf32, #tpu.memory_space<vmem>> -> memref<8192xf32, #tpu.memory_space<vmem>>
      %get3A_537 = arith.index_cast %add3A_533 : i32 to index
      %get3A_538 = tpu.vector_load %get3A_536[%get3A_537] {strides = array<i32>} : memref<8192xf32, #tpu.memory_space<vmem>>, vector<16xf32>,
      %mul3A_539 = arith.constant 64 : i32
      %mul3A_540 = arith.muli %add3A_529, %mul3A_539 : i32
      %add3A_541 = arith.constant 16 : i32
      %add3A_542 = arith.addi %mul3A_540, %add3A_541 : i32
      %get3A_543 = arith.constant 0 : i32
      %get3A_544 = tpu.memref_slice %arg6[%scan3A_55, %get3A_543] : memref<2x8192xf32, #tpu.memory_space<vmem>> -> memref<1x8192xf32, #tpu.memory_space<vmem>>
      %get3A_545 = tpu.memref_squeeze %get3A_544 : memref<1x8192xf32, #tpu.memory_space<vmem>> -> memref<8192xf32, #tpu.memory_space<vmem>>
      %get3A_546 = arith.index_cast %add3A_542 : i32 to index
      %get3A_547 = tpu.vector_load %get3A_545[%get3A_546] {strides = array<i32>} : memref<8192xf32, #tpu.memory_space<vmem>>, vector<16xf32>,
      %mul3A_548 = arith.constant 64 : i32
      %mul3A_549 = arith.muli %add3A_529, %mul3A_548 : i32
      %add3A_550 = arith.constant 32 : i32
      %add3A_551 = arith.addi %mul3A_549, %add3A_550 : i32
      %get3A_552 = arith.constant 0 : i32
      %get3A_553 = tpu.memref_slice %arg6[%scan3A_55, %get3A_552] : memref<2x8192xf32, #tpu.memory_space<vmem>> -> memref<1x8192xf32, #tpu.memory_space<vmem>>
      %get3A_554 = tpu.memref_squeeze %get3A_553 : memref<1x8192xf32, #tpu.memory_space<vmem>> -> memref<8192xf32, #tpu.memory_space<vmem>>
      %get3A_555 = arith.index_cast %add3A_551 : i32 to index
      %get3A_556 = tpu.vector_load %get3A_554[%get3A_555] {strides = array<i32>} : memref<8192xf32, #tpu.memory_space<vmem>>, vector<16xf32>,
      %mul3A_557 = arith.constant 64 : i32
      %mul3A_558 = arith.muli %add3A_529, %mul3A_557 : i32
      %add3A_559 = arith.constant 48 : i32
      %add3A_560 = arith.addi %mul3A_558, %add3A_559 : i32
      %get3A_561 = arith.constant 0 : i32
      %get3A_562 = tpu.memref_slice %arg6[%scan3A_55, %get3A_561] : memref<2x8192xf32, #tpu.memory_space<vmem>> -> memref<1x8192xf32, #tpu.memory_space<vmem>>
      %get3A_563 = tpu.memref_squeeze %get3A_562 : memref<1x8192xf32, #tpu.memory_space<vmem>> -> memref<8192xf32, #tpu.memory_space<vmem>>
      %get3A_564 = arith.index_cast %add3A_560 : i32 to index
      %get3A_565 = tpu.vector_load %get3A_563[%get3A_564] {strides = array<i32>} : memref<8192xf32, #tpu.memory_space<vmem>>, vector<16xf32>,
      %mul3A_566 = arith.mulf %get3A_538, %get3A_30 : vector<16xf32>
      %mul3A_567 = arith.mulf %get3A_538, %get3A_38 : vector<16xf32>
      %mul3A_568 = arith.mulf %get3A_547, %get3A_32 : vector<16xf32>
      %add3A_569 = arith.addf %mul3A_566, %mul3A_568 : vector<16xf32>
      %mul3A_570 = arith.mulf %get3A_547, %get3A_40 : vector<16xf32>
      %add3A_571 = arith.addf %mul3A_567, %mul3A_570 : vector<16xf32>
      %mul3A_572 = arith.mulf %get3A_556, %get3A_34 : vector<16xf32>
      %add3A_573 = arith.addf %add3A_569, %mul3A_572 : vector<16xf32>
      %mul3A_574 = arith.mulf %get3A_556, %get3A_42 : vector<16xf32>
      %add3A_575 = arith.addf %add3A_571, %mul3A_574 : vector<16xf32>
      %mul3A_576 = arith.mulf %get3A_565, %get3A_36 : vector<16xf32>
      %add3A_577 = arith.addf %add3A_573, %mul3A_576 : vector<16xf32>
      %mul3A_578 = arith.mulf %get3A_565, %get3A_44 : vector<16xf32>
      %add3A_579 = arith.addf %add3A_575, %mul3A_578 : vector<16xf32>
      %broadcast_in_dim3A_580 = arith.constant true
      %broadcast_in_dim3A_581 = vector.broadcast %broadcast_in_dim3A_580 : i1 to vector<16xi1>
      %masked_cumsum3A_582 = tpu.scan <sum>, %add3A_577 masked %broadcast_in_dim3A_581 : vector<16xf32>, vector<16xi1> -> vector<16xf32>
      %broadcast_in_dim3A_583 = arith.constant true
      %broadcast_in_dim3A_584 = vector.broadcast %broadcast_in_dim3A_583 : i1 to vector<16xi1>
      %masked_cumsum3A_585 = tpu.scan <sum>, %add3A_579 masked %broadcast_in_dim3A_584 : vector<16xf32>, vector<16xi1> -> vector<16xf32>
      %add3A_586 = arith.constant 0 : i32
      %add3A_587 = arith.addi %add3A_586, %add3A_529 : i32
      %mul3A_588 = arith.constant 2 : i32
      %mul3A_589 = arith.muli %add3A_587, %mul3A_588 : i32
      %broadcast_in_dim3A_590 = vector.broadcast %mul3A_589 : i32 to vector<16xi32>
      tpu.vector_store_idx %arg9[%broadcast_in_dim3A_590], %masked_cumsum3A_582 masked %eq3A_46 : memref<1024xf32, #tpu.memory_space<vmem>>[vector<16xi32>], vector<16xf32>, vector<16xi1>
      %add3A_591 = arith.constant 1 : i32
      %add3A_592 = vector.broadcast %add3A_591 : i32 to vector<16xi32>
      %add3A_593 = arith.addi %broadcast_in_dim3A_590, %add3A_592 : vector<16xi32>
      tpu.vector_store_idx %arg9[%add3A_593], %masked_cumsum3A_585 masked %eq3A_46 : memref<1024xf32, #tpu.memory_space<vmem>>[vector<16xi32>], vector<16xf32>, vector<16xi1>
      %add3A_594 = arith.constant 7 : i32
      %add3A_595 = arith.addi %mul3A_133, %add3A_594 : i32
      %mul3A_596 = arith.constant 64 : i32
      %mul3A_597 = arith.muli %add3A_595, %mul3A_596 : i32
      %add3A_598 = arith.constant 0 : i32
      %add3A_599 = arith.addi %mul3A_597, %add3A_598 : i32
      %get3A_600 = arith.constant 0 : i32
      %get3A_601 = tpu.memref_slice %arg6[%scan3A_55, %get3A_600] : memref<2x8192xf32, #tpu.memory_space<vmem>> -> memref<1x8192xf32, #tpu.memory_space<vmem>>
      %get3A_602 = tpu.memref_squeeze %get3A_601 : memref<1x8192xf32, #tpu.memory_space<vmem>> -> memref<8192xf32, #tpu.memory_space<vmem>>
      %get3A_603 = arith.index_cast %add3A_599 : i32 to index
      %get3A_604 = tpu.vector_load %get3A_602[%get3A_603] {strides = array<i32>} : memref<8192xf32, #tpu.memory_space<vmem>>, vector<16xf32>,
      %mul3A_605 = arith.constant 64 : i32
      %mul3A_606 = arith.muli %add3A_595, %mul3A_605 : i32
      %add3A_607 = arith.constant 16 : i32
      %add3A_608 = arith.addi %mul3A_606, %add3A_607 : i32
      %get3A_609 = arith.constant 0 : i32
      %get3A_610 = tpu.memref_slice %arg6[%scan3A_55, %get3A_609] : memref<2x8192xf32, #tpu.memory_space<vmem>> -> memref<1x8192xf32, #tpu.memory_space<vmem>>
      %get3A_611 = tpu.memref_squeeze %get3A_610 : memref<1x8192xf32, #tpu.memory_space<vmem>> -> memref<8192xf32, #tpu.memory_space<vmem>>
      %get3A_612 = arith.index_cast %add3A_608 : i32 to index
      %get3A_613 = tpu.vector_load %get3A_611[%get3A_612] {strides = array<i32>} : memref<8192xf32, #tpu.memory_space<vmem>>, vector<16xf32>,
      %mul3A_614 = arith.constant 64 : i32
      %mul3A_615 = arith.muli %add3A_595, %mul3A_614 : i32
      %add3A_616 = arith.constant 32 : i32
      %add3A_617 = arith.addi %mul3A_615, %add3A_616 : i32
      %get3A_618 = arith.constant 0 : i32
      %get3A_619 = tpu.memref_slice %arg6[%scan3A_55, %get3A_618] : memref<2x8192xf32, #tpu.memory_space<vmem>> -> memref<1x8192xf32, #tpu.memory_space<vmem>>
      %get3A_620 = tpu.memref_squeeze %get3A_619 : memref<1x8192xf32, #tpu.memory_space<vmem>> -> memref<8192xf32, #tpu.memory_space<vmem>>
      %get3A_621 = arith.index_cast %add3A_617 : i32 to index
      %get3A_622 = tpu.vector_load %get3A_620[%get3A_621] {strides = array<i32>} : memref<8192xf32, #tpu.memory_space<vmem>>, vector<16xf32>,
      %mul3A_623 = arith.constant 64 : i32
      %mul3A_624 = arith.muli %add3A_595, %mul3A_623 : i32
      %add3A_625 = arith.constant 48 : i32
      %add3A_626 = arith.addi %mul3A_624, %add3A_625 : i32
      %get3A_627 = arith.constant 0 : i32
      %get3A_628 = tpu.memref_slice %arg6[%scan3A_55, %get3A_627] : memref<2x8192xf32, #tpu.memory_space<vmem>> -> memref<1x8192xf32, #tpu.memory_space<vmem>>
      %get3A_629 = tpu.memref_squeeze %get3A_628 : memref<1x8192xf32, #tpu.memory_space<vmem>> -> memref<8192xf32, #tpu.memory_space<vmem>>
      %get3A_630 = arith.index_cast %add3A_626 : i32 to index
      %get3A_631 = tpu.vector_load %get3A_629[%get3A_630] {strides = array<i32>} : memref<8192xf32, #tpu.memory_space<vmem>>, vector<16xf32>,
      %mul3A_632 = arith.mulf %get3A_604, %get3A_30 : vector<16xf32>
      %mul3A_633 = arith.mulf %get3A_604, %get3A_38 : vector<16xf32>
      %mul3A_634 = arith.mulf %get3A_613, %get3A_32 : vector<16xf32>
      %add3A_635 = arith.addf %mul3A_632, %mul3A_634 : vector<16xf32>
      %mul3A_636 = arith.mulf %get3A_613, %get3A_40 : vector<16xf32>
      %add3A_637 = arith.addf %mul3A_633, %mul3A_636 : vector<16xf32>
      %mul3A_638 = arith.mulf %get3A_622, %get3A_34 : vector<16xf32>
      %add3A_639 = arith.addf %add3A_635, %mul3A_638 : vector<16xf32>
      %mul3A_640 = arith.mulf %get3A_622, %get3A_42 : vector<16xf32>
      %add3A_641 = arith.addf %add3A_637, %mul3A_640 : vector<16xf32>
      %mul3A_642 = arith.mulf %get3A_631, %get3A_36 : vector<16xf32>
      %add3A_643 = arith.addf %add3A_639, %mul3A_642 : vector<16xf32>
      %mul3A_644 = arith.mulf %get3A_631, %get3A_44 : vector<16xf32>
      %add3A_645 = arith.addf %add3A_641, %mul3A_644 : vector<16xf32>
      %broadcast_in_dim3A_646 = arith.constant true
      %broadcast_in_dim3A_647 = vector.broadcast %broadcast_in_dim3A_646 : i1 to vector<16xi1>
      %masked_cumsum3A_648 = tpu.scan <sum>, %add3A_643 masked %broadcast_in_dim3A_647 : vector<16xf32>, vector<16xi1> -> vector<16xf32>
      %broadcast_in_dim3A_649 = arith.constant true
      %broadcast_in_dim3A_650 = vector.broadcast %broadcast_in_dim3A_649 : i1 to vector<16xi1>
      %masked_cumsum3A_651 = tpu.scan <sum>, %add3A_645 masked %broadcast_in_dim3A_650 : vector<16xf32>, vector<16xi1> -> vector<16xf32>
      %add3A_652 = arith.constant 0 : i32
      %add3A_653 = arith.addi %add3A_652, %add3A_595 : i32
      %mul3A_654 = arith.constant 2 : i32
      %mul3A_655 = arith.muli %add3A_653, %mul3A_654 : i32
      %broadcast_in_dim3A_656 = vector.broadcast %mul3A_655 : i32 to vector<16xi32>
      tpu.vector_store_idx %arg9[%broadcast_in_dim3A_656], %masked_cumsum3A_648 masked %eq3A_46 : memref<1024xf32, #tpu.memory_space<vmem>>[vector<16xi32>], vector<16xf32>, vector<16xi1>
      %add3A_657 = arith.constant 1 : i32
      %add3A_658 = vector.broadcast %add3A_657 : i32 to vector<16xi32>
      %add3A_659 = arith.addi %broadcast_in_dim3A_656, %add3A_658 : vector<16xi32>
      tpu.vector_store_idx %arg9[%add3A_659], %masked_cumsum3A_651 masked %eq3A_46 : memref<1024xf32, #tpu.memory_space<vmem>>[vector<16xi32>], vector<16xf32>, vector<16xi1>
      %add3A_660 = arith.constant 8 : i32
      %add3A_661 = arith.addi %mul3A_133, %add3A_660 : i32
      %mul3A_662 = arith.constant 64 : i32
      %mul3A_663 = arith.muli %add3A_661, %mul3A_662 : i32
      %add3A_664 = arith.constant 0 : i32
      %add3A_665 = arith.addi %mul3A_663, %add3A_664 : i32
      %get3A_666 = arith.constant 0 : i32
      %get3A_667 = tpu.memref_slice %arg6[%scan3A_55, %get3A_666] : memref<2x8192xf32, #tpu.memory_space<vmem>> -> memref<1x8192xf32, #tpu.memory_space<vmem>>
      %get3A_668 = tpu.memref_squeeze %get3A_667 : memref<1x8192xf32, #tpu.memory_space<vmem>> -> memref<8192xf32, #tpu.memory_space<vmem>>
      %get3A_669 = arith.index_cast %add3A_665 : i32 to index
      %get3A_670 = tpu.vector_load %get3A_668[%get3A_669] {strides = array<i32>} : memref<8192xf32, #tpu.memory_space<vmem>>, vector<16xf32>,
      %mul3A_671 = arith.constant 64 : i32
      %mul3A_672 = arith.muli %add3A_661, %mul3A_671 : i32
      %add3A_673 = arith.constant 16 : i32
      %add3A_674 = arith.addi %mul3A_672, %add3A_673 : i32
      %get3A_675 = arith.constant 0 : i32
      %get3A_676 = tpu.memref_slice %arg6[%scan3A_55, %get3A_675] : memref<2x8192xf32, #tpu.memory_space<vmem>> -> memref<1x8192xf32, #tpu.memory_space<vmem>>
      %get3A_677 = tpu.memref_squeeze %get3A_676 : memref<1x8192xf32, #tpu.memory_space<vmem>> -> memref<8192xf32, #tpu.memory_space<vmem>>
      %get3A_678 = arith.index_cast %add3A_674 : i32 to index
      %get3A_679 = tpu.vector_load %get3A_677[%get3A_678] {strides = array<i32>} : memref<8192xf32, #tpu.memory_space<vmem>>, vector<16xf32>,
      %mul3A_680 = arith.constant 64 : i32
      %mul3A_681 = arith.muli %add3A_661, %mul3A_680 : i32
      %add3A_682 = arith.constant 32 : i32
      %add3A_683 = arith.addi %mul3A_681, %add3A_682 : i32
      %get3A_684 = arith.constant 0 : i32
      %get3A_685 = tpu.memref_slice %arg6[%scan3A_55, %get3A_684] : memref<2x8192xf32, #tpu.memory_space<vmem>> -> memref<1x8192xf32, #tpu.memory_space<vmem>>
      %get3A_686 = tpu.memref_squeeze %get3A_685 : memref<1x8192xf32, #tpu.memory_space<vmem>> -> memref<8192xf32, #tpu.memory_space<vmem>>
      %get3A_687 = arith.index_cast %add3A_683 : i32 to index
      %get3A_688 = tpu.vector_load %get3A_686[%get3A_687] {strides = array<i32>} : memref<8192xf32, #tpu.memory_space<vmem>>, vector<16xf32>,
      %mul3A_689 = arith.constant 64 : i32
      %mul3A_690 = arith.muli %add3A_661, %mul3A_689 : i32
      %add3A_691 = arith.constant 48 : i32
      %add3A_692 = arith.addi %mul3A_690, %add3A_691 : i32
      %get3A_693 = arith.constant 0 : i32
      %get3A_694 = tpu.memref_slice %arg6[%scan3A_55, %get3A_693] : memref<2x8192xf32, #tpu.memory_space<vmem>> -> memref<1x8192xf32, #tpu.memory_space<vmem>>
      %get3A_695 = tpu.memref_squeeze %get3A_694 : memref<1x8192xf32, #tpu.memory_space<vmem>> -> memref<8192xf32, #tpu.memory_space<vmem>>
      %get3A_696 = arith.index_cast %add3A_692 : i32 to index
      %get3A_697 = tpu.vector_load %get3A_695[%get3A_696] {strides = array<i32>} : memref<8192xf32, #tpu.memory_space<vmem>>, vector<16xf32>,
      %mul3A_698 = arith.mulf %get3A_670, %get3A_30 : vector<16xf32>
      %mul3A_699 = arith.mulf %get3A_670, %get3A_38 : vector<16xf32>
      %mul3A_700 = arith.mulf %get3A_679, %get3A_32 : vector<16xf32>
      %add3A_701 = arith.addf %mul3A_698, %mul3A_700 : vector<16xf32>
      %mul3A_702 = arith.mulf %get3A_679, %get3A_40 : vector<16xf32>
      %add3A_703 = arith.addf %mul3A_699, %mul3A_702 : vector<16xf32>
      %mul3A_704 = arith.mulf %get3A_688, %get3A_34 : vector<16xf32>
      %add3A_705 = arith.addf %add3A_701, %mul3A_704 : vector<16xf32>
      %mul3A_706 = arith.mulf %get3A_688, %get3A_42 : vector<16xf32>
      %add3A_707 = arith.addf %add3A_703, %mul3A_706 : vector<16xf32>
      %mul3A_708 = arith.mulf %get3A_697, %get3A_36 : vector<16xf32>
      %add3A_709 = arith.addf %add3A_705, %mul3A_708 : vector<16xf32>
      %mul3A_710 = arith.mulf %get3A_697, %get3A_44 : vector<16xf32>
      %add3A_711 = arith.addf %add3A_707, %mul3A_710 : vector<16xf32>
      %broadcast_in_dim3A_712 = arith.constant true
      %broadcast_in_dim3A_713 = vector.broadcast %broadcast_in_dim3A_712 : i1 to vector<16xi1>
      %masked_cumsum3A_714 = tpu.scan <sum>, %add3A_709 masked %broadcast_in_dim3A_713 : vector<16xf32>, vector<16xi1> -> vector<16xf32>
      %broadcast_in_dim3A_715 = arith.constant true
      %broadcast_in_dim3A_716 = vector.broadcast %broadcast_in_dim3A_715 : i1 to vector<16xi1>
      %masked_cumsum3A_717 = tpu.scan <sum>, %add3A_711 masked %broadcast_in_dim3A_716 : vector<16xf32>, vector<16xi1> -> vector<16xf32>
      %add3A_718 = arith.constant 0 : i32
      %add3A_719 = arith.addi %add3A_718, %add3A_661 : i32
      %mul3A_720 = arith.constant 2 : i32
      %mul3A_721 = arith.muli %add3A_719, %mul3A_720 : i32
      %broadcast_in_dim3A_722 = vector.broadcast %mul3A_721 : i32 to vector<16xi32>
      tpu.vector_store_idx %arg9[%broadcast_in_dim3A_722], %masked_cumsum3A_714 masked %eq3A_46 : memref<1024xf32, #tpu.memory_space<vmem>>[vector<16xi32>], vector<16xf32>, vector<16xi1>
      %add3A_723 = arith.constant 1 : i32
      %add3A_724 = vector.broadcast %add3A_723 : i32 to vector<16xi32>
      %add3A_725 = arith.addi %broadcast_in_dim3A_722, %add3A_724 : vector<16xi32>
      tpu.vector_store_idx %arg9[%add3A_725], %masked_cumsum3A_717 masked %eq3A_46 : memref<1024xf32, #tpu.memory_space<vmem>>[vector<16xi32>], vector<16xf32>, vector<16xi1>
      %add3A_726 = arith.constant 9 : i32
      %add3A_727 = arith.addi %mul3A_133, %add3A_726 : i32
      %mul3A_728 = arith.constant 64 : i32
      %mul3A_729 = arith.muli %add3A_727, %mul3A_728 : i32
      %add3A_730 = arith.constant 0 : i32
      %add3A_731 = arith.addi %mul3A_729, %add3A_730 : i32
      %get3A_732 = arith.constant 0 : i32
      %get3A_733 = tpu.memref_slice %arg6[%scan3A_55, %get3A_732] : memref<2x8192xf32, #tpu.memory_space<vmem>> -> memref<1x8192xf32, #tpu.memory_space<vmem>>
      %get3A_734 = tpu.memref_squeeze %get3A_733 : memref<1x8192xf32, #tpu.memory_space<vmem>> -> memref<8192xf32, #tpu.memory_space<vmem>>
      %get3A_735 = arith.index_cast %add3A_731 : i32 to index
      %get3A_736 = tpu.vector_load %get3A_734[%get3A_735] {strides = array<i32>} : memref<8192xf32, #tpu.memory_space<vmem>>, vector<16xf32>,
      %mul3A_737 = arith.constant 64 : i32
      %mul3A_738 = arith.muli %add3A_727, %mul3A_737 : i32
      %add3A_739 = arith.constant 16 : i32
      %add3A_740 = arith.addi %mul3A_738, %add3A_739 : i32
      %get3A_741 = arith.constant 0 : i32
      %get3A_742 = tpu.memref_slice %arg6[%scan3A_55, %get3A_741] : memref<2x8192xf32, #tpu.memory_space<vmem>> -> memref<1x8192xf32, #tpu.memory_space<vmem>>
      %get3A_743 = tpu.memref_squeeze %get3A_742 : memref<1x8192xf32, #tpu.memory_space<vmem>> -> memref<8192xf32, #tpu.memory_space<vmem>>
      %get3A_744 = arith.index_cast %add3A_740 : i32 to index
      %get3A_745 = tpu.vector_load %get3A_743[%get3A_744] {strides = array<i32>} : memref<8192xf32, #tpu.memory_space<vmem>>, vector<16xf32>,
      %mul3A_746 = arith.constant 64 : i32
      %mul3A_747 = arith.muli %add3A_727, %mul3A_746 : i32
      %add3A_748 = arith.constant 32 : i32
      %add3A_749 = arith.addi %mul3A_747, %add3A_748 : i32
      %get3A_750 = arith.constant 0 : i32
      %get3A_751 = tpu.memref_slice %arg6[%scan3A_55, %get3A_750] : memref<2x8192xf32, #tpu.memory_space<vmem>> -> memref<1x8192xf32, #tpu.memory_space<vmem>>
      %get3A_752 = tpu.memref_squeeze %get3A_751 : memref<1x8192xf32, #tpu.memory_space<vmem>> -> memref<8192xf32, #tpu.memory_space<vmem>>
      %get3A_753 = arith.index_cast %add3A_749 : i32 to index
      %get3A_754 = tpu.vector_load %get3A_752[%get3A_753] {strides = array<i32>} : memref<8192xf32, #tpu.memory_space<vmem>>, vector<16xf32>,
      %mul3A_755 = arith.constant 64 : i32
      %mul3A_756 = arith.muli %add3A_727, %mul3A_755 : i32
      %add3A_757 = arith.constant 48 : i32
      %add3A_758 = arith.addi %mul3A_756, %add3A_757 : i32
      %get3A_759 = arith.constant 0 : i32
      %get3A_760 = tpu.memref_slice %arg6[%scan3A_55, %get3A_759] : memref<2x8192xf32, #tpu.memory_space<vmem>> -> memref<1x8192xf32, #tpu.memory_space<vmem>>
      %get3A_761 = tpu.memref_squeeze %get3A_760 : memref<1x8192xf32, #tpu.memory_space<vmem>> -> memref<8192xf32, #tpu.memory_space<vmem>>
      %get3A_762 = arith.index_cast %add3A_758 : i32 to index
      %get3A_763 = tpu.vector_load %get3A_761[%get3A_762] {strides = array<i32>} : memref<8192xf32, #tpu.memory_space<vmem>>, vector<16xf32>,
      %mul3A_764 = arith.mulf %get3A_736, %get3A_30 : vector<16xf32>
      %mul3A_765 = arith.mulf %get3A_736, %get3A_38 : vector<16xf32>
      %mul3A_766 = arith.mulf %get3A_745, %get3A_32 : vector<16xf32>
      %add3A_767 = arith.addf %mul3A_764, %mul3A_766 : vector<16xf32>
      %mul3A_768 = arith.mulf %get3A_745, %get3A_40 : vector<16xf32>
      %add3A_769 = arith.addf %mul3A_765, %mul3A_768 : vector<16xf32>
      %mul3A_770 = arith.mulf %get3A_754, %get3A_34 : vector<16xf32>
      %add3A_771 = arith.addf %add3A_767, %mul3A_770 : vector<16xf32>
      %mul3A_772 = arith.mulf %get3A_754, %get3A_42 : vector<16xf32>
      %add3A_773 = arith.addf %add3A_769, %mul3A_772 : vector<16xf32>
      %mul3A_774 = arith.mulf %get3A_763, %get3A_36 : vector<16xf32>
      %add3A_775 = arith.addf %add3A_771, %mul3A_774 : vector<16xf32>
      %mul3A_776 = arith.mulf %get3A_763, %get3A_44 : vector<16xf32>
      %add3A_777 = arith.addf %add3A_773, %mul3A_776 : vector<16xf32>
      %broadcast_in_dim3A_778 = arith.constant true
      %broadcast_in_dim3A_779 = vector.broadcast %broadcast_in_dim3A_778 : i1 to vector<16xi1>
      %masked_cumsum3A_780 = tpu.scan <sum>, %add3A_775 masked %broadcast_in_dim3A_779 : vector<16xf32>, vector<16xi1> -> vector<16xf32>
      %broadcast_in_dim3A_781 = arith.constant true
      %broadcast_in_dim3A_782 = vector.broadcast %broadcast_in_dim3A_781 : i1 to vector<16xi1>
      %masked_cumsum3A_783 = tpu.scan <sum>, %add3A_777 masked %broadcast_in_dim3A_782 : vector<16xf32>, vector<16xi1> -> vector<16xf32>
      %add3A_784 = arith.constant 0 : i32
      %add3A_785 = arith.addi %add3A_784, %add3A_727 : i32
      %mul3A_786 = arith.constant 2 : i32
      %mul3A_787 = arith.muli %add3A_785, %mul3A_786 : i32
      %broadcast_in_dim3A_788 = vector.broadcast %mul3A_787 : i32 to vector<16xi32>
      tpu.vector_store_idx %arg9[%broadcast_in_dim3A_788], %masked_cumsum3A_780 masked %eq3A_46 : memref<1024xf32, #tpu.memory_space<vmem>>[vector<16xi32>], vector<16xf32>, vector<16xi1>
      %add3A_789 = arith.constant 1 : i32
      %add3A_790 = vector.broadcast %add3A_789 : i32 to vector<16xi32>
      %add3A_791 = arith.addi %broadcast_in_dim3A_788, %add3A_790 : vector<16xi32>
      tpu.vector_store_idx %arg9[%add3A_791], %masked_cumsum3A_783 masked %eq3A_46 : memref<1024xf32, #tpu.memory_space<vmem>>[vector<16xi32>], vector<16xf32>, vector<16xi1>
      %add3A_792 = arith.constant 10 : i32
      %add3A_793 = arith.addi %mul3A_133, %add3A_792 : i32
      %mul3A_794 = arith.constant 64 : i32
      %mul3A_795 = arith.muli %add3A_793, %mul3A_794 : i32
      %add3A_796 = arith.constant 0 : i32
      %add3A_797 = arith.addi %mul3A_795, %add3A_796 : i32
      %get3A_798 = arith.constant 0 : i32
      %get3A_799 = tpu.memref_slice %arg6[%scan3A_55, %get3A_798] : memref<2x8192xf32, #tpu.memory_space<vmem>> -> memref<1x8192xf32, #tpu.memory_space<vmem>>
      %get3A_800 = tpu.memref_squeeze %get3A_799 : memref<1x8192xf32, #tpu.memory_space<vmem>> -> memref<8192xf32, #tpu.memory_space<vmem>>
      %get3A_801 = arith.index_cast %add3A_797 : i32 to index
      %get3A_802 = tpu.vector_load %get3A_800[%get3A_801] {strides = array<i32>} : memref<8192xf32, #tpu.memory_space<vmem>>, vector<16xf32>,
      %mul3A_803 = arith.constant 64 : i32
      %mul3A_804 = arith.muli %add3A_793, %mul3A_803 : i32
      %add3A_805 = arith.constant 16 : i32
      %add3A_806 = arith.addi %mul3A_804, %add3A_805 : i32
      %get3A_807 = arith.constant 0 : i32
      %get3A_808 = tpu.memref_slice %arg6[%scan3A_55, %get3A_807] : memref<2x8192xf32, #tpu.memory_space<vmem>> -> memref<1x8192xf32, #tpu.memory_space<vmem>>
      %get3A_809 = tpu.memref_squeeze %get3A_808 : memref<1x8192xf32, #tpu.memory_space<vmem>> -> memref<8192xf32, #tpu.memory_space<vmem>>
      %get3A_810 = arith.index_cast %add3A_806 : i32 to index
      %get3A_811 = tpu.vector_load %get3A_809[%get3A_810] {strides = array<i32>} : memref<8192xf32, #tpu.memory_space<vmem>>, vector<16xf32>,
      %mul3A_812 = arith.constant 64 : i32
      %mul3A_813 = arith.muli %add3A_793, %mul3A_812 : i32
      %add3A_814 = arith.constant 32 : i32
      %add3A_815 = arith.addi %mul3A_813, %add3A_814 : i32
      %get3A_816 = arith.constant 0 : i32
      %get3A_817 = tpu.memref_slice %arg6[%scan3A_55, %get3A_816] : memref<2x8192xf32, #tpu.memory_space<vmem>> -> memref<1x8192xf32, #tpu.memory_space<vmem>>
      %get3A_818 = tpu.memref_squeeze %get3A_817 : memref<1x8192xf32, #tpu.memory_space<vmem>> -> memref<8192xf32, #tpu.memory_space<vmem>>
      %get3A_819 = arith.index_cast %add3A_815 : i32 to index
      %get3A_820 = tpu.vector_load %get3A_818[%get3A_819] {strides = array<i32>} : memref<8192xf32, #tpu.memory_space<vmem>>, vector<16xf32>,
      %mul3A_821 = arith.constant 64 : i32
      %mul3A_822 = arith.muli %add3A_793, %mul3A_821 : i32
      %add3A_823 = arith.constant 48 : i32
      %add3A_824 = arith.addi %mul3A_822, %add3A_823 : i32
      %get3A_825 = arith.constant 0 : i32
      %get3A_826 = tpu.memref_slice %arg6[%scan3A_55, %get3A_825] : memref<2x8192xf32, #tpu.memory_space<vmem>> -> memref<1x8192xf32, #tpu.memory_space<vmem>>
      %get3A_827 = tpu.memref_squeeze %get3A_826 : memref<1x8192xf32, #tpu.memory_space<vmem>> -> memref<8192xf32, #tpu.memory_space<vmem>>
      %get3A_828 = arith.index_cast %add3A_824 : i32 to index
      %get3A_829 = tpu.vector_load %get3A_827[%get3A_828] {strides = array<i32>} : memref<8192xf32, #tpu.memory_space<vmem>>, vector<16xf32>,
      %mul3A_830 = arith.mulf %get3A_802, %get3A_30 : vector<16xf32>
      %mul3A_831 = arith.mulf %get3A_802, %get3A_38 : vector<16xf32>
      %mul3A_832 = arith.mulf %get3A_811, %get3A_32 : vector<16xf32>
      %add3A_833 = arith.addf %mul3A_830, %mul3A_832 : vector<16xf32>
      %mul3A_834 = arith.mulf %get3A_811, %get3A_40 : vector<16xf32>
      %add3A_835 = arith.addf %mul3A_831, %mul3A_834 : vector<16xf32>
      %mul3A_836 = arith.mulf %get3A_820, %get3A_34 : vector<16xf32>
      %add3A_837 = arith.addf %add3A_833, %mul3A_836 : vector<16xf32>
      %mul3A_838 = arith.mulf %get3A_820, %get3A_42 : vector<16xf32>
      %add3A_839 = arith.addf %add3A_835, %mul3A_838 : vector<16xf32>
      %mul3A_840 = arith.mulf %get3A_829, %get3A_36 : vector<16xf32>
      %add3A_841 = arith.addf %add3A_837, %mul3A_840 : vector<16xf32>
      %mul3A_842 = arith.mulf %get3A_829, %get3A_44 : vector<16xf32>
      %add3A_843 = arith.addf %add3A_839, %mul3A_842 : vector<16xf32>
      %broadcast_in_dim3A_844 = arith.constant true
      %broadcast_in_dim3A_845 = vector.broadcast %broadcast_in_dim3A_844 : i1 to vector<16xi1>
      %masked_cumsum3A_846 = tpu.scan <sum>, %add3A_841 masked %broadcast_in_dim3A_845 : vector<16xf32>, vector<16xi1> -> vector<16xf32>
      %broadcast_in_dim3A_847 = arith.constant true
      %broadcast_in_dim3A_848 = vector.broadcast %broadcast_in_dim3A_847 : i1 to vector<16xi1>
      %masked_cumsum3A_849 = tpu.scan <sum>, %add3A_843 masked %broadcast_in_dim3A_848 : vector<16xf32>, vector<16xi1> -> vector<16xf32>
      %add3A_850 = arith.constant 0 : i32
      %add3A_851 = arith.addi %add3A_850, %add3A_793 : i32
      %mul3A_852 = arith.constant 2 : i32
      %mul3A_853 = arith.muli %add3A_851, %mul3A_852 : i32
      %broadcast_in_dim3A_854 = vector.broadcast %mul3A_853 : i32 to vector<16xi32>
      tpu.vector_store_idx %arg9[%broadcast_in_dim3A_854], %masked_cumsum3A_846 masked %eq3A_46 : memref<1024xf32, #tpu.memory_space<vmem>>[vector<16xi32>], vector<16xf32>, vector<16xi1>
      %add3A_855 = arith.constant 1 : i32
      %add3A_856 = vector.broadcast %add3A_855 : i32 to vector<16xi32>
      %add3A_857 = arith.addi %broadcast_in_dim3A_854, %add3A_856 : vector<16xi32>
      tpu.vector_store_idx %arg9[%add3A_857], %masked_cumsum3A_849 masked %eq3A_46 : memref<1024xf32, #tpu.memory_space<vmem>>[vector<16xi32>], vector<16xf32>, vector<16xi1>
      %add3A_858 = arith.constant 11 : i32
      %add3A_859 = arith.addi %mul3A_133, %add3A_858 : i32
      %mul3A_860 = arith.constant 64 : i32
      %mul3A_861 = arith.muli %add3A_859, %mul3A_860 : i32
      %add3A_862 = arith.constant 0 : i32
      %add3A_863 = arith.addi %mul3A_861, %add3A_862 : i32
      %get3A_864 = arith.constant 0 : i32
      %get3A_865 = tpu.memref_slice %arg6[%scan3A_55, %get3A_864] : memref<2x8192xf32, #tpu.memory_space<vmem>> -> memref<1x8192xf32, #tpu.memory_space<vmem>>
      %get3A_866 = tpu.memref_squeeze %get3A_865 : memref<1x8192xf32, #tpu.memory_space<vmem>> -> memref<8192xf32, #tpu.memory_space<vmem>>
      %get3A_867 = arith.index_cast %add3A_863 : i32 to index
      %get3A_868 = tpu.vector_load %get3A_866[%get3A_867] {strides = array<i32>} : memref<8192xf32, #tpu.memory_space<vmem>>, vector<16xf32>,
      %mul3A_869 = arith.constant 64 : i32
      %mul3A_870 = arith.muli %add3A_859, %mul3A_869 : i32
      %add3A_871 = arith.constant 16 : i32
      %add3A_872 = arith.addi %mul3A_870, %add3A_871 : i32
      %get3A_873 = arith.constant 0 : i32
      %get3A_874 = tpu.memref_slice %arg6[%scan3A_55, %get3A_873] : memref<2x8192xf32, #tpu.memory_space<vmem>> -> memref<1x8192xf32, #tpu.memory_space<vmem>>
      %get3A_875 = tpu.memref_squeeze %get3A_874 : memref<1x8192xf32, #tpu.memory_space<vmem>> -> memref<8192xf32, #tpu.memory_space<vmem>>
      %get3A_876 = arith.index_cast %add3A_872 : i32 to index
      %get3A_877 = tpu.vector_load %get3A_875[%get3A_876] {strides = array<i32>} : memref<8192xf32, #tpu.memory_space<vmem>>, vector<16xf32>,
      %mul3A_878 = arith.constant 64 : i32
      %mul3A_879 = arith.muli %add3A_859, %mul3A_878 : i32
      %add3A_880 = arith.constant 32 : i32
      %add3A_881 = arith.addi %mul3A_879, %add3A_880 : i32
      %get3A_882 = arith.constant 0 : i32
      %get3A_883 = tpu.memref_slice %arg6[%scan3A_55, %get3A_882] : memref<2x8192xf32, #tpu.memory_space<vmem>> -> memref<1x8192xf32, #tpu.memory_space<vmem>>
      %get3A_884 = tpu.memref_squeeze %get3A_883 : memref<1x8192xf32, #tpu.memory_space<vmem>> -> memref<8192xf32, #tpu.memory_space<vmem>>
      %get3A_885 = arith.index_cast %add3A_881 : i32 to index
      %get3A_886 = tpu.vector_load %get3A_884[%get3A_885] {strides = array<i32>} : memref<8192xf32, #tpu.memory_space<vmem>>, vector<16xf32>,
      %mul3A_887 = arith.constant 64 : i32
      %mul3A_888 = arith.muli %add3A_859, %mul3A_887 : i32
      %add3A_889 = arith.constant 48 : i32
      %add3A_890 = arith.addi %mul3A_888, %add3A_889 : i32
      %get3A_891 = arith.constant 0 : i32
      %get3A_892 = tpu.memref_slice %arg6[%scan3A_55, %get3A_891] : memref<2x8192xf32, #tpu.memory_space<vmem>> -> memref<1x8192xf32, #tpu.memory_space<vmem>>
      %get3A_893 = tpu.memref_squeeze %get3A_892 : memref<1x8192xf32, #tpu.memory_space<vmem>> -> memref<8192xf32, #tpu.memory_space<vmem>>
      %get3A_894 = arith.index_cast %add3A_890 : i32 to index
      %get3A_895 = tpu.vector_load %get3A_893[%get3A_894] {strides = array<i32>} : memref<8192xf32, #tpu.memory_space<vmem>>, vector<16xf32>,
      %mul3A_896 = arith.mulf %get3A_868, %get3A_30 : vector<16xf32>
      %mul3A_897 = arith.mulf %get3A_868, %get3A_38 : vector<16xf32>
      %mul3A_898 = arith.mulf %get3A_877, %get3A_32 : vector<16xf32>
      %add3A_899 = arith.addf %mul3A_896, %mul3A_898 : vector<16xf32>
      %mul3A_900 = arith.mulf %get3A_877, %get3A_40 : vector<16xf32>
      %add3A_901 = arith.addf %mul3A_897, %mul3A_900 : vector<16xf32>
      %mul3A_902 = arith.mulf %get3A_886, %get3A_34 : vector<16xf32>
      %add3A_903 = arith.addf %add3A_899, %mul3A_902 : vector<16xf32>
      %mul3A_904 = arith.mulf %get3A_886, %get3A_42 : vector<16xf32>
      %add3A_905 = arith.addf %add3A_901, %mul3A_904 : vector<16xf32>
      %mul3A_906 = arith.mulf %get3A_895, %get3A_36 : vector<16xf32>
      %add3A_907 = arith.addf %add3A_903, %mul3A_906 : vector<16xf32>
      %mul3A_908 = arith.mulf %get3A_895, %get3A_44 : vector<16xf32>
      %add3A_909 = arith.addf %add3A_905, %mul3A_908 : vector<16xf32>
      %broadcast_in_dim3A_910 = arith.constant true
      %broadcast_in_dim3A_911 = vector.broadcast %broadcast_in_dim3A_910 : i1 to vector<16xi1>
      %masked_cumsum3A_912 = tpu.scan <sum>, %add3A_907 masked %broadcast_in_dim3A_911 : vector<16xf32>, vector<16xi1> -> vector<16xf32>
      %broadcast_in_dim3A_913 = arith.constant true
      %broadcast_in_dim3A_914 = vector.broadcast %broadcast_in_dim3A_913 : i1 to vector<16xi1>
      %masked_cumsum3A_915 = tpu.scan <sum>, %add3A_909 masked %broadcast_in_dim3A_914 : vector<16xf32>, vector<16xi1> -> vector<16xf32>
      %add3A_916 = arith.constant 0 : i32
      %add3A_917 = arith.addi %add3A_916, %add3A_859 : i32
      %mul3A_918 = arith.constant 2 : i32
      %mul3A_919 = arith.muli %add3A_917, %mul3A_918 : i32
      %broadcast_in_dim3A_920 = vector.broadcast %mul3A_919 : i32 to vector<16xi32>
      tpu.vector_store_idx %arg9[%broadcast_in_dim3A_920], %masked_cumsum3A_912 masked %eq3A_46 : memref<1024xf32, #tpu.memory_space<vmem>>[vector<16xi32>], vector<16xf32>, vector<16xi1>
      %add3A_921 = arith.constant 1 : i32
      %add3A_922 = vector.broadcast %add3A_921 : i32 to vector<16xi32>
      %add3A_923 = arith.addi %broadcast_in_dim3A_920, %add3A_922 : vector<16xi32>
      tpu.vector_store_idx %arg9[%add3A_923], %masked_cumsum3A_915 masked %eq3A_46 : memref<1024xf32, #tpu.memory_space<vmem>>[vector<16xi32>], vector<16xf32>, vector<16xi1>
      %add3A_924 = arith.constant 12 : i32
      %add3A_925 = arith.addi %mul3A_133, %add3A_924 : i32
      %mul3A_926 = arith.constant 64 : i32
      %mul3A_927 = arith.muli %add3A_925, %mul3A_926 : i32
      %add3A_928 = arith.constant 0 : i32
      %add3A_929 = arith.addi %mul3A_927, %add3A_928 : i32
      %get3A_930 = arith.constant 0 : i32
      %get3A_931 = tpu.memref_slice %arg6[%scan3A_55, %get3A_930] : memref<2x8192xf32, #tpu.memory_space<vmem>> -> memref<1x8192xf32, #tpu.memory_space<vmem>>
      %get3A_932 = tpu.memref_squeeze %get3A_931 : memref<1x8192xf32, #tpu.memory_space<vmem>> -> memref<8192xf32, #tpu.memory_space<vmem>>
      %get3A_933 = arith.index_cast %add3A_929 : i32 to index
      %get3A_934 = tpu.vector_load %get3A_932[%get3A_933] {strides = array<i32>} : memref<8192xf32, #tpu.memory_space<vmem>>, vector<16xf32>,
      %mul3A_935 = arith.constant 64 : i32
      %mul3A_936 = arith.muli %add3A_925, %mul3A_935 : i32
      %add3A_937 = arith.constant 16 : i32
      %add3A_938 = arith.addi %mul3A_936, %add3A_937 : i32
      %get3A_939 = arith.constant 0 : i32
      %get3A_940 = tpu.memref_slice %arg6[%scan3A_55, %get3A_939] : memref<2x8192xf32, #tpu.memory_space<vmem>> -> memref<1x8192xf32, #tpu.memory_space<vmem>>
      %get3A_941 = tpu.memref_squeeze %get3A_940 : memref<1x8192xf32, #tpu.memory_space<vmem>> -> memref<8192xf32, #tpu.memory_space<vmem>>
      %get3A_942 = arith.index_cast %add3A_938 : i32 to index
      %get3A_943 = tpu.vector_load %get3A_941[%get3A_942] {strides = array<i32>} : memref<8192xf32, #tpu.memory_space<vmem>>, vector<16xf32>,
      %mul3A_944 = arith.constant 64 : i32
      %mul3A_945 = arith.muli %add3A_925, %mul3A_944 : i32
      %add3A_946 = arith.constant 32 : i32
      %add3A_947 = arith.addi %mul3A_945, %add3A_946 : i32
      %get3A_948 = arith.constant 0 : i32
      %get3A_949 = tpu.memref_slice %arg6[%scan3A_55, %get3A_948] : memref<2x8192xf32, #tpu.memory_space<vmem>> -> memref<1x8192xf32, #tpu.memory_space<vmem>>
      %get3A_950 = tpu.memref_squeeze %get3A_949 : memref<1x8192xf32, #tpu.memory_space<vmem>> -> memref<8192xf32, #tpu.memory_space<vmem>>
      %get3A_951 = arith.index_cast %add3A_947 : i32 to index
      %get3A_952 = tpu.vector_load %get3A_950[%get3A_951] {strides = array<i32>} : memref<8192xf32, #tpu.memory_space<vmem>>, vector<16xf32>,
      %mul3A_953 = arith.constant 64 : i32
      %mul3A_954 = arith.muli %add3A_925, %mul3A_953 : i32
      %add3A_955 = arith.constant 48 : i32
      %add3A_956 = arith.addi %mul3A_954, %add3A_955 : i32
      %get3A_957 = arith.constant 0 : i32
      %get3A_958 = tpu.memref_slice %arg6[%scan3A_55, %get3A_957] : memref<2x8192xf32, #tpu.memory_space<vmem>> -> memref<1x8192xf32, #tpu.memory_space<vmem>>
      %get3A_959 = tpu.memref_squeeze %get3A_958 : memref<1x8192xf32, #tpu.memory_space<vmem>> -> memref<8192xf32, #tpu.memory_space<vmem>>
      %get3A_960 = arith.index_cast %add3A_956 : i32 to index
      %get3A_961 = tpu.vector_load %get3A_959[%get3A_960] {strides = array<i32>} : memref<8192xf32, #tpu.memory_space<vmem>>, vector<16xf32>,
      %mul3A_962 = arith.mulf %get3A_934, %get3A_30 : vector<16xf32>
      %mul3A_963 = arith.mulf %get3A_934, %get3A_38 : vector<16xf32>
      %mul3A_964 = arith.mulf %get3A_943, %get3A_32 : vector<16xf32>
      %add3A_965 = arith.addf %mul3A_962, %mul3A_964 : vector<16xf32>
      %mul3A_966 = arith.mulf %get3A_943, %get3A_40 : vector<16xf32>
      %add3A_967 = arith.addf %mul3A_963, %mul3A_966 : vector<16xf32>
      %mul3A_968 = arith.mulf %get3A_952, %get3A_34 : vector<16xf32>
      %add3A_969 = arith.addf %add3A_965, %mul3A_968 : vector<16xf32>
      %mul3A_970 = arith.mulf %get3A_952, %get3A_42 : vector<16xf32>
      %add3A_971 = arith.addf %add3A_967, %mul3A_970 : vector<16xf32>
      %mul3A_972 = arith.mulf %get3A_961, %get3A_36 : vector<16xf32>
      %add3A_973 = arith.addf %add3A_969, %mul3A_972 : vector<16xf32>
      %mul3A_974 = arith.mulf %get3A_961, %get3A_44 : vector<16xf32>
      %add3A_975 = arith.addf %add3A_971, %mul3A_974 : vector<16xf32>
      %broadcast_in_dim3A_976 = arith.constant true
      %broadcast_in_dim3A_977 = vector.broadcast %broadcast_in_dim3A_976 : i1 to vector<16xi1>
      %masked_cumsum3A_978 = tpu.scan <sum>, %add3A_973 masked %broadcast_in_dim3A_977 : vector<16xf32>, vector<16xi1> -> vector<16xf32>
      %broadcast_in_dim3A_979 = arith.constant true
      %broadcast_in_dim3A_980 = vector.broadcast %broadcast_in_dim3A_979 : i1 to vector<16xi1>
      %masked_cumsum3A_981 = tpu.scan <sum>, %add3A_975 masked %broadcast_in_dim3A_980 : vector<16xf32>, vector<16xi1> -> vector<16xf32>
      %add3A_982 = arith.constant 0 : i32
      %add3A_983 = arith.addi %add3A_982, %add3A_925 : i32
      %mul3A_984 = arith.constant 2 : i32
      %mul3A_985 = arith.muli %add3A_983, %mul3A_984 : i32
      %broadcast_in_dim3A_986 = vector.broadcast %mul3A_985 : i32 to vector<16xi32>
      tpu.vector_store_idx %arg9[%broadcast_in_dim3A_986], %masked_cumsum3A_978 masked %eq3A_46 : memref<1024xf32, #tpu.memory_space<vmem>>[vector<16xi32>], vector<16xf32>, vector<16xi1>
      %add3A_987 = arith.constant 1 : i32
      %add3A_988 = vector.broadcast %add3A_987 : i32 to vector<16xi32>
      %add3A_989 = arith.addi %broadcast_in_dim3A_986, %add3A_988 : vector<16xi32>
      tpu.vector_store_idx %arg9[%add3A_989], %masked_cumsum3A_981 masked %eq3A_46 : memref<1024xf32, #tpu.memory_space<vmem>>[vector<16xi32>], vector<16xf32>, vector<16xi1>
      %add3A_990 = arith.constant 13 : i32
      %add3A_991 = arith.addi %mul3A_133, %add3A_990 : i32
      %mul3A_992 = arith.constant 64 : i32
      %mul3A_993 = arith.muli %add3A_991, %mul3A_992 : i32
      %add3A_994 = arith.constant 0 : i32
      %add3A_995 = arith.addi %mul3A_993, %add3A_994 : i32
      %get3A_996 = arith.constant 0 : i32
      %get3A_997 = tpu.memref_slice %arg6[%scan3A_55, %get3A_996] : memref<2x8192xf32, #tpu.memory_space<vmem>> -> memref<1x8192xf32, #tpu.memory_space<vmem>>
      %get3A_998 = tpu.memref_squeeze %get3A_997 : memref<1x8192xf32, #tpu.memory_space<vmem>> -> memref<8192xf32, #tpu.memory_space<vmem>>
      %get3A_999 = arith.index_cast %add3A_995 : i32 to index
      %get3A_1000 = tpu.vector_load %get3A_998[%get3A_999] {strides = array<i32>} : memref<8192xf32, #tpu.memory_space<vmem>>, vector<16xf32>,
      %mul3A_1001 = arith.constant 64 : i32
      %mul3A_1002 = arith.muli %add3A_991, %mul3A_1001 : i32
      %add3A_1003 = arith.constant 16 : i32
      %add3A_1004 = arith.addi %mul3A_1002, %add3A_1003 : i32
      %get3A_1005 = arith.constant 0 : i32
      %get3A_1006 = tpu.memref_slice %arg6[%scan3A_55, %get3A_1005] : memref<2x8192xf32, #tpu.memory_space<vmem>> -> memref<1x8192xf32, #tpu.memory_space<vmem>>
      %get3A_1007 = tpu.memref_squeeze %get3A_1006 : memref<1x8192xf32, #tpu.memory_space<vmem>> -> memref<8192xf32, #tpu.memory_space<vmem>>
      %get3A_1008 = arith.index_cast %add3A_1004 : i32 to index
      %get3A_1009 = tpu.vector_load %get3A_1007[%get3A_1008] {strides = array<i32>} : memref<8192xf32, #tpu.memory_space<vmem>>, vector<16xf32>,
      %mul3A_1010 = arith.constant 64 : i32
      %mul3A_1011 = arith.muli %add3A_991, %mul3A_1010 : i32
      %add3A_1012 = arith.constant 32 : i32
      %add3A_1013 = arith.addi %mul3A_1011, %add3A_1012 : i32
      %get3A_1014 = arith.constant 0 : i32
      %get3A_1015 = tpu.memref_slice %arg6[%scan3A_55, %get3A_1014] : memref<2x8192xf32, #tpu.memory_space<vmem>> -> memref<1x8192xf32, #tpu.memory_space<vmem>>
      %get3A_1016 = tpu.memref_squeeze %get3A_1015 : memref<1x8192xf32, #tpu.memory_space<vmem>> -> memref<8192xf32, #tpu.memory_space<vmem>>
      %get3A_1017 = arith.index_cast %add3A_1013 : i32 to index
      %get3A_1018 = tpu.vector_load %get3A_1016[%get3A_1017] {strides = array<i32>} : memref<8192xf32, #tpu.memory_space<vmem>>, vector<16xf32>,
      %mul3A_1019 = arith.constant 64 : i32
      %mul3A_1020 = arith.muli %add3A_991, %mul3A_1019 : i32
      %add3A_1021 = arith.constant 48 : i32
      %add3A_1022 = arith.addi %mul3A_1020, %add3A_1021 : i32
      %get3A_1023 = arith.constant 0 : i32
      %get3A_1024 = tpu.memref_slice %arg6[%scan3A_55, %get3A_1023] : memref<2x8192xf32, #tpu.memory_space<vmem>> -> memref<1x8192xf32, #tpu.memory_space<vmem>>
      %get3A_1025 = tpu.memref_squeeze %get3A_1024 : memref<1x8192xf32, #tpu.memory_space<vmem>> -> memref<8192xf32, #tpu.memory_space<vmem>>
      %get3A_1026 = arith.index_cast %add3A_1022 : i32 to index
      %get3A_1027 = tpu.vector_load %get3A_1025[%get3A_1026] {strides = array<i32>} : memref<8192xf32, #tpu.memory_space<vmem>>, vector<16xf32>,
      %mul3A_1028 = arith.mulf %get3A_1000, %get3A_30 : vector<16xf32>
      %mul3A_1029 = arith.mulf %get3A_1000, %get3A_38 : vector<16xf32>
      %mul3A_1030 = arith.mulf %get3A_1009, %get3A_32 : vector<16xf32>
      %add3A_1031 = arith.addf %mul3A_1028, %mul3A_1030 : vector<16xf32>
      %mul3A_1032 = arith.mulf %get3A_1009, %get3A_40 : vector<16xf32>
      %add3A_1033 = arith.addf %mul3A_1029, %mul3A_1032 : vector<16xf32>
      %mul3A_1034 = arith.mulf %get3A_1018, %get3A_34 : vector<16xf32>
      %add3A_1035 = arith.addf %add3A_1031, %mul3A_1034 : vector<16xf32>
      %mul3A_1036 = arith.mulf %get3A_1018, %get3A_42 : vector<16xf32>
      %add3A_1037 = arith.addf %add3A_1033, %mul3A_1036 : vector<16xf32>
      %mul3A_1038 = arith.mulf %get3A_1027, %get3A_36 : vector<16xf32>
      %add3A_1039 = arith.addf %add3A_1035, %mul3A_1038 : vector<16xf32>
      %mul3A_1040 = arith.mulf %get3A_1027, %get3A_44 : vector<16xf32>
      %add3A_1041 = arith.addf %add3A_1037, %mul3A_1040 : vector<16xf32>
      %broadcast_in_dim3A_1042 = arith.constant true
      %broadcast_in_dim3A_1043 = vector.broadcast %broadcast_in_dim3A_1042 : i1 to vector<16xi1>
      %masked_cumsum3A_1044 = tpu.scan <sum>, %add3A_1039 masked %broadcast_in_dim3A_1043 : vector<16xf32>, vector<16xi1> -> vector<16xf32>
      %broadcast_in_dim3A_1045 = arith.constant true
      %broadcast_in_dim3A_1046 = vector.broadcast %broadcast_in_dim3A_1045 : i1 to vector<16xi1>
      %masked_cumsum3A_1047 = tpu.scan <sum>, %add3A_1041 masked %broadcast_in_dim3A_1046 : vector<16xf32>, vector<16xi1> -> vector<16xf32>
      %add3A_1048 = arith.constant 0 : i32
      %add3A_1049 = arith.addi %add3A_1048, %add3A_991 : i32
      %mul3A_1050 = arith.constant 2 : i32
      %mul3A_1051 = arith.muli %add3A_1049, %mul3A_1050 : i32
      %broadcast_in_dim3A_1052 = vector.broadcast %mul3A_1051 : i32 to vector<16xi32>
      tpu.vector_store_idx %arg9[%broadcast_in_dim3A_1052], %masked_cumsum3A_1044 masked %eq3A_46 : memref<1024xf32, #tpu.memory_space<vmem>>[vector<16xi32>], vector<16xf32>, vector<16xi1>
      %add3A_1053 = arith.constant 1 : i32
      %add3A_1054 = vector.broadcast %add3A_1053 : i32 to vector<16xi32>
      %add3A_1055 = arith.addi %broadcast_in_dim3A_1052, %add3A_1054 : vector<16xi32>
      tpu.vector_store_idx %arg9[%add3A_1055], %masked_cumsum3A_1047 masked %eq3A_46 : memref<1024xf32, #tpu.memory_space<vmem>>[vector<16xi32>], vector<16xf32>, vector<16xi1>
      %add3A_1056 = arith.constant 14 : i32
      %add3A_1057 = arith.addi %mul3A_133, %add3A_1056 : i32
      %mul3A_1058 = arith.constant 64 : i32
      %mul3A_1059 = arith.muli %add3A_1057, %mul3A_1058 : i32
      %add3A_1060 = arith.constant 0 : i32
      %add3A_1061 = arith.addi %mul3A_1059, %add3A_1060 : i32
      %get3A_1062 = arith.constant 0 : i32
      %get3A_1063 = tpu.memref_slice %arg6[%scan3A_55, %get3A_1062] : memref<2x8192xf32, #tpu.memory_space<vmem>> -> memref<1x8192xf32, #tpu.memory_space<vmem>>
      %get3A_1064 = tpu.memref_squeeze %get3A_1063 : memref<1x8192xf32, #tpu.memory_space<vmem>> -> memref<8192xf32, #tpu.memory_space<vmem>>
      %get3A_1065 = arith.index_cast %add3A_1061 : i32 to index
      %get3A_1066 = tpu.vector_load %get3A_1064[%get3A_1065] {strides = array<i32>} : memref<8192xf32, #tpu.memory_space<vmem>>, vector<16xf32>,
      %mul3A_1067 = arith.constant 64 : i32
      %mul3A_1068 = arith.muli %add3A_1057, %mul3A_1067 : i32
      %add3A_1069 = arith.constant 16 : i32
      %add3A_1070 = arith.addi %mul3A_1068, %add3A_1069 : i32
      %get3A_1071 = arith.constant 0 : i32
      %get3A_1072 = tpu.memref_slice %arg6[%scan3A_55, %get3A_1071] : memref<2x8192xf32, #tpu.memory_space<vmem>> -> memref<1x8192xf32, #tpu.memory_space<vmem>>
      %get3A_1073 = tpu.memref_squeeze %get3A_1072 : memref<1x8192xf32, #tpu.memory_space<vmem>> -> memref<8192xf32, #tpu.memory_space<vmem>>
      %get3A_1074 = arith.index_cast %add3A_1070 : i32 to index
      %get3A_1075 = tpu.vector_load %get3A_1073[%get3A_1074] {strides = array<i32>} : memref<8192xf32, #tpu.memory_space<vmem>>, vector<16xf32>,
      %mul3A_1076 = arith.constant 64 : i32
      %mul3A_1077 = arith.muli %add3A_1057, %mul3A_1076 : i32
      %add3A_1078 = arith.constant 32 : i32
      %add3A_1079 = arith.addi %mul3A_1077, %add3A_1078 : i32
      %get3A_1080 = arith.constant 0 : i32
      %get3A_1081 = tpu.memref_slice %arg6[%scan3A_55, %get3A_1080] : memref<2x8192xf32, #tpu.memory_space<vmem>> -> memref<1x8192xf32, #tpu.memory_space<vmem>>
      %get3A_1082 = tpu.memref_squeeze %get3A_1081 : memref<1x8192xf32, #tpu.memory_space<vmem>> -> memref<8192xf32, #tpu.memory_space<vmem>>
      %get3A_1083 = arith.index_cast %add3A_1079 : i32 to index
      %get3A_1084 = tpu.vector_load %get3A_1082[%get3A_1083] {strides = array<i32>} : memref<8192xf32, #tpu.memory_space<vmem>>, vector<16xf32>,
      %mul3A_1085 = arith.constant 64 : i32
      %mul3A_1086 = arith.muli %add3A_1057, %mul3A_1085 : i32
      %add3A_1087 = arith.constant 48 : i32
      %add3A_1088 = arith.addi %mul3A_1086, %add3A_1087 : i32
      %get3A_1089 = arith.constant 0 : i32
      %get3A_1090 = tpu.memref_slice %arg6[%scan3A_55, %get3A_1089] : memref<2x8192xf32, #tpu.memory_space<vmem>> -> memref<1x8192xf32, #tpu.memory_space<vmem>>
      %get3A_1091 = tpu.memref_squeeze %get3A_1090 : memref<1x8192xf32, #tpu.memory_space<vmem>> -> memref<8192xf32, #tpu.memory_space<vmem>>
      %get3A_1092 = arith.index_cast %add3A_1088 : i32 to index
      %get3A_1093 = tpu.vector_load %get3A_1091[%get3A_1092] {strides = array<i32>} : memref<8192xf32, #tpu.memory_space<vmem>>, vector<16xf32>,
      %mul3A_1094 = arith.mulf %get3A_1066, %get3A_30 : vector<16xf32>
      %mul3A_1095 = arith.mulf %get3A_1066, %get3A_38 : vector<16xf32>
      %mul3A_1096 = arith.mulf %get3A_1075, %get3A_32 : vector<16xf32>
      %add3A_1097 = arith.addf %mul3A_1094, %mul3A_1096 : vector<16xf32>
      %mul3A_1098 = arith.mulf %get3A_1075, %get3A_40 : vector<16xf32>
      %add3A_1099 = arith.addf %mul3A_1095, %mul3A_1098 : vector<16xf32>
      %mul3A_1100 = arith.mulf %get3A_1084, %get3A_34 : vector<16xf32>
      %add3A_1101 = arith.addf %add3A_1097, %mul3A_1100 : vector<16xf32>
      %mul3A_1102 = arith.mulf %get3A_1084, %get3A_42 : vector<16xf32>
      %add3A_1103 = arith.addf %add3A_1099, %mul3A_1102 : vector<16xf32>
      %mul3A_1104 = arith.mulf %get3A_1093, %get3A_36 : vector<16xf32>
      %add3A_1105 = arith.addf %add3A_1101, %mul3A_1104 : vector<16xf32>
      %mul3A_1106 = arith.mulf %get3A_1093, %get3A_44 : vector<16xf32>
      %add3A_1107 = arith.addf %add3A_1103, %mul3A_1106 : vector<16xf32>
      %broadcast_in_dim3A_1108 = arith.constant true
      %broadcast_in_dim3A_1109 = vector.broadcast %broadcast_in_dim3A_1108 : i1 to vector<16xi1>
      %masked_cumsum3A_1110 = tpu.scan <sum>, %add3A_1105 masked %broadcast_in_dim3A_1109 : vector<16xf32>, vector<16xi1> -> vector<16xf32>
      %broadcast_in_dim3A_1111 = arith.constant true
      %broadcast_in_dim3A_1112 = vector.broadcast %broadcast_in_dim3A_1111 : i1 to vector<16xi1>
      %masked_cumsum3A_1113 = tpu.scan <sum>, %add3A_1107 masked %broadcast_in_dim3A_1112 : vector<16xf32>, vector<16xi1> -> vector<16xf32>
      %add3A_1114 = arith.constant 0 : i32
      %add3A_1115 = arith.addi %add3A_1114, %add3A_1057 : i32
      %mul3A_1116 = arith.constant 2 : i32
      %mul3A_1117 = arith.muli %add3A_1115, %mul3A_1116 : i32
      %broadcast_in_dim3A_1118 = vector.broadcast %mul3A_1117 : i32 to vector<16xi32>
      tpu.vector_store_idx %arg9[%broadcast_in_dim3A_1118], %masked_cumsum3A_1110 masked %eq3A_46 : memref<1024xf32, #tpu.memory_space<vmem>>[vector<16xi32>], vector<16xf32>, vector<16xi1>
      %add3A_1119 = arith.constant 1 : i32
      %add3A_1120 = vector.broadcast %add3A_1119 : i32 to vector<16xi32>
      %add3A_1121 = arith.addi %broadcast_in_dim3A_1118, %add3A_1120 : vector<16xi32>
      tpu.vector_store_idx %arg9[%add3A_1121], %masked_cumsum3A_1113 masked %eq3A_46 : memref<1024xf32, #tpu.memory_space<vmem>>[vector<16xi32>], vector<16xf32>, vector<16xi1>
      %add3A_1122 = arith.constant 15 : i32
      %add3A_1123 = arith.addi %mul3A_133, %add3A_1122 : i32
      %mul3A_1124 = arith.constant 64 : i32
      %mul3A_1125 = arith.muli %add3A_1123, %mul3A_1124 : i32
      %add3A_1126 = arith.constant 0 : i32
      %add3A_1127 = arith.addi %mul3A_1125, %add3A_1126 : i32
      %get3A_1128 = arith.constant 0 : i32
      %get3A_1129 = tpu.memref_slice %arg6[%scan3A_55, %get3A_1128] : memref<2x8192xf32, #tpu.memory_space<vmem>> -> memref<1x8192xf32, #tpu.memory_space<vmem>>
      %get3A_1130 = tpu.memref_squeeze %get3A_1129 : memref<1x8192xf32, #tpu.memory_space<vmem>> -> memref<8192xf32, #tpu.memory_space<vmem>>
      %get3A_1131 = arith.index_cast %add3A_1127 : i32 to index
      %get3A_1132 = tpu.vector_load %get3A_1130[%get3A_1131] {strides = array<i32>} : memref<8192xf32, #tpu.memory_space<vmem>>, vector<16xf32>,
      %mul3A_1133 = arith.constant 64 : i32
      %mul3A_1134 = arith.muli %add3A_1123, %mul3A_1133 : i32
      %add3A_1135 = arith.constant 16 : i32
      %add3A_1136 = arith.addi %mul3A_1134, %add3A_1135 : i32
      %get3A_1137 = arith.constant 0 : i32
      %get3A_1138 = tpu.memref_slice %arg6[%scan3A_55, %get3A_1137] : memref<2x8192xf32, #tpu.memory_space<vmem>> -> memref<1x8192xf32, #tpu.memory_space<vmem>>
      %get3A_1139 = tpu.memref_squeeze %get3A_1138 : memref<1x8192xf32, #tpu.memory_space<vmem>> -> memref<8192xf32, #tpu.memory_space<vmem>>
      %get3A_1140 = arith.index_cast %add3A_1136 : i32 to index
      %get3A_1141 = tpu.vector_load %get3A_1139[%get3A_1140] {strides = array<i32>} : memref<8192xf32, #tpu.memory_space<vmem>>, vector<16xf32>,
      %mul3A_1142 = arith.constant 64 : i32
      %mul3A_1143 = arith.muli %add3A_1123, %mul3A_1142 : i32
      %add3A_1144 = arith.constant 32 : i32
      %add3A_1145 = arith.addi %mul3A_1143, %add3A_1144 : i32
      %get3A_1146 = arith.constant 0 : i32
      %get3A_1147 = tpu.memref_slice %arg6[%scan3A_55, %get3A_1146] : memref<2x8192xf32, #tpu.memory_space<vmem>> -> memref<1x8192xf32, #tpu.memory_space<vmem>>
      %get3A_1148 = tpu.memref_squeeze %get3A_1147 : memref<1x8192xf32, #tpu.memory_space<vmem>> -> memref<8192xf32, #tpu.memory_space<vmem>>
      %get3A_1149 = arith.index_cast %add3A_1145 : i32 to index
      %get3A_1150 = tpu.vector_load %get3A_1148[%get3A_1149] {strides = array<i32>} : memref<8192xf32, #tpu.memory_space<vmem>>, vector<16xf32>,
      %mul3A_1151 = arith.constant 64 : i32
      %mul3A_1152 = arith.muli %add3A_1123, %mul3A_1151 : i32
      %add3A_1153 = arith.constant 48 : i32
      %add3A_1154 = arith.addi %mul3A_1152, %add3A_1153 : i32
      %get3A_1155 = arith.constant 0 : i32
      %get3A_1156 = tpu.memref_slice %arg6[%scan3A_55, %get3A_1155] : memref<2x8192xf32, #tpu.memory_space<vmem>> -> memref<1x8192xf32, #tpu.memory_space<vmem>>
      %get3A_1157 = tpu.memref_squeeze %get3A_1156 : memref<1x8192xf32, #tpu.memory_space<vmem>> -> memref<8192xf32, #tpu.memory_space<vmem>>
      %get3A_1158 = arith.index_cast %add3A_1154 : i32 to index
      %get3A_1159 = tpu.vector_load %get3A_1157[%get3A_1158] {strides = array<i32>} : memref<8192xf32, #tpu.memory_space<vmem>>, vector<16xf32>,
      %mul3A_1160 = arith.mulf %get3A_1132, %get3A_30 : vector<16xf32>
      %mul3A_1161 = arith.mulf %get3A_1132, %get3A_38 : vector<16xf32>
      %mul3A_1162 = arith.mulf %get3A_1141, %get3A_32 : vector<16xf32>
      %add3A_1163 = arith.addf %mul3A_1160, %mul3A_1162 : vector<16xf32>
      %mul3A_1164 = arith.mulf %get3A_1141, %get3A_40 : vector<16xf32>
      %add3A_1165 = arith.addf %mul3A_1161, %mul3A_1164 : vector<16xf32>
      %mul3A_1166 = arith.mulf %get3A_1150, %get3A_34 : vector<16xf32>
      %add3A_1167 = arith.addf %add3A_1163, %mul3A_1166 : vector<16xf32>
      %mul3A_1168 = arith.mulf %get3A_1150, %get3A_42 : vector<16xf32>
      %add3A_1169 = arith.addf %add3A_1165, %mul3A_1168 : vector<16xf32>
      %mul3A_1170 = arith.mulf %get3A_1159, %get3A_36 : vector<16xf32>
      %add3A_1171 = arith.addf %add3A_1167, %mul3A_1170 : vector<16xf32>
      %mul3A_1172 = arith.mulf %get3A_1159, %get3A_44 : vector<16xf32>
      %add3A_1173 = arith.addf %add3A_1169, %mul3A_1172 : vector<16xf32>
      %broadcast_in_dim3A_1174 = arith.constant true
      %broadcast_in_dim3A_1175 = vector.broadcast %broadcast_in_dim3A_1174 : i1 to vector<16xi1>
      %masked_cumsum3A_1176 = tpu.scan <sum>, %add3A_1171 masked %broadcast_in_dim3A_1175 : vector<16xf32>, vector<16xi1> -> vector<16xf32>
      %broadcast_in_dim3A_1177 = arith.constant true
      %broadcast_in_dim3A_1178 = vector.broadcast %broadcast_in_dim3A_1177 : i1 to vector<16xi1>
      %masked_cumsum3A_1179 = tpu.scan <sum>, %add3A_1173 masked %broadcast_in_dim3A_1178 : vector<16xf32>, vector<16xi1> -> vector<16xf32>
      %add3A_1180 = arith.constant 0 : i32
      %add3A_1181 = arith.addi %add3A_1180, %add3A_1123 : i32
      %mul3A_1182 = arith.constant 2 : i32
      %mul3A_1183 = arith.muli %add3A_1181, %mul3A_1182 : i32
      %broadcast_in_dim3A_1184 = vector.broadcast %mul3A_1183 : i32 to vector<16xi32>
      tpu.vector_store_idx %arg9[%broadcast_in_dim3A_1184], %masked_cumsum3A_1176 masked %eq3A_46 : memref<1024xf32, #tpu.memory_space<vmem>>[vector<16xi32>], vector<16xf32>, vector<16xi1>
      %add3A_1185 = arith.constant 1 : i32
      %add3A_1186 = vector.broadcast %add3A_1185 : i32 to vector<16xi32>
      %add3A_1187 = arith.addi %broadcast_in_dim3A_1184, %add3A_1186 : vector<16xi32>
      tpu.vector_store_idx %arg9[%add3A_1187], %masked_cumsum3A_1179 masked %eq3A_46 : memref<1024xf32, #tpu.memory_space<vmem>>[vector<16xi32>], vector<16xf32>, vector<16xi1>
    }
    %scan3A_60 = arith.constant 8 : i32
    %add3A_61 = arith.constant 16384 : i32
    %add3A_62 = arith.addi %mul3A_4, %add3A_61 : i32
    %dma_start3A_63 = arith.constant 0 : i32
    %dma_start3A_64 = arith.constant 0 : i32
    %dma_start3A_65 = tpu.memref_slice %arg6[%dma_start3A_63, %dma_start3A_64] : memref<2x8192xf32, #tpu.memory_space<vmem>> -> memref<1x8192xf32, #tpu.memory_space<vmem>>
    %dma_start3A_66 = tpu.memref_squeeze %dma_start3A_65 : memref<1x8192xf32, #tpu.memory_space<vmem>> -> memref<8192xf32, #tpu.memory_space<vmem>>
    %dma_start3A_67 = tpu.memref_slice %arg2[%add3A_62] : memref<1048576xf32, #tpu.memory_space<hbm>> -> memref<8192xf32, #tpu.memory_space<hbm>>
    %dma_start3A_68 = arith.constant 0 : i32
    %dma_start3A_69 = tpu.memref_slice %arg6[%dma_start3A_63, %dma_start3A_68] : memref<2x8192xf32, #tpu.memory_space<vmem>> -> memref<1x8192xf32, #tpu.memory_space<vmem>>
    %dma_start3A_70 = tpu.memref_squeeze %dma_start3A_69 : memref<1x8192xf32, #tpu.memory_space<vmem>> -> memref<8192xf32, #tpu.memory_space<vmem>>
    %dma_start3A_71 = tpu.memref_slice %arg2[%add3A_62] : memref<1048576xf32, #tpu.memory_space<hbm>> -> memref<8192xf32, #tpu.memory_space<hbm>>
    tpu.enqueue_dma source(%dma_start3A_71 : memref<8192xf32, #tpu.memory_space<hbm>>) target(%dma_start3A_70 : memref<8192xf32, #tpu.memory_space<vmem>>) target_semaphore(%arg10 : memref<!tpu.dma_semaphore, #tpu.memory_space<semaphore_mem>>)
    %dma_wait3A_72 = arith.constant 1 : i32
    %dma_wait3A_73 = arith.constant 0 : i32
    %dma_wait3A_74 = tpu.memref_slice %arg6[%dma_wait3A_72, %dma_wait3A_73] : memref<2x8192xf32, #tpu.memory_space<vmem>> -> memref<1x8192xf32, #tpu.memory_space<vmem>>
    %dma_wait3A_75 = tpu.memref_squeeze %dma_wait3A_74 : memref<1x8192xf32, #tpu.memory_space<vmem>> -> memref<8192xf32, #tpu.memory_space<vmem>>
    %dma_wait3A_76 = tpu.memref_slice %arg2[%add3A_20] : memref<1048576xf32, #tpu.memory_space<hbm>> -> memref<8192xf32, #tpu.memory_space<hbm>>
    %dma_wait3A_77 = arith.constant 0 : i32
    %dma_wait3A_78 = tpu.memref_slice %arg6[%dma_wait3A_72, %dma_wait3A_77] : memref<2x8192xf32, #tpu.memory_space<vmem>> -> memref<1x8192xf32, #tpu.memory_space<vmem>>
    %dma_wait3A_79 = tpu.memref_squeeze %dma_wait3A_78 : memref<1x8192xf32, #tpu.memory_space<vmem>> -> memref<8192xf32, #tpu.memory_space<vmem>>
    %dma_wait3A_80 = tpu.memref_slice %arg2[%add3A_20] : memref<1048576xf32, #tpu.memory_space<hbm>> -> memref<8192xf32, #tpu.memory_space<hbm>>
    tpu.wait_dma2 semaphore(%arg11 : memref<!tpu.dma_semaphore, #tpu.memory_space<semaphore_mem>>) src(%dma_wait3A_80 : memref<8192xf32, #tpu.memory_space<hbm>>) dst(%dma_wait3A_79 : memref<8192xf32, #tpu.memory_space<vmem>>)
    %scan3A_81 = arith.constant 0 : i32
    %scan3A_82 = arith.constant 1 : i32
    %scan3A_83 = arith.constant 0 : i32
    %scan3A_84 = arith.constant 8 : i32
    %scan3A_85 = arith.addi %scan3A_83, %scan3A_84 : i32
    %scan3A_86 = arith.constant 1 : i32
    scf.for %scan3A_131 = %scan3A_83 to %scan3A_85 step %scan3A_86  : i32 {
      %mul3A_132 = arith.constant 16 : i32
      %mul3A_133 = arith.muli %scan3A_131, %mul3A_132 : i32
      %add3A_134 = arith.constant 0 : i32
      %add3A_135 = arith.addi %mul3A_133, %add3A_134 : i32
      %mul3A_136 = arith.constant 64 : i32
      %mul3A_137 = arith.muli %add3A_135, %mul3A_136 : i32
      %add3A_138 = arith.constant 0 : i32
      %add3A_139 = arith.addi %mul3A_137, %add3A_138 : i32
      %get3A_140 = arith.constant 0 : i32
      %get3A_141 = tpu.memref_slice %arg6[%scan3A_82, %get3A_140] : memref<2x8192xf32, #tpu.memory_space<vmem>> -> memref<1x8192xf32, #tpu.memory_space<vmem>>
      %get3A_142 = tpu.memref_squeeze %get3A_141 : memref<1x8192xf32, #tpu.memory_space<vmem>> -> memref<8192xf32, #tpu.memory_space<vmem>>
      %get3A_143 = arith.index_cast %add3A_139 : i32 to index
      %get3A_144 = tpu.vector_load %get3A_142[%get3A_143] {strides = array<i32>} : memref<8192xf32, #tpu.memory_space<vmem>>, vector<16xf32>,
      %mul3A_145 = arith.constant 64 : i32
      %mul3A_146 = arith.muli %add3A_135, %mul3A_145 : i32
      %add3A_147 = arith.constant 16 : i32
      %add3A_148 = arith.addi %mul3A_146, %add3A_147 : i32
      %get3A_149 = arith.constant 0 : i32
      %get3A_150 = tpu.memref_slice %arg6[%scan3A_82, %get3A_149] : memref<2x8192xf32, #tpu.memory_space<vmem>> -> memref<1x8192xf32, #tpu.memory_space<vmem>>
      %get3A_151 = tpu.memref_squeeze %get3A_150 : memref<1x8192xf32, #tpu.memory_space<vmem>> -> memref<8192xf32, #tpu.memory_space<vmem>>
      %get3A_152 = arith.index_cast %add3A_148 : i32 to index
      %get3A_153 = tpu.vector_load %get3A_151[%get3A_152] {strides = array<i32>} : memref<8192xf32, #tpu.memory_space<vmem>>, vector<16xf32>,
      %mul3A_154 = arith.constant 64 : i32
      %mul3A_155 = arith.muli %add3A_135, %mul3A_154 : i32
      %add3A_156 = arith.constant 32 : i32
      %add3A_157 = arith.addi %mul3A_155, %add3A_156 : i32
      %get3A_158 = arith.constant 0 : i32
      %get3A_159 = tpu.memref_slice %arg6[%scan3A_82, %get3A_158] : memref<2x8192xf32, #tpu.memory_space<vmem>> -> memref<1x8192xf32, #tpu.memory_space<vmem>>
      %get3A_160 = tpu.memref_squeeze %get3A_159 : memref<1x8192xf32, #tpu.memory_space<vmem>> -> memref<8192xf32, #tpu.memory_space<vmem>>
      %get3A_161 = arith.index_cast %add3A_157 : i32 to index
      %get3A_162 = tpu.vector_load %get3A_160[%get3A_161] {strides = array<i32>} : memref<8192xf32, #tpu.memory_space<vmem>>, vector<16xf32>,
      %mul3A_163 = arith.constant 64 : i32
      %mul3A_164 = arith.muli %add3A_135, %mul3A_163 : i32
      %add3A_165 = arith.constant 48 : i32
      %add3A_166 = arith.addi %mul3A_164, %add3A_165 : i32
      %get3A_167 = arith.constant 0 : i32
      %get3A_168 = tpu.memref_slice %arg6[%scan3A_82, %get3A_167] : memref<2x8192xf32, #tpu.memory_space<vmem>> -> memref<1x8192xf32, #tpu.memory_space<vmem>>
      %get3A_169 = tpu.memref_squeeze %get3A_168 : memref<1x8192xf32, #tpu.memory_space<vmem>> -> memref<8192xf32, #tpu.memory_space<vmem>>
      %get3A_170 = arith.index_cast %add3A_166 : i32 to index
      %get3A_171 = tpu.vector_load %get3A_169[%get3A_170] {strides = array<i32>} : memref<8192xf32, #tpu.memory_space<vmem>>, vector<16xf32>,
      %mul3A_172 = arith.mulf %get3A_144, %get3A_30 : vector<16xf32>
      %mul3A_173 = arith.mulf %get3A_144, %get3A_38 : vector<16xf32>
      %mul3A_174 = arith.mulf %get3A_153, %get3A_32 : vector<16xf32>
      %add3A_175 = arith.addf %mul3A_172, %mul3A_174 : vector<16xf32>
      %mul3A_176 = arith.mulf %get3A_153, %get3A_40 : vector<16xf32>
      %add3A_177 = arith.addf %mul3A_173, %mul3A_176 : vector<16xf32>
      %mul3A_178 = arith.mulf %get3A_162, %get3A_34 : vector<16xf32>
      %add3A_179 = arith.addf %add3A_175, %mul3A_178 : vector<16xf32>
      %mul3A_180 = arith.mulf %get3A_162, %get3A_42 : vector<16xf32>
      %add3A_181 = arith.addf %add3A_177, %mul3A_180 : vector<16xf32>
      %mul3A_182 = arith.mulf %get3A_171, %get3A_36 : vector<16xf32>
      %add3A_183 = arith.addf %add3A_179, %mul3A_182 : vector<16xf32>
      %mul3A_184 = arith.mulf %get3A_171, %get3A_44 : vector<16xf32>
      %add3A_185 = arith.addf %add3A_181, %mul3A_184 : vector<16xf32>
      %broadcast_in_dim3A = arith.constant true
      %broadcast_in_dim3A_186 = vector.broadcast %broadcast_in_dim3A : i1 to vector<16xi1>
      %masked_cumsum3A = tpu.scan <sum>, %add3A_183 masked %broadcast_in_dim3A_186 : vector<16xf32>, vector<16xi1> -> vector<16xf32>
      %broadcast_in_dim3A_187 = arith.constant true
      %broadcast_in_dim3A_188 = vector.broadcast %broadcast_in_dim3A_187 : i1 to vector<16xi1>
      %masked_cumsum3A_189 = tpu.scan <sum>, %add3A_185 masked %broadcast_in_dim3A_188 : vector<16xf32>, vector<16xi1> -> vector<16xf32>
      %add3A_190 = arith.constant 128 : i32
      %add3A_191 = arith.addi %add3A_190, %add3A_135 : i32
      %mul3A_192 = arith.constant 2 : i32
      %mul3A_193 = arith.muli %add3A_191, %mul3A_192 : i32
      %broadcast_in_dim3A_194 = vector.broadcast %mul3A_193 : i32 to vector<16xi32>
      tpu.vector_store_idx %arg9[%broadcast_in_dim3A_194], %masked_cumsum3A masked %eq3A_46 : memref<1024xf32, #tpu.memory_space<vmem>>[vector<16xi32>], vector<16xf32>, vector<16xi1>
      %add3A_195 = arith.constant 1 : i32
      %add3A_196 = vector.broadcast %add3A_195 : i32 to vector<16xi32>
      %add3A_197 = arith.addi %broadcast_in_dim3A_194, %add3A_196 : vector<16xi32>
      tpu.vector_store_idx %arg9[%add3A_197], %masked_cumsum3A_189 masked %eq3A_46 : memref<1024xf32, #tpu.memory_space<vmem>>[vector<16xi32>], vector<16xf32>, vector<16xi1>
      %add3A_198 = arith.constant 1 : i32
      %add3A_199 = arith.addi %mul3A_133, %add3A_198 : i32
      %mul3A_200 = arith.constant 64 : i32
      %mul3A_201 = arith.muli %add3A_199, %mul3A_200 : i32
      %add3A_202 = arith.constant 0 : i32
      %add3A_203 = arith.addi %mul3A_201, %add3A_202 : i32
      %get3A_204 = arith.constant 0 : i32
      %get3A_205 = tpu.memref_slice %arg6[%scan3A_82, %get3A_204] : memref<2x8192xf32, #tpu.memory_space<vmem>> -> memref<1x8192xf32, #tpu.memory_space<vmem>>
      %get3A_206 = tpu.memref_squeeze %get3A_205 : memref<1x8192xf32, #tpu.memory_space<vmem>> -> memref<8192xf32, #tpu.memory_space<vmem>>
      %get3A_207 = arith.index_cast %add3A_203 : i32 to index
      %get3A_208 = tpu.vector_load %get3A_206[%get3A_207] {strides = array<i32>} : memref<8192xf32, #tpu.memory_space<vmem>>, vector<16xf32>,
      %mul3A_209 = arith.constant 64 : i32
      %mul3A_210 = arith.muli %add3A_199, %mul3A_209 : i32
      %add3A_211 = arith.constant 16 : i32
      %add3A_212 = arith.addi %mul3A_210, %add3A_211 : i32
      %get3A_213 = arith.constant 0 : i32
      %get3A_214 = tpu.memref_slice %arg6[%scan3A_82, %get3A_213] : memref<2x8192xf32, #tpu.memory_space<vmem>> -> memref<1x8192xf32, #tpu.memory_space<vmem>>
      %get3A_215 = tpu.memref_squeeze %get3A_214 : memref<1x8192xf32, #tpu.memory_space<vmem>> -> memref<8192xf32, #tpu.memory_space<vmem>>
      %get3A_216 = arith.index_cast %add3A_212 : i32 to index
      %get3A_217 = tpu.vector_load %get3A_215[%get3A_216] {strides = array<i32>} : memref<8192xf32, #tpu.memory_space<vmem>>, vector<16xf32>,
      %mul3A_218 = arith.constant 64 : i32
      %mul3A_219 = arith.muli %add3A_199, %mul3A_218 : i32
      %add3A_220 = arith.constant 32 : i32
      %add3A_221 = arith.addi %mul3A_219, %add3A_220 : i32
      %get3A_222 = arith.constant 0 : i32
      %get3A_223 = tpu.memref_slice %arg6[%scan3A_82, %get3A_222] : memref<2x8192xf32, #tpu.memory_space<vmem>> -> memref<1x8192xf32, #tpu.memory_space<vmem>>
      %get3A_224 = tpu.memref_squeeze %get3A_223 : memref<1x8192xf32, #tpu.memory_space<vmem>> -> memref<8192xf32, #tpu.memory_space<vmem>>
      %get3A_225 = arith.index_cast %add3A_221 : i32 to index
      %get3A_226 = tpu.vector_load %get3A_224[%get3A_225] {strides = array<i32>} : memref<8192xf32, #tpu.memory_space<vmem>>, vector<16xf32>,
      %mul3A_227 = arith.constant 64 : i32
      %mul3A_228 = arith.muli %add3A_199, %mul3A_227 : i32
      %add3A_229 = arith.constant 48 : i32
      %add3A_230 = arith.addi %mul3A_228, %add3A_229 : i32
      %get3A_231 = arith.constant 0 : i32
      %get3A_232 = tpu.memref_slice %arg6[%scan3A_82, %get3A_231] : memref<2x8192xf32, #tpu.memory_space<vmem>> -> memref<1x8192xf32, #tpu.memory_space<vmem>>
      %get3A_233 = tpu.memref_squeeze %get3A_232 : memref<1x8192xf32, #tpu.memory_space<vmem>> -> memref<8192xf32, #tpu.memory_space<vmem>>
      %get3A_234 = arith.index_cast %add3A_230 : i32 to index
      %get3A_235 = tpu.vector_load %get3A_233[%get3A_234] {strides = array<i32>} : memref<8192xf32, #tpu.memory_space<vmem>>, vector<16xf32>,
      %mul3A_236 = arith.mulf %get3A_208, %get3A_30 : vector<16xf32>
      %mul3A_237 = arith.mulf %get3A_208, %get3A_38 : vector<16xf32>
      %mul3A_238 = arith.mulf %get3A_217, %get3A_32 : vector<16xf32>
      %add3A_239 = arith.addf %mul3A_236, %mul3A_238 : vector<16xf32>
      %mul3A_240 = arith.mulf %get3A_217, %get3A_40 : vector<16xf32>
      %add3A_241 = arith.addf %mul3A_237, %mul3A_240 : vector<16xf32>
      %mul3A_242 = arith.mulf %get3A_226, %get3A_34 : vector<16xf32>
      %add3A_243 = arith.addf %add3A_239, %mul3A_242 : vector<16xf32>
      %mul3A_244 = arith.mulf %get3A_226, %get3A_42 : vector<16xf32>
      %add3A_245 = arith.addf %add3A_241, %mul3A_244 : vector<16xf32>
      %mul3A_246 = arith.mulf %get3A_235, %get3A_36 : vector<16xf32>
      %add3A_247 = arith.addf %add3A_243, %mul3A_246 : vector<16xf32>
      %mul3A_248 = arith.mulf %get3A_235, %get3A_44 : vector<16xf32>
      %add3A_249 = arith.addf %add3A_245, %mul3A_248 : vector<16xf32>
      %broadcast_in_dim3A_250 = arith.constant true
      %broadcast_in_dim3A_251 = vector.broadcast %broadcast_in_dim3A_250 : i1 to vector<16xi1>
      %masked_cumsum3A_252 = tpu.scan <sum>, %add3A_247 masked %broadcast_in_dim3A_251 : vector<16xf32>, vector<16xi1> -> vector<16xf32>
      %broadcast_in_dim3A_253 = arith.constant true
      %broadcast_in_dim3A_254 = vector.broadcast %broadcast_in_dim3A_253 : i1 to vector<16xi1>
      %masked_cumsum3A_255 = tpu.scan <sum>, %add3A_249 masked %broadcast_in_dim3A_254 : vector<16xf32>, vector<16xi1> -> vector<16xf32>
      %add3A_256 = arith.constant 128 : i32
      %add3A_257 = arith.addi %add3A_256, %add3A_199 : i32
      %mul3A_258 = arith.constant 2 : i32
      %mul3A_259 = arith.muli %add3A_257, %mul3A_258 : i32
      %broadcast_in_dim3A_260 = vector.broadcast %mul3A_259 : i32 to vector<16xi32>
      tpu.vector_store_idx %arg9[%broadcast_in_dim3A_260], %masked_cumsum3A_252 masked %eq3A_46 : memref<1024xf32, #tpu.memory_space<vmem>>[vector<16xi32>], vector<16xf32>, vector<16xi1>
      %add3A_261 = arith.constant 1 : i32
      %add3A_262 = vector.broadcast %add3A_261 : i32 to vector<16xi32>
      %add3A_263 = arith.addi %broadcast_in_dim3A_260, %add3A_262 : vector<16xi32>
      tpu.vector_store_idx %arg9[%add3A_263], %masked_cumsum3A_255 masked %eq3A_46 : memref<1024xf32, #tpu.memory_space<vmem>>[vector<16xi32>], vector<16xf32>, vector<16xi1>
      %add3A_264 = arith.constant 2 : i32
      %add3A_265 = arith.addi %mul3A_133, %add3A_264 : i32
      %mul3A_266 = arith.constant 64 : i32
      %mul3A_267 = arith.muli %add3A_265, %mul3A_266 : i32
      %add3A_268 = arith.constant 0 : i32
      %add3A_269 = arith.addi %mul3A_267, %add3A_268 : i32
      %get3A_270 = arith.constant 0 : i32
      %get3A_271 = tpu.memref_slice %arg6[%scan3A_82, %get3A_270] : memref<2x8192xf32, #tpu.memory_space<vmem>> -> memref<1x8192xf32, #tpu.memory_space<vmem>>
      %get3A_272 = tpu.memref_squeeze %get3A_271 : memref<1x8192xf32, #tpu.memory_space<vmem>> -> memref<8192xf32, #tpu.memory_space<vmem>>
      %get3A_273 = arith.index_cast %add3A_269 : i32 to index
      %get3A_274 = tpu.vector_load %get3A_272[%get3A_273] {strides = array<i32>} : memref<8192xf32, #tpu.memory_space<vmem>>, vector<16xf32>,
      %mul3A_275 = arith.constant 64 : i32
      %mul3A_276 = arith.muli %add3A_265, %mul3A_275 : i32
      %add3A_277 = arith.constant 16 : i32
      %add3A_278 = arith.addi %mul3A_276, %add3A_277 : i32
      %get3A_279 = arith.constant 0 : i32
      %get3A_280 = tpu.memref_slice %arg6[%scan3A_82, %get3A_279] : memref<2x8192xf32, #tpu.memory_space<vmem>> -> memref<1x8192xf32, #tpu.memory_space<vmem>>
      %get3A_281 = tpu.memref_squeeze %get3A_280 : memref<1x8192xf32, #tpu.memory_space<vmem>> -> memref<8192xf32, #tpu.memory_space<vmem>>
      %get3A_282 = arith.index_cast %add3A_278 : i32 to index
      %get3A_283 = tpu.vector_load %get3A_281[%get3A_282] {strides = array<i32>} : memref<8192xf32, #tpu.memory_space<vmem>>, vector<16xf32>,
      %mul3A_284 = arith.constant 64 : i32
      %mul3A_285 = arith.muli %add3A_265, %mul3A_284 : i32
      %add3A_286 = arith.constant 32 : i32
      %add3A_287 = arith.addi %mul3A_285, %add3A_286 : i32
      %get3A_288 = arith.constant 0 : i32
      %get3A_289 = tpu.memref_slice %arg6[%scan3A_82, %get3A_288] : memref<2x8192xf32, #tpu.memory_space<vmem>> -> memref<1x8192xf32, #tpu.memory_space<vmem>>
      %get3A_290 = tpu.memref_squeeze %get3A_289 : memref<1x8192xf32, #tpu.memory_space<vmem>> -> memref<8192xf32, #tpu.memory_space<vmem>>
      %get3A_291 = arith.index_cast %add3A_287 : i32 to index
      %get3A_292 = tpu.vector_load %get3A_290[%get3A_291] {strides = array<i32>} : memref<8192xf32, #tpu.memory_space<vmem>>, vector<16xf32>,
      %mul3A_293 = arith.constant 64 : i32
      %mul3A_294 = arith.muli %add3A_265, %mul3A_293 : i32
      %add3A_295 = arith.constant 48 : i32
      %add3A_296 = arith.addi %mul3A_294, %add3A_295 : i32
      %get3A_297 = arith.constant 0 : i32
      %get3A_298 = tpu.memref_slice %arg6[%scan3A_82, %get3A_297] : memref<2x8192xf32, #tpu.memory_space<vmem>> -> memref<1x8192xf32, #tpu.memory_space<vmem>>
      %get3A_299 = tpu.memref_squeeze %get3A_298 : memref<1x8192xf32, #tpu.memory_space<vmem>> -> memref<8192xf32, #tpu.memory_space<vmem>>
      %get3A_300 = arith.index_cast %add3A_296 : i32 to index
      %get3A_301 = tpu.vector_load %get3A_299[%get3A_300] {strides = array<i32>} : memref<8192xf32, #tpu.memory_space<vmem>>, vector<16xf32>,
      %mul3A_302 = arith.mulf %get3A_274, %get3A_30 : vector<16xf32>
      %mul3A_303 = arith.mulf %get3A_274, %get3A_38 : vector<16xf32>
      %mul3A_304 = arith.mulf %get3A_283, %get3A_32 : vector<16xf32>
      %add3A_305 = arith.addf %mul3A_302, %mul3A_304 : vector<16xf32>
      %mul3A_306 = arith.mulf %get3A_283, %get3A_40 : vector<16xf32>
      %add3A_307 = arith.addf %mul3A_303, %mul3A_306 : vector<16xf32>
      %mul3A_308 = arith.mulf %get3A_292, %get3A_34 : vector<16xf32>
      %add3A_309 = arith.addf %add3A_305, %mul3A_308 : vector<16xf32>
      %mul3A_310 = arith.mulf %get3A_292, %get3A_42 : vector<16xf32>
      %add3A_311 = arith.addf %add3A_307, %mul3A_310 : vector<16xf32>
      %mul3A_312 = arith.mulf %get3A_301, %get3A_36 : vector<16xf32>
      %add3A_313 = arith.addf %add3A_309, %mul3A_312 : vector<16xf32>
      %mul3A_314 = arith.mulf %get3A_301, %get3A_44 : vector<16xf32>
      %add3A_315 = arith.addf %add3A_311, %mul3A_314 : vector<16xf32>
      %broadcast_in_dim3A_316 = arith.constant true
      %broadcast_in_dim3A_317 = vector.broadcast %broadcast_in_dim3A_316 : i1 to vector<16xi1>
      %masked_cumsum3A_318 = tpu.scan <sum>, %add3A_313 masked %broadcast_in_dim3A_317 : vector<16xf32>, vector<16xi1> -> vector<16xf32>
      %broadcast_in_dim3A_319 = arith.constant true
      %broadcast_in_dim3A_320 = vector.broadcast %broadcast_in_dim3A_319 : i1 to vector<16xi1>
      %masked_cumsum3A_321 = tpu.scan <sum>, %add3A_315 masked %broadcast_in_dim3A_320 : vector<16xf32>, vector<16xi1> -> vector<16xf32>
      %add3A_322 = arith.constant 128 : i32
      %add3A_323 = arith.addi %add3A_322, %add3A_265 : i32
      %mul3A_324 = arith.constant 2 : i32
      %mul3A_325 = arith.muli %add3A_323, %mul3A_324 : i32
      %broadcast_in_dim3A_326 = vector.broadcast %mul3A_325 : i32 to vector<16xi32>
      tpu.vector_store_idx %arg9[%broadcast_in_dim3A_326], %masked_cumsum3A_318 masked %eq3A_46 : memref<1024xf32, #tpu.memory_space<vmem>>[vector<16xi32>], vector<16xf32>, vector<16xi1>
      %add3A_327 = arith.constant 1 : i32
      %add3A_328 = vector.broadcast %add3A_327 : i32 to vector<16xi32>
      %add3A_329 = arith.addi %broadcast_in_dim3A_326, %add3A_328 : vector<16xi32>
      tpu.vector_store_idx %arg9[%add3A_329], %masked_cumsum3A_321 masked %eq3A_46 : memref<1024xf32, #tpu.memory_space<vmem>>[vector<16xi32>], vector<16xf32>, vector<16xi1>
      %add3A_330 = arith.constant 3 : i32
      %add3A_331 = arith.addi %mul3A_133, %add3A_330 : i32
      %mul3A_332 = arith.constant 64 : i32
      %mul3A_333 = arith.muli %add3A_331, %mul3A_332 : i32
      %add3A_334 = arith.constant 0 : i32
      %add3A_335 = arith.addi %mul3A_333, %add3A_334 : i32
      %get3A_336 = arith.constant 0 : i32
      %get3A_337 = tpu.memref_slice %arg6[%scan3A_82, %get3A_336] : memref<2x8192xf32, #tpu.memory_space<vmem>> -> memref<1x8192xf32, #tpu.memory_space<vmem>>
      %get3A_338 = tpu.memref_squeeze %get3A_337 : memref<1x8192xf32, #tpu.memory_space<vmem>> -> memref<8192xf32, #tpu.memory_space<vmem>>
      %get3A_339 = arith.index_cast %add3A_335 : i32 to index
      %get3A_340 = tpu.vector_load %get3A_338[%get3A_339] {strides = array<i32>} : memref<8192xf32, #tpu.memory_space<vmem>>, vector<16xf32>,
      %mul3A_341 = arith.constant 64 : i32
      %mul3A_342 = arith.muli %add3A_331, %mul3A_341 : i32
      %add3A_343 = arith.constant 16 : i32
      %add3A_344 = arith.addi %mul3A_342, %add3A_343 : i32
      %get3A_345 = arith.constant 0 : i32
      %get3A_346 = tpu.memref_slice %arg6[%scan3A_82, %get3A_345] : memref<2x8192xf32, #tpu.memory_space<vmem>> -> memref<1x8192xf32, #tpu.memory_space<vmem>>
      %get3A_347 = tpu.memref_squeeze %get3A_346 : memref<1x8192xf32, #tpu.memory_space<vmem>> -> memref<8192xf32, #tpu.memory_space<vmem>>
      %get3A_348 = arith.index_cast %add3A_344 : i32 to index
      %get3A_349 = tpu.vector_load %get3A_347[%get3A_348] {strides = array<i32>} : memref<8192xf32, #tpu.memory_space<vmem>>, vector<16xf32>,
      %mul3A_350 = arith.constant 64 : i32
      %mul3A_351 = arith.muli %add3A_331, %mul3A_350 : i32
      %add3A_352 = arith.constant 32 : i32
      %add3A_353 = arith.addi %mul3A_351, %add3A_352 : i32
      %get3A_354 = arith.constant 0 : i32
      %get3A_355 = tpu.memref_slice %arg6[%scan3A_82, %get3A_354] : memref<2x8192xf32, #tpu.memory_space<vmem>> -> memref<1x8192xf32, #tpu.memory_space<vmem>>
      %get3A_356 = tpu.memref_squeeze %get3A_355 : memref<1x8192xf32, #tpu.memory_space<vmem>> -> memref<8192xf32, #tpu.memory_space<vmem>>
      %get3A_357 = arith.index_cast %add3A_353 : i32 to index
      %get3A_358 = tpu.vector_load %get3A_356[%get3A_357] {strides = array<i32>} : memref<8192xf32, #tpu.memory_space<vmem>>, vector<16xf32>,
      %mul3A_359 = arith.constant 64 : i32
      %mul3A_360 = arith.muli %add3A_331, %mul3A_359 : i32
      %add3A_361 = arith.constant 48 : i32
      %add3A_362 = arith.addi %mul3A_360, %add3A_361 : i32
      %get3A_363 = arith.constant 0 : i32
      %get3A_364 = tpu.memref_slice %arg6[%scan3A_82, %get3A_363] : memref<2x8192xf32, #tpu.memory_space<vmem>> -> memref<1x8192xf32, #tpu.memory_space<vmem>>
      %get3A_365 = tpu.memref_squeeze %get3A_364 : memref<1x8192xf32, #tpu.memory_space<vmem>> -> memref<8192xf32, #tpu.memory_space<vmem>>
      %get3A_366 = arith.index_cast %add3A_362 : i32 to index
      %get3A_367 = tpu.vector_load %get3A_365[%get3A_366] {strides = array<i32>} : memref<8192xf32, #tpu.memory_space<vmem>>, vector<16xf32>,
      %mul3A_368 = arith.mulf %get3A_340, %get3A_30 : vector<16xf32>
      %mul3A_369 = arith.mulf %get3A_340, %get3A_38 : vector<16xf32>
      %mul3A_370 = arith.mulf %get3A_349, %get3A_32 : vector<16xf32>
      %add3A_371 = arith.addf %mul3A_368, %mul3A_370 : vector<16xf32>
      %mul3A_372 = arith.mulf %get3A_349, %get3A_40 : vector<16xf32>
      %add3A_373 = arith.addf %mul3A_369, %mul3A_372 : vector<16xf32>
      %mul3A_374 = arith.mulf %get3A_358, %get3A_34 : vector<16xf32>
      %add3A_375 = arith.addf %add3A_371, %mul3A_374 : vector<16xf32>
      %mul3A_376 = arith.mulf %get3A_358, %get3A_42 : vector<16xf32>
      %add3A_377 = arith.addf %add3A_373, %mul3A_376 : vector<16xf32>
      %mul3A_378 = arith.mulf %get3A_367, %get3A_36 : vector<16xf32>
      %add3A_379 = arith.addf %add3A_375, %mul3A_378 : vector<16xf32>
      %mul3A_380 = arith.mulf %get3A_367, %get3A_44 : vector<16xf32>
      %add3A_381 = arith.addf %add3A_377, %mul3A_380 : vector<16xf32>
      %broadcast_in_dim3A_382 = arith.constant true
      %broadcast_in_dim3A_383 = vector.broadcast %broadcast_in_dim3A_382 : i1 to vector<16xi1>
      %masked_cumsum3A_384 = tpu.scan <sum>, %add3A_379 masked %broadcast_in_dim3A_383 : vector<16xf32>, vector<16xi1> -> vector<16xf32>
      %broadcast_in_dim3A_385 = arith.constant true
      %broadcast_in_dim3A_386 = vector.broadcast %broadcast_in_dim3A_385 : i1 to vector<16xi1>
      %masked_cumsum3A_387 = tpu.scan <sum>, %add3A_381 masked %broadcast_in_dim3A_386 : vector<16xf32>, vector<16xi1> -> vector<16xf32>
      %add3A_388 = arith.constant 128 : i32
      %add3A_389 = arith.addi %add3A_388, %add3A_331 : i32
      %mul3A_390 = arith.constant 2 : i32
      %mul3A_391 = arith.muli %add3A_389, %mul3A_390 : i32
      %broadcast_in_dim3A_392 = vector.broadcast %mul3A_391 : i32 to vector<16xi32>
      tpu.vector_store_idx %arg9[%broadcast_in_dim3A_392], %masked_cumsum3A_384 masked %eq3A_46 : memref<1024xf32, #tpu.memory_space<vmem>>[vector<16xi32>], vector<16xf32>, vector<16xi1>
      %add3A_393 = arith.constant 1 : i32
      %add3A_394 = vector.broadcast %add3A_393 : i32 to vector<16xi32>
      %add3A_395 = arith.addi %broadcast_in_dim3A_392, %add3A_394 : vector<16xi32>
      tpu.vector_store_idx %arg9[%add3A_395], %masked_cumsum3A_387 masked %eq3A_46 : memref<1024xf32, #tpu.memory_space<vmem>>[vector<16xi32>], vector<16xf32>, vector<16xi1>
      %add3A_396 = arith.constant 4 : i32
      %add3A_397 = arith.addi %mul3A_133, %add3A_396 : i32
      %mul3A_398 = arith.constant 64 : i32
      %mul3A_399 = arith.muli %add3A_397, %mul3A_398 : i32
      %add3A_400 = arith.constant 0 : i32
      %add3A_401 = arith.addi %mul3A_399, %add3A_400 : i32
      %get3A_402 = arith.constant 0 : i32
      %get3A_403 = tpu.memref_slice %arg6[%scan3A_82, %get3A_402] : memref<2x8192xf32, #tpu.memory_space<vmem>> -> memref<1x8192xf32, #tpu.memory_space<vmem>>
      %get3A_404 = tpu.memref_squeeze %get3A_403 : memref<1x8192xf32, #tpu.memory_space<vmem>> -> memref<8192xf32, #tpu.memory_space<vmem>>
      %get3A_405 = arith.index_cast %add3A_401 : i32 to index
      %get3A_406 = tpu.vector_load %get3A_404[%get3A_405] {strides = array<i32>} : memref<8192xf32, #tpu.memory_space<vmem>>, vector<16xf32>,
      %mul3A_407 = arith.constant 64 : i32
      %mul3A_408 = arith.muli %add3A_397, %mul3A_407 : i32
      %add3A_409 = arith.constant 16 : i32
      %add3A_410 = arith.addi %mul3A_408, %add3A_409 : i32
      %get3A_411 = arith.constant 0 : i32
      %get3A_412 = tpu.memref_slice %arg6[%scan3A_82, %get3A_411] : memref<2x8192xf32, #tpu.memory_space<vmem>> -> memref<1x8192xf32, #tpu.memory_space<vmem>>
      %get3A_413 = tpu.memref_squeeze %get3A_412 : memref<1x8192xf32, #tpu.memory_space<vmem>> -> memref<8192xf32, #tpu.memory_space<vmem>>
      %get3A_414 = arith.index_cast %add3A_410 : i32 to index
      %get3A_415 = tpu.vector_load %get3A_413[%get3A_414] {strides = array<i32>} : memref<8192xf32, #tpu.memory_space<vmem>>, vector<16xf32>,
      %mul3A_416 = arith.constant 64 : i32
      %mul3A_417 = arith.muli %add3A_397, %mul3A_416 : i32
      %add3A_418 = arith.constant 32 : i32
      %add3A_419 = arith.addi %mul3A_417, %add3A_418 : i32
      %get3A_420 = arith.constant 0 : i32
      %get3A_421 = tpu.memref_slice %arg6[%scan3A_82, %get3A_420] : memref<2x8192xf32, #tpu.memory_space<vmem>> -> memref<1x8192xf32, #tpu.memory_space<vmem>>
      %get3A_422 = tpu.memref_squeeze %get3A_421 : memref<1x8192xf32, #tpu.memory_space<vmem>> -> memref<8192xf32, #tpu.memory_space<vmem>>
      %get3A_423 = arith.index_cast %add3A_419 : i32 to index
      %get3A_424 = tpu.vector_load %get3A_422[%get3A_423] {strides = array<i32>} : memref<8192xf32, #tpu.memory_space<vmem>>, vector<16xf32>,
      %mul3A_425 = arith.constant 64 : i32
      %mul3A_426 = arith.muli %add3A_397, %mul3A_425 : i32
      %add3A_427 = arith.constant 48 : i32
      %add3A_428 = arith.addi %mul3A_426, %add3A_427 : i32
      %get3A_429 = arith.constant 0 : i32
      %get3A_430 = tpu.memref_slice %arg6[%scan3A_82, %get3A_429] : memref<2x8192xf32, #tpu.memory_space<vmem>> -> memref<1x8192xf32, #tpu.memory_space<vmem>>
      %get3A_431 = tpu.memref_squeeze %get3A_430 : memref<1x8192xf32, #tpu.memory_space<vmem>> -> memref<8192xf32, #tpu.memory_space<vmem>>
      %get3A_432 = arith.index_cast %add3A_428 : i32 to index
      %get3A_433 = tpu.vector_load %get3A_431[%get3A_432] {strides = array<i32>} : memref<8192xf32, #tpu.memory_space<vmem>>, vector<16xf32>,
      %mul3A_434 = arith.mulf %get3A_406, %get3A_30 : vector<16xf32>
      %mul3A_435 = arith.mulf %get3A_406, %get3A_38 : vector<16xf32>
      %mul3A_436 = arith.mulf %get3A_415, %get3A_32 : vector<16xf32>
      %add3A_437 = arith.addf %mul3A_434, %mul3A_436 : vector<16xf32>
      %mul3A_438 = arith.mulf %get3A_415, %get3A_40 : vector<16xf32>
      %add3A_439 = arith.addf %mul3A_435, %mul3A_438 : vector<16xf32>
      %mul3A_440 = arith.mulf %get3A_424, %get3A_34 : vector<16xf32>
      %add3A_441 = arith.addf %add3A_437, %mul3A_440 : vector<16xf32>
      %mul3A_442 = arith.mulf %get3A_424, %get3A_42 : vector<16xf32>
      %add3A_443 = arith.addf %add3A_439, %mul3A_442 : vector<16xf32>
      %mul3A_444 = arith.mulf %get3A_433, %get3A_36 : vector<16xf32>
      %add3A_445 = arith.addf %add3A_441, %mul3A_444 : vector<16xf32>
      %mul3A_446 = arith.mulf %get3A_433, %get3A_44 : vector<16xf32>
      %add3A_447 = arith.addf %add3A_443, %mul3A_446 : vector<16xf32>
      %broadcast_in_dim3A_448 = arith.constant true
      %broadcast_in_dim3A_449 = vector.broadcast %broadcast_in_dim3A_448 : i1 to vector<16xi1>
      %masked_cumsum3A_450 = tpu.scan <sum>, %add3A_445 masked %broadcast_in_dim3A_449 : vector<16xf32>, vector<16xi1> -> vector<16xf32>
      %broadcast_in_dim3A_451 = arith.constant true
      %broadcast_in_dim3A_452 = vector.broadcast %broadcast_in_dim3A_451 : i1 to vector<16xi1>
      %masked_cumsum3A_453 = tpu.scan <sum>, %add3A_447 masked %broadcast_in_dim3A_452 : vector<16xf32>, vector<16xi1> -> vector<16xf32>
      %add3A_454 = arith.constant 128 : i32
      %add3A_455 = arith.addi %add3A_454, %add3A_397 : i32
      %mul3A_456 = arith.constant 2 : i32
      %mul3A_457 = arith.muli %add3A_455, %mul3A_456 : i32
      %broadcast_in_dim3A_458 = vector.broadcast %mul3A_457 : i32 to vector<16xi32>
      tpu.vector_store_idx %arg9[%broadcast_in_dim3A_458], %masked_cumsum3A_450 masked %eq3A_46 : memref<1024xf32, #tpu.memory_space<vmem>>[vector<16xi32>], vector<16xf32>, vector<16xi1>
      %add3A_459 = arith.constant 1 : i32
      %add3A_460 = vector.broadcast %add3A_459 : i32 to vector<16xi32>
      %add3A_461 = arith.addi %broadcast_in_dim3A_458, %add3A_460 : vector<16xi32>
      tpu.vector_store_idx %arg9[%add3A_461], %masked_cumsum3A_453 masked %eq3A_46 : memref<1024xf32, #tpu.memory_space<vmem>>[vector<16xi32>], vector<16xf32>, vector<16xi1>
      %add3A_462 = arith.constant 5 : i32
      %add3A_463 = arith.addi %mul3A_133, %add3A_462 : i32
      %mul3A_464 = arith.constant 64 : i32
      %mul3A_465 = arith.muli %add3A_463, %mul3A_464 : i32
      %add3A_466 = arith.constant 0 : i32
      %add3A_467 = arith.addi %mul3A_465, %add3A_466 : i32
      %get3A_468 = arith.constant 0 : i32
      %get3A_469 = tpu.memref_slice %arg6[%scan3A_82, %get3A_468] : memref<2x8192xf32, #tpu.memory_space<vmem>> -> memref<1x8192xf32, #tpu.memory_space<vmem>>
      %get3A_470 = tpu.memref_squeeze %get3A_469 : memref<1x8192xf32, #tpu.memory_space<vmem>> -> memref<8192xf32, #tpu.memory_space<vmem>>
      %get3A_471 = arith.index_cast %add3A_467 : i32 to index
      %get3A_472 = tpu.vector_load %get3A_470[%get3A_471] {strides = array<i32>} : memref<8192xf32, #tpu.memory_space<vmem>>, vector<16xf32>,
      %mul3A_473 = arith.constant 64 : i32
      %mul3A_474 = arith.muli %add3A_463, %mul3A_473 : i32
      %add3A_475 = arith.constant 16 : i32
      %add3A_476 = arith.addi %mul3A_474, %add3A_475 : i32
      %get3A_477 = arith.constant 0 : i32
      %get3A_478 = tpu.memref_slice %arg6[%scan3A_82, %get3A_477] : memref<2x8192xf32, #tpu.memory_space<vmem>> -> memref<1x8192xf32, #tpu.memory_space<vmem>>
      %get3A_479 = tpu.memref_squeeze %get3A_478 : memref<1x8192xf32, #tpu.memory_space<vmem>> -> memref<8192xf32, #tpu.memory_space<vmem>>
      %get3A_480 = arith.index_cast %add3A_476 : i32 to index
      %get3A_481 = tpu.vector_load %get3A_479[%get3A_480] {strides = array<i32>} : memref<8192xf32, #tpu.memory_space<vmem>>, vector<16xf32>,
      %mul3A_482 = arith.constant 64 : i32
      %mul3A_483 = arith.muli %add3A_463, %mul3A_482 : i32
      %add3A_484 = arith.constant 32 : i32
      %add3A_485 = arith.addi %mul3A_483, %add3A_484 : i32
      %get3A_486 = arith.constant 0 : i32
      %get3A_487 = tpu.memref_slice %arg6[%scan3A_82, %get3A_486] : memref<2x8192xf32, #tpu.memory_space<vmem>> -> memref<1x8192xf32, #tpu.memory_space<vmem>>
      %get3A_488 = tpu.memref_squeeze %get3A_487 : memref<1x8192xf32, #tpu.memory_space<vmem>> -> memref<8192xf32, #tpu.memory_space<vmem>>
      %get3A_489 = arith.index_cast %add3A_485 : i32 to index
      %get3A_490 = tpu.vector_load %get3A_488[%get3A_489] {strides = array<i32>} : memref<8192xf32, #tpu.memory_space<vmem>>, vector<16xf32>,
      %mul3A_491 = arith.constant 64 : i32
      %mul3A_492 = arith.muli %add3A_463, %mul3A_491 : i32
      %add3A_493 = arith.constant 48 : i32
      %add3A_494 = arith.addi %mul3A_492, %add3A_493 : i32
      %get3A_495 = arith.constant 0 : i32
      %get3A_496 = tpu.memref_slice %arg6[%scan3A_82, %get3A_495] : memref<2x8192xf32, #tpu.memory_space<vmem>> -> memref<1x8192xf32, #tpu.memory_space<vmem>>
      %get3A_497 = tpu.memref_squeeze %get3A_496 : memref<1x8192xf32, #tpu.memory_space<vmem>> -> memref<8192xf32, #tpu.memory_space<vmem>>
      %get3A_498 = arith.index_cast %add3A_494 : i32 to index
      %get3A_499 = tpu.vector_load %get3A_497[%get3A_498] {strides = array<i32>} : memref<8192xf32, #tpu.memory_space<vmem>>, vector<16xf32>,
      %mul3A_500 = arith.mulf %get3A_472, %get3A_30 : vector<16xf32>
      %mul3A_501 = arith.mulf %get3A_472, %get3A_38 : vector<16xf32>
      %mul3A_502 = arith.mulf %get3A_481, %get3A_32 : vector<16xf32>
      %add3A_503 = arith.addf %mul3A_500, %mul3A_502 : vector<16xf32>
      %mul3A_504 = arith.mulf %get3A_481, %get3A_40 : vector<16xf32>
      %add3A_505 = arith.addf %mul3A_501, %mul3A_504 : vector<16xf32>
      %mul3A_506 = arith.mulf %get3A_490, %get3A_34 : vector<16xf32>
      %add3A_507 = arith.addf %add3A_503, %mul3A_506 : vector<16xf32>
      %mul3A_508 = arith.mulf %get3A_490, %get3A_42 : vector<16xf32>
      %add3A_509 = arith.addf %add3A_505, %mul3A_508 : vector<16xf32>
      %mul3A_510 = arith.mulf %get3A_499, %get3A_36 : vector<16xf32>
      %add3A_511 = arith.addf %add3A_507, %mul3A_510 : vector<16xf32>
      %mul3A_512 = arith.mulf %get3A_499, %get3A_44 : vector<16xf32>
      %add3A_513 = arith.addf %add3A_509, %mul3A_512 : vector<16xf32>
      %broadcast_in_dim3A_514 = arith.constant true
      %broadcast_in_dim3A_515 = vector.broadcast %broadcast_in_dim3A_514 : i1 to vector<16xi1>
      %masked_cumsum3A_516 = tpu.scan <sum>, %add3A_511 masked %broadcast_in_dim3A_515 : vector<16xf32>, vector<16xi1> -> vector<16xf32>
      %broadcast_in_dim3A_517 = arith.constant true
      %broadcast_in_dim3A_518 = vector.broadcast %broadcast_in_dim3A_517 : i1 to vector<16xi1>
      %masked_cumsum3A_519 = tpu.scan <sum>, %add3A_513 masked %broadcast_in_dim3A_518 : vector<16xf32>, vector<16xi1> -> vector<16xf32>
      %add3A_520 = arith.constant 128 : i32
      %add3A_521 = arith.addi %add3A_520, %add3A_463 : i32
      %mul3A_522 = arith.constant 2 : i32
      %mul3A_523 = arith.muli %add3A_521, %mul3A_522 : i32
      %broadcast_in_dim3A_524 = vector.broadcast %mul3A_523 : i32 to vector<16xi32>
      tpu.vector_store_idx %arg9[%broadcast_in_dim3A_524], %masked_cumsum3A_516 masked %eq3A_46 : memref<1024xf32, #tpu.memory_space<vmem>>[vector<16xi32>], vector<16xf32>, vector<16xi1>
      %add3A_525 = arith.constant 1 : i32
      %add3A_526 = vector.broadcast %add3A_525 : i32 to vector<16xi32>
      %add3A_527 = arith.addi %broadcast_in_dim3A_524, %add3A_526 : vector<16xi32>
      tpu.vector_store_idx %arg9[%add3A_527], %masked_cumsum3A_519 masked %eq3A_46 : memref<1024xf32, #tpu.memory_space<vmem>>[vector<16xi32>], vector<16xf32>, vector<16xi1>
      %add3A_528 = arith.constant 6 : i32
      %add3A_529 = arith.addi %mul3A_133, %add3A_528 : i32
      %mul3A_530 = arith.constant 64 : i32
      %mul3A_531 = arith.muli %add3A_529, %mul3A_530 : i32
      %add3A_532 = arith.constant 0 : i32
      %add3A_533 = arith.addi %mul3A_531, %add3A_532 : i32
      %get3A_534 = arith.constant 0 : i32
      %get3A_535 = tpu.memref_slice %arg6[%scan3A_82, %get3A_534] : memref<2x8192xf32, #tpu.memory_space<vmem>> -> memref<1x8192xf32, #tpu.memory_space<vmem>>
      %get3A_536 = tpu.memref_squeeze %get3A_535 : memref<1x8192xf32, #tpu.memory_space<vmem>> -> memref<8192xf32, #tpu.memory_space<vmem>>
      %get3A_537 = arith.index_cast %add3A_533 : i32 to index
      %get3A_538 = tpu.vector_load %get3A_536[%get3A_537] {strides = array<i32>} : memref<8192xf32, #tpu.memory_space<vmem>>, vector<16xf32>,
      %mul3A_539 = arith.constant 64 : i32
      %mul3A_540 = arith.muli %add3A_529, %mul3A_539 : i32
      %add3A_541 = arith.constant 16 : i32
      %add3A_542 = arith.addi %mul3A_540, %add3A_541 : i32
      %get3A_543 = arith.constant 0 : i32
      %get3A_544 = tpu.memref_slice %arg6[%scan3A_82, %get3A_543] : memref<2x8192xf32, #tpu.memory_space<vmem>> -> memref<1x8192xf32, #tpu.memory_space<vmem>>
      %get3A_545 = tpu.memref_squeeze %get3A_544 : memref<1x8192xf32, #tpu.memory_space<vmem>> -> memref<8192xf32, #tpu.memory_space<vmem>>
      %get3A_546 = arith.index_cast %add3A_542 : i32 to index
      %get3A_547 = tpu.vector_load %get3A_545[%get3A_546] {strides = array<i32>} : memref<8192xf32, #tpu.memory_space<vmem>>, vector<16xf32>,
      %mul3A_548 = arith.constant 64 : i32
      %mul3A_549 = arith.muli %add3A_529, %mul3A_548 : i32
      %add3A_550 = arith.constant 32 : i32
      %add3A_551 = arith.addi %mul3A_549, %add3A_550 : i32
      %get3A_552 = arith.constant 0 : i32
      %get3A_553 = tpu.memref_slice %arg6[%scan3A_82, %get3A_552] : memref<2x8192xf32, #tpu.memory_space<vmem>> -> memref<1x8192xf32, #tpu.memory_space<vmem>>
      %get3A_554 = tpu.memref_squeeze %get3A_553 : memref<1x8192xf32, #tpu.memory_space<vmem>> -> memref<8192xf32, #tpu.memory_space<vmem>>
      %get3A_555 = arith.index_cast %add3A_551 : i32 to index
      %get3A_556 = tpu.vector_load %get3A_554[%get3A_555] {strides = array<i32>} : memref<8192xf32, #tpu.memory_space<vmem>>, vector<16xf32>,
      %mul3A_557 = arith.constant 64 : i32
      %mul3A_558 = arith.muli %add3A_529, %mul3A_557 : i32
      %add3A_559 = arith.constant 48 : i32
      %add3A_560 = arith.addi %mul3A_558, %add3A_559 : i32
      %get3A_561 = arith.constant 0 : i32
      %get3A_562 = tpu.memref_slice %arg6[%scan3A_82, %get3A_561] : memref<2x8192xf32, #tpu.memory_space<vmem>> -> memref<1x8192xf32, #tpu.memory_space<vmem>>
      %get3A_563 = tpu.memref_squeeze %get3A_562 : memref<1x8192xf32, #tpu.memory_space<vmem>> -> memref<8192xf32, #tpu.memory_space<vmem>>
      %get3A_564 = arith.index_cast %add3A_560 : i32 to index
      %get3A_565 = tpu.vector_load %get3A_563[%get3A_564] {strides = array<i32>} : memref<8192xf32, #tpu.memory_space<vmem>>, vector<16xf32>,
      %mul3A_566 = arith.mulf %get3A_538, %get3A_30 : vector<16xf32>
      %mul3A_567 = arith.mulf %get3A_538, %get3A_38 : vector<16xf32>
      %mul3A_568 = arith.mulf %get3A_547, %get3A_32 : vector<16xf32>
      %add3A_569 = arith.addf %mul3A_566, %mul3A_568 : vector<16xf32>
      %mul3A_570 = arith.mulf %get3A_547, %get3A_40 : vector<16xf32>
      %add3A_571 = arith.addf %mul3A_567, %mul3A_570 : vector<16xf32>
      %mul3A_572 = arith.mulf %get3A_556, %get3A_34 : vector<16xf32>
      %add3A_573 = arith.addf %add3A_569, %mul3A_572 : vector<16xf32>
      %mul3A_574 = arith.mulf %get3A_556, %get3A_42 : vector<16xf32>
      %add3A_575 = arith.addf %add3A_571, %mul3A_574 : vector<16xf32>
      %mul3A_576 = arith.mulf %get3A_565, %get3A_36 : vector<16xf32>
      %add3A_577 = arith.addf %add3A_573, %mul3A_576 : vector<16xf32>
      %mul3A_578 = arith.mulf %get3A_565, %get3A_44 : vector<16xf32>
      %add3A_579 = arith.addf %add3A_575, %mul3A_578 : vector<16xf32>
      %broadcast_in_dim3A_580 = arith.constant true
      %broadcast_in_dim3A_581 = vector.broadcast %broadcast_in_dim3A_580 : i1 to vector<16xi1>
      %masked_cumsum3A_582 = tpu.scan <sum>, %add3A_577 masked %broadcast_in_dim3A_581 : vector<16xf32>, vector<16xi1> -> vector<16xf32>
      %broadcast_in_dim3A_583 = arith.constant true
      %broadcast_in_dim3A_584 = vector.broadcast %broadcast_in_dim3A_583 : i1 to vector<16xi1>
      %masked_cumsum3A_585 = tpu.scan <sum>, %add3A_579 masked %broadcast_in_dim3A_584 : vector<16xf32>, vector<16xi1> -> vector<16xf32>
      %add3A_586 = arith.constant 128 : i32
      %add3A_587 = arith.addi %add3A_586, %add3A_529 : i32
      %mul3A_588 = arith.constant 2 : i32
      %mul3A_589 = arith.muli %add3A_587, %mul3A_588 : i32
      %broadcast_in_dim3A_590 = vector.broadcast %mul3A_589 : i32 to vector<16xi32>
      tpu.vector_store_idx %arg9[%broadcast_in_dim3A_590], %masked_cumsum3A_582 masked %eq3A_46 : memref<1024xf32, #tpu.memory_space<vmem>>[vector<16xi32>], vector<16xf32>, vector<16xi1>
      %add3A_591 = arith.constant 1 : i32
      %add3A_592 = vector.broadcast %add3A_591 : i32 to vector<16xi32>
      %add3A_593 = arith.addi %broadcast_in_dim3A_590, %add3A_592 : vector<16xi32>
      tpu.vector_store_idx %arg9[%add3A_593], %masked_cumsum3A_585 masked %eq3A_46 : memref<1024xf32, #tpu.memory_space<vmem>>[vector<16xi32>], vector<16xf32>, vector<16xi1>
      %add3A_594 = arith.constant 7 : i32
      %add3A_595 = arith.addi %mul3A_133, %add3A_594 : i32
      %mul3A_596 = arith.constant 64 : i32
      %mul3A_597 = arith.muli %add3A_595, %mul3A_596 : i32
      %add3A_598 = arith.constant 0 : i32
      %add3A_599 = arith.addi %mul3A_597, %add3A_598 : i32
      %get3A_600 = arith.constant 0 : i32
      %get3A_601 = tpu.memref_slice %arg6[%scan3A_82, %get3A_600] : memref<2x8192xf32, #tpu.memory_space<vmem>> -> memref<1x8192xf32, #tpu.memory_space<vmem>>
      %get3A_602 = tpu.memref_squeeze %get3A_601 : memref<1x8192xf32, #tpu.memory_space<vmem>> -> memref<8192xf32, #tpu.memory_space<vmem>>
      %get3A_603 = arith.index_cast %add3A_599 : i32 to index
      %get3A_604 = tpu.vector_load %get3A_602[%get3A_603] {strides = array<i32>} : memref<8192xf32, #tpu.memory_space<vmem>>, vector<16xf32>,
      %mul3A_605 = arith.constant 64 : i32
      %mul3A_606 = arith.muli %add3A_595, %mul3A_605 : i32
      %add3A_607 = arith.constant 16 : i32
      %add3A_608 = arith.addi %mul3A_606, %add3A_607 : i32
      %get3A_609 = arith.constant 0 : i32
      %get3A_610 = tpu.memref_slice %arg6[%scan3A_82, %get3A_609] : memref<2x8192xf32, #tpu.memory_space<vmem>> -> memref<1x8192xf32, #tpu.memory_space<vmem>>
      %get3A_611 = tpu.memref_squeeze %get3A_610 : memref<1x8192xf32, #tpu.memory_space<vmem>> -> memref<8192xf32, #tpu.memory_space<vmem>>
      %get3A_612 = arith.index_cast %add3A_608 : i32 to index
      %get3A_613 = tpu.vector_load %get3A_611[%get3A_612] {strides = array<i32>} : memref<8192xf32, #tpu.memory_space<vmem>>, vector<16xf32>,
      %mul3A_614 = arith.constant 64 : i32
      %mul3A_615 = arith.muli %add3A_595, %mul3A_614 : i32
      %add3A_616 = arith.constant 32 : i32
      %add3A_617 = arith.addi %mul3A_615, %add3A_616 : i32
      %get3A_618 = arith.constant 0 : i32
      %get3A_619 = tpu.memref_slice %arg6[%scan3A_82, %get3A_618] : memref<2x8192xf32, #tpu.memory_space<vmem>> -> memref<1x8192xf32, #tpu.memory_space<vmem>>
      %get3A_620 = tpu.memref_squeeze %get3A_619 : memref<1x8192xf32, #tpu.memory_space<vmem>> -> memref<8192xf32, #tpu.memory_space<vmem>>
      %get3A_621 = arith.index_cast %add3A_617 : i32 to index
      %get3A_622 = tpu.vector_load %get3A_620[%get3A_621] {strides = array<i32>} : memref<8192xf32, #tpu.memory_space<vmem>>, vector<16xf32>,
      %mul3A_623 = arith.constant 64 : i32
      %mul3A_624 = arith.muli %add3A_595, %mul3A_623 : i32
      %add3A_625 = arith.constant 48 : i32
      %add3A_626 = arith.addi %mul3A_624, %add3A_625 : i32
      %get3A_627 = arith.constant 0 : i32
      %get3A_628 = tpu.memref_slice %arg6[%scan3A_82, %get3A_627] : memref<2x8192xf32, #tpu.memory_space<vmem>> -> memref<1x8192xf32, #tpu.memory_space<vmem>>
      %get3A_629 = tpu.memref_squeeze %get3A_628 : memref<1x8192xf32, #tpu.memory_space<vmem>> -> memref<8192xf32, #tpu.memory_space<vmem>>
      %get3A_630 = arith.index_cast %add3A_626 : i32 to index
      %get3A_631 = tpu.vector_load %get3A_629[%get3A_630] {strides = array<i32>} : memref<8192xf32, #tpu.memory_space<vmem>>, vector<16xf32>,
      %mul3A_632 = arith.mulf %get3A_604, %get3A_30 : vector<16xf32>
      %mul3A_633 = arith.mulf %get3A_604, %get3A_38 : vector<16xf32>
      %mul3A_634 = arith.mulf %get3A_613, %get3A_32 : vector<16xf32>
      %add3A_635 = arith.addf %mul3A_632, %mul3A_634 : vector<16xf32>
      %mul3A_636 = arith.mulf %get3A_613, %get3A_40 : vector<16xf32>
      %add3A_637 = arith.addf %mul3A_633, %mul3A_636 : vector<16xf32>
      %mul3A_638 = arith.mulf %get3A_622, %get3A_34 : vector<16xf32>
      %add3A_639 = arith.addf %add3A_635, %mul3A_638 : vector<16xf32>
      %mul3A_640 = arith.mulf %get3A_622, %get3A_42 : vector<16xf32>
      %add3A_641 = arith.addf %add3A_637, %mul3A_640 : vector<16xf32>
      %mul3A_642 = arith.mulf %get3A_631, %get3A_36 : vector<16xf32>
      %add3A_643 = arith.addf %add3A_639, %mul3A_642 : vector<16xf32>
      %mul3A_644 = arith.mulf %get3A_631, %get3A_44 : vector<16xf32>
      %add3A_645 = arith.addf %add3A_641, %mul3A_644 : vector<16xf32>
      %broadcast_in_dim3A_646 = arith.constant true
      %broadcast_in_dim3A_647 = vector.broadcast %broadcast_in_dim3A_646 : i1 to vector<16xi1>
      %masked_cumsum3A_648 = tpu.scan <sum>, %add3A_643 masked %broadcast_in_dim3A_647 : vector<16xf32>, vector<16xi1> -> vector<16xf32>
      %broadcast_in_dim3A_649 = arith.constant true
      %broadcast_in_dim3A_650 = vector.broadcast %broadcast_in_dim3A_649 : i1 to vector<16xi1>
      %masked_cumsum3A_651 = tpu.scan <sum>, %add3A_645 masked %broadcast_in_dim3A_650 : vector<16xf32>, vector<16xi1> -> vector<16xf32>
      %add3A_652 = arith.constant 128 : i32
      %add3A_653 = arith.addi %add3A_652, %add3A_595 : i32
      %mul3A_654 = arith.constant 2 : i32
      %mul3A_655 = arith.muli %add3A_653, %mul3A_654 : i32
      %broadcast_in_dim3A_656 = vector.broadcast %mul3A_655 : i32 to vector<16xi32>
      tpu.vector_store_idx %arg9[%broadcast_in_dim3A_656], %masked_cumsum3A_648 masked %eq3A_46 : memref<1024xf32, #tpu.memory_space<vmem>>[vector<16xi32>], vector<16xf32>, vector<16xi1>
      %add3A_657 = arith.constant 1 : i32
      %add3A_658 = vector.broadcast %add3A_657 : i32 to vector<16xi32>
      %add3A_659 = arith.addi %broadcast_in_dim3A_656, %add3A_658 : vector<16xi32>
      tpu.vector_store_idx %arg9[%add3A_659], %masked_cumsum3A_651 masked %eq3A_46 : memref<1024xf32, #tpu.memory_space<vmem>>[vector<16xi32>], vector<16xf32>, vector<16xi1>
      %add3A_660 = arith.constant 8 : i32
      %add3A_661 = arith.addi %mul3A_133, %add3A_660 : i32
      %mul3A_662 = arith.constant 64 : i32
      %mul3A_663 = arith.muli %add3A_661, %mul3A_662 : i32
      %add3A_664 = arith.constant 0 : i32
      %add3A_665 = arith.addi %mul3A_663, %add3A_664 : i32
      %get3A_666 = arith.constant 0 : i32
      %get3A_667 = tpu.memref_slice %arg6[%scan3A_82, %get3A_666] : memref<2x8192xf32, #tpu.memory_space<vmem>> -> memref<1x8192xf32, #tpu.memory_space<vmem>>
      %get3A_668 = tpu.memref_squeeze %get3A_667 : memref<1x8192xf32, #tpu.memory_space<vmem>> -> memref<8192xf32, #tpu.memory_space<vmem>>
      %get3A_669 = arith.index_cast %add3A_665 : i32 to index
      %get3A_670 = tpu.vector_load %get3A_668[%get3A_669] {strides = array<i32>} : memref<8192xf32, #tpu.memory_space<vmem>>, vector<16xf32>,
      %mul3A_671 = arith.constant 64 : i32
      %mul3A_672 = arith.muli %add3A_661, %mul3A_671 : i32
      %add3A_673 = arith.constant 16 : i32
      %add3A_674 = arith.addi %mul3A_672, %add3A_673 : i32
      %get3A_675 = arith.constant 0 : i32
      %get3A_676 = tpu.memref_slice %arg6[%scan3A_82, %get3A_675] : memref<2x8192xf32, #tpu.memory_space<vmem>> -> memref<1x8192xf32, #tpu.memory_space<vmem>>
      %get3A_677 = tpu.memref_squeeze %get3A_676 : memref<1x8192xf32, #tpu.memory_space<vmem>> -> memref<8192xf32, #tpu.memory_space<vmem>>
      %get3A_678 = arith.index_cast %add3A_674 : i32 to index
      %get3A_679 = tpu.vector_load %get3A_677[%get3A_678] {strides = array<i32>} : memref<8192xf32, #tpu.memory_space<vmem>>, vector<16xf32>,
      %mul3A_680 = arith.constant 64 : i32
      %mul3A_681 = arith.muli %add3A_661, %mul3A_680 : i32
      %add3A_682 = arith.constant 32 : i32
      %add3A_683 = arith.addi %mul3A_681, %add3A_682 : i32
      %get3A_684 = arith.constant 0 : i32
      %get3A_685 = tpu.memref_slice %arg6[%scan3A_82, %get3A_684] : memref<2x8192xf32, #tpu.memory_space<vmem>> -> memref<1x8192xf32, #tpu.memory_space<vmem>>
      %get3A_686 = tpu.memref_squeeze %get3A_685 : memref<1x8192xf32, #tpu.memory_space<vmem>> -> memref<8192xf32, #tpu.memory_space<vmem>>
      %get3A_687 = arith.index_cast %add3A_683 : i32 to index
      %get3A_688 = tpu.vector_load %get3A_686[%get3A_687] {strides = array<i32>} : memref<8192xf32, #tpu.memory_space<vmem>>, vector<16xf32>,
      %mul3A_689 = arith.constant 64 : i32
      %mul3A_690 = arith.muli %add3A_661, %mul3A_689 : i32
      %add3A_691 = arith.constant 48 : i32
      %add3A_692 = arith.addi %mul3A_690, %add3A_691 : i32
      %get3A_693 = arith.constant 0 : i32
      %get3A_694 = tpu.memref_slice %arg6[%scan3A_82, %get3A_693] : memref<2x8192xf32, #tpu.memory_space<vmem>> -> memref<1x8192xf32, #tpu.memory_space<vmem>>
      %get3A_695 = tpu.memref_squeeze %get3A_694 : memref<1x8192xf32, #tpu.memory_space<vmem>> -> memref<8192xf32, #tpu.memory_space<vmem>>
      %get3A_696 = arith.index_cast %add3A_692 : i32 to index
      %get3A_697 = tpu.vector_load %get3A_695[%get3A_696] {strides = array<i32>} : memref<8192xf32, #tpu.memory_space<vmem>>, vector<16xf32>,
      %mul3A_698 = arith.mulf %get3A_670, %get3A_30 : vector<16xf32>
      %mul3A_699 = arith.mulf %get3A_670, %get3A_38 : vector<16xf32>
      %mul3A_700 = arith.mulf %get3A_679, %get3A_32 : vector<16xf32>
      %add3A_701 = arith.addf %mul3A_698, %mul3A_700 : vector<16xf32>
      %mul3A_702 = arith.mulf %get3A_679, %get3A_40 : vector<16xf32>
      %add3A_703 = arith.addf %mul3A_699, %mul3A_702 : vector<16xf32>
      %mul3A_704 = arith.mulf %get3A_688, %get3A_34 : vector<16xf32>
      %add3A_705 = arith.addf %add3A_701, %mul3A_704 : vector<16xf32>
      %mul3A_706 = arith.mulf %get3A_688, %get3A_42 : vector<16xf32>
      %add3A_707 = arith.addf %add3A_703, %mul3A_706 : vector<16xf32>
      %mul3A_708 = arith.mulf %get3A_697, %get3A_36 : vector<16xf32>
      %add3A_709 = arith.addf %add3A_705, %mul3A_708 : vector<16xf32>
      %mul3A_710 = arith.mulf %get3A_697, %get3A_44 : vector<16xf32>
      %add3A_711 = arith.addf %add3A_707, %mul3A_710 : vector<16xf32>
      %broadcast_in_dim3A_712 = arith.constant true
      %broadcast_in_dim3A_713 = vector.broadcast %broadcast_in_dim3A_712 : i1 to vector<16xi1>
      %masked_cumsum3A_714 = tpu.scan <sum>, %add3A_709 masked %broadcast_in_dim3A_713 : vector<16xf32>, vector<16xi1> -> vector<16xf32>
      %broadcast_in_dim3A_715 = arith.constant true
      %broadcast_in_dim3A_716 = vector.broadcast %broadcast_in_dim3A_715 : i1 to vector<16xi1>
      %masked_cumsum3A_717 = tpu.scan <sum>, %add3A_711 masked %broadcast_in_dim3A_716 : vector<16xf32>, vector<16xi1> -> vector<16xf32>
      %add3A_718 = arith.constant 128 : i32
      %add3A_719 = arith.addi %add3A_718, %add3A_661 : i32
      %mul3A_720 = arith.constant 2 : i32
      %mul3A_721 = arith.muli %add3A_719, %mul3A_720 : i32
      %broadcast_in_dim3A_722 = vector.broadcast %mul3A_721 : i32 to vector<16xi32>
      tpu.vector_store_idx %arg9[%broadcast_in_dim3A_722], %masked_cumsum3A_714 masked %eq3A_46 : memref<1024xf32, #tpu.memory_space<vmem>>[vector<16xi32>], vector<16xf32>, vector<16xi1>
      %add3A_723 = arith.constant 1 : i32
      %add3A_724 = vector.broadcast %add3A_723 : i32 to vector<16xi32>
      %add3A_725 = arith.addi %broadcast_in_dim3A_722, %add3A_724 : vector<16xi32>
      tpu.vector_store_idx %arg9[%add3A_725], %masked_cumsum3A_717 masked %eq3A_46 : memref<1024xf32, #tpu.memory_space<vmem>>[vector<16xi32>], vector<16xf32>, vector<16xi1>
      %add3A_726 = arith.constant 9 : i32
      %add3A_727 = arith.addi %mul3A_133, %add3A_726 : i32
      %mul3A_728 = arith.constant 64 : i32
      %mul3A_729 = arith.muli %add3A_727, %mul3A_728 : i32
      %add3A_730 = arith.constant 0 : i32
      %add3A_731 = arith.addi %mul3A_729, %add3A_730 : i32
      %get3A_732 = arith.constant 0 : i32
      %get3A_733 = tpu.memref_slice %arg6[%scan3A_82, %get3A_732] : memref<2x8192xf32, #tpu.memory_space<vmem>> -> memref<1x8192xf32, #tpu.memory_space<vmem>>
      %get3A_734 = tpu.memref_squeeze %get3A_733 : memref<1x8192xf32, #tpu.memory_space<vmem>> -> memref<8192xf32, #tpu.memory_space<vmem>>
      %get3A_735 = arith.index_cast %add3A_731 : i32 to index
      %get3A_736 = tpu.vector_load %get3A_734[%get3A_735] {strides = array<i32>} : memref<8192xf32, #tpu.memory_space<vmem>>, vector<16xf32>,
      %mul3A_737 = arith.constant 64 : i32
      %mul3A_738 = arith.muli %add3A_727, %mul3A_737 : i32
      %add3A_739 = arith.constant 16 : i32
      %add3A_740 = arith.addi %mul3A_738, %add3A_739 : i32
      %get3A_741 = arith.constant 0 : i32
      %get3A_742 = tpu.memref_slice %arg6[%scan3A_82, %get3A_741] : memref<2x8192xf32, #tpu.memory_space<vmem>> -> memref<1x8192xf32, #tpu.memory_space<vmem>>
      %get3A_743 = tpu.memref_squeeze %get3A_742 : memref<1x8192xf32, #tpu.memory_space<vmem>> -> memref<8192xf32, #tpu.memory_space<vmem>>
      %get3A_744 = arith.index_cast %add3A_740 : i32 to index
      %get3A_745 = tpu.vector_load %get3A_743[%get3A_744] {strides = array<i32>} : memref<8192xf32, #tpu.memory_space<vmem>>, vector<16xf32>,
      %mul3A_746 = arith.constant 64 : i32
      %mul3A_747 = arith.muli %add3A_727, %mul3A_746 : i32
      %add3A_748 = arith.constant 32 : i32
      %add3A_749 = arith.addi %mul3A_747, %add3A_748 : i32
      %get3A_750 = arith.constant 0 : i32
      %get3A_751 = tpu.memref_slice %arg6[%scan3A_82, %get3A_750] : memref<2x8192xf32, #tpu.memory_space<vmem>> -> memref<1x8192xf32, #tpu.memory_space<vmem>>
      %get3A_752 = tpu.memref_squeeze %get3A_751 : memref<1x8192xf32, #tpu.memory_space<vmem>> -> memref<8192xf32, #tpu.memory_space<vmem>>
      %get3A_753 = arith.index_cast %add3A_749 : i32 to index
      %get3A_754 = tpu.vector_load %get3A_752[%get3A_753] {strides = array<i32>} : memref<8192xf32, #tpu.memory_space<vmem>>, vector<16xf32>,
      %mul3A_755 = arith.constant 64 : i32
      %mul3A_756 = arith.muli %add3A_727, %mul3A_755 : i32
      %add3A_757 = arith.constant 48 : i32
      %add3A_758 = arith.addi %mul3A_756, %add3A_757 : i32
      %get3A_759 = arith.constant 0 : i32
      %get3A_760 = tpu.memref_slice %arg6[%scan3A_82, %get3A_759] : memref<2x8192xf32, #tpu.memory_space<vmem>> -> memref<1x8192xf32, #tpu.memory_space<vmem>>
      %get3A_761 = tpu.memref_squeeze %get3A_760 : memref<1x8192xf32, #tpu.memory_space<vmem>> -> memref<8192xf32, #tpu.memory_space<vmem>>
      %get3A_762 = arith.index_cast %add3A_758 : i32 to index
      %get3A_763 = tpu.vector_load %get3A_761[%get3A_762] {strides = array<i32>} : memref<8192xf32, #tpu.memory_space<vmem>>, vector<16xf32>,
      %mul3A_764 = arith.mulf %get3A_736, %get3A_30 : vector<16xf32>
      %mul3A_765 = arith.mulf %get3A_736, %get3A_38 : vector<16xf32>
      %mul3A_766 = arith.mulf %get3A_745, %get3A_32 : vector<16xf32>
      %add3A_767 = arith.addf %mul3A_764, %mul3A_766 : vector<16xf32>
      %mul3A_768 = arith.mulf %get3A_745, %get3A_40 : vector<16xf32>
      %add3A_769 = arith.addf %mul3A_765, %mul3A_768 : vector<16xf32>
      %mul3A_770 = arith.mulf %get3A_754, %get3A_34 : vector<16xf32>
      %add3A_771 = arith.addf %add3A_767, %mul3A_770 : vector<16xf32>
      %mul3A_772 = arith.mulf %get3A_754, %get3A_42 : vector<16xf32>
      %add3A_773 = arith.addf %add3A_769, %mul3A_772 : vector<16xf32>
      %mul3A_774 = arith.mulf %get3A_763, %get3A_36 : vector<16xf32>
      %add3A_775 = arith.addf %add3A_771, %mul3A_774 : vector<16xf32>
      %mul3A_776 = arith.mulf %get3A_763, %get3A_44 : vector<16xf32>
      %add3A_777 = arith.addf %add3A_773, %mul3A_776 : vector<16xf32>
      %broadcast_in_dim3A_778 = arith.constant true
      %broadcast_in_dim3A_779 = vector.broadcast %broadcast_in_dim3A_778 : i1 to vector<16xi1>
      %masked_cumsum3A_780 = tpu.scan <sum>, %add3A_775 masked %broadcast_in_dim3A_779 : vector<16xf32>, vector<16xi1> -> vector<16xf32>
      %broadcast_in_dim3A_781 = arith.constant true
      %broadcast_in_dim3A_782 = vector.broadcast %broadcast_in_dim3A_781 : i1 to vector<16xi1>
      %masked_cumsum3A_783 = tpu.scan <sum>, %add3A_777 masked %broadcast_in_dim3A_782 : vector<16xf32>, vector<16xi1> -> vector<16xf32>
      %add3A_784 = arith.constant 128 : i32
      %add3A_785 = arith.addi %add3A_784, %add3A_727 : i32
      %mul3A_786 = arith.constant 2 : i32
      %mul3A_787 = arith.muli %add3A_785, %mul3A_786 : i32
      %broadcast_in_dim3A_788 = vector.broadcast %mul3A_787 : i32 to vector<16xi32>
      tpu.vector_store_idx %arg9[%broadcast_in_dim3A_788], %masked_cumsum3A_780 masked %eq3A_46 : memref<1024xf32, #tpu.memory_space<vmem>>[vector<16xi32>], vector<16xf32>, vector<16xi1>
      %add3A_789 = arith.constant 1 : i32
      %add3A_790 = vector.broadcast %add3A_789 : i32 to vector<16xi32>
      %add3A_791 = arith.addi %broadcast_in_dim3A_788, %add3A_790 : vector<16xi32>
      tpu.vector_store_idx %arg9[%add3A_791], %masked_cumsum3A_783 masked %eq3A_46 : memref<1024xf32, #tpu.memory_space<vmem>>[vector<16xi32>], vector<16xf32>, vector<16xi1>
      %add3A_792 = arith.constant 10 : i32
      %add3A_793 = arith.addi %mul3A_133, %add3A_792 : i32
      %mul3A_794 = arith.constant 64 : i32
      %mul3A_795 = arith.muli %add3A_793, %mul3A_794 : i32
      %add3A_796 = arith.constant 0 : i32
      %add3A_797 = arith.addi %mul3A_795, %add3A_796 : i32
      %get3A_798 = arith.constant 0 : i32
      %get3A_799 = tpu.memref_slice %arg6[%scan3A_82, %get3A_798] : memref<2x8192xf32, #tpu.memory_space<vmem>> -> memref<1x8192xf32, #tpu.memory_space<vmem>>
      %get3A_800 = tpu.memref_squeeze %get3A_799 : memref<1x8192xf32, #tpu.memory_space<vmem>> -> memref<8192xf32, #tpu.memory_space<vmem>>
      %get3A_801 = arith.index_cast %add3A_797 : i32 to index
      %get3A_802 = tpu.vector_load %get3A_800[%get3A_801] {strides = array<i32>} : memref<8192xf32, #tpu.memory_space<vmem>>, vector<16xf32>,
      %mul3A_803 = arith.constant 64 : i32
      %mul3A_804 = arith.muli %add3A_793, %mul3A_803 : i32
      %add3A_805 = arith.constant 16 : i32
      %add3A_806 = arith.addi %mul3A_804, %add3A_805 : i32
      %get3A_807 = arith.constant 0 : i32
      %get3A_808 = tpu.memref_slice %arg6[%scan3A_82, %get3A_807] : memref<2x8192xf32, #tpu.memory_space<vmem>> -> memref<1x8192xf32, #tpu.memory_space<vmem>>
      %get3A_809 = tpu.memref_squeeze %get3A_808 : memref<1x8192xf32, #tpu.memory_space<vmem>> -> memref<8192xf32, #tpu.memory_space<vmem>>
      %get3A_810 = arith.index_cast %add3A_806 : i32 to index
      %get3A_811 = tpu.vector_load %get3A_809[%get3A_810] {strides = array<i32>} : memref<8192xf32, #tpu.memory_space<vmem>>, vector<16xf32>,
      %mul3A_812 = arith.constant 64 : i32
      %mul3A_813 = arith.muli %add3A_793, %mul3A_812 : i32
      %add3A_814 = arith.constant 32 : i32
      %add3A_815 = arith.addi %mul3A_813, %add3A_814 : i32
      %get3A_816 = arith.constant 0 : i32
      %get3A_817 = tpu.memref_slice %arg6[%scan3A_82, %get3A_816] : memref<2x8192xf32, #tpu.memory_space<vmem>> -> memref<1x8192xf32, #tpu.memory_space<vmem>>
      %get3A_818 = tpu.memref_squeeze %get3A_817 : memref<1x8192xf32, #tpu.memory_space<vmem>> -> memref<8192xf32, #tpu.memory_space<vmem>>
      %get3A_819 = arith.index_cast %add3A_815 : i32 to index
      %get3A_820 = tpu.vector_load %get3A_818[%get3A_819] {strides = array<i32>} : memref<8192xf32, #tpu.memory_space<vmem>>, vector<16xf32>,
      %mul3A_821 = arith.constant 64 : i32
      %mul3A_822 = arith.muli %add3A_793, %mul3A_821 : i32
      %add3A_823 = arith.constant 48 : i32
      %add3A_824 = arith.addi %mul3A_822, %add3A_823 : i32
      %get3A_825 = arith.constant 0 : i32
      %get3A_826 = tpu.memref_slice %arg6[%scan3A_82, %get3A_825] : memref<2x8192xf32, #tpu.memory_space<vmem>> -> memref<1x8192xf32, #tpu.memory_space<vmem>>
      %get3A_827 = tpu.memref_squeeze %get3A_826 : memref<1x8192xf32, #tpu.memory_space<vmem>> -> memref<8192xf32, #tpu.memory_space<vmem>>
      %get3A_828 = arith.index_cast %add3A_824 : i32 to index
      %get3A_829 = tpu.vector_load %get3A_827[%get3A_828] {strides = array<i32>} : memref<8192xf32, #tpu.memory_space<vmem>>, vector<16xf32>,
      %mul3A_830 = arith.mulf %get3A_802, %get3A_30 : vector<16xf32>
      %mul3A_831 = arith.mulf %get3A_802, %get3A_38 : vector<16xf32>
      %mul3A_832 = arith.mulf %get3A_811, %get3A_32 : vector<16xf32>
      %add3A_833 = arith.addf %mul3A_830, %mul3A_832 : vector<16xf32>
      %mul3A_834 = arith.mulf %get3A_811, %get3A_40 : vector<16xf32>
      %add3A_835 = arith.addf %mul3A_831, %mul3A_834 : vector<16xf32>
      %mul3A_836 = arith.mulf %get3A_820, %get3A_34 : vector<16xf32>
      %add3A_837 = arith.addf %add3A_833, %mul3A_836 : vector<16xf32>
      %mul3A_838 = arith.mulf %get3A_820, %get3A_42 : vector<16xf32>
      %add3A_839 = arith.addf %add3A_835, %mul3A_838 : vector<16xf32>
      %mul3A_840 = arith.mulf %get3A_829, %get3A_36 : vector<16xf32>
      %add3A_841 = arith.addf %add3A_837, %mul3A_840 : vector<16xf32>
      %mul3A_842 = arith.mulf %get3A_829, %get3A_44 : vector<16xf32>
      %add3A_843 = arith.addf %add3A_839, %mul3A_842 : vector<16xf32>
      %broadcast_in_dim3A_844 = arith.constant true
      %broadcast_in_dim3A_845 = vector.broadcast %broadcast_in_dim3A_844 : i1 to vector<16xi1>
      %masked_cumsum3A_846 = tpu.scan <sum>, %add3A_841 masked %broadcast_in_dim3A_845 : vector<16xf32>, vector<16xi1> -> vector<16xf32>
      %broadcast_in_dim3A_847 = arith.constant true
      %broadcast_in_dim3A_848 = vector.broadcast %broadcast_in_dim3A_847 : i1 to vector<16xi1>
      %masked_cumsum3A_849 = tpu.scan <sum>, %add3A_843 masked %broadcast_in_dim3A_848 : vector<16xf32>, vector<16xi1> -> vector<16xf32>
      %add3A_850 = arith.constant 128 : i32
      %add3A_851 = arith.addi %add3A_850, %add3A_793 : i32
      %mul3A_852 = arith.constant 2 : i32
      %mul3A_853 = arith.muli %add3A_851, %mul3A_852 : i32
      %broadcast_in_dim3A_854 = vector.broadcast %mul3A_853 : i32 to vector<16xi32>
      tpu.vector_store_idx %arg9[%broadcast_in_dim3A_854], %masked_cumsum3A_846 masked %eq3A_46 : memref<1024xf32, #tpu.memory_space<vmem>>[vector<16xi32>], vector<16xf32>, vector<16xi1>
      %add3A_855 = arith.constant 1 : i32
      %add3A_856 = vector.broadcast %add3A_855 : i32 to vector<16xi32>
      %add3A_857 = arith.addi %broadcast_in_dim3A_854, %add3A_856 : vector<16xi32>
      tpu.vector_store_idx %arg9[%add3A_857], %masked_cumsum3A_849 masked %eq3A_46 : memref<1024xf32, #tpu.memory_space<vmem>>[vector<16xi32>], vector<16xf32>, vector<16xi1>
      %add3A_858 = arith.constant 11 : i32
      %add3A_859 = arith.addi %mul3A_133, %add3A_858 : i32
      %mul3A_860 = arith.constant 64 : i32
      %mul3A_861 = arith.muli %add3A_859, %mul3A_860 : i32
      %add3A_862 = arith.constant 0 : i32
      %add3A_863 = arith.addi %mul3A_861, %add3A_862 : i32
      %get3A_864 = arith.constant 0 : i32
      %get3A_865 = tpu.memref_slice %arg6[%scan3A_82, %get3A_864] : memref<2x8192xf32, #tpu.memory_space<vmem>> -> memref<1x8192xf32, #tpu.memory_space<vmem>>
      %get3A_866 = tpu.memref_squeeze %get3A_865 : memref<1x8192xf32, #tpu.memory_space<vmem>> -> memref<8192xf32, #tpu.memory_space<vmem>>
      %get3A_867 = arith.index_cast %add3A_863 : i32 to index
      %get3A_868 = tpu.vector_load %get3A_866[%get3A_867] {strides = array<i32>} : memref<8192xf32, #tpu.memory_space<vmem>>, vector<16xf32>,
      %mul3A_869 = arith.constant 64 : i32
      %mul3A_870 = arith.muli %add3A_859, %mul3A_869 : i32
      %add3A_871 = arith.constant 16 : i32
      %add3A_872 = arith.addi %mul3A_870, %add3A_871 : i32
      %get3A_873 = arith.constant 0 : i32
      %get3A_874 = tpu.memref_slice %arg6[%scan3A_82, %get3A_873] : memref<2x8192xf32, #tpu.memory_space<vmem>> -> memref<1x8192xf32, #tpu.memory_space<vmem>>
      %get3A_875 = tpu.memref_squeeze %get3A_874 : memref<1x8192xf32, #tpu.memory_space<vmem>> -> memref<8192xf32, #tpu.memory_space<vmem>>
      %get3A_876 = arith.index_cast %add3A_872 : i32 to index
      %get3A_877 = tpu.vector_load %get3A_875[%get3A_876] {strides = array<i32>} : memref<8192xf32, #tpu.memory_space<vmem>>, vector<16xf32>,
      %mul3A_878 = arith.constant 64 : i32
      %mul3A_879 = arith.muli %add3A_859, %mul3A_878 : i32
      %add3A_880 = arith.constant 32 : i32
      %add3A_881 = arith.addi %mul3A_879, %add3A_880 : i32
      %get3A_882 = arith.constant 0 : i32
      %get3A_883 = tpu.memref_slice %arg6[%scan3A_82, %get3A_882] : memref<2x8192xf32, #tpu.memory_space<vmem>> -> memref<1x8192xf32, #tpu.memory_space<vmem>>
      %get3A_884 = tpu.memref_squeeze %get3A_883 : memref<1x8192xf32, #tpu.memory_space<vmem>> -> memref<8192xf32, #tpu.memory_space<vmem>>
      %get3A_885 = arith.index_cast %add3A_881 : i32 to index
      %get3A_886 = tpu.vector_load %get3A_884[%get3A_885] {strides = array<i32>} : memref<8192xf32, #tpu.memory_space<vmem>>, vector<16xf32>,
      %mul3A_887 = arith.constant 64 : i32
      %mul3A_888 = arith.muli %add3A_859, %mul3A_887 : i32
      %add3A_889 = arith.constant 48 : i32
      %add3A_890 = arith.addi %mul3A_888, %add3A_889 : i32
      %get3A_891 = arith.constant 0 : i32
      %get3A_892 = tpu.memref_slice %arg6[%scan3A_82, %get3A_891] : memref<2x8192xf32, #tpu.memory_space<vmem>> -> memref<1x8192xf32, #tpu.memory_space<vmem>>
      %get3A_893 = tpu.memref_squeeze %get3A_892 : memref<1x8192xf32, #tpu.memory_space<vmem>> -> memref<8192xf32, #tpu.memory_space<vmem>>
      %get3A_894 = arith.index_cast %add3A_890 : i32 to index
      %get3A_895 = tpu.vector_load %get3A_893[%get3A_894] {strides = array<i32>} : memref<8192xf32, #tpu.memory_space<vmem>>, vector<16xf32>,
      %mul3A_896 = arith.mulf %get3A_868, %get3A_30 : vector<16xf32>
      %mul3A_897 = arith.mulf %get3A_868, %get3A_38 : vector<16xf32>
      %mul3A_898 = arith.mulf %get3A_877, %get3A_32 : vector<16xf32>
      %add3A_899 = arith.addf %mul3A_896, %mul3A_898 : vector<16xf32>
      %mul3A_900 = arith.mulf %get3A_877, %get3A_40 : vector<16xf32>
      %add3A_901 = arith.addf %mul3A_897, %mul3A_900 : vector<16xf32>
      %mul3A_902 = arith.mulf %get3A_886, %get3A_34 : vector<16xf32>
      %add3A_903 = arith.addf %add3A_899, %mul3A_902 : vector<16xf32>
      %mul3A_904 = arith.mulf %get3A_886, %get3A_42 : vector<16xf32>
      %add3A_905 = arith.addf %add3A_901, %mul3A_904 : vector<16xf32>
      %mul3A_906 = arith.mulf %get3A_895, %get3A_36 : vector<16xf32>
      %add3A_907 = arith.addf %add3A_903, %mul3A_906 : vector<16xf32>
      %mul3A_908 = arith.mulf %get3A_895, %get3A_44 : vector<16xf32>
      %add3A_909 = arith.addf %add3A_905, %mul3A_908 : vector<16xf32>
      %broadcast_in_dim3A_910 = arith.constant true
      %broadcast_in_dim3A_911 = vector.broadcast %broadcast_in_dim3A_910 : i1 to vector<16xi1>
      %masked_cumsum3A_912 = tpu.scan <sum>, %add3A_907 masked %broadcast_in_dim3A_911 : vector<16xf32>, vector<16xi1> -> vector<16xf32>
      %broadcast_in_dim3A_913 = arith.constant true
      %broadcast_in_dim3A_914 = vector.broadcast %broadcast_in_dim3A_913 : i1 to vector<16xi1>
      %masked_cumsum3A_915 = tpu.scan <sum>, %add3A_909 masked %broadcast_in_dim3A_914 : vector<16xf32>, vector<16xi1> -> vector<16xf32>
      %add3A_916 = arith.constant 128 : i32
      %add3A_917 = arith.addi %add3A_916, %add3A_859 : i32
      %mul3A_918 = arith.constant 2 : i32
      %mul3A_919 = arith.muli %add3A_917, %mul3A_918 : i32
      %broadcast_in_dim3A_920 = vector.broadcast %mul3A_919 : i32 to vector<16xi32>
      tpu.vector_store_idx %arg9[%broadcast_in_dim3A_920], %masked_cumsum3A_912 masked %eq3A_46 : memref<1024xf32, #tpu.memory_space<vmem>>[vector<16xi32>], vector<16xf32>, vector<16xi1>
      %add3A_921 = arith.constant 1 : i32
      %add3A_922 = vector.broadcast %add3A_921 : i32 to vector<16xi32>
      %add3A_923 = arith.addi %broadcast_in_dim3A_920, %add3A_922 : vector<16xi32>
      tpu.vector_store_idx %arg9[%add3A_923], %masked_cumsum3A_915 masked %eq3A_46 : memref<1024xf32, #tpu.memory_space<vmem>>[vector<16xi32>], vector<16xf32>, vector<16xi1>
      %add3A_924 = arith.constant 12 : i32
      %add3A_925 = arith.addi %mul3A_133, %add3A_924 : i32
      %mul3A_926 = arith.constant 64 : i32
      %mul3A_927 = arith.muli %add3A_925, %mul3A_926 : i32
      %add3A_928 = arith.constant 0 : i32
      %add3A_929 = arith.addi %mul3A_927, %add3A_928 : i32
      %get3A_930 = arith.constant 0 : i32
      %get3A_931 = tpu.memref_slice %arg6[%scan3A_82, %get3A_930] : memref<2x8192xf32, #tpu.memory_space<vmem>> -> memref<1x8192xf32, #tpu.memory_space<vmem>>
      %get3A_932 = tpu.memref_squeeze %get3A_931 : memref<1x8192xf32, #tpu.memory_space<vmem>> -> memref<8192xf32, #tpu.memory_space<vmem>>
      %get3A_933 = arith.index_cast %add3A_929 : i32 to index
      %get3A_934 = tpu.vector_load %get3A_932[%get3A_933] {strides = array<i32>} : memref<8192xf32, #tpu.memory_space<vmem>>, vector<16xf32>,
      %mul3A_935 = arith.constant 64 : i32
      %mul3A_936 = arith.muli %add3A_925, %mul3A_935 : i32
      %add3A_937 = arith.constant 16 : i32
      %add3A_938 = arith.addi %mul3A_936, %add3A_937 : i32
      %get3A_939 = arith.constant 0 : i32
      %get3A_940 = tpu.memref_slice %arg6[%scan3A_82, %get3A_939] : memref<2x8192xf32, #tpu.memory_space<vmem>> -> memref<1x8192xf32, #tpu.memory_space<vmem>>
      %get3A_941 = tpu.memref_squeeze %get3A_940 : memref<1x8192xf32, #tpu.memory_space<vmem>> -> memref<8192xf32, #tpu.memory_space<vmem>>
      %get3A_942 = arith.index_cast %add3A_938 : i32 to index
      %get3A_943 = tpu.vector_load %get3A_941[%get3A_942] {strides = array<i32>} : memref<8192xf32, #tpu.memory_space<vmem>>, vector<16xf32>,
      %mul3A_944 = arith.constant 64 : i32
      %mul3A_945 = arith.muli %add3A_925, %mul3A_944 : i32
      %add3A_946 = arith.constant 32 : i32
      %add3A_947 = arith.addi %mul3A_945, %add3A_946 : i32
      %get3A_948 = arith.constant 0 : i32
      %get3A_949 = tpu.memref_slice %arg6[%scan3A_82, %get3A_948] : memref<2x8192xf32, #tpu.memory_space<vmem>> -> memref<1x8192xf32, #tpu.memory_space<vmem>>
      %get3A_950 = tpu.memref_squeeze %get3A_949 : memref<1x8192xf32, #tpu.memory_space<vmem>> -> memref<8192xf32, #tpu.memory_space<vmem>>
      %get3A_951 = arith.index_cast %add3A_947 : i32 to index
      %get3A_952 = tpu.vector_load %get3A_950[%get3A_951] {strides = array<i32>} : memref<8192xf32, #tpu.memory_space<vmem>>, vector<16xf32>,
      %mul3A_953 = arith.constant 64 : i32
      %mul3A_954 = arith.muli %add3A_925, %mul3A_953 : i32
      %add3A_955 = arith.constant 48 : i32
      %add3A_956 = arith.addi %mul3A_954, %add3A_955 : i32
      %get3A_957 = arith.constant 0 : i32
      %get3A_958 = tpu.memref_slice %arg6[%scan3A_82, %get3A_957] : memref<2x8192xf32, #tpu.memory_space<vmem>> -> memref<1x8192xf32, #tpu.memory_space<vmem>>
      %get3A_959 = tpu.memref_squeeze %get3A_958 : memref<1x8192xf32, #tpu.memory_space<vmem>> -> memref<8192xf32, #tpu.memory_space<vmem>>
      %get3A_960 = arith.index_cast %add3A_956 : i32 to index
      %get3A_961 = tpu.vector_load %get3A_959[%get3A_960] {strides = array<i32>} : memref<8192xf32, #tpu.memory_space<vmem>>, vector<16xf32>,
      %mul3A_962 = arith.mulf %get3A_934, %get3A_30 : vector<16xf32>
      %mul3A_963 = arith.mulf %get3A_934, %get3A_38 : vector<16xf32>
      %mul3A_964 = arith.mulf %get3A_943, %get3A_32 : vector<16xf32>
      %add3A_965 = arith.addf %mul3A_962, %mul3A_964 : vector<16xf32>
      %mul3A_966 = arith.mulf %get3A_943, %get3A_40 : vector<16xf32>
      %add3A_967 = arith.addf %mul3A_963, %mul3A_966 : vector<16xf32>
      %mul3A_968 = arith.mulf %get3A_952, %get3A_34 : vector<16xf32>
      %add3A_969 = arith.addf %add3A_965, %mul3A_968 : vector<16xf32>
      %mul3A_970 = arith.mulf %get3A_952, %get3A_42 : vector<16xf32>
      %add3A_971 = arith.addf %add3A_967, %mul3A_970 : vector<16xf32>
      %mul3A_972 = arith.mulf %get3A_961, %get3A_36 : vector<16xf32>
      %add3A_973 = arith.addf %add3A_969, %mul3A_972 : vector<16xf32>
      %mul3A_974 = arith.mulf %get3A_961, %get3A_44 : vector<16xf32>
      %add3A_975 = arith.addf %add3A_971, %mul3A_974 : vector<16xf32>
      %broadcast_in_dim3A_976 = arith.constant true
      %broadcast_in_dim3A_977 = vector.broadcast %broadcast_in_dim3A_976 : i1 to vector<16xi1>
      %masked_cumsum3A_978 = tpu.scan <sum>, %add3A_973 masked %broadcast_in_dim3A_977 : vector<16xf32>, vector<16xi1> -> vector<16xf32>
      %broadcast_in_dim3A_979 = arith.constant true
      %broadcast_in_dim3A_980 = vector.broadcast %broadcast_in_dim3A_979 : i1 to vector<16xi1>
      %masked_cumsum3A_981 = tpu.scan <sum>, %add3A_975 masked %broadcast_in_dim3A_980 : vector<16xf32>, vector<16xi1> -> vector<16xf32>
      %add3A_982 = arith.constant 128 : i32
      %add3A_983 = arith.addi %add3A_982, %add3A_925 : i32
      %mul3A_984 = arith.constant 2 : i32
      %mul3A_985 = arith.muli %add3A_983, %mul3A_984 : i32
      %broadcast_in_dim3A_986 = vector.broadcast %mul3A_985 : i32 to vector<16xi32>
      tpu.vector_store_idx %arg9[%broadcast_in_dim3A_986], %masked_cumsum3A_978 masked %eq3A_46 : memref<1024xf32, #tpu.memory_space<vmem>>[vector<16xi32>], vector<16xf32>, vector<16xi1>
      %add3A_987 = arith.constant 1 : i32
      %add3A_988 = vector.broadcast %add3A_987 : i32 to vector<16xi32>
      %add3A_989 = arith.addi %broadcast_in_dim3A_986, %add3A_988 : vector<16xi32>
      tpu.vector_store_idx %arg9[%add3A_989], %masked_cumsum3A_981 masked %eq3A_46 : memref<1024xf32, #tpu.memory_space<vmem>>[vector<16xi32>], vector<16xf32>, vector<16xi1>
      %add3A_990 = arith.constant 13 : i32
      %add3A_991 = arith.addi %mul3A_133, %add3A_990 : i32
      %mul3A_992 = arith.constant 64 : i32
      %mul3A_993 = arith.muli %add3A_991, %mul3A_992 : i32
      %add3A_994 = arith.constant 0 : i32
      %add3A_995 = arith.addi %mul3A_993, %add3A_994 : i32
      %get3A_996 = arith.constant 0 : i32
      %get3A_997 = tpu.memref_slice %arg6[%scan3A_82, %get3A_996] : memref<2x8192xf32, #tpu.memory_space<vmem>> -> memref<1x8192xf32, #tpu.memory_space<vmem>>
      %get3A_998 = tpu.memref_squeeze %get3A_997 : memref<1x8192xf32, #tpu.memory_space<vmem>> -> memref<8192xf32, #tpu.memory_space<vmem>>
      %get3A_999 = arith.index_cast %add3A_995 : i32 to index
      %get3A_1000 = tpu.vector_load %get3A_998[%get3A_999] {strides = array<i32>} : memref<8192xf32, #tpu.memory_space<vmem>>, vector<16xf32>,
      %mul3A_1001 = arith.constant 64 : i32
      %mul3A_1002 = arith.muli %add3A_991, %mul3A_1001 : i32
      %add3A_1003 = arith.constant 16 : i32
      %add3A_1004 = arith.addi %mul3A_1002, %add3A_1003 : i32
      %get3A_1005 = arith.constant 0 : i32
      %get3A_1006 = tpu.memref_slice %arg6[%scan3A_82, %get3A_1005] : memref<2x8192xf32, #tpu.memory_space<vmem>> -> memref<1x8192xf32, #tpu.memory_space<vmem>>
      %get3A_1007 = tpu.memref_squeeze %get3A_1006 : memref<1x8192xf32, #tpu.memory_space<vmem>> -> memref<8192xf32, #tpu.memory_space<vmem>>
      %get3A_1008 = arith.index_cast %add3A_1004 : i32 to index
      %get3A_1009 = tpu.vector_load %get3A_1007[%get3A_1008] {strides = array<i32>} : memref<8192xf32, #tpu.memory_space<vmem>>, vector<16xf32>,
      %mul3A_1010 = arith.constant 64 : i32
      %mul3A_1011 = arith.muli %add3A_991, %mul3A_1010 : i32
      %add3A_1012 = arith.constant 32 : i32
      %add3A_1013 = arith.addi %mul3A_1011, %add3A_1012 : i32
      %get3A_1014 = arith.constant 0 : i32
      %get3A_1015 = tpu.memref_slice %arg6[%scan3A_82, %get3A_1014] : memref<2x8192xf32, #tpu.memory_space<vmem>> -> memref<1x8192xf32, #tpu.memory_space<vmem>>
      %get3A_1016 = tpu.memref_squeeze %get3A_1015 : memref<1x8192xf32, #tpu.memory_space<vmem>> -> memref<8192xf32, #tpu.memory_space<vmem>>
      %get3A_1017 = arith.index_cast %add3A_1013 : i32 to index
      %get3A_1018 = tpu.vector_load %get3A_1016[%get3A_1017] {strides = array<i32>} : memref<8192xf32, #tpu.memory_space<vmem>>, vector<16xf32>,
      %mul3A_1019 = arith.constant 64 : i32
      %mul3A_1020 = arith.muli %add3A_991, %mul3A_1019 : i32
      %add3A_1021 = arith.constant 48 : i32
      %add3A_1022 = arith.addi %mul3A_1020, %add3A_1021 : i32
      %get3A_1023 = arith.constant 0 : i32
      %get3A_1024 = tpu.memref_slice %arg6[%scan3A_82, %get3A_1023] : memref<2x8192xf32, #tpu.memory_space<vmem>> -> memref<1x8192xf32, #tpu.memory_space<vmem>>
      %get3A_1025 = tpu.memref_squeeze %get3A_1024 : memref<1x8192xf32, #tpu.memory_space<vmem>> -> memref<8192xf32, #tpu.memory_space<vmem>>
      %get3A_1026 = arith.index_cast %add3A_1022 : i32 to index
      %get3A_1027 = tpu.vector_load %get3A_1025[%get3A_1026] {strides = array<i32>} : memref<8192xf32, #tpu.memory_space<vmem>>, vector<16xf32>,
      %mul3A_1028 = arith.mulf %get3A_1000, %get3A_30 : vector<16xf32>
      %mul3A_1029 = arith.mulf %get3A_1000, %get3A_38 : vector<16xf32>
      %mul3A_1030 = arith.mulf %get3A_1009, %get3A_32 : vector<16xf32>
      %add3A_1031 = arith.addf %mul3A_1028, %mul3A_1030 : vector<16xf32>
      %mul3A_1032 = arith.mulf %get3A_1009, %get3A_40 : vector<16xf32>
      %add3A_1033 = arith.addf %mul3A_1029, %mul3A_1032 : vector<16xf32>
      %mul3A_1034 = arith.mulf %get3A_1018, %get3A_34 : vector<16xf32>
      %add3A_1035 = arith.addf %add3A_1031, %mul3A_1034 : vector<16xf32>
      %mul3A_1036 = arith.mulf %get3A_1018, %get3A_42 : vector<16xf32>
      %add3A_1037 = arith.addf %add3A_1033, %mul3A_1036 : vector<16xf32>
      %mul3A_1038 = arith.mulf %get3A_1027, %get3A_36 : vector<16xf32>
      %add3A_1039 = arith.addf %add3A_1035, %mul3A_1038 : vector<16xf32>
      %mul3A_1040 = arith.mulf %get3A_1027, %get3A_44 : vector<16xf32>
      %add3A_1041 = arith.addf %add3A_1037, %mul3A_1040 : vector<16xf32>
      %broadcast_in_dim3A_1042 = arith.constant true
      %broadcast_in_dim3A_1043 = vector.broadcast %broadcast_in_dim3A_1042 : i1 to vector<16xi1>
      %masked_cumsum3A_1044 = tpu.scan <sum>, %add3A_1039 masked %broadcast_in_dim3A_1043 : vector<16xf32>, vector<16xi1> -> vector<16xf32>
      %broadcast_in_dim3A_1045 = arith.constant true
      %broadcast_in_dim3A_1046 = vector.broadcast %broadcast_in_dim3A_1045 : i1 to vector<16xi1>
      %masked_cumsum3A_1047 = tpu.scan <sum>, %add3A_1041 masked %broadcast_in_dim3A_1046 : vector<16xf32>, vector<16xi1> -> vector<16xf32>
      %add3A_1048 = arith.constant 128 : i32
      %add3A_1049 = arith.addi %add3A_1048, %add3A_991 : i32
      %mul3A_1050 = arith.constant 2 : i32
      %mul3A_1051 = arith.muli %add3A_1049, %mul3A_1050 : i32
      %broadcast_in_dim3A_1052 = vector.broadcast %mul3A_1051 : i32 to vector<16xi32>
      tpu.vector_store_idx %arg9[%broadcast_in_dim3A_1052], %masked_cumsum3A_1044 masked %eq3A_46 : memref<1024xf32, #tpu.memory_space<vmem>>[vector<16xi32>], vector<16xf32>, vector<16xi1>
      %add3A_1053 = arith.constant 1 : i32
      %add3A_1054 = vector.broadcast %add3A_1053 : i32 to vector<16xi32>
      %add3A_1055 = arith.addi %broadcast_in_dim3A_1052, %add3A_1054 : vector<16xi32>
      tpu.vector_store_idx %arg9[%add3A_1055], %masked_cumsum3A_1047 masked %eq3A_46 : memref<1024xf32, #tpu.memory_space<vmem>>[vector<16xi32>], vector<16xf32>, vector<16xi1>
      %add3A_1056 = arith.constant 14 : i32
      %add3A_1057 = arith.addi %mul3A_133, %add3A_1056 : i32
      %mul3A_1058 = arith.constant 64 : i32
      %mul3A_1059 = arith.muli %add3A_1057, %mul3A_1058 : i32
      %add3A_1060 = arith.constant 0 : i32
      %add3A_1061 = arith.addi %mul3A_1059, %add3A_1060 : i32
      %get3A_1062 = arith.constant 0 : i32
      %get3A_1063 = tpu.memref_slice %arg6[%scan3A_82, %get3A_1062] : memref<2x8192xf32, #tpu.memory_space<vmem>> -> memref<1x8192xf32, #tpu.memory_space<vmem>>
      %get3A_1064 = tpu.memref_squeeze %get3A_1063 : memref<1x8192xf32, #tpu.memory_space<vmem>> -> memref<8192xf32, #tpu.memory_space<vmem>>
      %get3A_1065 = arith.index_cast %add3A_1061 : i32 to index
      %get3A_1066 = tpu.vector_load %get3A_1064[%get3A_1065] {strides = array<i32>} : memref<8192xf32, #tpu.memory_space<vmem>>, vector<16xf32>,
      %mul3A_1067 = arith.constant 64 : i32
      %mul3A_1068 = arith.muli %add3A_1057, %mul3A_1067 : i32
      %add3A_1069 = arith.constant 16 : i32
      %add3A_1070 = arith.addi %mul3A_1068, %add3A_1069 : i32
      %get3A_1071 = arith.constant 0 : i32
      %get3A_1072 = tpu.memref_slice %arg6[%scan3A_82, %get3A_1071] : memref<2x8192xf32, #tpu.memory_space<vmem>> -> memref<1x8192xf32, #tpu.memory_space<vmem>>
      %get3A_1073 = tpu.memref_squeeze %get3A_1072 : memref<1x8192xf32, #tpu.memory_space<vmem>> -> memref<8192xf32, #tpu.memory_space<vmem>>
      %get3A_1074 = arith.index_cast %add3A_1070 : i32 to index
      %get3A_1075 = tpu.vector_load %get3A_1073[%get3A_1074] {strides = array<i32>} : memref<8192xf32, #tpu.memory_space<vmem>>, vector<16xf32>,
      %mul3A_1076 = arith.constant 64 : i32
      %mul3A_1077 = arith.muli %add3A_1057, %mul3A_1076 : i32
      %add3A_1078 = arith.constant 32 : i32
      %add3A_1079 = arith.addi %mul3A_1077, %add3A_1078 : i32
      %get3A_1080 = arith.constant 0 : i32
      %get3A_1081 = tpu.memref_slice %arg6[%scan3A_82, %get3A_1080] : memref<2x8192xf32, #tpu.memory_space<vmem>> -> memref<1x8192xf32, #tpu.memory_space<vmem>>
      %get3A_1082 = tpu.memref_squeeze %get3A_1081 : memref<1x8192xf32, #tpu.memory_space<vmem>> -> memref<8192xf32, #tpu.memory_space<vmem>>
      %get3A_1083 = arith.index_cast %add3A_1079 : i32 to index
      %get3A_1084 = tpu.vector_load %get3A_1082[%get3A_1083] {strides = array<i32>} : memref<8192xf32, #tpu.memory_space<vmem>>, vector<16xf32>,
      %mul3A_1085 = arith.constant 64 : i32
      %mul3A_1086 = arith.muli %add3A_1057, %mul3A_1085 : i32
      %add3A_1087 = arith.constant 48 : i32
      %add3A_1088 = arith.addi %mul3A_1086, %add3A_1087 : i32
      %get3A_1089 = arith.constant 0 : i32
      %get3A_1090 = tpu.memref_slice %arg6[%scan3A_82, %get3A_1089] : memref<2x8192xf32, #tpu.memory_space<vmem>> -> memref<1x8192xf32, #tpu.memory_space<vmem>>
      %get3A_1091 = tpu.memref_squeeze %get3A_1090 : memref<1x8192xf32, #tpu.memory_space<vmem>> -> memref<8192xf32, #tpu.memory_space<vmem>>
      %get3A_1092 = arith.index_cast %add3A_1088 : i32 to index
      %get3A_1093 = tpu.vector_load %get3A_1091[%get3A_1092] {strides = array<i32>} : memref<8192xf32, #tpu.memory_space<vmem>>, vector<16xf32>,
      %mul3A_1094 = arith.mulf %get3A_1066, %get3A_30 : vector<16xf32>
      %mul3A_1095 = arith.mulf %get3A_1066, %get3A_38 : vector<16xf32>
      %mul3A_1096 = arith.mulf %get3A_1075, %get3A_32 : vector<16xf32>
      %add3A_1097 = arith.addf %mul3A_1094, %mul3A_1096 : vector<16xf32>
      %mul3A_1098 = arith.mulf %get3A_1075, %get3A_40 : vector<16xf32>
      %add3A_1099 = arith.addf %mul3A_1095, %mul3A_1098 : vector<16xf32>
      %mul3A_1100 = arith.mulf %get3A_1084, %get3A_34 : vector<16xf32>
      %add3A_1101 = arith.addf %add3A_1097, %mul3A_1100 : vector<16xf32>
      %mul3A_1102 = arith.mulf %get3A_1084, %get3A_42 : vector<16xf32>
      %add3A_1103 = arith.addf %add3A_1099, %mul3A_1102 : vector<16xf32>
      %mul3A_1104 = arith.mulf %get3A_1093, %get3A_36 : vector<16xf32>
      %add3A_1105 = arith.addf %add3A_1101, %mul3A_1104 : vector<16xf32>
      %mul3A_1106 = arith.mulf %get3A_1093, %get3A_44 : vector<16xf32>
      %add3A_1107 = arith.addf %add3A_1103, %mul3A_1106 : vector<16xf32>
      %broadcast_in_dim3A_1108 = arith.constant true
      %broadcast_in_dim3A_1109 = vector.broadcast %broadcast_in_dim3A_1108 : i1 to vector<16xi1>
      %masked_cumsum3A_1110 = tpu.scan <sum>, %add3A_1105 masked %broadcast_in_dim3A_1109 : vector<16xf32>, vector<16xi1> -> vector<16xf32>
      %broadcast_in_dim3A_1111 = arith.constant true
      %broadcast_in_dim3A_1112 = vector.broadcast %broadcast_in_dim3A_1111 : i1 to vector<16xi1>
      %masked_cumsum3A_1113 = tpu.scan <sum>, %add3A_1107 masked %broadcast_in_dim3A_1112 : vector<16xf32>, vector<16xi1> -> vector<16xf32>
      %add3A_1114 = arith.constant 128 : i32
      %add3A_1115 = arith.addi %add3A_1114, %add3A_1057 : i32
      %mul3A_1116 = arith.constant 2 : i32
      %mul3A_1117 = arith.muli %add3A_1115, %mul3A_1116 : i32
      %broadcast_in_dim3A_1118 = vector.broadcast %mul3A_1117 : i32 to vector<16xi32>
      tpu.vector_store_idx %arg9[%broadcast_in_dim3A_1118], %masked_cumsum3A_1110 masked %eq3A_46 : memref<1024xf32, #tpu.memory_space<vmem>>[vector<16xi32>], vector<16xf32>, vector<16xi1>
      %add3A_1119 = arith.constant 1 : i32
      %add3A_1120 = vector.broadcast %add3A_1119 : i32 to vector<16xi32>
      %add3A_1121 = arith.addi %broadcast_in_dim3A_1118, %add3A_1120 : vector<16xi32>
      tpu.vector_store_idx %arg9[%add3A_1121], %masked_cumsum3A_1113 masked %eq3A_46 : memref<1024xf32, #tpu.memory_space<vmem>>[vector<16xi32>], vector<16xf32>, vector<16xi1>
      %add3A_1122 = arith.constant 15 : i32
      %add3A_1123 = arith.addi %mul3A_133, %add3A_1122 : i32
      %mul3A_1124 = arith.constant 64 : i32
      %mul3A_1125 = arith.muli %add3A_1123, %mul3A_1124 : i32
      %add3A_1126 = arith.constant 0 : i32
      %add3A_1127 = arith.addi %mul3A_1125, %add3A_1126 : i32
      %get3A_1128 = arith.constant 0 : i32
      %get3A_1129 = tpu.memref_slice %arg6[%scan3A_82, %get3A_1128] : memref<2x8192xf32, #tpu.memory_space<vmem>> -> memref<1x8192xf32, #tpu.memory_space<vmem>>
      %get3A_1130 = tpu.memref_squeeze %get3A_1129 : memref<1x8192xf32, #tpu.memory_space<vmem>> -> memref<8192xf32, #tpu.memory_space<vmem>>
      %get3A_1131 = arith.index_cast %add3A_1127 : i32 to index
      %get3A_1132 = tpu.vector_load %get3A_1130[%get3A_1131] {strides = array<i32>} : memref<8192xf32, #tpu.memory_space<vmem>>, vector<16xf32>,
      %mul3A_1133 = arith.constant 64 : i32
      %mul3A_1134 = arith.muli %add3A_1123, %mul3A_1133 : i32
      %add3A_1135 = arith.constant 16 : i32
      %add3A_1136 = arith.addi %mul3A_1134, %add3A_1135 : i32
      %get3A_1137 = arith.constant 0 : i32
      %get3A_1138 = tpu.memref_slice %arg6[%scan3A_82, %get3A_1137] : memref<2x8192xf32, #tpu.memory_space<vmem>> -> memref<1x8192xf32, #tpu.memory_space<vmem>>
      %get3A_1139 = tpu.memref_squeeze %get3A_1138 : memref<1x8192xf32, #tpu.memory_space<vmem>> -> memref<8192xf32, #tpu.memory_space<vmem>>
      %get3A_1140 = arith.index_cast %add3A_1136 : i32 to index
      %get3A_1141 = tpu.vector_load %get3A_1139[%get3A_1140] {strides = array<i32>} : memref<8192xf32, #tpu.memory_space<vmem>>, vector<16xf32>,
      %mul3A_1142 = arith.constant 64 : i32
      %mul3A_1143 = arith.muli %add3A_1123, %mul3A_1142 : i32
      %add3A_1144 = arith.constant 32 : i32
      %add3A_1145 = arith.addi %mul3A_1143, %add3A_1144 : i32
      %get3A_1146 = arith.constant 0 : i32
      %get3A_1147 = tpu.memref_slice %arg6[%scan3A_82, %get3A_1146] : memref<2x8192xf32, #tpu.memory_space<vmem>> -> memref<1x8192xf32, #tpu.memory_space<vmem>>
      %get3A_1148 = tpu.memref_squeeze %get3A_1147 : memref<1x8192xf32, #tpu.memory_space<vmem>> -> memref<8192xf32, #tpu.memory_space<vmem>>
      %get3A_1149 = arith.index_cast %add3A_1145 : i32 to index
      %get3A_1150 = tpu.vector_load %get3A_1148[%get3A_1149] {strides = array<i32>} : memref<8192xf32, #tpu.memory_space<vmem>>, vector<16xf32>,
      %mul3A_1151 = arith.constant 64 : i32
      %mul3A_1152 = arith.muli %add3A_1123, %mul3A_1151 : i32
      %add3A_1153 = arith.constant 48 : i32
      %add3A_1154 = arith.addi %mul3A_1152, %add3A_1153 : i32
      %get3A_1155 = arith.constant 0 : i32
      %get3A_1156 = tpu.memref_slice %arg6[%scan3A_82, %get3A_1155] : memref<2x8192xf32, #tpu.memory_space<vmem>> -> memref<1x8192xf32, #tpu.memory_space<vmem>>
      %get3A_1157 = tpu.memref_squeeze %get3A_1156 : memref<1x8192xf32, #tpu.memory_space<vmem>> -> memref<8192xf32, #tpu.memory_space<vmem>>
      %get3A_1158 = arith.index_cast %add3A_1154 : i32 to index
      %get3A_1159 = tpu.vector_load %get3A_1157[%get3A_1158] {strides = array<i32>} : memref<8192xf32, #tpu.memory_space<vmem>>, vector<16xf32>,
      %mul3A_1160 = arith.mulf %get3A_1132, %get3A_30 : vector<16xf32>
      %mul3A_1161 = arith.mulf %get3A_1132, %get3A_38 : vector<16xf32>
      %mul3A_1162 = arith.mulf %get3A_1141, %get3A_32 : vector<16xf32>
      %add3A_1163 = arith.addf %mul3A_1160, %mul3A_1162 : vector<16xf32>
      %mul3A_1164 = arith.mulf %get3A_1141, %get3A_40 : vector<16xf32>
      %add3A_1165 = arith.addf %mul3A_1161, %mul3A_1164 : vector<16xf32>
      %mul3A_1166 = arith.mulf %get3A_1150, %get3A_34 : vector<16xf32>
      %add3A_1167 = arith.addf %add3A_1163, %mul3A_1166 : vector<16xf32>
      %mul3A_1168 = arith.mulf %get3A_1150, %get3A_42 : vector<16xf32>
      %add3A_1169 = arith.addf %add3A_1165, %mul3A_1168 : vector<16xf32>
      %mul3A_1170 = arith.mulf %get3A_1159, %get3A_36 : vector<16xf32>
      %add3A_1171 = arith.addf %add3A_1167, %mul3A_1170 : vector<16xf32>
      %mul3A_1172 = arith.mulf %get3A_1159, %get3A_44 : vector<16xf32>
      %add3A_1173 = arith.addf %add3A_1169, %mul3A_1172 : vector<16xf32>
      %broadcast_in_dim3A_1174 = arith.constant true
      %broadcast_in_dim3A_1175 = vector.broadcast %broadcast_in_dim3A_1174 : i1 to vector<16xi1>
      %masked_cumsum3A_1176 = tpu.scan <sum>, %add3A_1171 masked %broadcast_in_dim3A_1175 : vector<16xf32>, vector<16xi1> -> vector<16xf32>
      %broadcast_in_dim3A_1177 = arith.constant true
      %broadcast_in_dim3A_1178 = vector.broadcast %broadcast_in_dim3A_1177 : i1 to vector<16xi1>
      %masked_cumsum3A_1179 = tpu.scan <sum>, %add3A_1173 masked %broadcast_in_dim3A_1178 : vector<16xf32>, vector<16xi1> -> vector<16xf32>
      %add3A_1180 = arith.constant 128 : i32
      %add3A_1181 = arith.addi %add3A_1180, %add3A_1123 : i32
      %mul3A_1182 = arith.constant 2 : i32
      %mul3A_1183 = arith.muli %add3A_1181, %mul3A_1182 : i32
      %broadcast_in_dim3A_1184 = vector.broadcast %mul3A_1183 : i32 to vector<16xi32>
      tpu.vector_store_idx %arg9[%broadcast_in_dim3A_1184], %masked_cumsum3A_1176 masked %eq3A_46 : memref<1024xf32, #tpu.memory_space<vmem>>[vector<16xi32>], vector<16xf32>, vector<16xi1>
      %add3A_1185 = arith.constant 1 : i32
      %add3A_1186 = vector.broadcast %add3A_1185 : i32 to vector<16xi32>
      %add3A_1187 = arith.addi %broadcast_in_dim3A_1184, %add3A_1186 : vector<16xi32>
      tpu.vector_store_idx %arg9[%add3A_1187], %masked_cumsum3A_1179 masked %eq3A_46 : memref<1024xf32, #tpu.memory_space<vmem>>[vector<16xi32>], vector<16xf32>, vector<16xi1>
    }
    %scan3A_87 = arith.constant 8 : i32
    %add3A_88 = arith.constant 24576 : i32
    %add3A_89 = arith.addi %mul3A_4, %add3A_88 : i32
    %dma_start3A_90 = arith.constant 1 : i32
    %dma_start3A_91 = arith.constant 0 : i32
    %dma_start3A_92 = tpu.memref_slice %arg6[%dma_start3A_90, %dma_start3A_91] : memref<2x8192xf32, #tpu.memory_space<vmem>> -> memref<1x8192xf32, #tpu.memory_space<vmem>>
    %dma_start3A_93 = tpu.memref_squeeze %dma_start3A_92 : memref<1x8192xf32, #tpu.memory_space<vmem>> -> memref<8192xf32, #tpu.memory_space<vmem>>
    %dma_start3A_94 = tpu.memref_slice %arg2[%add3A_89] : memref<1048576xf32, #tpu.memory_space<hbm>> -> memref<8192xf32, #tpu.memory_space<hbm>>
    %dma_start3A_95 = arith.constant 0 : i32
    %dma_start3A_96 = tpu.memref_slice %arg6[%dma_start3A_90, %dma_start3A_95] : memref<2x8192xf32, #tpu.memory_space<vmem>> -> memref<1x8192xf32, #tpu.memory_space<vmem>>
    %dma_start3A_97 = tpu.memref_squeeze %dma_start3A_96 : memref<1x8192xf32, #tpu.memory_space<vmem>> -> memref<8192xf32, #tpu.memory_space<vmem>>
    %dma_start3A_98 = tpu.memref_slice %arg2[%add3A_89] : memref<1048576xf32, #tpu.memory_space<hbm>> -> memref<8192xf32, #tpu.memory_space<hbm>>
    tpu.enqueue_dma source(%dma_start3A_98 : memref<8192xf32, #tpu.memory_space<hbm>>) target(%dma_start3A_97 : memref<8192xf32, #tpu.memory_space<vmem>>) target_semaphore(%arg11 : memref<!tpu.dma_semaphore, #tpu.memory_space<semaphore_mem>>)
    %dma_wait3A_99 = arith.constant 0 : i32
    %dma_wait3A_100 = arith.constant 0 : i32
    %dma_wait3A_101 = tpu.memref_slice %arg6[%dma_wait3A_99, %dma_wait3A_100] : memref<2x8192xf32, #tpu.memory_space<vmem>> -> memref<1x8192xf32, #tpu.memory_space<vmem>>
    %dma_wait3A_102 = tpu.memref_squeeze %dma_wait3A_101 : memref<1x8192xf32, #tpu.memory_space<vmem>> -> memref<8192xf32, #tpu.memory_space<vmem>>
    %dma_wait3A_103 = tpu.memref_slice %arg2[%add3A_62] : memref<1048576xf32, #tpu.memory_space<hbm>> -> memref<8192xf32, #tpu.memory_space<hbm>>
    %dma_wait3A_104 = arith.constant 0 : i32
    %dma_wait3A_105 = tpu.memref_slice %arg6[%dma_wait3A_99, %dma_wait3A_104] : memref<2x8192xf32, #tpu.memory_space<vmem>> -> memref<1x8192xf32, #tpu.memory_space<vmem>>
    %dma_wait3A_106 = tpu.memref_squeeze %dma_wait3A_105 : memref<1x8192xf32, #tpu.memory_space<vmem>> -> memref<8192xf32, #tpu.memory_space<vmem>>
    %dma_wait3A_107 = tpu.memref_slice %arg2[%add3A_62] : memref<1048576xf32, #tpu.memory_space<hbm>> -> memref<8192xf32, #tpu.memory_space<hbm>>
    tpu.wait_dma2 semaphore(%arg10 : memref<!tpu.dma_semaphore, #tpu.memory_space<semaphore_mem>>) src(%dma_wait3A_107 : memref<8192xf32, #tpu.memory_space<hbm>>) dst(%dma_wait3A_106 : memref<8192xf32, #tpu.memory_space<vmem>>)
    %scan3A_108 = arith.constant 0 : i32
    %scan3A_109 = arith.constant 0 : i32
    %scan3A_110 = arith.constant 0 : i32
    %scan3A_111 = arith.constant 8 : i32
    %scan3A_112 = arith.addi %scan3A_110, %scan3A_111 : i32
    %scan3A_113 = arith.constant 1 : i32
    scf.for %scan3A_131 = %scan3A_110 to %scan3A_112 step %scan3A_113  : i32 {
      %mul3A_132 = arith.constant 16 : i32
      %mul3A_133 = arith.muli %scan3A_131, %mul3A_132 : i32
      %add3A_134 = arith.constant 0 : i32
      %add3A_135 = arith.addi %mul3A_133, %add3A_134 : i32
      %mul3A_136 = arith.constant 64 : i32
      %mul3A_137 = arith.muli %add3A_135, %mul3A_136 : i32
      %add3A_138 = arith.constant 0 : i32
      %add3A_139 = arith.addi %mul3A_137, %add3A_138 : i32
      %get3A_140 = arith.constant 0 : i32
      %get3A_141 = tpu.memref_slice %arg6[%scan3A_109, %get3A_140] : memref<2x8192xf32, #tpu.memory_space<vmem>> -> memref<1x8192xf32, #tpu.memory_space<vmem>>
      %get3A_142 = tpu.memref_squeeze %get3A_141 : memref<1x8192xf32, #tpu.memory_space<vmem>> -> memref<8192xf32, #tpu.memory_space<vmem>>
      %get3A_143 = arith.index_cast %add3A_139 : i32 to index
      %get3A_144 = tpu.vector_load %get3A_142[%get3A_143] {strides = array<i32>} : memref<8192xf32, #tpu.memory_space<vmem>>, vector<16xf32>,
      %mul3A_145 = arith.constant 64 : i32
      %mul3A_146 = arith.muli %add3A_135, %mul3A_145 : i32
      %add3A_147 = arith.constant 16 : i32
      %add3A_148 = arith.addi %mul3A_146, %add3A_147 : i32
      %get3A_149 = arith.constant 0 : i32
      %get3A_150 = tpu.memref_slice %arg6[%scan3A_109, %get3A_149] : memref<2x8192xf32, #tpu.memory_space<vmem>> -> memref<1x8192xf32, #tpu.memory_space<vmem>>
      %get3A_151 = tpu.memref_squeeze %get3A_150 : memref<1x8192xf32, #tpu.memory_space<vmem>> -> memref<8192xf32, #tpu.memory_space<vmem>>
      %get3A_152 = arith.index_cast %add3A_148 : i32 to index
      %get3A_153 = tpu.vector_load %get3A_151[%get3A_152] {strides = array<i32>} : memref<8192xf32, #tpu.memory_space<vmem>>, vector<16xf32>,
      %mul3A_154 = arith.constant 64 : i32
      %mul3A_155 = arith.muli %add3A_135, %mul3A_154 : i32
      %add3A_156 = arith.constant 32 : i32
      %add3A_157 = arith.addi %mul3A_155, %add3A_156 : i32
      %get3A_158 = arith.constant 0 : i32
      %get3A_159 = tpu.memref_slice %arg6[%scan3A_109, %get3A_158] : memref<2x8192xf32, #tpu.memory_space<vmem>> -> memref<1x8192xf32, #tpu.memory_space<vmem>>
      %get3A_160 = tpu.memref_squeeze %get3A_159 : memref<1x8192xf32, #tpu.memory_space<vmem>> -> memref<8192xf32, #tpu.memory_space<vmem>>
      %get3A_161 = arith.index_cast %add3A_157 : i32 to index
      %get3A_162 = tpu.vector_load %get3A_160[%get3A_161] {strides = array<i32>} : memref<8192xf32, #tpu.memory_space<vmem>>, vector<16xf32>,
      %mul3A_163 = arith.constant 64 : i32
      %mul3A_164 = arith.muli %add3A_135, %mul3A_163 : i32
      %add3A_165 = arith.constant 48 : i32
      %add3A_166 = arith.addi %mul3A_164, %add3A_165 : i32
      %get3A_167 = arith.constant 0 : i32
      %get3A_168 = tpu.memref_slice %arg6[%scan3A_109, %get3A_167] : memref<2x8192xf32, #tpu.memory_space<vmem>> -> memref<1x8192xf32, #tpu.memory_space<vmem>>
      %get3A_169 = tpu.memref_squeeze %get3A_168 : memref<1x8192xf32, #tpu.memory_space<vmem>> -> memref<8192xf32, #tpu.memory_space<vmem>>
      %get3A_170 = arith.index_cast %add3A_166 : i32 to index
      %get3A_171 = tpu.vector_load %get3A_169[%get3A_170] {strides = array<i32>} : memref<8192xf32, #tpu.memory_space<vmem>>, vector<16xf32>,
      %mul3A_172 = arith.mulf %get3A_144, %get3A_30 : vector<16xf32>
      %mul3A_173 = arith.mulf %get3A_144, %get3A_38 : vector<16xf32>
      %mul3A_174 = arith.mulf %get3A_153, %get3A_32 : vector<16xf32>
      %add3A_175 = arith.addf %mul3A_172, %mul3A_174 : vector<16xf32>
      %mul3A_176 = arith.mulf %get3A_153, %get3A_40 : vector<16xf32>
      %add3A_177 = arith.addf %mul3A_173, %mul3A_176 : vector<16xf32>
      %mul3A_178 = arith.mulf %get3A_162, %get3A_34 : vector<16xf32>
      %add3A_179 = arith.addf %add3A_175, %mul3A_178 : vector<16xf32>
      %mul3A_180 = arith.mulf %get3A_162, %get3A_42 : vector<16xf32>
      %add3A_181 = arith.addf %add3A_177, %mul3A_180 : vector<16xf32>
      %mul3A_182 = arith.mulf %get3A_171, %get3A_36 : vector<16xf32>
      %add3A_183 = arith.addf %add3A_179, %mul3A_182 : vector<16xf32>
      %mul3A_184 = arith.mulf %get3A_171, %get3A_44 : vector<16xf32>
      %add3A_185 = arith.addf %add3A_181, %mul3A_184 : vector<16xf32>
      %broadcast_in_dim3A = arith.constant true
      %broadcast_in_dim3A_186 = vector.broadcast %broadcast_in_dim3A : i1 to vector<16xi1>
      %masked_cumsum3A = tpu.scan <sum>, %add3A_183 masked %broadcast_in_dim3A_186 : vector<16xf32>, vector<16xi1> -> vector<16xf32>
      %broadcast_in_dim3A_187 = arith.constant true
      %broadcast_in_dim3A_188 = vector.broadcast %broadcast_in_dim3A_187 : i1 to vector<16xi1>
      %masked_cumsum3A_189 = tpu.scan <sum>, %add3A_185 masked %broadcast_in_dim3A_188 : vector<16xf32>, vector<16xi1> -> vector<16xf32>
      %add3A_190 = arith.constant 256 : i32
      %add3A_191 = arith.addi %add3A_190, %add3A_135 : i32
      %mul3A_192 = arith.constant 2 : i32
      %mul3A_193 = arith.muli %add3A_191, %mul3A_192 : i32
      %broadcast_in_dim3A_194 = vector.broadcast %mul3A_193 : i32 to vector<16xi32>
      tpu.vector_store_idx %arg9[%broadcast_in_dim3A_194], %masked_cumsum3A masked %eq3A_46 : memref<1024xf32, #tpu.memory_space<vmem>>[vector<16xi32>], vector<16xf32>, vector<16xi1>
      %add3A_195 = arith.constant 1 : i32
      %add3A_196 = vector.broadcast %add3A_195 : i32 to vector<16xi32>
      %add3A_197 = arith.addi %broadcast_in_dim3A_194, %add3A_196 : vector<16xi32>
      tpu.vector_store_idx %arg9[%add3A_197], %masked_cumsum3A_189 masked %eq3A_46 : memref<1024xf32, #tpu.memory_space<vmem>>[vector<16xi32>], vector<16xf32>, vector<16xi1>
      %add3A_198 = arith.constant 1 : i32
      %add3A_199 = arith.addi %mul3A_133, %add3A_198 : i32
      %mul3A_200 = arith.constant 64 : i32
      %mul3A_201 = arith.muli %add3A_199, %mul3A_200 : i32
      %add3A_202 = arith.constant 0 : i32
      %add3A_203 = arith.addi %mul3A_201, %add3A_202 : i32
      %get3A_204 = arith.constant 0 : i32
      %get3A_205 = tpu.memref_slice %arg6[%scan3A_109, %get3A_204] : memref<2x8192xf32, #tpu.memory_space<vmem>> -> memref<1x8192xf32, #tpu.memory_space<vmem>>
      %get3A_206 = tpu.memref_squeeze %get3A_205 : memref<1x8192xf32, #tpu.memory_space<vmem>> -> memref<8192xf32, #tpu.memory_space<vmem>>
      %get3A_207 = arith.index_cast %add3A_203 : i32 to index
      %get3A_208 = tpu.vector_load %get3A_206[%get3A_207] {strides = array<i32>} : memref<8192xf32, #tpu.memory_space<vmem>>, vector<16xf32>,
      %mul3A_209 = arith.constant 64 : i32
      %mul3A_210 = arith.muli %add3A_199, %mul3A_209 : i32
      %add3A_211 = arith.constant 16 : i32
      %add3A_212 = arith.addi %mul3A_210, %add3A_211 : i32
      %get3A_213 = arith.constant 0 : i32
      %get3A_214 = tpu.memref_slice %arg6[%scan3A_109, %get3A_213] : memref<2x8192xf32, #tpu.memory_space<vmem>> -> memref<1x8192xf32, #tpu.memory_space<vmem>>
      %get3A_215 = tpu.memref_squeeze %get3A_214 : memref<1x8192xf32, #tpu.memory_space<vmem>> -> memref<8192xf32, #tpu.memory_space<vmem>>
      %get3A_216 = arith.index_cast %add3A_212 : i32 to index
      %get3A_217 = tpu.vector_load %get3A_215[%get3A_216] {strides = array<i32>} : memref<8192xf32, #tpu.memory_space<vmem>>, vector<16xf32>,
      %mul3A_218 = arith.constant 64 : i32
      %mul3A_219 = arith.muli %add3A_199, %mul3A_218 : i32
      %add3A_220 = arith.constant 32 : i32
      %add3A_221 = arith.addi %mul3A_219, %add3A_220 : i32
      %get3A_222 = arith.constant 0 : i32
      %get3A_223 = tpu.memref_slice %arg6[%scan3A_109, %get3A_222] : memref<2x8192xf32, #tpu.memory_space<vmem>> -> memref<1x8192xf32, #tpu.memory_space<vmem>>
      %get3A_224 = tpu.memref_squeeze %get3A_223 : memref<1x8192xf32, #tpu.memory_space<vmem>> -> memref<8192xf32, #tpu.memory_space<vmem>>
      %get3A_225 = arith.index_cast %add3A_221 : i32 to index
      %get3A_226 = tpu.vector_load %get3A_224[%get3A_225] {strides = array<i32>} : memref<8192xf32, #tpu.memory_space<vmem>>, vector<16xf32>,
      %mul3A_227 = arith.constant 64 : i32
      %mul3A_228 = arith.muli %add3A_199, %mul3A_227 : i32
      %add3A_229 = arith.constant 48 : i32
      %add3A_230 = arith.addi %mul3A_228, %add3A_229 : i32
      %get3A_231 = arith.constant 0 : i32
      %get3A_232 = tpu.memref_slice %arg6[%scan3A_109, %get3A_231] : memref<2x8192xf32, #tpu.memory_space<vmem>> -> memref<1x8192xf32, #tpu.memory_space<vmem>>
      %get3A_233 = tpu.memref_squeeze %get3A_232 : memref<1x8192xf32, #tpu.memory_space<vmem>> -> memref<8192xf32, #tpu.memory_space<vmem>>
      %get3A_234 = arith.index_cast %add3A_230 : i32 to index
      %get3A_235 = tpu.vector_load %get3A_233[%get3A_234] {strides = array<i32>} : memref<8192xf32, #tpu.memory_space<vmem>>, vector<16xf32>,
      %mul3A_236 = arith.mulf %get3A_208, %get3A_30 : vector<16xf32>
      %mul3A_237 = arith.mulf %get3A_208, %get3A_38 : vector<16xf32>
      %mul3A_238 = arith.mulf %get3A_217, %get3A_32 : vector<16xf32>
      %add3A_239 = arith.addf %mul3A_236, %mul3A_238 : vector<16xf32>
      %mul3A_240 = arith.mulf %get3A_217, %get3A_40 : vector<16xf32>
      %add3A_241 = arith.addf %mul3A_237, %mul3A_240 : vector<16xf32>
      %mul3A_242 = arith.mulf %get3A_226, %get3A_34 : vector<16xf32>
      %add3A_243 = arith.addf %add3A_239, %mul3A_242 : vector<16xf32>
      %mul3A_244 = arith.mulf %get3A_226, %get3A_42 : vector<16xf32>
      %add3A_245 = arith.addf %add3A_241, %mul3A_244 : vector<16xf32>
      %mul3A_246 = arith.mulf %get3A_235, %get3A_36 : vector<16xf32>
      %add3A_247 = arith.addf %add3A_243, %mul3A_246 : vector<16xf32>
      %mul3A_248 = arith.mulf %get3A_235, %get3A_44 : vector<16xf32>
      %add3A_249 = arith.addf %add3A_245, %mul3A_248 : vector<16xf32>
      %broadcast_in_dim3A_250 = arith.constant true
      %broadcast_in_dim3A_251 = vector.broadcast %broadcast_in_dim3A_250 : i1 to vector<16xi1>
      %masked_cumsum3A_252 = tpu.scan <sum>, %add3A_247 masked %broadcast_in_dim3A_251 : vector<16xf32>, vector<16xi1> -> vector<16xf32>
      %broadcast_in_dim3A_253 = arith.constant true
      %broadcast_in_dim3A_254 = vector.broadcast %broadcast_in_dim3A_253 : i1 to vector<16xi1>
      %masked_cumsum3A_255 = tpu.scan <sum>, %add3A_249 masked %broadcast_in_dim3A_254 : vector<16xf32>, vector<16xi1> -> vector<16xf32>
      %add3A_256 = arith.constant 256 : i32
      %add3A_257 = arith.addi %add3A_256, %add3A_199 : i32
      %mul3A_258 = arith.constant 2 : i32
      %mul3A_259 = arith.muli %add3A_257, %mul3A_258 : i32
      %broadcast_in_dim3A_260 = vector.broadcast %mul3A_259 : i32 to vector<16xi32>
      tpu.vector_store_idx %arg9[%broadcast_in_dim3A_260], %masked_cumsum3A_252 masked %eq3A_46 : memref<1024xf32, #tpu.memory_space<vmem>>[vector<16xi32>], vector<16xf32>, vector<16xi1>
      %add3A_261 = arith.constant 1 : i32
      %add3A_262 = vector.broadcast %add3A_261 : i32 to vector<16xi32>
      %add3A_263 = arith.addi %broadcast_in_dim3A_260, %add3A_262 : vector<16xi32>
      tpu.vector_store_idx %arg9[%add3A_263], %masked_cumsum3A_255 masked %eq3A_46 : memref<1024xf32, #tpu.memory_space<vmem>>[vector<16xi32>], vector<16xf32>, vector<16xi1>
      %add3A_264 = arith.constant 2 : i32
      %add3A_265 = arith.addi %mul3A_133, %add3A_264 : i32
      %mul3A_266 = arith.constant 64 : i32
      %mul3A_267 = arith.muli %add3A_265, %mul3A_266 : i32
      %add3A_268 = arith.constant 0 : i32
      %add3A_269 = arith.addi %mul3A_267, %add3A_268 : i32
      %get3A_270 = arith.constant 0 : i32
      %get3A_271 = tpu.memref_slice %arg6[%scan3A_109, %get3A_270] : memref<2x8192xf32, #tpu.memory_space<vmem>> -> memref<1x8192xf32, #tpu.memory_space<vmem>>
      %get3A_272 = tpu.memref_squeeze %get3A_271 : memref<1x8192xf32, #tpu.memory_space<vmem>> -> memref<8192xf32, #tpu.memory_space<vmem>>
      %get3A_273 = arith.index_cast %add3A_269 : i32 to index
      %get3A_274 = tpu.vector_load %get3A_272[%get3A_273] {strides = array<i32>} : memref<8192xf32, #tpu.memory_space<vmem>>, vector<16xf32>,
      %mul3A_275 = arith.constant 64 : i32
      %mul3A_276 = arith.muli %add3A_265, %mul3A_275 : i32
      %add3A_277 = arith.constant 16 : i32
      %add3A_278 = arith.addi %mul3A_276, %add3A_277 : i32
      %get3A_279 = arith.constant 0 : i32
      %get3A_280 = tpu.memref_slice %arg6[%scan3A_109, %get3A_279] : memref<2x8192xf32, #tpu.memory_space<vmem>> -> memref<1x8192xf32, #tpu.memory_space<vmem>>
      %get3A_281 = tpu.memref_squeeze %get3A_280 : memref<1x8192xf32, #tpu.memory_space<vmem>> -> memref<8192xf32, #tpu.memory_space<vmem>>
      %get3A_282 = arith.index_cast %add3A_278 : i32 to index
      %get3A_283 = tpu.vector_load %get3A_281[%get3A_282] {strides = array<i32>} : memref<8192xf32, #tpu.memory_space<vmem>>, vector<16xf32>,
      %mul3A_284 = arith.constant 64 : i32
      %mul3A_285 = arith.muli %add3A_265, %mul3A_284 : i32
      %add3A_286 = arith.constant 32 : i32
      %add3A_287 = arith.addi %mul3A_285, %add3A_286 : i32
      %get3A_288 = arith.constant 0 : i32
      %get3A_289 = tpu.memref_slice %arg6[%scan3A_109, %get3A_288] : memref<2x8192xf32, #tpu.memory_space<vmem>> -> memref<1x8192xf32, #tpu.memory_space<vmem>>
      %get3A_290 = tpu.memref_squeeze %get3A_289 : memref<1x8192xf32, #tpu.memory_space<vmem>> -> memref<8192xf32, #tpu.memory_space<vmem>>
      %get3A_291 = arith.index_cast %add3A_287 : i32 to index
      %get3A_292 = tpu.vector_load %get3A_290[%get3A_291] {strides = array<i32>} : memref<8192xf32, #tpu.memory_space<vmem>>, vector<16xf32>,
      %mul3A_293 = arith.constant 64 : i32
      %mul3A_294 = arith.muli %add3A_265, %mul3A_293 : i32
      %add3A_295 = arith.constant 48 : i32
      %add3A_296 = arith.addi %mul3A_294, %add3A_295 : i32
      %get3A_297 = arith.constant 0 : i32
      %get3A_298 = tpu.memref_slice %arg6[%scan3A_109, %get3A_297] : memref<2x8192xf32, #tpu.memory_space<vmem>> -> memref<1x8192xf32, #tpu.memory_space<vmem>>
      %get3A_299 = tpu.memref_squeeze %get3A_298 : memref<1x8192xf32, #tpu.memory_space<vmem>> -> memref<8192xf32, #tpu.memory_space<vmem>>
      %get3A_300 = arith.index_cast %add3A_296 : i32 to index
      %get3A_301 = tpu.vector_load %get3A_299[%get3A_300] {strides = array<i32>} : memref<8192xf32, #tpu.memory_space<vmem>>, vector<16xf32>,
      %mul3A_302 = arith.mulf %get3A_274, %get3A_30 : vector<16xf32>
      %mul3A_303 = arith.mulf %get3A_274, %get3A_38 : vector<16xf32>
      %mul3A_304 = arith.mulf %get3A_283, %get3A_32 : vector<16xf32>
      %add3A_305 = arith.addf %mul3A_302, %mul3A_304 : vector<16xf32>
      %mul3A_306 = arith.mulf %get3A_283, %get3A_40 : vector<16xf32>
      %add3A_307 = arith.addf %mul3A_303, %mul3A_306 : vector<16xf32>
      %mul3A_308 = arith.mulf %get3A_292, %get3A_34 : vector<16xf32>
      %add3A_309 = arith.addf %add3A_305, %mul3A_308 : vector<16xf32>
      %mul3A_310 = arith.mulf %get3A_292, %get3A_42 : vector<16xf32>
      %add3A_311 = arith.addf %add3A_307, %mul3A_310 : vector<16xf32>
      %mul3A_312 = arith.mulf %get3A_301, %get3A_36 : vector<16xf32>
      %add3A_313 = arith.addf %add3A_309, %mul3A_312 : vector<16xf32>
      %mul3A_314 = arith.mulf %get3A_301, %get3A_44 : vector<16xf32>
      %add3A_315 = arith.addf %add3A_311, %mul3A_314 : vector<16xf32>
      %broadcast_in_dim3A_316 = arith.constant true
      %broadcast_in_dim3A_317 = vector.broadcast %broadcast_in_dim3A_316 : i1 to vector<16xi1>
      %masked_cumsum3A_318 = tpu.scan <sum>, %add3A_313 masked %broadcast_in_dim3A_317 : vector<16xf32>, vector<16xi1> -> vector<16xf32>
      %broadcast_in_dim3A_319 = arith.constant true
      %broadcast_in_dim3A_320 = vector.broadcast %broadcast_in_dim3A_319 : i1 to vector<16xi1>
      %masked_cumsum3A_321 = tpu.scan <sum>, %add3A_315 masked %broadcast_in_dim3A_320 : vector<16xf32>, vector<16xi1> -> vector<16xf32>
      %add3A_322 = arith.constant 256 : i32
      %add3A_323 = arith.addi %add3A_322, %add3A_265 : i32
      %mul3A_324 = arith.constant 2 : i32
      %mul3A_325 = arith.muli %add3A_323, %mul3A_324 : i32
      %broadcast_in_dim3A_326 = vector.broadcast %mul3A_325 : i32 to vector<16xi32>
      tpu.vector_store_idx %arg9[%broadcast_in_dim3A_326], %masked_cumsum3A_318 masked %eq3A_46 : memref<1024xf32, #tpu.memory_space<vmem>>[vector<16xi32>], vector<16xf32>, vector<16xi1>
      %add3A_327 = arith.constant 1 : i32
      %add3A_328 = vector.broadcast %add3A_327 : i32 to vector<16xi32>
      %add3A_329 = arith.addi %broadcast_in_dim3A_326, %add3A_328 : vector<16xi32>
      tpu.vector_store_idx %arg9[%add3A_329], %masked_cumsum3A_321 masked %eq3A_46 : memref<1024xf32, #tpu.memory_space<vmem>>[vector<16xi32>], vector<16xf32>, vector<16xi1>
      %add3A_330 = arith.constant 3 : i32
      %add3A_331 = arith.addi %mul3A_133, %add3A_330 : i32
      %mul3A_332 = arith.constant 64 : i32
      %mul3A_333 = arith.muli %add3A_331, %mul3A_332 : i32
      %add3A_334 = arith.constant 0 : i32
      %add3A_335 = arith.addi %mul3A_333, %add3A_334 : i32
      %get3A_336 = arith.constant 0 : i32
      %get3A_337 = tpu.memref_slice %arg6[%scan3A_109, %get3A_336] : memref<2x8192xf32, #tpu.memory_space<vmem>> -> memref<1x8192xf32, #tpu.memory_space<vmem>>
      %get3A_338 = tpu.memref_squeeze %get3A_337 : memref<1x8192xf32, #tpu.memory_space<vmem>> -> memref<8192xf32, #tpu.memory_space<vmem>>
      %get3A_339 = arith.index_cast %add3A_335 : i32 to index
      %get3A_340 = tpu.vector_load %get3A_338[%get3A_339] {strides = array<i32>} : memref<8192xf32, #tpu.memory_space<vmem>>, vector<16xf32>,
      %mul3A_341 = arith.constant 64 : i32
      %mul3A_342 = arith.muli %add3A_331, %mul3A_341 : i32
      %add3A_343 = arith.constant 16 : i32
      %add3A_344 = arith.addi %mul3A_342, %add3A_343 : i32
      %get3A_345 = arith.constant 0 : i32
      %get3A_346 = tpu.memref_slice %arg6[%scan3A_109, %get3A_345] : memref<2x8192xf32, #tpu.memory_space<vmem>> -> memref<1x8192xf32, #tpu.memory_space<vmem>>
      %get3A_347 = tpu.memref_squeeze %get3A_346 : memref<1x8192xf32, #tpu.memory_space<vmem>> -> memref<8192xf32, #tpu.memory_space<vmem>>
      %get3A_348 = arith.index_cast %add3A_344 : i32 to index
      %get3A_349 = tpu.vector_load %get3A_347[%get3A_348] {strides = array<i32>} : memref<8192xf32, #tpu.memory_space<vmem>>, vector<16xf32>,
      %mul3A_350 = arith.constant 64 : i32
      %mul3A_351 = arith.muli %add3A_331, %mul3A_350 : i32
      %add3A_352 = arith.constant 32 : i32
      %add3A_353 = arith.addi %mul3A_351, %add3A_352 : i32
      %get3A_354 = arith.constant 0 : i32
      %get3A_355 = tpu.memref_slice %arg6[%scan3A_109, %get3A_354] : memref<2x8192xf32, #tpu.memory_space<vmem>> -> memref<1x8192xf32, #tpu.memory_space<vmem>>
      %get3A_356 = tpu.memref_squeeze %get3A_355 : memref<1x8192xf32, #tpu.memory_space<vmem>> -> memref<8192xf32, #tpu.memory_space<vmem>>
      %get3A_357 = arith.index_cast %add3A_353 : i32 to index
      %get3A_358 = tpu.vector_load %get3A_356[%get3A_357] {strides = array<i32>} : memref<8192xf32, #tpu.memory_space<vmem>>, vector<16xf32>,
      %mul3A_359 = arith.constant 64 : i32
      %mul3A_360 = arith.muli %add3A_331, %mul3A_359 : i32
      %add3A_361 = arith.constant 48 : i32
      %add3A_362 = arith.addi %mul3A_360, %add3A_361 : i32
      %get3A_363 = arith.constant 0 : i32
      %get3A_364 = tpu.memref_slice %arg6[%scan3A_109, %get3A_363] : memref<2x8192xf32, #tpu.memory_space<vmem>> -> memref<1x8192xf32, #tpu.memory_space<vmem>>
      %get3A_365 = tpu.memref_squeeze %get3A_364 : memref<1x8192xf32, #tpu.memory_space<vmem>> -> memref<8192xf32, #tpu.memory_space<vmem>>
      %get3A_366 = arith.index_cast %add3A_362 : i32 to index
      %get3A_367 = tpu.vector_load %get3A_365[%get3A_366] {strides = array<i32>} : memref<8192xf32, #tpu.memory_space<vmem>>, vector<16xf32>,
      %mul3A_368 = arith.mulf %get3A_340, %get3A_30 : vector<16xf32>
      %mul3A_369 = arith.mulf %get3A_340, %get3A_38 : vector<16xf32>
      %mul3A_370 = arith.mulf %get3A_349, %get3A_32 : vector<16xf32>
      %add3A_371 = arith.addf %mul3A_368, %mul3A_370 : vector<16xf32>
      %mul3A_372 = arith.mulf %get3A_349, %get3A_40 : vector<16xf32>
      %add3A_373 = arith.addf %mul3A_369, %mul3A_372 : vector<16xf32>
      %mul3A_374 = arith.mulf %get3A_358, %get3A_34 : vector<16xf32>
      %add3A_375 = arith.addf %add3A_371, %mul3A_374 : vector<16xf32>
      %mul3A_376 = arith.mulf %get3A_358, %get3A_42 : vector<16xf32>
      %add3A_377 = arith.addf %add3A_373, %mul3A_376 : vector<16xf32>
      %mul3A_378 = arith.mulf %get3A_367, %get3A_36 : vector<16xf32>
      %add3A_379 = arith.addf %add3A_375, %mul3A_378 : vector<16xf32>
      %mul3A_380 = arith.mulf %get3A_367, %get3A_44 : vector<16xf32>
      %add3A_381 = arith.addf %add3A_377, %mul3A_380 : vector<16xf32>
      %broadcast_in_dim3A_382 = arith.constant true
      %broadcast_in_dim3A_383 = vector.broadcast %broadcast_in_dim3A_382 : i1 to vector<16xi1>
      %masked_cumsum3A_384 = tpu.scan <sum>, %add3A_379 masked %broadcast_in_dim3A_383 : vector<16xf32>, vector<16xi1> -> vector<16xf32>
      %broadcast_in_dim3A_385 = arith.constant true
      %broadcast_in_dim3A_386 = vector.broadcast %broadcast_in_dim3A_385 : i1 to vector<16xi1>
      %masked_cumsum3A_387 = tpu.scan <sum>, %add3A_381 masked %broadcast_in_dim3A_386 : vector<16xf32>, vector<16xi1> -> vector<16xf32>
      %add3A_388 = arith.constant 256 : i32
      %add3A_389 = arith.addi %add3A_388, %add3A_331 : i32
      %mul3A_390 = arith.constant 2 : i32
      %mul3A_391 = arith.muli %add3A_389, %mul3A_390 : i32
      %broadcast_in_dim3A_392 = vector.broadcast %mul3A_391 : i32 to vector<16xi32>
      tpu.vector_store_idx %arg9[%broadcast_in_dim3A_392], %masked_cumsum3A_384 masked %eq3A_46 : memref<1024xf32, #tpu.memory_space<vmem>>[vector<16xi32>], vector<16xf32>, vector<16xi1>
      %add3A_393 = arith.constant 1 : i32
      %add3A_394 = vector.broadcast %add3A_393 : i32 to vector<16xi32>
      %add3A_395 = arith.addi %broadcast_in_dim3A_392, %add3A_394 : vector<16xi32>
      tpu.vector_store_idx %arg9[%add3A_395], %masked_cumsum3A_387 masked %eq3A_46 : memref<1024xf32, #tpu.memory_space<vmem>>[vector<16xi32>], vector<16xf32>, vector<16xi1>
      %add3A_396 = arith.constant 4 : i32
      %add3A_397 = arith.addi %mul3A_133, %add3A_396 : i32
      %mul3A_398 = arith.constant 64 : i32
      %mul3A_399 = arith.muli %add3A_397, %mul3A_398 : i32
      %add3A_400 = arith.constant 0 : i32
      %add3A_401 = arith.addi %mul3A_399, %add3A_400 : i32
      %get3A_402 = arith.constant 0 : i32
      %get3A_403 = tpu.memref_slice %arg6[%scan3A_109, %get3A_402] : memref<2x8192xf32, #tpu.memory_space<vmem>> -> memref<1x8192xf32, #tpu.memory_space<vmem>>
      %get3A_404 = tpu.memref_squeeze %get3A_403 : memref<1x8192xf32, #tpu.memory_space<vmem>> -> memref<8192xf32, #tpu.memory_space<vmem>>
      %get3A_405 = arith.index_cast %add3A_401 : i32 to index
      %get3A_406 = tpu.vector_load %get3A_404[%get3A_405] {strides = array<i32>} : memref<8192xf32, #tpu.memory_space<vmem>>, vector<16xf32>,
      %mul3A_407 = arith.constant 64 : i32
      %mul3A_408 = arith.muli %add3A_397, %mul3A_407 : i32
      %add3A_409 = arith.constant 16 : i32
      %add3A_410 = arith.addi %mul3A_408, %add3A_409 : i32
      %get3A_411 = arith.constant 0 : i32
      %get3A_412 = tpu.memref_slice %arg6[%scan3A_109, %get3A_411] : memref<2x8192xf32, #tpu.memory_space<vmem>> -> memref<1x8192xf32, #tpu.memory_space<vmem>>
      %get3A_413 = tpu.memref_squeeze %get3A_412 : memref<1x8192xf32, #tpu.memory_space<vmem>> -> memref<8192xf32, #tpu.memory_space<vmem>>
      %get3A_414 = arith.index_cast %add3A_410 : i32 to index
      %get3A_415 = tpu.vector_load %get3A_413[%get3A_414] {strides = array<i32>} : memref<8192xf32, #tpu.memory_space<vmem>>, vector<16xf32>,
      %mul3A_416 = arith.constant 64 : i32
      %mul3A_417 = arith.muli %add3A_397, %mul3A_416 : i32
      %add3A_418 = arith.constant 32 : i32
      %add3A_419 = arith.addi %mul3A_417, %add3A_418 : i32
      %get3A_420 = arith.constant 0 : i32
      %get3A_421 = tpu.memref_slice %arg6[%scan3A_109, %get3A_420] : memref<2x8192xf32, #tpu.memory_space<vmem>> -> memref<1x8192xf32, #tpu.memory_space<vmem>>
      %get3A_422 = tpu.memref_squeeze %get3A_421 : memref<1x8192xf32, #tpu.memory_space<vmem>> -> memref<8192xf32, #tpu.memory_space<vmem>>
      %get3A_423 = arith.index_cast %add3A_419 : i32 to index
      %get3A_424 = tpu.vector_load %get3A_422[%get3A_423] {strides = array<i32>} : memref<8192xf32, #tpu.memory_space<vmem>>, vector<16xf32>,
      %mul3A_425 = arith.constant 64 : i32
      %mul3A_426 = arith.muli %add3A_397, %mul3A_425 : i32
      %add3A_427 = arith.constant 48 : i32
      %add3A_428 = arith.addi %mul3A_426, %add3A_427 : i32
      %get3A_429 = arith.constant 0 : i32
      %get3A_430 = tpu.memref_slice %arg6[%scan3A_109, %get3A_429] : memref<2x8192xf32, #tpu.memory_space<vmem>> -> memref<1x8192xf32, #tpu.memory_space<vmem>>
      %get3A_431 = tpu.memref_squeeze %get3A_430 : memref<1x8192xf32, #tpu.memory_space<vmem>> -> memref<8192xf32, #tpu.memory_space<vmem>>
      %get3A_432 = arith.index_cast %add3A_428 : i32 to index
      %get3A_433 = tpu.vector_load %get3A_431[%get3A_432] {strides = array<i32>} : memref<8192xf32, #tpu.memory_space<vmem>>, vector<16xf32>,
      %mul3A_434 = arith.mulf %get3A_406, %get3A_30 : vector<16xf32>
      %mul3A_435 = arith.mulf %get3A_406, %get3A_38 : vector<16xf32>
      %mul3A_436 = arith.mulf %get3A_415, %get3A_32 : vector<16xf32>
      %add3A_437 = arith.addf %mul3A_434, %mul3A_436 : vector<16xf32>
      %mul3A_438 = arith.mulf %get3A_415, %get3A_40 : vector<16xf32>
      %add3A_439 = arith.addf %mul3A_435, %mul3A_438 : vector<16xf32>
      %mul3A_440 = arith.mulf %get3A_424, %get3A_34 : vector<16xf32>
      %add3A_441 = arith.addf %add3A_437, %mul3A_440 : vector<16xf32>
      %mul3A_442 = arith.mulf %get3A_424, %get3A_42 : vector<16xf32>
      %add3A_443 = arith.addf %add3A_439, %mul3A_442 : vector<16xf32>
      %mul3A_444 = arith.mulf %get3A_433, %get3A_36 : vector<16xf32>
      %add3A_445 = arith.addf %add3A_441, %mul3A_444 : vector<16xf32>
      %mul3A_446 = arith.mulf %get3A_433, %get3A_44 : vector<16xf32>
      %add3A_447 = arith.addf %add3A_443, %mul3A_446 : vector<16xf32>
      %broadcast_in_dim3A_448 = arith.constant true
      %broadcast_in_dim3A_449 = vector.broadcast %broadcast_in_dim3A_448 : i1 to vector<16xi1>
      %masked_cumsum3A_450 = tpu.scan <sum>, %add3A_445 masked %broadcast_in_dim3A_449 : vector<16xf32>, vector<16xi1> -> vector<16xf32>
      %broadcast_in_dim3A_451 = arith.constant true
      %broadcast_in_dim3A_452 = vector.broadcast %broadcast_in_dim3A_451 : i1 to vector<16xi1>
      %masked_cumsum3A_453 = tpu.scan <sum>, %add3A_447 masked %broadcast_in_dim3A_452 : vector<16xf32>, vector<16xi1> -> vector<16xf32>
      %add3A_454 = arith.constant 256 : i32
      %add3A_455 = arith.addi %add3A_454, %add3A_397 : i32
      %mul3A_456 = arith.constant 2 : i32
      %mul3A_457 = arith.muli %add3A_455, %mul3A_456 : i32
      %broadcast_in_dim3A_458 = vector.broadcast %mul3A_457 : i32 to vector<16xi32>
      tpu.vector_store_idx %arg9[%broadcast_in_dim3A_458], %masked_cumsum3A_450 masked %eq3A_46 : memref<1024xf32, #tpu.memory_space<vmem>>[vector<16xi32>], vector<16xf32>, vector<16xi1>
      %add3A_459 = arith.constant 1 : i32
      %add3A_460 = vector.broadcast %add3A_459 : i32 to vector<16xi32>
      %add3A_461 = arith.addi %broadcast_in_dim3A_458, %add3A_460 : vector<16xi32>
      tpu.vector_store_idx %arg9[%add3A_461], %masked_cumsum3A_453 masked %eq3A_46 : memref<1024xf32, #tpu.memory_space<vmem>>[vector<16xi32>], vector<16xf32>, vector<16xi1>
      %add3A_462 = arith.constant 5 : i32
      %add3A_463 = arith.addi %mul3A_133, %add3A_462 : i32
      %mul3A_464 = arith.constant 64 : i32
      %mul3A_465 = arith.muli %add3A_463, %mul3A_464 : i32
      %add3A_466 = arith.constant 0 : i32
      %add3A_467 = arith.addi %mul3A_465, %add3A_466 : i32
      %get3A_468 = arith.constant 0 : i32
      %get3A_469 = tpu.memref_slice %arg6[%scan3A_109, %get3A_468] : memref<2x8192xf32, #tpu.memory_space<vmem>> -> memref<1x8192xf32, #tpu.memory_space<vmem>>
      %get3A_470 = tpu.memref_squeeze %get3A_469 : memref<1x8192xf32, #tpu.memory_space<vmem>> -> memref<8192xf32, #tpu.memory_space<vmem>>
      %get3A_471 = arith.index_cast %add3A_467 : i32 to index
      %get3A_472 = tpu.vector_load %get3A_470[%get3A_471] {strides = array<i32>} : memref<8192xf32, #tpu.memory_space<vmem>>, vector<16xf32>,
      %mul3A_473 = arith.constant 64 : i32
      %mul3A_474 = arith.muli %add3A_463, %mul3A_473 : i32
      %add3A_475 = arith.constant 16 : i32
      %add3A_476 = arith.addi %mul3A_474, %add3A_475 : i32
      %get3A_477 = arith.constant 0 : i32
      %get3A_478 = tpu.memref_slice %arg6[%scan3A_109, %get3A_477] : memref<2x8192xf32, #tpu.memory_space<vmem>> -> memref<1x8192xf32, #tpu.memory_space<vmem>>
      %get3A_479 = tpu.memref_squeeze %get3A_478 : memref<1x8192xf32, #tpu.memory_space<vmem>> -> memref<8192xf32, #tpu.memory_space<vmem>>
      %get3A_480 = arith.index_cast %add3A_476 : i32 to index
      %get3A_481 = tpu.vector_load %get3A_479[%get3A_480] {strides = array<i32>} : memref<8192xf32, #tpu.memory_space<vmem>>, vector<16xf32>,
      %mul3A_482 = arith.constant 64 : i32
      %mul3A_483 = arith.muli %add3A_463, %mul3A_482 : i32
      %add3A_484 = arith.constant 32 : i32
      %add3A_485 = arith.addi %mul3A_483, %add3A_484 : i32
      %get3A_486 = arith.constant 0 : i32
      %get3A_487 = tpu.memref_slice %arg6[%scan3A_109, %get3A_486] : memref<2x8192xf32, #tpu.memory_space<vmem>> -> memref<1x8192xf32, #tpu.memory_space<vmem>>
      %get3A_488 = tpu.memref_squeeze %get3A_487 : memref<1x8192xf32, #tpu.memory_space<vmem>> -> memref<8192xf32, #tpu.memory_space<vmem>>
      %get3A_489 = arith.index_cast %add3A_485 : i32 to index
      %get3A_490 = tpu.vector_load %get3A_488[%get3A_489] {strides = array<i32>} : memref<8192xf32, #tpu.memory_space<vmem>>, vector<16xf32>,
      %mul3A_491 = arith.constant 64 : i32
      %mul3A_492 = arith.muli %add3A_463, %mul3A_491 : i32
      %add3A_493 = arith.constant 48 : i32
      %add3A_494 = arith.addi %mul3A_492, %add3A_493 : i32
      %get3A_495 = arith.constant 0 : i32
      %get3A_496 = tpu.memref_slice %arg6[%scan3A_109, %get3A_495] : memref<2x8192xf32, #tpu.memory_space<vmem>> -> memref<1x8192xf32, #tpu.memory_space<vmem>>
      %get3A_497 = tpu.memref_squeeze %get3A_496 : memref<1x8192xf32, #tpu.memory_space<vmem>> -> memref<8192xf32, #tpu.memory_space<vmem>>
      %get3A_498 = arith.index_cast %add3A_494 : i32 to index
      %get3A_499 = tpu.vector_load %get3A_497[%get3A_498] {strides = array<i32>} : memref<8192xf32, #tpu.memory_space<vmem>>, vector<16xf32>,
      %mul3A_500 = arith.mulf %get3A_472, %get3A_30 : vector<16xf32>
      %mul3A_501 = arith.mulf %get3A_472, %get3A_38 : vector<16xf32>
      %mul3A_502 = arith.mulf %get3A_481, %get3A_32 : vector<16xf32>
      %add3A_503 = arith.addf %mul3A_500, %mul3A_502 : vector<16xf32>
      %mul3A_504 = arith.mulf %get3A_481, %get3A_40 : vector<16xf32>
      %add3A_505 = arith.addf %mul3A_501, %mul3A_504 : vector<16xf32>
      %mul3A_506 = arith.mulf %get3A_490, %get3A_34 : vector<16xf32>
      %add3A_507 = arith.addf %add3A_503, %mul3A_506 : vector<16xf32>
      %mul3A_508 = arith.mulf %get3A_490, %get3A_42 : vector<16xf32>
      %add3A_509 = arith.addf %add3A_505, %mul3A_508 : vector<16xf32>
      %mul3A_510 = arith.mulf %get3A_499, %get3A_36 : vector<16xf32>
      %add3A_511 = arith.addf %add3A_507, %mul3A_510 : vector<16xf32>
      %mul3A_512 = arith.mulf %get3A_499, %get3A_44 : vector<16xf32>
      %add3A_513 = arith.addf %add3A_509, %mul3A_512 : vector<16xf32>
      %broadcast_in_dim3A_514 = arith.constant true
      %broadcast_in_dim3A_515 = vector.broadcast %broadcast_in_dim3A_514 : i1 to vector<16xi1>
      %masked_cumsum3A_516 = tpu.scan <sum>, %add3A_511 masked %broadcast_in_dim3A_515 : vector<16xf32>, vector<16xi1> -> vector<16xf32>
      %broadcast_in_dim3A_517 = arith.constant true
      %broadcast_in_dim3A_518 = vector.broadcast %broadcast_in_dim3A_517 : i1 to vector<16xi1>
      %masked_cumsum3A_519 = tpu.scan <sum>, %add3A_513 masked %broadcast_in_dim3A_518 : vector<16xf32>, vector<16xi1> -> vector<16xf32>
      %add3A_520 = arith.constant 256 : i32
      %add3A_521 = arith.addi %add3A_520, %add3A_463 : i32
      %mul3A_522 = arith.constant 2 : i32
      %mul3A_523 = arith.muli %add3A_521, %mul3A_522 : i32
      %broadcast_in_dim3A_524 = vector.broadcast %mul3A_523 : i32 to vector<16xi32>
      tpu.vector_store_idx %arg9[%broadcast_in_dim3A_524], %masked_cumsum3A_516 masked %eq3A_46 : memref<1024xf32, #tpu.memory_space<vmem>>[vector<16xi32>], vector<16xf32>, vector<16xi1>
      %add3A_525 = arith.constant 1 : i32
      %add3A_526 = vector.broadcast %add3A_525 : i32 to vector<16xi32>
      %add3A_527 = arith.addi %broadcast_in_dim3A_524, %add3A_526 : vector<16xi32>
      tpu.vector_store_idx %arg9[%add3A_527], %masked_cumsum3A_519 masked %eq3A_46 : memref<1024xf32, #tpu.memory_space<vmem>>[vector<16xi32>], vector<16xf32>, vector<16xi1>
      %add3A_528 = arith.constant 6 : i32
      %add3A_529 = arith.addi %mul3A_133, %add3A_528 : i32
      %mul3A_530 = arith.constant 64 : i32
      %mul3A_531 = arith.muli %add3A_529, %mul3A_530 : i32
      %add3A_532 = arith.constant 0 : i32
      %add3A_533 = arith.addi %mul3A_531, %add3A_532 : i32
      %get3A_534 = arith.constant 0 : i32
      %get3A_535 = tpu.memref_slice %arg6[%scan3A_109, %get3A_534] : memref<2x8192xf32, #tpu.memory_space<vmem>> -> memref<1x8192xf32, #tpu.memory_space<vmem>>
      %get3A_536 = tpu.memref_squeeze %get3A_535 : memref<1x8192xf32, #tpu.memory_space<vmem>> -> memref<8192xf32, #tpu.memory_space<vmem>>
      %get3A_537 = arith.index_cast %add3A_533 : i32 to index
      %get3A_538 = tpu.vector_load %get3A_536[%get3A_537] {strides = array<i32>} : memref<8192xf32, #tpu.memory_space<vmem>>, vector<16xf32>,
      %mul3A_539 = arith.constant 64 : i32
      %mul3A_540 = arith.muli %add3A_529, %mul3A_539 : i32
      %add3A_541 = arith.constant 16 : i32
      %add3A_542 = arith.addi %mul3A_540, %add3A_541 : i32
      %get3A_543 = arith.constant 0 : i32
      %get3A_544 = tpu.memref_slice %arg6[%scan3A_109, %get3A_543] : memref<2x8192xf32, #tpu.memory_space<vmem>> -> memref<1x8192xf32, #tpu.memory_space<vmem>>
      %get3A_545 = tpu.memref_squeeze %get3A_544 : memref<1x8192xf32, #tpu.memory_space<vmem>> -> memref<8192xf32, #tpu.memory_space<vmem>>
      %get3A_546 = arith.index_cast %add3A_542 : i32 to index
      %get3A_547 = tpu.vector_load %get3A_545[%get3A_546] {strides = array<i32>} : memref<8192xf32, #tpu.memory_space<vmem>>, vector<16xf32>,
      %mul3A_548 = arith.constant 64 : i32
      %mul3A_549 = arith.muli %add3A_529, %mul3A_548 : i32
      %add3A_550 = arith.constant 32 : i32
      %add3A_551 = arith.addi %mul3A_549, %add3A_550 : i32
      %get3A_552 = arith.constant 0 : i32
      %get3A_553 = tpu.memref_slice %arg6[%scan3A_109, %get3A_552] : memref<2x8192xf32, #tpu.memory_space<vmem>> -> memref<1x8192xf32, #tpu.memory_space<vmem>>
      %get3A_554 = tpu.memref_squeeze %get3A_553 : memref<1x8192xf32, #tpu.memory_space<vmem>> -> memref<8192xf32, #tpu.memory_space<vmem>>
      %get3A_555 = arith.index_cast %add3A_551 : i32 to index
      %get3A_556 = tpu.vector_load %get3A_554[%get3A_555] {strides = array<i32>} : memref<8192xf32, #tpu.memory_space<vmem>>, vector<16xf32>,
      %mul3A_557 = arith.constant 64 : i32
      %mul3A_558 = arith.muli %add3A_529, %mul3A_557 : i32
      %add3A_559 = arith.constant 48 : i32
      %add3A_560 = arith.addi %mul3A_558, %add3A_559 : i32
      %get3A_561 = arith.constant 0 : i32
      %get3A_562 = tpu.memref_slice %arg6[%scan3A_109, %get3A_561] : memref<2x8192xf32, #tpu.memory_space<vmem>> -> memref<1x8192xf32, #tpu.memory_space<vmem>>
      %get3A_563 = tpu.memref_squeeze %get3A_562 : memref<1x8192xf32, #tpu.memory_space<vmem>> -> memref<8192xf32, #tpu.memory_space<vmem>>
      %get3A_564 = arith.index_cast %add3A_560 : i32 to index
      %get3A_565 = tpu.vector_load %get3A_563[%get3A_564] {strides = array<i32>} : memref<8192xf32, #tpu.memory_space<vmem>>, vector<16xf32>,
      %mul3A_566 = arith.mulf %get3A_538, %get3A_30 : vector<16xf32>
      %mul3A_567 = arith.mulf %get3A_538, %get3A_38 : vector<16xf32>
      %mul3A_568 = arith.mulf %get3A_547, %get3A_32 : vector<16xf32>
      %add3A_569 = arith.addf %mul3A_566, %mul3A_568 : vector<16xf32>
      %mul3A_570 = arith.mulf %get3A_547, %get3A_40 : vector<16xf32>
      %add3A_571 = arith.addf %mul3A_567, %mul3A_570 : vector<16xf32>
      %mul3A_572 = arith.mulf %get3A_556, %get3A_34 : vector<16xf32>
      %add3A_573 = arith.addf %add3A_569, %mul3A_572 : vector<16xf32>
      %mul3A_574 = arith.mulf %get3A_556, %get3A_42 : vector<16xf32>
      %add3A_575 = arith.addf %add3A_571, %mul3A_574 : vector<16xf32>
      %mul3A_576 = arith.mulf %get3A_565, %get3A_36 : vector<16xf32>
      %add3A_577 = arith.addf %add3A_573, %mul3A_576 : vector<16xf32>
      %mul3A_578 = arith.mulf %get3A_565, %get3A_44 : vector<16xf32>
      %add3A_579 = arith.addf %add3A_575, %mul3A_578 : vector<16xf32>
      %broadcast_in_dim3A_580 = arith.constant true
      %broadcast_in_dim3A_581 = vector.broadcast %broadcast_in_dim3A_580 : i1 to vector<16xi1>
      %masked_cumsum3A_582 = tpu.scan <sum>, %add3A_577 masked %broadcast_in_dim3A_581 : vector<16xf32>, vector<16xi1> -> vector<16xf32>
      %broadcast_in_dim3A_583 = arith.constant true
      %broadcast_in_dim3A_584 = vector.broadcast %broadcast_in_dim3A_583 : i1 to vector<16xi1>
      %masked_cumsum3A_585 = tpu.scan <sum>, %add3A_579 masked %broadcast_in_dim3A_584 : vector<16xf32>, vector<16xi1> -> vector<16xf32>
      %add3A_586 = arith.constant 256 : i32
      %add3A_587 = arith.addi %add3A_586, %add3A_529 : i32
      %mul3A_588 = arith.constant 2 : i32
      %mul3A_589 = arith.muli %add3A_587, %mul3A_588 : i32
      %broadcast_in_dim3A_590 = vector.broadcast %mul3A_589 : i32 to vector<16xi32>
      tpu.vector_store_idx %arg9[%broadcast_in_dim3A_590], %masked_cumsum3A_582 masked %eq3A_46 : memref<1024xf32, #tpu.memory_space<vmem>>[vector<16xi32>], vector<16xf32>, vector<16xi1>
      %add3A_591 = arith.constant 1 : i32
      %add3A_592 = vector.broadcast %add3A_591 : i32 to vector<16xi32>
      %add3A_593 = arith.addi %broadcast_in_dim3A_590, %add3A_592 : vector<16xi32>
      tpu.vector_store_idx %arg9[%add3A_593], %masked_cumsum3A_585 masked %eq3A_46 : memref<1024xf32, #tpu.memory_space<vmem>>[vector<16xi32>], vector<16xf32>, vector<16xi1>
      %add3A_594 = arith.constant 7 : i32
      %add3A_595 = arith.addi %mul3A_133, %add3A_594 : i32
      %mul3A_596 = arith.constant 64 : i32
      %mul3A_597 = arith.muli %add3A_595, %mul3A_596 : i32
      %add3A_598 = arith.constant 0 : i32
      %add3A_599 = arith.addi %mul3A_597, %add3A_598 : i32
      %get3A_600 = arith.constant 0 : i32
      %get3A_601 = tpu.memref_slice %arg6[%scan3A_109, %get3A_600] : memref<2x8192xf32, #tpu.memory_space<vmem>> -> memref<1x8192xf32, #tpu.memory_space<vmem>>
      %get3A_602 = tpu.memref_squeeze %get3A_601 : memref<1x8192xf32, #tpu.memory_space<vmem>> -> memref<8192xf32, #tpu.memory_space<vmem>>
      %get3A_603 = arith.index_cast %add3A_599 : i32 to index
      %get3A_604 = tpu.vector_load %get3A_602[%get3A_603] {strides = array<i32>} : memref<8192xf32, #tpu.memory_space<vmem>>, vector<16xf32>,
      %mul3A_605 = arith.constant 64 : i32
      %mul3A_606 = arith.muli %add3A_595, %mul3A_605 : i32
      %add3A_607 = arith.constant 16 : i32
      %add3A_608 = arith.addi %mul3A_606, %add3A_607 : i32
      %get3A_609 = arith.constant 0 : i32
      %get3A_610 = tpu.memref_slice %arg6[%scan3A_109, %get3A_609] : memref<2x8192xf32, #tpu.memory_space<vmem>> -> memref<1x8192xf32, #tpu.memory_space<vmem>>
      %get3A_611 = tpu.memref_squeeze %get3A_610 : memref<1x8192xf32, #tpu.memory_space<vmem>> -> memref<8192xf32, #tpu.memory_space<vmem>>
      %get3A_612 = arith.index_cast %add3A_608 : i32 to index
      %get3A_613 = tpu.vector_load %get3A_611[%get3A_612] {strides = array<i32>} : memref<8192xf32, #tpu.memory_space<vmem>>, vector<16xf32>,
      %mul3A_614 = arith.constant 64 : i32
      %mul3A_615 = arith.muli %add3A_595, %mul3A_614 : i32
      %add3A_616 = arith.constant 32 : i32
      %add3A_617 = arith.addi %mul3A_615, %add3A_616 : i32
      %get3A_618 = arith.constant 0 : i32
      %get3A_619 = tpu.memref_slice %arg6[%scan3A_109, %get3A_618] : memref<2x8192xf32, #tpu.memory_space<vmem>> -> memref<1x8192xf32, #tpu.memory_space<vmem>>
      %get3A_620 = tpu.memref_squeeze %get3A_619 : memref<1x8192xf32, #tpu.memory_space<vmem>> -> memref<8192xf32, #tpu.memory_space<vmem>>
      %get3A_621 = arith.index_cast %add3A_617 : i32 to index
      %get3A_622 = tpu.vector_load %get3A_620[%get3A_621] {strides = array<i32>} : memref<8192xf32, #tpu.memory_space<vmem>>, vector<16xf32>,
      %mul3A_623 = arith.constant 64 : i32
      %mul3A_624 = arith.muli %add3A_595, %mul3A_623 : i32
      %add3A_625 = arith.constant 48 : i32
      %add3A_626 = arith.addi %mul3A_624, %add3A_625 : i32
      %get3A_627 = arith.constant 0 : i32
      %get3A_628 = tpu.memref_slice %arg6[%scan3A_109, %get3A_627] : memref<2x8192xf32, #tpu.memory_space<vmem>> -> memref<1x8192xf32, #tpu.memory_space<vmem>>
      %get3A_629 = tpu.memref_squeeze %get3A_628 : memref<1x8192xf32, #tpu.memory_space<vmem>> -> memref<8192xf32, #tpu.memory_space<vmem>>
      %get3A_630 = arith.index_cast %add3A_626 : i32 to index
      %get3A_631 = tpu.vector_load %get3A_629[%get3A_630] {strides = array<i32>} : memref<8192xf32, #tpu.memory_space<vmem>>, vector<16xf32>,
      %mul3A_632 = arith.mulf %get3A_604, %get3A_30 : vector<16xf32>
      %mul3A_633 = arith.mulf %get3A_604, %get3A_38 : vector<16xf32>
      %mul3A_634 = arith.mulf %get3A_613, %get3A_32 : vector<16xf32>
      %add3A_635 = arith.addf %mul3A_632, %mul3A_634 : vector<16xf32>
      %mul3A_636 = arith.mulf %get3A_613, %get3A_40 : vector<16xf32>
      %add3A_637 = arith.addf %mul3A_633, %mul3A_636 : vector<16xf32>
      %mul3A_638 = arith.mulf %get3A_622, %get3A_34 : vector<16xf32>
      %add3A_639 = arith.addf %add3A_635, %mul3A_638 : vector<16xf32>
      %mul3A_640 = arith.mulf %get3A_622, %get3A_42 : vector<16xf32>
      %add3A_641 = arith.addf %add3A_637, %mul3A_640 : vector<16xf32>
      %mul3A_642 = arith.mulf %get3A_631, %get3A_36 : vector<16xf32>
      %add3A_643 = arith.addf %add3A_639, %mul3A_642 : vector<16xf32>
      %mul3A_644 = arith.mulf %get3A_631, %get3A_44 : vector<16xf32>
      %add3A_645 = arith.addf %add3A_641, %mul3A_644 : vector<16xf32>
      %broadcast_in_dim3A_646 = arith.constant true
      %broadcast_in_dim3A_647 = vector.broadcast %broadcast_in_dim3A_646 : i1 to vector<16xi1>
      %masked_cumsum3A_648 = tpu.scan <sum>, %add3A_643 masked %broadcast_in_dim3A_647 : vector<16xf32>, vector<16xi1> -> vector<16xf32>
      %broadcast_in_dim3A_649 = arith.constant true
      %broadcast_in_dim3A_650 = vector.broadcast %broadcast_in_dim3A_649 : i1 to vector<16xi1>
      %masked_cumsum3A_651 = tpu.scan <sum>, %add3A_645 masked %broadcast_in_dim3A_650 : vector<16xf32>, vector<16xi1> -> vector<16xf32>
      %add3A_652 = arith.constant 256 : i32
      %add3A_653 = arith.addi %add3A_652, %add3A_595 : i32
      %mul3A_654 = arith.constant 2 : i32
      %mul3A_655 = arith.muli %add3A_653, %mul3A_654 : i32
      %broadcast_in_dim3A_656 = vector.broadcast %mul3A_655 : i32 to vector<16xi32>
      tpu.vector_store_idx %arg9[%broadcast_in_dim3A_656], %masked_cumsum3A_648 masked %eq3A_46 : memref<1024xf32, #tpu.memory_space<vmem>>[vector<16xi32>], vector<16xf32>, vector<16xi1>
      %add3A_657 = arith.constant 1 : i32
      %add3A_658 = vector.broadcast %add3A_657 : i32 to vector<16xi32>
      %add3A_659 = arith.addi %broadcast_in_dim3A_656, %add3A_658 : vector<16xi32>
      tpu.vector_store_idx %arg9[%add3A_659], %masked_cumsum3A_651 masked %eq3A_46 : memref<1024xf32, #tpu.memory_space<vmem>>[vector<16xi32>], vector<16xf32>, vector<16xi1>
      %add3A_660 = arith.constant 8 : i32
      %add3A_661 = arith.addi %mul3A_133, %add3A_660 : i32
      %mul3A_662 = arith.constant 64 : i32
      %mul3A_663 = arith.muli %add3A_661, %mul3A_662 : i32
      %add3A_664 = arith.constant 0 : i32
      %add3A_665 = arith.addi %mul3A_663, %add3A_664 : i32
      %get3A_666 = arith.constant 0 : i32
      %get3A_667 = tpu.memref_slice %arg6[%scan3A_109, %get3A_666] : memref<2x8192xf32, #tpu.memory_space<vmem>> -> memref<1x8192xf32, #tpu.memory_space<vmem>>
      %get3A_668 = tpu.memref_squeeze %get3A_667 : memref<1x8192xf32, #tpu.memory_space<vmem>> -> memref<8192xf32, #tpu.memory_space<vmem>>
      %get3A_669 = arith.index_cast %add3A_665 : i32 to index
      %get3A_670 = tpu.vector_load %get3A_668[%get3A_669] {strides = array<i32>} : memref<8192xf32, #tpu.memory_space<vmem>>, vector<16xf32>,
      %mul3A_671 = arith.constant 64 : i32
      %mul3A_672 = arith.muli %add3A_661, %mul3A_671 : i32
      %add3A_673 = arith.constant 16 : i32
      %add3A_674 = arith.addi %mul3A_672, %add3A_673 : i32
      %get3A_675 = arith.constant 0 : i32
      %get3A_676 = tpu.memref_slice %arg6[%scan3A_109, %get3A_675] : memref<2x8192xf32, #tpu.memory_space<vmem>> -> memref<1x8192xf32, #tpu.memory_space<vmem>>
      %get3A_677 = tpu.memref_squeeze %get3A_676 : memref<1x8192xf32, #tpu.memory_space<vmem>> -> memref<8192xf32, #tpu.memory_space<vmem>>
      %get3A_678 = arith.index_cast %add3A_674 : i32 to index
      %get3A_679 = tpu.vector_load %get3A_677[%get3A_678] {strides = array<i32>} : memref<8192xf32, #tpu.memory_space<vmem>>, vector<16xf32>,
      %mul3A_680 = arith.constant 64 : i32
      %mul3A_681 = arith.muli %add3A_661, %mul3A_680 : i32
      %add3A_682 = arith.constant 32 : i32
      %add3A_683 = arith.addi %mul3A_681, %add3A_682 : i32
      %get3A_684 = arith.constant 0 : i32
      %get3A_685 = tpu.memref_slice %arg6[%scan3A_109, %get3A_684] : memref<2x8192xf32, #tpu.memory_space<vmem>> -> memref<1x8192xf32, #tpu.memory_space<vmem>>
      %get3A_686 = tpu.memref_squeeze %get3A_685 : memref<1x8192xf32, #tpu.memory_space<vmem>> -> memref<8192xf32, #tpu.memory_space<vmem>>
      %get3A_687 = arith.index_cast %add3A_683 : i32 to index
      %get3A_688 = tpu.vector_load %get3A_686[%get3A_687] {strides = array<i32>} : memref<8192xf32, #tpu.memory_space<vmem>>, vector<16xf32>,
      %mul3A_689 = arith.constant 64 : i32
      %mul3A_690 = arith.muli %add3A_661, %mul3A_689 : i32
      %add3A_691 = arith.constant 48 : i32
      %add3A_692 = arith.addi %mul3A_690, %add3A_691 : i32
      %get3A_693 = arith.constant 0 : i32
      %get3A_694 = tpu.memref_slice %arg6[%scan3A_109, %get3A_693] : memref<2x8192xf32, #tpu.memory_space<vmem>> -> memref<1x8192xf32, #tpu.memory_space<vmem>>
      %get3A_695 = tpu.memref_squeeze %get3A_694 : memref<1x8192xf32, #tpu.memory_space<vmem>> -> memref<8192xf32, #tpu.memory_space<vmem>>
      %get3A_696 = arith.index_cast %add3A_692 : i32 to index
      %get3A_697 = tpu.vector_load %get3A_695[%get3A_696] {strides = array<i32>} : memref<8192xf32, #tpu.memory_space<vmem>>, vector<16xf32>,
      %mul3A_698 = arith.mulf %get3A_670, %get3A_30 : vector<16xf32>
      %mul3A_699 = arith.mulf %get3A_670, %get3A_38 : vector<16xf32>
      %mul3A_700 = arith.mulf %get3A_679, %get3A_32 : vector<16xf32>
      %add3A_701 = arith.addf %mul3A_698, %mul3A_700 : vector<16xf32>
      %mul3A_702 = arith.mulf %get3A_679, %get3A_40 : vector<16xf32>
      %add3A_703 = arith.addf %mul3A_699, %mul3A_702 : vector<16xf32>
      %mul3A_704 = arith.mulf %get3A_688, %get3A_34 : vector<16xf32>
      %add3A_705 = arith.addf %add3A_701, %mul3A_704 : vector<16xf32>
      %mul3A_706 = arith.mulf %get3A_688, %get3A_42 : vector<16xf32>
      %add3A_707 = arith.addf %add3A_703, %mul3A_706 : vector<16xf32>
      %mul3A_708 = arith.mulf %get3A_697, %get3A_36 : vector<16xf32>
      %add3A_709 = arith.addf %add3A_705, %mul3A_708 : vector<16xf32>
      %mul3A_710 = arith.mulf %get3A_697, %get3A_44 : vector<16xf32>
      %add3A_711 = arith.addf %add3A_707, %mul3A_710 : vector<16xf32>
      %broadcast_in_dim3A_712 = arith.constant true
      %broadcast_in_dim3A_713 = vector.broadcast %broadcast_in_dim3A_712 : i1 to vector<16xi1>
      %masked_cumsum3A_714 = tpu.scan <sum>, %add3A_709 masked %broadcast_in_dim3A_713 : vector<16xf32>, vector<16xi1> -> vector<16xf32>
      %broadcast_in_dim3A_715 = arith.constant true
      %broadcast_in_dim3A_716 = vector.broadcast %broadcast_in_dim3A_715 : i1 to vector<16xi1>
      %masked_cumsum3A_717 = tpu.scan <sum>, %add3A_711 masked %broadcast_in_dim3A_716 : vector<16xf32>, vector<16xi1> -> vector<16xf32>
      %add3A_718 = arith.constant 256 : i32
      %add3A_719 = arith.addi %add3A_718, %add3A_661 : i32
      %mul3A_720 = arith.constant 2 : i32
      %mul3A_721 = arith.muli %add3A_719, %mul3A_720 : i32
      %broadcast_in_dim3A_722 = vector.broadcast %mul3A_721 : i32 to vector<16xi32>
      tpu.vector_store_idx %arg9[%broadcast_in_dim3A_722], %masked_cumsum3A_714 masked %eq3A_46 : memref<1024xf32, #tpu.memory_space<vmem>>[vector<16xi32>], vector<16xf32>, vector<16xi1>
      %add3A_723 = arith.constant 1 : i32
      %add3A_724 = vector.broadcast %add3A_723 : i32 to vector<16xi32>
      %add3A_725 = arith.addi %broadcast_in_dim3A_722, %add3A_724 : vector<16xi32>
      tpu.vector_store_idx %arg9[%add3A_725], %masked_cumsum3A_717 masked %eq3A_46 : memref<1024xf32, #tpu.memory_space<vmem>>[vector<16xi32>], vector<16xf32>, vector<16xi1>
      %add3A_726 = arith.constant 9 : i32
      %add3A_727 = arith.addi %mul3A_133, %add3A_726 : i32
      %mul3A_728 = arith.constant 64 : i32
      %mul3A_729 = arith.muli %add3A_727, %mul3A_728 : i32
      %add3A_730 = arith.constant 0 : i32
      %add3A_731 = arith.addi %mul3A_729, %add3A_730 : i32
      %get3A_732 = arith.constant 0 : i32
      %get3A_733 = tpu.memref_slice %arg6[%scan3A_109, %get3A_732] : memref<2x8192xf32, #tpu.memory_space<vmem>> -> memref<1x8192xf32, #tpu.memory_space<vmem>>
      %get3A_734 = tpu.memref_squeeze %get3A_733 : memref<1x8192xf32, #tpu.memory_space<vmem>> -> memref<8192xf32, #tpu.memory_space<vmem>>
      %get3A_735 = arith.index_cast %add3A_731 : i32 to index
      %get3A_736 = tpu.vector_load %get3A_734[%get3A_735] {strides = array<i32>} : memref<8192xf32, #tpu.memory_space<vmem>>, vector<16xf32>,
      %mul3A_737 = arith.constant 64 : i32
      %mul3A_738 = arith.muli %add3A_727, %mul3A_737 : i32
      %add3A_739 = arith.constant 16 : i32
      %add3A_740 = arith.addi %mul3A_738, %add3A_739 : i32
      %get3A_741 = arith.constant 0 : i32
      %get3A_742 = tpu.memref_slice %arg6[%scan3A_109, %get3A_741] : memref<2x8192xf32, #tpu.memory_space<vmem>> -> memref<1x8192xf32, #tpu.memory_space<vmem>>
      %get3A_743 = tpu.memref_squeeze %get3A_742 : memref<1x8192xf32, #tpu.memory_space<vmem>> -> memref<8192xf32, #tpu.memory_space<vmem>>
      %get3A_744 = arith.index_cast %add3A_740 : i32 to index
      %get3A_745 = tpu.vector_load %get3A_743[%get3A_744] {strides = array<i32>} : memref<8192xf32, #tpu.memory_space<vmem>>, vector<16xf32>,
      %mul3A_746 = arith.constant 64 : i32
      %mul3A_747 = arith.muli %add3A_727, %mul3A_746 : i32
      %add3A_748 = arith.constant 32 : i32
      %add3A_749 = arith.addi %mul3A_747, %add3A_748 : i32
      %get3A_750 = arith.constant 0 : i32
      %get3A_751 = tpu.memref_slice %arg6[%scan3A_109, %get3A_750] : memref<2x8192xf32, #tpu.memory_space<vmem>> -> memref<1x8192xf32, #tpu.memory_space<vmem>>
      %get3A_752 = tpu.memref_squeeze %get3A_751 : memref<1x8192xf32, #tpu.memory_space<vmem>> -> memref<8192xf32, #tpu.memory_space<vmem>>
      %get3A_753 = arith.index_cast %add3A_749 : i32 to index
      %get3A_754 = tpu.vector_load %get3A_752[%get3A_753] {strides = array<i32>} : memref<8192xf32, #tpu.memory_space<vmem>>, vector<16xf32>,
      %mul3A_755 = arith.constant 64 : i32
      %mul3A_756 = arith.muli %add3A_727, %mul3A_755 : i32
      %add3A_757 = arith.constant 48 : i32
      %add3A_758 = arith.addi %mul3A_756, %add3A_757 : i32
      %get3A_759 = arith.constant 0 : i32
      %get3A_760 = tpu.memref_slice %arg6[%scan3A_109, %get3A_759] : memref<2x8192xf32, #tpu.memory_space<vmem>> -> memref<1x8192xf32, #tpu.memory_space<vmem>>
      %get3A_761 = tpu.memref_squeeze %get3A_760 : memref<1x8192xf32, #tpu.memory_space<vmem>> -> memref<8192xf32, #tpu.memory_space<vmem>>
      %get3A_762 = arith.index_cast %add3A_758 : i32 to index
      %get3A_763 = tpu.vector_load %get3A_761[%get3A_762] {strides = array<i32>} : memref<8192xf32, #tpu.memory_space<vmem>>, vector<16xf32>,
      %mul3A_764 = arith.mulf %get3A_736, %get3A_30 : vector<16xf32>
      %mul3A_765 = arith.mulf %get3A_736, %get3A_38 : vector<16xf32>
      %mul3A_766 = arith.mulf %get3A_745, %get3A_32 : vector<16xf32>
      %add3A_767 = arith.addf %mul3A_764, %mul3A_766 : vector<16xf32>
      %mul3A_768 = arith.mulf %get3A_745, %get3A_40 : vector<16xf32>
      %add3A_769 = arith.addf %mul3A_765, %mul3A_768 : vector<16xf32>
      %mul3A_770 = arith.mulf %get3A_754, %get3A_34 : vector<16xf32>
      %add3A_771 = arith.addf %add3A_767, %mul3A_770 : vector<16xf32>
      %mul3A_772 = arith.mulf %get3A_754, %get3A_42 : vector<16xf32>
      %add3A_773 = arith.addf %add3A_769, %mul3A_772 : vector<16xf32>
      %mul3A_774 = arith.mulf %get3A_763, %get3A_36 : vector<16xf32>
      %add3A_775 = arith.addf %add3A_771, %mul3A_774 : vector<16xf32>
      %mul3A_776 = arith.mulf %get3A_763, %get3A_44 : vector<16xf32>
      %add3A_777 = arith.addf %add3A_773, %mul3A_776 : vector<16xf32>
      %broadcast_in_dim3A_778 = arith.constant true
      %broadcast_in_dim3A_779 = vector.broadcast %broadcast_in_dim3A_778 : i1 to vector<16xi1>
      %masked_cumsum3A_780 = tpu.scan <sum>, %add3A_775 masked %broadcast_in_dim3A_779 : vector<16xf32>, vector<16xi1> -> vector<16xf32>
      %broadcast_in_dim3A_781 = arith.constant true
      %broadcast_in_dim3A_782 = vector.broadcast %broadcast_in_dim3A_781 : i1 to vector<16xi1>
      %masked_cumsum3A_783 = tpu.scan <sum>, %add3A_777 masked %broadcast_in_dim3A_782 : vector<16xf32>, vector<16xi1> -> vector<16xf32>
      %add3A_784 = arith.constant 256 : i32
      %add3A_785 = arith.addi %add3A_784, %add3A_727 : i32
      %mul3A_786 = arith.constant 2 : i32
      %mul3A_787 = arith.muli %add3A_785, %mul3A_786 : i32
      %broadcast_in_dim3A_788 = vector.broadcast %mul3A_787 : i32 to vector<16xi32>
      tpu.vector_store_idx %arg9[%broadcast_in_dim3A_788], %masked_cumsum3A_780 masked %eq3A_46 : memref<1024xf32, #tpu.memory_space<vmem>>[vector<16xi32>], vector<16xf32>, vector<16xi1>
      %add3A_789 = arith.constant 1 : i32
      %add3A_790 = vector.broadcast %add3A_789 : i32 to vector<16xi32>
      %add3A_791 = arith.addi %broadcast_in_dim3A_788, %add3A_790 : vector<16xi32>
      tpu.vector_store_idx %arg9[%add3A_791], %masked_cumsum3A_783 masked %eq3A_46 : memref<1024xf32, #tpu.memory_space<vmem>>[vector<16xi32>], vector<16xf32>, vector<16xi1>
      %add3A_792 = arith.constant 10 : i32
      %add3A_793 = arith.addi %mul3A_133, %add3A_792 : i32
      %mul3A_794 = arith.constant 64 : i32
      %mul3A_795 = arith.muli %add3A_793, %mul3A_794 : i32
      %add3A_796 = arith.constant 0 : i32
      %add3A_797 = arith.addi %mul3A_795, %add3A_796 : i32
      %get3A_798 = arith.constant 0 : i32
      %get3A_799 = tpu.memref_slice %arg6[%scan3A_109, %get3A_798] : memref<2x8192xf32, #tpu.memory_space<vmem>> -> memref<1x8192xf32, #tpu.memory_space<vmem>>
      %get3A_800 = tpu.memref_squeeze %get3A_799 : memref<1x8192xf32, #tpu.memory_space<vmem>> -> memref<8192xf32, #tpu.memory_space<vmem>>
      %get3A_801 = arith.index_cast %add3A_797 : i32 to index
      %get3A_802 = tpu.vector_load %get3A_800[%get3A_801] {strides = array<i32>} : memref<8192xf32, #tpu.memory_space<vmem>>, vector<16xf32>,
      %mul3A_803 = arith.constant 64 : i32
      %mul3A_804 = arith.muli %add3A_793, %mul3A_803 : i32
      %add3A_805 = arith.constant 16 : i32
      %add3A_806 = arith.addi %mul3A_804, %add3A_805 : i32
      %get3A_807 = arith.constant 0 : i32
      %get3A_808 = tpu.memref_slice %arg6[%scan3A_109, %get3A_807] : memref<2x8192xf32, #tpu.memory_space<vmem>> -> memref<1x8192xf32, #tpu.memory_space<vmem>>
      %get3A_809 = tpu.memref_squeeze %get3A_808 : memref<1x8192xf32, #tpu.memory_space<vmem>> -> memref<8192xf32, #tpu.memory_space<vmem>>
      %get3A_810 = arith.index_cast %add3A_806 : i32 to index
      %get3A_811 = tpu.vector_load %get3A_809[%get3A_810] {strides = array<i32>} : memref<8192xf32, #tpu.memory_space<vmem>>, vector<16xf32>,
      %mul3A_812 = arith.constant 64 : i32
      %mul3A_813 = arith.muli %add3A_793, %mul3A_812 : i32
      %add3A_814 = arith.constant 32 : i32
      %add3A_815 = arith.addi %mul3A_813, %add3A_814 : i32
      %get3A_816 = arith.constant 0 : i32
      %get3A_817 = tpu.memref_slice %arg6[%scan3A_109, %get3A_816] : memref<2x8192xf32, #tpu.memory_space<vmem>> -> memref<1x8192xf32, #tpu.memory_space<vmem>>
      %get3A_818 = tpu.memref_squeeze %get3A_817 : memref<1x8192xf32, #tpu.memory_space<vmem>> -> memref<8192xf32, #tpu.memory_space<vmem>>
      %get3A_819 = arith.index_cast %add3A_815 : i32 to index
      %get3A_820 = tpu.vector_load %get3A_818[%get3A_819] {strides = array<i32>} : memref<8192xf32, #tpu.memory_space<vmem>>, vector<16xf32>,
      %mul3A_821 = arith.constant 64 : i32
      %mul3A_822 = arith.muli %add3A_793, %mul3A_821 : i32
      %add3A_823 = arith.constant 48 : i32
      %add3A_824 = arith.addi %mul3A_822, %add3A_823 : i32
      %get3A_825 = arith.constant 0 : i32
      %get3A_826 = tpu.memref_slice %arg6[%scan3A_109, %get3A_825] : memref<2x8192xf32, #tpu.memory_space<vmem>> -> memref<1x8192xf32, #tpu.memory_space<vmem>>
      %get3A_827 = tpu.memref_squeeze %get3A_826 : memref<1x8192xf32, #tpu.memory_space<vmem>> -> memref<8192xf32, #tpu.memory_space<vmem>>
      %get3A_828 = arith.index_cast %add3A_824 : i32 to index
      %get3A_829 = tpu.vector_load %get3A_827[%get3A_828] {strides = array<i32>} : memref<8192xf32, #tpu.memory_space<vmem>>, vector<16xf32>,
      %mul3A_830 = arith.mulf %get3A_802, %get3A_30 : vector<16xf32>
      %mul3A_831 = arith.mulf %get3A_802, %get3A_38 : vector<16xf32>
      %mul3A_832 = arith.mulf %get3A_811, %get3A_32 : vector<16xf32>
      %add3A_833 = arith.addf %mul3A_830, %mul3A_832 : vector<16xf32>
      %mul3A_834 = arith.mulf %get3A_811, %get3A_40 : vector<16xf32>
      %add3A_835 = arith.addf %mul3A_831, %mul3A_834 : vector<16xf32>
      %mul3A_836 = arith.mulf %get3A_820, %get3A_34 : vector<16xf32>
      %add3A_837 = arith.addf %add3A_833, %mul3A_836 : vector<16xf32>
      %mul3A_838 = arith.mulf %get3A_820, %get3A_42 : vector<16xf32>
      %add3A_839 = arith.addf %add3A_835, %mul3A_838 : vector<16xf32>
      %mul3A_840 = arith.mulf %get3A_829, %get3A_36 : vector<16xf32>
      %add3A_841 = arith.addf %add3A_837, %mul3A_840 : vector<16xf32>
      %mul3A_842 = arith.mulf %get3A_829, %get3A_44 : vector<16xf32>
      %add3A_843 = arith.addf %add3A_839, %mul3A_842 : vector<16xf32>
      %broadcast_in_dim3A_844 = arith.constant true
      %broadcast_in_dim3A_845 = vector.broadcast %broadcast_in_dim3A_844 : i1 to vector<16xi1>
      %masked_cumsum3A_846 = tpu.scan <sum>, %add3A_841 masked %broadcast_in_dim3A_845 : vector<16xf32>, vector<16xi1> -> vector<16xf32>
      %broadcast_in_dim3A_847 = arith.constant true
      %broadcast_in_dim3A_848 = vector.broadcast %broadcast_in_dim3A_847 : i1 to vector<16xi1>
      %masked_cumsum3A_849 = tpu.scan <sum>, %add3A_843 masked %broadcast_in_dim3A_848 : vector<16xf32>, vector<16xi1> -> vector<16xf32>
      %add3A_850 = arith.constant 256 : i32
      %add3A_851 = arith.addi %add3A_850, %add3A_793 : i32
      %mul3A_852 = arith.constant 2 : i32
      %mul3A_853 = arith.muli %add3A_851, %mul3A_852 : i32
      %broadcast_in_dim3A_854 = vector.broadcast %mul3A_853 : i32 to vector<16xi32>
      tpu.vector_store_idx %arg9[%broadcast_in_dim3A_854], %masked_cumsum3A_846 masked %eq3A_46 : memref<1024xf32, #tpu.memory_space<vmem>>[vector<16xi32>], vector<16xf32>, vector<16xi1>
      %add3A_855 = arith.constant 1 : i32
      %add3A_856 = vector.broadcast %add3A_855 : i32 to vector<16xi32>
      %add3A_857 = arith.addi %broadcast_in_dim3A_854, %add3A_856 : vector<16xi32>
      tpu.vector_store_idx %arg9[%add3A_857], %masked_cumsum3A_849 masked %eq3A_46 : memref<1024xf32, #tpu.memory_space<vmem>>[vector<16xi32>], vector<16xf32>, vector<16xi1>
      %add3A_858 = arith.constant 11 : i32
      %add3A_859 = arith.addi %mul3A_133, %add3A_858 : i32
      %mul3A_860 = arith.constant 64 : i32
      %mul3A_861 = arith.muli %add3A_859, %mul3A_860 : i32
      %add3A_862 = arith.constant 0 : i32
      %add3A_863 = arith.addi %mul3A_861, %add3A_862 : i32
      %get3A_864 = arith.constant 0 : i32
      %get3A_865 = tpu.memref_slice %arg6[%scan3A_109, %get3A_864] : memref<2x8192xf32, #tpu.memory_space<vmem>> -> memref<1x8192xf32, #tpu.memory_space<vmem>>
      %get3A_866 = tpu.memref_squeeze %get3A_865 : memref<1x8192xf32, #tpu.memory_space<vmem>> -> memref<8192xf32, #tpu.memory_space<vmem>>
      %get3A_867 = arith.index_cast %add3A_863 : i32 to index
      %get3A_868 = tpu.vector_load %get3A_866[%get3A_867] {strides = array<i32>} : memref<8192xf32, #tpu.memory_space<vmem>>, vector<16xf32>,
      %mul3A_869 = arith.constant 64 : i32
      %mul3A_870 = arith.muli %add3A_859, %mul3A_869 : i32
      %add3A_871 = arith.constant 16 : i32
      %add3A_872 = arith.addi %mul3A_870, %add3A_871 : i32
      %get3A_873 = arith.constant 0 : i32
      %get3A_874 = tpu.memref_slice %arg6[%scan3A_109, %get3A_873] : memref<2x8192xf32, #tpu.memory_space<vmem>> -> memref<1x8192xf32, #tpu.memory_space<vmem>>
      %get3A_875 = tpu.memref_squeeze %get3A_874 : memref<1x8192xf32, #tpu.memory_space<vmem>> -> memref<8192xf32, #tpu.memory_space<vmem>>
      %get3A_876 = arith.index_cast %add3A_872 : i32 to index
      %get3A_877 = tpu.vector_load %get3A_875[%get3A_876] {strides = array<i32>} : memref<8192xf32, #tpu.memory_space<vmem>>, vector<16xf32>,
      %mul3A_878 = arith.constant 64 : i32
      %mul3A_879 = arith.muli %add3A_859, %mul3A_878 : i32
      %add3A_880 = arith.constant 32 : i32
      %add3A_881 = arith.addi %mul3A_879, %add3A_880 : i32
      %get3A_882 = arith.constant 0 : i32
      %get3A_883 = tpu.memref_slice %arg6[%scan3A_109, %get3A_882] : memref<2x8192xf32, #tpu.memory_space<vmem>> -> memref<1x8192xf32, #tpu.memory_space<vmem>>
      %get3A_884 = tpu.memref_squeeze %get3A_883 : memref<1x8192xf32, #tpu.memory_space<vmem>> -> memref<8192xf32, #tpu.memory_space<vmem>>
      %get3A_885 = arith.index_cast %add3A_881 : i32 to index
      %get3A_886 = tpu.vector_load %get3A_884[%get3A_885] {strides = array<i32>} : memref<8192xf32, #tpu.memory_space<vmem>>, vector<16xf32>,
      %mul3A_887 = arith.constant 64 : i32
      %mul3A_888 = arith.muli %add3A_859, %mul3A_887 : i32
      %add3A_889 = arith.constant 48 : i32
      %add3A_890 = arith.addi %mul3A_888, %add3A_889 : i32
      %get3A_891 = arith.constant 0 : i32
      %get3A_892 = tpu.memref_slice %arg6[%scan3A_109, %get3A_891] : memref<2x8192xf32, #tpu.memory_space<vmem>> -> memref<1x8192xf32, #tpu.memory_space<vmem>>
      %get3A_893 = tpu.memref_squeeze %get3A_892 : memref<1x8192xf32, #tpu.memory_space<vmem>> -> memref<8192xf32, #tpu.memory_space<vmem>>
      %get3A_894 = arith.index_cast %add3A_890 : i32 to index
      %get3A_895 = tpu.vector_load %get3A_893[%get3A_894] {strides = array<i32>} : memref<8192xf32, #tpu.memory_space<vmem>>, vector<16xf32>,
      %mul3A_896 = arith.mulf %get3A_868, %get3A_30 : vector<16xf32>
      %mul3A_897 = arith.mulf %get3A_868, %get3A_38 : vector<16xf32>
      %mul3A_898 = arith.mulf %get3A_877, %get3A_32 : vector<16xf32>
      %add3A_899 = arith.addf %mul3A_896, %mul3A_898 : vector<16xf32>
      %mul3A_900 = arith.mulf %get3A_877, %get3A_40 : vector<16xf32>
      %add3A_901 = arith.addf %mul3A_897, %mul3A_900 : vector<16xf32>
      %mul3A_902 = arith.mulf %get3A_886, %get3A_34 : vector<16xf32>
      %add3A_903 = arith.addf %add3A_899, %mul3A_902 : vector<16xf32>
      %mul3A_904 = arith.mulf %get3A_886, %get3A_42 : vector<16xf32>
      %add3A_905 = arith.addf %add3A_901, %mul3A_904 : vector<16xf32>
      %mul3A_906 = arith.mulf %get3A_895, %get3A_36 : vector<16xf32>
      %add3A_907 = arith.addf %add3A_903, %mul3A_906 : vector<16xf32>
      %mul3A_908 = arith.mulf %get3A_895, %get3A_44 : vector<16xf32>
      %add3A_909 = arith.addf %add3A_905, %mul3A_908 : vector<16xf32>
      %broadcast_in_dim3A_910 = arith.constant true
      %broadcast_in_dim3A_911 = vector.broadcast %broadcast_in_dim3A_910 : i1 to vector<16xi1>
      %masked_cumsum3A_912 = tpu.scan <sum>, %add3A_907 masked %broadcast_in_dim3A_911 : vector<16xf32>, vector<16xi1> -> vector<16xf32>
      %broadcast_in_dim3A_913 = arith.constant true
      %broadcast_in_dim3A_914 = vector.broadcast %broadcast_in_dim3A_913 : i1 to vector<16xi1>
      %masked_cumsum3A_915 = tpu.scan <sum>, %add3A_909 masked %broadcast_in_dim3A_914 : vector<16xf32>, vector<16xi1> -> vector<16xf32>
      %add3A_916 = arith.constant 256 : i32
      %add3A_917 = arith.addi %add3A_916, %add3A_859 : i32
      %mul3A_918 = arith.constant 2 : i32
      %mul3A_919 = arith.muli %add3A_917, %mul3A_918 : i32
      %broadcast_in_dim3A_920 = vector.broadcast %mul3A_919 : i32 to vector<16xi32>
      tpu.vector_store_idx %arg9[%broadcast_in_dim3A_920], %masked_cumsum3A_912 masked %eq3A_46 : memref<1024xf32, #tpu.memory_space<vmem>>[vector<16xi32>], vector<16xf32>, vector<16xi1>
      %add3A_921 = arith.constant 1 : i32
      %add3A_922 = vector.broadcast %add3A_921 : i32 to vector<16xi32>
      %add3A_923 = arith.addi %broadcast_in_dim3A_920, %add3A_922 : vector<16xi32>
      tpu.vector_store_idx %arg9[%add3A_923], %masked_cumsum3A_915 masked %eq3A_46 : memref<1024xf32, #tpu.memory_space<vmem>>[vector<16xi32>], vector<16xf32>, vector<16xi1>
      %add3A_924 = arith.constant 12 : i32
      %add3A_925 = arith.addi %mul3A_133, %add3A_924 : i32
      %mul3A_926 = arith.constant 64 : i32
      %mul3A_927 = arith.muli %add3A_925, %mul3A_926 : i32
      %add3A_928 = arith.constant 0 : i32
      %add3A_929 = arith.addi %mul3A_927, %add3A_928 : i32
      %get3A_930 = arith.constant 0 : i32
      %get3A_931 = tpu.memref_slice %arg6[%scan3A_109, %get3A_930] : memref<2x8192xf32, #tpu.memory_space<vmem>> -> memref<1x8192xf32, #tpu.memory_space<vmem>>
      %get3A_932 = tpu.memref_squeeze %get3A_931 : memref<1x8192xf32, #tpu.memory_space<vmem>> -> memref<8192xf32, #tpu.memory_space<vmem>>
      %get3A_933 = arith.index_cast %add3A_929 : i32 to index
      %get3A_934 = tpu.vector_load %get3A_932[%get3A_933] {strides = array<i32>} : memref<8192xf32, #tpu.memory_space<vmem>>, vector<16xf32>,
      %mul3A_935 = arith.constant 64 : i32
      %mul3A_936 = arith.muli %add3A_925, %mul3A_935 : i32
      %add3A_937 = arith.constant 16 : i32
      %add3A_938 = arith.addi %mul3A_936, %add3A_937 : i32
      %get3A_939 = arith.constant 0 : i32
      %get3A_940 = tpu.memref_slice %arg6[%scan3A_109, %get3A_939] : memref<2x8192xf32, #tpu.memory_space<vmem>> -> memref<1x8192xf32, #tpu.memory_space<vmem>>
      %get3A_941 = tpu.memref_squeeze %get3A_940 : memref<1x8192xf32, #tpu.memory_space<vmem>> -> memref<8192xf32, #tpu.memory_space<vmem>>
      %get3A_942 = arith.index_cast %add3A_938 : i32 to index
      %get3A_943 = tpu.vector_load %get3A_941[%get3A_942] {strides = array<i32>} : memref<8192xf32, #tpu.memory_space<vmem>>, vector<16xf32>,
      %mul3A_944 = arith.constant 64 : i32
      %mul3A_945 = arith.muli %add3A_925, %mul3A_944 : i32
      %add3A_946 = arith.constant 32 : i32
      %add3A_947 = arith.addi %mul3A_945, %add3A_946 : i32
      %get3A_948 = arith.constant 0 : i32
      %get3A_949 = tpu.memref_slice %arg6[%scan3A_109, %get3A_948] : memref<2x8192xf32, #tpu.memory_space<vmem>> -> memref<1x8192xf32, #tpu.memory_space<vmem>>
      %get3A_950 = tpu.memref_squeeze %get3A_949 : memref<1x8192xf32, #tpu.memory_space<vmem>> -> memref<8192xf32, #tpu.memory_space<vmem>>
      %get3A_951 = arith.index_cast %add3A_947 : i32 to index
      %get3A_952 = tpu.vector_load %get3A_950[%get3A_951] {strides = array<i32>} : memref<8192xf32, #tpu.memory_space<vmem>>, vector<16xf32>,
      %mul3A_953 = arith.constant 64 : i32
      %mul3A_954 = arith.muli %add3A_925, %mul3A_953 : i32
      %add3A_955 = arith.constant 48 : i32
      %add3A_956 = arith.addi %mul3A_954, %add3A_955 : i32
      %get3A_957 = arith.constant 0 : i32
      %get3A_958 = tpu.memref_slice %arg6[%scan3A_109, %get3A_957] : memref<2x8192xf32, #tpu.memory_space<vmem>> -> memref<1x8192xf32, #tpu.memory_space<vmem>>
      %get3A_959 = tpu.memref_squeeze %get3A_958 : memref<1x8192xf32, #tpu.memory_space<vmem>> -> memref<8192xf32, #tpu.memory_space<vmem>>
      %get3A_960 = arith.index_cast %add3A_956 : i32 to index
      %get3A_961 = tpu.vector_load %get3A_959[%get3A_960] {strides = array<i32>} : memref<8192xf32, #tpu.memory_space<vmem>>, vector<16xf32>,
      %mul3A_962 = arith.mulf %get3A_934, %get3A_30 : vector<16xf32>
      %mul3A_963 = arith.mulf %get3A_934, %get3A_38 : vector<16xf32>
      %mul3A_964 = arith.mulf %get3A_943, %get3A_32 : vector<16xf32>
      %add3A_965 = arith.addf %mul3A_962, %mul3A_964 : vector<16xf32>
      %mul3A_966 = arith.mulf %get3A_943, %get3A_40 : vector<16xf32>
      %add3A_967 = arith.addf %mul3A_963, %mul3A_966 : vector<16xf32>
      %mul3A_968 = arith.mulf %get3A_952, %get3A_34 : vector<16xf32>
      %add3A_969 = arith.addf %add3A_965, %mul3A_968 : vector<16xf32>
      %mul3A_970 = arith.mulf %get3A_952, %get3A_42 : vector<16xf32>
      %add3A_971 = arith.addf %add3A_967, %mul3A_970 : vector<16xf32>
      %mul3A_972 = arith.mulf %get3A_961, %get3A_36 : vector<16xf32>
      %add3A_973 = arith.addf %add3A_969, %mul3A_972 : vector<16xf32>
      %mul3A_974 = arith.mulf %get3A_961, %get3A_44 : vector<16xf32>
      %add3A_975 = arith.addf %add3A_971, %mul3A_974 : vector<16xf32>
      %broadcast_in_dim3A_976 = arith.constant true
      %broadcast_in_dim3A_977 = vector.broadcast %broadcast_in_dim3A_976 : i1 to vector<16xi1>
      %masked_cumsum3A_978 = tpu.scan <sum>, %add3A_973 masked %broadcast_in_dim3A_977 : vector<16xf32>, vector<16xi1> -> vector<16xf32>
      %broadcast_in_dim3A_979 = arith.constant true
      %broadcast_in_dim3A_980 = vector.broadcast %broadcast_in_dim3A_979 : i1 to vector<16xi1>
      %masked_cumsum3A_981 = tpu.scan <sum>, %add3A_975 masked %broadcast_in_dim3A_980 : vector<16xf32>, vector<16xi1> -> vector<16xf32>
      %add3A_982 = arith.constant 256 : i32
      %add3A_983 = arith.addi %add3A_982, %add3A_925 : i32
      %mul3A_984 = arith.constant 2 : i32
      %mul3A_985 = arith.muli %add3A_983, %mul3A_984 : i32
      %broadcast_in_dim3A_986 = vector.broadcast %mul3A_985 : i32 to vector<16xi32>
      tpu.vector_store_idx %arg9[%broadcast_in_dim3A_986], %masked_cumsum3A_978 masked %eq3A_46 : memref<1024xf32, #tpu.memory_space<vmem>>[vector<16xi32>], vector<16xf32>, vector<16xi1>
      %add3A_987 = arith.constant 1 : i32
      %add3A_988 = vector.broadcast %add3A_987 : i32 to vector<16xi32>
      %add3A_989 = arith.addi %broadcast_in_dim3A_986, %add3A_988 : vector<16xi32>
      tpu.vector_store_idx %arg9[%add3A_989], %masked_cumsum3A_981 masked %eq3A_46 : memref<1024xf32, #tpu.memory_space<vmem>>[vector<16xi32>], vector<16xf32>, vector<16xi1>
      %add3A_990 = arith.constant 13 : i32
      %add3A_991 = arith.addi %mul3A_133, %add3A_990 : i32
      %mul3A_992 = arith.constant 64 : i32
      %mul3A_993 = arith.muli %add3A_991, %mul3A_992 : i32
      %add3A_994 = arith.constant 0 : i32
      %add3A_995 = arith.addi %mul3A_993, %add3A_994 : i32
      %get3A_996 = arith.constant 0 : i32
      %get3A_997 = tpu.memref_slice %arg6[%scan3A_109, %get3A_996] : memref<2x8192xf32, #tpu.memory_space<vmem>> -> memref<1x8192xf32, #tpu.memory_space<vmem>>
      %get3A_998 = tpu.memref_squeeze %get3A_997 : memref<1x8192xf32, #tpu.memory_space<vmem>> -> memref<8192xf32, #tpu.memory_space<vmem>>
      %get3A_999 = arith.index_cast %add3A_995 : i32 to index
      %get3A_1000 = tpu.vector_load %get3A_998[%get3A_999] {strides = array<i32>} : memref<8192xf32, #tpu.memory_space<vmem>>, vector<16xf32>,
      %mul3A_1001 = arith.constant 64 : i32
      %mul3A_1002 = arith.muli %add3A_991, %mul3A_1001 : i32
      %add3A_1003 = arith.constant 16 : i32
      %add3A_1004 = arith.addi %mul3A_1002, %add3A_1003 : i32
      %get3A_1005 = arith.constant 0 : i32
      %get3A_1006 = tpu.memref_slice %arg6[%scan3A_109, %get3A_1005] : memref<2x8192xf32, #tpu.memory_space<vmem>> -> memref<1x8192xf32, #tpu.memory_space<vmem>>
      %get3A_1007 = tpu.memref_squeeze %get3A_1006 : memref<1x8192xf32, #tpu.memory_space<vmem>> -> memref<8192xf32, #tpu.memory_space<vmem>>
      %get3A_1008 = arith.index_cast %add3A_1004 : i32 to index
      %get3A_1009 = tpu.vector_load %get3A_1007[%get3A_1008] {strides = array<i32>} : memref<8192xf32, #tpu.memory_space<vmem>>, vector<16xf32>,
      %mul3A_1010 = arith.constant 64 : i32
      %mul3A_1011 = arith.muli %add3A_991, %mul3A_1010 : i32
      %add3A_1012 = arith.constant 32 : i32
      %add3A_1013 = arith.addi %mul3A_1011, %add3A_1012 : i32
      %get3A_1014 = arith.constant 0 : i32
      %get3A_1015 = tpu.memref_slice %arg6[%scan3A_109, %get3A_1014] : memref<2x8192xf32, #tpu.memory_space<vmem>> -> memref<1x8192xf32, #tpu.memory_space<vmem>>
      %get3A_1016 = tpu.memref_squeeze %get3A_1015 : memref<1x8192xf32, #tpu.memory_space<vmem>> -> memref<8192xf32, #tpu.memory_space<vmem>>
      %get3A_1017 = arith.index_cast %add3A_1013 : i32 to index
      %get3A_1018 = tpu.vector_load %get3A_1016[%get3A_1017] {strides = array<i32>} : memref<8192xf32, #tpu.memory_space<vmem>>, vector<16xf32>,
      %mul3A_1019 = arith.constant 64 : i32
      %mul3A_1020 = arith.muli %add3A_991, %mul3A_1019 : i32
      %add3A_1021 = arith.constant 48 : i32
      %add3A_1022 = arith.addi %mul3A_1020, %add3A_1021 : i32
      %get3A_1023 = arith.constant 0 : i32
      %get3A_1024 = tpu.memref_slice %arg6[%scan3A_109, %get3A_1023] : memref<2x8192xf32, #tpu.memory_space<vmem>> -> memref<1x8192xf32, #tpu.memory_space<vmem>>
      %get3A_1025 = tpu.memref_squeeze %get3A_1024 : memref<1x8192xf32, #tpu.memory_space<vmem>> -> memref<8192xf32, #tpu.memory_space<vmem>>
      %get3A_1026 = arith.index_cast %add3A_1022 : i32 to index
      %get3A_1027 = tpu.vector_load %get3A_1025[%get3A_1026] {strides = array<i32>} : memref<8192xf32, #tpu.memory_space<vmem>>, vector<16xf32>,
      %mul3A_1028 = arith.mulf %get3A_1000, %get3A_30 : vector<16xf32>
      %mul3A_1029 = arith.mulf %get3A_1000, %get3A_38 : vector<16xf32>
      %mul3A_1030 = arith.mulf %get3A_1009, %get3A_32 : vector<16xf32>
      %add3A_1031 = arith.addf %mul3A_1028, %mul3A_1030 : vector<16xf32>
      %mul3A_1032 = arith.mulf %get3A_1009, %get3A_40 : vector<16xf32>
      %add3A_1033 = arith.addf %mul3A_1029, %mul3A_1032 : vector<16xf32>
      %mul3A_1034 = arith.mulf %get3A_1018, %get3A_34 : vector<16xf32>
      %add3A_1035 = arith.addf %add3A_1031, %mul3A_1034 : vector<16xf32>
      %mul3A_1036 = arith.mulf %get3A_1018, %get3A_42 : vector<16xf32>
      %add3A_1037 = arith.addf %add3A_1033, %mul3A_1036 : vector<16xf32>
      %mul3A_1038 = arith.mulf %get3A_1027, %get3A_36 : vector<16xf32>
      %add3A_1039 = arith.addf %add3A_1035, %mul3A_1038 : vector<16xf32>
      %mul3A_1040 = arith.mulf %get3A_1027, %get3A_44 : vector<16xf32>
      %add3A_1041 = arith.addf %add3A_1037, %mul3A_1040 : vector<16xf32>
      %broadcast_in_dim3A_1042 = arith.constant true
      %broadcast_in_dim3A_1043 = vector.broadcast %broadcast_in_dim3A_1042 : i1 to vector<16xi1>
      %masked_cumsum3A_1044 = tpu.scan <sum>, %add3A_1039 masked %broadcast_in_dim3A_1043 : vector<16xf32>, vector<16xi1> -> vector<16xf32>
      %broadcast_in_dim3A_1045 = arith.constant true
      %broadcast_in_dim3A_1046 = vector.broadcast %broadcast_in_dim3A_1045 : i1 to vector<16xi1>
      %masked_cumsum3A_1047 = tpu.scan <sum>, %add3A_1041 masked %broadcast_in_dim3A_1046 : vector<16xf32>, vector<16xi1> -> vector<16xf32>
      %add3A_1048 = arith.constant 256 : i32
      %add3A_1049 = arith.addi %add3A_1048, %add3A_991 : i32
      %mul3A_1050 = arith.constant 2 : i32
      %mul3A_1051 = arith.muli %add3A_1049, %mul3A_1050 : i32
      %broadcast_in_dim3A_1052 = vector.broadcast %mul3A_1051 : i32 to vector<16xi32>
      tpu.vector_store_idx %arg9[%broadcast_in_dim3A_1052], %masked_cumsum3A_1044 masked %eq3A_46 : memref<1024xf32, #tpu.memory_space<vmem>>[vector<16xi32>], vector<16xf32>, vector<16xi1>
      %add3A_1053 = arith.constant 1 : i32
      %add3A_1054 = vector.broadcast %add3A_1053 : i32 to vector<16xi32>
      %add3A_1055 = arith.addi %broadcast_in_dim3A_1052, %add3A_1054 : vector<16xi32>
      tpu.vector_store_idx %arg9[%add3A_1055], %masked_cumsum3A_1047 masked %eq3A_46 : memref<1024xf32, #tpu.memory_space<vmem>>[vector<16xi32>], vector<16xf32>, vector<16xi1>
      %add3A_1056 = arith.constant 14 : i32
      %add3A_1057 = arith.addi %mul3A_133, %add3A_1056 : i32
      %mul3A_1058 = arith.constant 64 : i32
      %mul3A_1059 = arith.muli %add3A_1057, %mul3A_1058 : i32
      %add3A_1060 = arith.constant 0 : i32
      %add3A_1061 = arith.addi %mul3A_1059, %add3A_1060 : i32
      %get3A_1062 = arith.constant 0 : i32
      %get3A_1063 = tpu.memref_slice %arg6[%scan3A_109, %get3A_1062] : memref<2x8192xf32, #tpu.memory_space<vmem>> -> memref<1x8192xf32, #tpu.memory_space<vmem>>
      %get3A_1064 = tpu.memref_squeeze %get3A_1063 : memref<1x8192xf32, #tpu.memory_space<vmem>> -> memref<8192xf32, #tpu.memory_space<vmem>>
      %get3A_1065 = arith.index_cast %add3A_1061 : i32 to index
      %get3A_1066 = tpu.vector_load %get3A_1064[%get3A_1065] {strides = array<i32>} : memref<8192xf32, #tpu.memory_space<vmem>>, vector<16xf32>,
      %mul3A_1067 = arith.constant 64 : i32
      %mul3A_1068 = arith.muli %add3A_1057, %mul3A_1067 : i32
      %add3A_1069 = arith.constant 16 : i32
      %add3A_1070 = arith.addi %mul3A_1068, %add3A_1069 : i32
      %get3A_1071 = arith.constant 0 : i32
      %get3A_1072 = tpu.memref_slice %arg6[%scan3A_109, %get3A_1071] : memref<2x8192xf32, #tpu.memory_space<vmem>> -> memref<1x8192xf32, #tpu.memory_space<vmem>>
      %get3A_1073 = tpu.memref_squeeze %get3A_1072 : memref<1x8192xf32, #tpu.memory_space<vmem>> -> memref<8192xf32, #tpu.memory_space<vmem>>
      %get3A_1074 = arith.index_cast %add3A_1070 : i32 to index
      %get3A_1075 = tpu.vector_load %get3A_1073[%get3A_1074] {strides = array<i32>} : memref<8192xf32, #tpu.memory_space<vmem>>, vector<16xf32>,
      %mul3A_1076 = arith.constant 64 : i32
      %mul3A_1077 = arith.muli %add3A_1057, %mul3A_1076 : i32
      %add3A_1078 = arith.constant 32 : i32
      %add3A_1079 = arith.addi %mul3A_1077, %add3A_1078 : i32
      %get3A_1080 = arith.constant 0 : i32
      %get3A_1081 = tpu.memref_slice %arg6[%scan3A_109, %get3A_1080] : memref<2x8192xf32, #tpu.memory_space<vmem>> -> memref<1x8192xf32, #tpu.memory_space<vmem>>
      %get3A_1082 = tpu.memref_squeeze %get3A_1081 : memref<1x8192xf32, #tpu.memory_space<vmem>> -> memref<8192xf32, #tpu.memory_space<vmem>>
      %get3A_1083 = arith.index_cast %add3A_1079 : i32 to index
      %get3A_1084 = tpu.vector_load %get3A_1082[%get3A_1083] {strides = array<i32>} : memref<8192xf32, #tpu.memory_space<vmem>>, vector<16xf32>,
      %mul3A_1085 = arith.constant 64 : i32
      %mul3A_1086 = arith.muli %add3A_1057, %mul3A_1085 : i32
      %add3A_1087 = arith.constant 48 : i32
      %add3A_1088 = arith.addi %mul3A_1086, %add3A_1087 : i32
      %get3A_1089 = arith.constant 0 : i32
      %get3A_1090 = tpu.memref_slice %arg6[%scan3A_109, %get3A_1089] : memref<2x8192xf32, #tpu.memory_space<vmem>> -> memref<1x8192xf32, #tpu.memory_space<vmem>>
      %get3A_1091 = tpu.memref_squeeze %get3A_1090 : memref<1x8192xf32, #tpu.memory_space<vmem>> -> memref<8192xf32, #tpu.memory_space<vmem>>
      %get3A_1092 = arith.index_cast %add3A_1088 : i32 to index
      %get3A_1093 = tpu.vector_load %get3A_1091[%get3A_1092] {strides = array<i32>} : memref<8192xf32, #tpu.memory_space<vmem>>, vector<16xf32>,
      %mul3A_1094 = arith.mulf %get3A_1066, %get3A_30 : vector<16xf32>
      %mul3A_1095 = arith.mulf %get3A_1066, %get3A_38 : vector<16xf32>
      %mul3A_1096 = arith.mulf %get3A_1075, %get3A_32 : vector<16xf32>
      %add3A_1097 = arith.addf %mul3A_1094, %mul3A_1096 : vector<16xf32>
      %mul3A_1098 = arith.mulf %get3A_1075, %get3A_40 : vector<16xf32>
      %add3A_1099 = arith.addf %mul3A_1095, %mul3A_1098 : vector<16xf32>
      %mul3A_1100 = arith.mulf %get3A_1084, %get3A_34 : vector<16xf32>
      %add3A_1101 = arith.addf %add3A_1097, %mul3A_1100 : vector<16xf32>
      %mul3A_1102 = arith.mulf %get3A_1084, %get3A_42 : vector<16xf32>
      %add3A_1103 = arith.addf %add3A_1099, %mul3A_1102 : vector<16xf32>
      %mul3A_1104 = arith.mulf %get3A_1093, %get3A_36 : vector<16xf32>
      %add3A_1105 = arith.addf %add3A_1101, %mul3A_1104 : vector<16xf32>
      %mul3A_1106 = arith.mulf %get3A_1093, %get3A_44 : vector<16xf32>
      %add3A_1107 = arith.addf %add3A_1103, %mul3A_1106 : vector<16xf32>
      %broadcast_in_dim3A_1108 = arith.constant true
      %broadcast_in_dim3A_1109 = vector.broadcast %broadcast_in_dim3A_1108 : i1 to vector<16xi1>
      %masked_cumsum3A_1110 = tpu.scan <sum>, %add3A_1105 masked %broadcast_in_dim3A_1109 : vector<16xf32>, vector<16xi1> -> vector<16xf32>
      %broadcast_in_dim3A_1111 = arith.constant true
      %broadcast_in_dim3A_1112 = vector.broadcast %broadcast_in_dim3A_1111 : i1 to vector<16xi1>
      %masked_cumsum3A_1113 = tpu.scan <sum>, %add3A_1107 masked %broadcast_in_dim3A_1112 : vector<16xf32>, vector<16xi1> -> vector<16xf32>
      %add3A_1114 = arith.constant 256 : i32
      %add3A_1115 = arith.addi %add3A_1114, %add3A_1057 : i32
      %mul3A_1116 = arith.constant 2 : i32
      %mul3A_1117 = arith.muli %add3A_1115, %mul3A_1116 : i32
      %broadcast_in_dim3A_1118 = vector.broadcast %mul3A_1117 : i32 to vector<16xi32>
      tpu.vector_store_idx %arg9[%broadcast_in_dim3A_1118], %masked_cumsum3A_1110 masked %eq3A_46 : memref<1024xf32, #tpu.memory_space<vmem>>[vector<16xi32>], vector<16xf32>, vector<16xi1>
      %add3A_1119 = arith.constant 1 : i32
      %add3A_1120 = vector.broadcast %add3A_1119 : i32 to vector<16xi32>
      %add3A_1121 = arith.addi %broadcast_in_dim3A_1118, %add3A_1120 : vector<16xi32>
      tpu.vector_store_idx %arg9[%add3A_1121], %masked_cumsum3A_1113 masked %eq3A_46 : memref<1024xf32, #tpu.memory_space<vmem>>[vector<16xi32>], vector<16xf32>, vector<16xi1>
      %add3A_1122 = arith.constant 15 : i32
      %add3A_1123 = arith.addi %mul3A_133, %add3A_1122 : i32
      %mul3A_1124 = arith.constant 64 : i32
      %mul3A_1125 = arith.muli %add3A_1123, %mul3A_1124 : i32
      %add3A_1126 = arith.constant 0 : i32
      %add3A_1127 = arith.addi %mul3A_1125, %add3A_1126 : i32
      %get3A_1128 = arith.constant 0 : i32
      %get3A_1129 = tpu.memref_slice %arg6[%scan3A_109, %get3A_1128] : memref<2x8192xf32, #tpu.memory_space<vmem>> -> memref<1x8192xf32, #tpu.memory_space<vmem>>
      %get3A_1130 = tpu.memref_squeeze %get3A_1129 : memref<1x8192xf32, #tpu.memory_space<vmem>> -> memref<8192xf32, #tpu.memory_space<vmem>>
      %get3A_1131 = arith.index_cast %add3A_1127 : i32 to index
      %get3A_1132 = tpu.vector_load %get3A_1130[%get3A_1131] {strides = array<i32>} : memref<8192xf32, #tpu.memory_space<vmem>>, vector<16xf32>,
      %mul3A_1133 = arith.constant 64 : i32
      %mul3A_1134 = arith.muli %add3A_1123, %mul3A_1133 : i32
      %add3A_1135 = arith.constant 16 : i32
      %add3A_1136 = arith.addi %mul3A_1134, %add3A_1135 : i32
      %get3A_1137 = arith.constant 0 : i32
      %get3A_1138 = tpu.memref_slice %arg6[%scan3A_109, %get3A_1137] : memref<2x8192xf32, #tpu.memory_space<vmem>> -> memref<1x8192xf32, #tpu.memory_space<vmem>>
      %get3A_1139 = tpu.memref_squeeze %get3A_1138 : memref<1x8192xf32, #tpu.memory_space<vmem>> -> memref<8192xf32, #tpu.memory_space<vmem>>
      %get3A_1140 = arith.index_cast %add3A_1136 : i32 to index
      %get3A_1141 = tpu.vector_load %get3A_1139[%get3A_1140] {strides = array<i32>} : memref<8192xf32, #tpu.memory_space<vmem>>, vector<16xf32>,
      %mul3A_1142 = arith.constant 64 : i32
      %mul3A_1143 = arith.muli %add3A_1123, %mul3A_1142 : i32
      %add3A_1144 = arith.constant 32 : i32
      %add3A_1145 = arith.addi %mul3A_1143, %add3A_1144 : i32
      %get3A_1146 = arith.constant 0 : i32
      %get3A_1147 = tpu.memref_slice %arg6[%scan3A_109, %get3A_1146] : memref<2x8192xf32, #tpu.memory_space<vmem>> -> memref<1x8192xf32, #tpu.memory_space<vmem>>
      %get3A_1148 = tpu.memref_squeeze %get3A_1147 : memref<1x8192xf32, #tpu.memory_space<vmem>> -> memref<8192xf32, #tpu.memory_space<vmem>>
      %get3A_1149 = arith.index_cast %add3A_1145 : i32 to index
      %get3A_1150 = tpu.vector_load %get3A_1148[%get3A_1149] {strides = array<i32>} : memref<8192xf32, #tpu.memory_space<vmem>>, vector<16xf32>,
      %mul3A_1151 = arith.constant 64 : i32
      %mul3A_1152 = arith.muli %add3A_1123, %mul3A_1151 : i32
      %add3A_1153 = arith.constant 48 : i32
      %add3A_1154 = arith.addi %mul3A_1152, %add3A_1153 : i32
      %get3A_1155 = arith.constant 0 : i32
      %get3A_1156 = tpu.memref_slice %arg6[%scan3A_109, %get3A_1155] : memref<2x8192xf32, #tpu.memory_space<vmem>> -> memref<1x8192xf32, #tpu.memory_space<vmem>>
      %get3A_1157 = tpu.memref_squeeze %get3A_1156 : memref<1x8192xf32, #tpu.memory_space<vmem>> -> memref<8192xf32, #tpu.memory_space<vmem>>
      %get3A_1158 = arith.index_cast %add3A_1154 : i32 to index
      %get3A_1159 = tpu.vector_load %get3A_1157[%get3A_1158] {strides = array<i32>} : memref<8192xf32, #tpu.memory_space<vmem>>, vector<16xf32>,
      %mul3A_1160 = arith.mulf %get3A_1132, %get3A_30 : vector<16xf32>
      %mul3A_1161 = arith.mulf %get3A_1132, %get3A_38 : vector<16xf32>
      %mul3A_1162 = arith.mulf %get3A_1141, %get3A_32 : vector<16xf32>
      %add3A_1163 = arith.addf %mul3A_1160, %mul3A_1162 : vector<16xf32>
      %mul3A_1164 = arith.mulf %get3A_1141, %get3A_40 : vector<16xf32>
      %add3A_1165 = arith.addf %mul3A_1161, %mul3A_1164 : vector<16xf32>
      %mul3A_1166 = arith.mulf %get3A_1150, %get3A_34 : vector<16xf32>
      %add3A_1167 = arith.addf %add3A_1163, %mul3A_1166 : vector<16xf32>
      %mul3A_1168 = arith.mulf %get3A_1150, %get3A_42 : vector<16xf32>
      %add3A_1169 = arith.addf %add3A_1165, %mul3A_1168 : vector<16xf32>
      %mul3A_1170 = arith.mulf %get3A_1159, %get3A_36 : vector<16xf32>
      %add3A_1171 = arith.addf %add3A_1167, %mul3A_1170 : vector<16xf32>
      %mul3A_1172 = arith.mulf %get3A_1159, %get3A_44 : vector<16xf32>
      %add3A_1173 = arith.addf %add3A_1169, %mul3A_1172 : vector<16xf32>
      %broadcast_in_dim3A_1174 = arith.constant true
      %broadcast_in_dim3A_1175 = vector.broadcast %broadcast_in_dim3A_1174 : i1 to vector<16xi1>
      %masked_cumsum3A_1176 = tpu.scan <sum>, %add3A_1171 masked %broadcast_in_dim3A_1175 : vector<16xf32>, vector<16xi1> -> vector<16xf32>
      %broadcast_in_dim3A_1177 = arith.constant true
      %broadcast_in_dim3A_1178 = vector.broadcast %broadcast_in_dim3A_1177 : i1 to vector<16xi1>
      %masked_cumsum3A_1179 = tpu.scan <sum>, %add3A_1173 masked %broadcast_in_dim3A_1178 : vector<16xf32>, vector<16xi1> -> vector<16xf32>
      %add3A_1180 = arith.constant 256 : i32
      %add3A_1181 = arith.addi %add3A_1180, %add3A_1123 : i32
      %mul3A_1182 = arith.constant 2 : i32
      %mul3A_1183 = arith.muli %add3A_1181, %mul3A_1182 : i32
      %broadcast_in_dim3A_1184 = vector.broadcast %mul3A_1183 : i32 to vector<16xi32>
      tpu.vector_store_idx %arg9[%broadcast_in_dim3A_1184], %masked_cumsum3A_1176 masked %eq3A_46 : memref<1024xf32, #tpu.memory_space<vmem>>[vector<16xi32>], vector<16xf32>, vector<16xi1>
      %add3A_1185 = arith.constant 1 : i32
      %add3A_1186 = vector.broadcast %add3A_1185 : i32 to vector<16xi32>
      %add3A_1187 = arith.addi %broadcast_in_dim3A_1184, %add3A_1186 : vector<16xi32>
      tpu.vector_store_idx %arg9[%add3A_1187], %masked_cumsum3A_1179 masked %eq3A_46 : memref<1024xf32, #tpu.memory_space<vmem>>[vector<16xi32>], vector<16xf32>, vector<16xi1>
    }
    %scan3A_114 = arith.constant 8 : i32
    %dma_wait3A_115 = arith.constant 1 : i32
    %dma_wait3A_116 = arith.constant 0 : i32
    %dma_wait3A_117 = tpu.memref_slice %arg6[%dma_wait3A_115, %dma_wait3A_116] : memref<2x8192xf32, #tpu.memory_space<vmem>> -> memref<1x8192xf32, #tpu.memory_space<vmem>>
    %dma_wait3A_118 = tpu.memref_squeeze %dma_wait3A_117 : memref<1x8192xf32, #tpu.memory_space<vmem>> -> memref<8192xf32, #tpu.memory_space<vmem>>
    %dma_wait3A_119 = tpu.memref_slice %arg2[%add3A_89] : memref<1048576xf32, #tpu.memory_space<hbm>> -> memref<8192xf32, #tpu.memory_space<hbm>>
    %dma_wait3A_120 = arith.constant 0 : i32
    %dma_wait3A_121 = tpu.memref_slice %arg6[%dma_wait3A_115, %dma_wait3A_120] : memref<2x8192xf32, #tpu.memory_space<vmem>> -> memref<1x8192xf32, #tpu.memory_space<vmem>>
    %dma_wait3A_122 = tpu.memref_squeeze %dma_wait3A_121 : memref<1x8192xf32, #tpu.memory_space<vmem>> -> memref<8192xf32, #tpu.memory_space<vmem>>
    %dma_wait3A_123 = tpu.memref_slice %arg2[%add3A_89] : memref<1048576xf32, #tpu.memory_space<hbm>> -> memref<8192xf32, #tpu.memory_space<hbm>>
    tpu.wait_dma2 semaphore(%arg11 : memref<!tpu.dma_semaphore, #tpu.memory_space<semaphore_mem>>) src(%dma_wait3A_123 : memref<8192xf32, #tpu.memory_space<hbm>>) dst(%dma_wait3A_122 : memref<8192xf32, #tpu.memory_space<vmem>>)
    %scan3A_124 = arith.constant 0 : i32
    %scan3A_125 = arith.constant 1 : i32
    %scan3A_126 = arith.constant 0 : i32
    %scan3A_127 = arith.constant 8 : i32
    %scan3A_128 = arith.addi %scan3A_126, %scan3A_127 : i32
    %scan3A_129 = arith.constant 1 : i32
    scf.for %scan3A_131 = %scan3A_126 to %scan3A_128 step %scan3A_129  : i32 {
      %mul3A_132 = arith.constant 16 : i32
      %mul3A_133 = arith.muli %scan3A_131, %mul3A_132 : i32
      %add3A_134 = arith.constant 0 : i32
      %add3A_135 = arith.addi %mul3A_133, %add3A_134 : i32
      %mul3A_136 = arith.constant 64 : i32
      %mul3A_137 = arith.muli %add3A_135, %mul3A_136 : i32
      %add3A_138 = arith.constant 0 : i32
      %add3A_139 = arith.addi %mul3A_137, %add3A_138 : i32
      %get3A_140 = arith.constant 0 : i32
      %get3A_141 = tpu.memref_slice %arg6[%scan3A_125, %get3A_140] : memref<2x8192xf32, #tpu.memory_space<vmem>> -> memref<1x8192xf32, #tpu.memory_space<vmem>>
      %get3A_142 = tpu.memref_squeeze %get3A_141 : memref<1x8192xf32, #tpu.memory_space<vmem>> -> memref<8192xf32, #tpu.memory_space<vmem>>
      %get3A_143 = arith.index_cast %add3A_139 : i32 to index
      %get3A_144 = tpu.vector_load %get3A_142[%get3A_143] {strides = array<i32>} : memref<8192xf32, #tpu.memory_space<vmem>>, vector<16xf32>,
      %mul3A_145 = arith.constant 64 : i32
      %mul3A_146 = arith.muli %add3A_135, %mul3A_145 : i32
      %add3A_147 = arith.constant 16 : i32
      %add3A_148 = arith.addi %mul3A_146, %add3A_147 : i32
      %get3A_149 = arith.constant 0 : i32
      %get3A_150 = tpu.memref_slice %arg6[%scan3A_125, %get3A_149] : memref<2x8192xf32, #tpu.memory_space<vmem>> -> memref<1x8192xf32, #tpu.memory_space<vmem>>
      %get3A_151 = tpu.memref_squeeze %get3A_150 : memref<1x8192xf32, #tpu.memory_space<vmem>> -> memref<8192xf32, #tpu.memory_space<vmem>>
      %get3A_152 = arith.index_cast %add3A_148 : i32 to index
      %get3A_153 = tpu.vector_load %get3A_151[%get3A_152] {strides = array<i32>} : memref<8192xf32, #tpu.memory_space<vmem>>, vector<16xf32>,
      %mul3A_154 = arith.constant 64 : i32
      %mul3A_155 = arith.muli %add3A_135, %mul3A_154 : i32
      %add3A_156 = arith.constant 32 : i32
      %add3A_157 = arith.addi %mul3A_155, %add3A_156 : i32
      %get3A_158 = arith.constant 0 : i32
      %get3A_159 = tpu.memref_slice %arg6[%scan3A_125, %get3A_158] : memref<2x8192xf32, #tpu.memory_space<vmem>> -> memref<1x8192xf32, #tpu.memory_space<vmem>>
      %get3A_160 = tpu.memref_squeeze %get3A_159 : memref<1x8192xf32, #tpu.memory_space<vmem>> -> memref<8192xf32, #tpu.memory_space<vmem>>
      %get3A_161 = arith.index_cast %add3A_157 : i32 to index
      %get3A_162 = tpu.vector_load %get3A_160[%get3A_161] {strides = array<i32>} : memref<8192xf32, #tpu.memory_space<vmem>>, vector<16xf32>,
      %mul3A_163 = arith.constant 64 : i32
      %mul3A_164 = arith.muli %add3A_135, %mul3A_163 : i32
      %add3A_165 = arith.constant 48 : i32
      %add3A_166 = arith.addi %mul3A_164, %add3A_165 : i32
      %get3A_167 = arith.constant 0 : i32
      %get3A_168 = tpu.memref_slice %arg6[%scan3A_125, %get3A_167] : memref<2x8192xf32, #tpu.memory_space<vmem>> -> memref<1x8192xf32, #tpu.memory_space<vmem>>
      %get3A_169 = tpu.memref_squeeze %get3A_168 : memref<1x8192xf32, #tpu.memory_space<vmem>> -> memref<8192xf32, #tpu.memory_space<vmem>>
      %get3A_170 = arith.index_cast %add3A_166 : i32 to index
      %get3A_171 = tpu.vector_load %get3A_169[%get3A_170] {strides = array<i32>} : memref<8192xf32, #tpu.memory_space<vmem>>, vector<16xf32>,
      %mul3A_172 = arith.mulf %get3A_144, %get3A_30 : vector<16xf32>
      %mul3A_173 = arith.mulf %get3A_144, %get3A_38 : vector<16xf32>
      %mul3A_174 = arith.mulf %get3A_153, %get3A_32 : vector<16xf32>
      %add3A_175 = arith.addf %mul3A_172, %mul3A_174 : vector<16xf32>
      %mul3A_176 = arith.mulf %get3A_153, %get3A_40 : vector<16xf32>
      %add3A_177 = arith.addf %mul3A_173, %mul3A_176 : vector<16xf32>
      %mul3A_178 = arith.mulf %get3A_162, %get3A_34 : vector<16xf32>
      %add3A_179 = arith.addf %add3A_175, %mul3A_178 : vector<16xf32>
      %mul3A_180 = arith.mulf %get3A_162, %get3A_42 : vector<16xf32>
      %add3A_181 = arith.addf %add3A_177, %mul3A_180 : vector<16xf32>
      %mul3A_182 = arith.mulf %get3A_171, %get3A_36 : vector<16xf32>
      %add3A_183 = arith.addf %add3A_179, %mul3A_182 : vector<16xf32>
      %mul3A_184 = arith.mulf %get3A_171, %get3A_44 : vector<16xf32>
      %add3A_185 = arith.addf %add3A_181, %mul3A_184 : vector<16xf32>
      %broadcast_in_dim3A = arith.constant true
      %broadcast_in_dim3A_186 = vector.broadcast %broadcast_in_dim3A : i1 to vector<16xi1>
      %masked_cumsum3A = tpu.scan <sum>, %add3A_183 masked %broadcast_in_dim3A_186 : vector<16xf32>, vector<16xi1> -> vector<16xf32>
      %broadcast_in_dim3A_187 = arith.constant true
      %broadcast_in_dim3A_188 = vector.broadcast %broadcast_in_dim3A_187 : i1 to vector<16xi1>
      %masked_cumsum3A_189 = tpu.scan <sum>, %add3A_185 masked %broadcast_in_dim3A_188 : vector<16xf32>, vector<16xi1> -> vector<16xf32>
      %add3A_190 = arith.constant 384 : i32
      %add3A_191 = arith.addi %add3A_190, %add3A_135 : i32
      %mul3A_192 = arith.constant 2 : i32
      %mul3A_193 = arith.muli %add3A_191, %mul3A_192 : i32
      %broadcast_in_dim3A_194 = vector.broadcast %mul3A_193 : i32 to vector<16xi32>
      tpu.vector_store_idx %arg9[%broadcast_in_dim3A_194], %masked_cumsum3A masked %eq3A_46 : memref<1024xf32, #tpu.memory_space<vmem>>[vector<16xi32>], vector<16xf32>, vector<16xi1>
      %add3A_195 = arith.constant 1 : i32
      %add3A_196 = vector.broadcast %add3A_195 : i32 to vector<16xi32>
      %add3A_197 = arith.addi %broadcast_in_dim3A_194, %add3A_196 : vector<16xi32>
      tpu.vector_store_idx %arg9[%add3A_197], %masked_cumsum3A_189 masked %eq3A_46 : memref<1024xf32, #tpu.memory_space<vmem>>[vector<16xi32>], vector<16xf32>, vector<16xi1>
      %add3A_198 = arith.constant 1 : i32
      %add3A_199 = arith.addi %mul3A_133, %add3A_198 : i32
      %mul3A_200 = arith.constant 64 : i32
      %mul3A_201 = arith.muli %add3A_199, %mul3A_200 : i32
      %add3A_202 = arith.constant 0 : i32
      %add3A_203 = arith.addi %mul3A_201, %add3A_202 : i32
      %get3A_204 = arith.constant 0 : i32
      %get3A_205 = tpu.memref_slice %arg6[%scan3A_125, %get3A_204] : memref<2x8192xf32, #tpu.memory_space<vmem>> -> memref<1x8192xf32, #tpu.memory_space<vmem>>
      %get3A_206 = tpu.memref_squeeze %get3A_205 : memref<1x8192xf32, #tpu.memory_space<vmem>> -> memref<8192xf32, #tpu.memory_space<vmem>>
      %get3A_207 = arith.index_cast %add3A_203 : i32 to index
      %get3A_208 = tpu.vector_load %get3A_206[%get3A_207] {strides = array<i32>} : memref<8192xf32, #tpu.memory_space<vmem>>, vector<16xf32>,
      %mul3A_209 = arith.constant 64 : i32
      %mul3A_210 = arith.muli %add3A_199, %mul3A_209 : i32
      %add3A_211 = arith.constant 16 : i32
      %add3A_212 = arith.addi %mul3A_210, %add3A_211 : i32
      %get3A_213 = arith.constant 0 : i32
      %get3A_214 = tpu.memref_slice %arg6[%scan3A_125, %get3A_213] : memref<2x8192xf32, #tpu.memory_space<vmem>> -> memref<1x8192xf32, #tpu.memory_space<vmem>>
      %get3A_215 = tpu.memref_squeeze %get3A_214 : memref<1x8192xf32, #tpu.memory_space<vmem>> -> memref<8192xf32, #tpu.memory_space<vmem>>
      %get3A_216 = arith.index_cast %add3A_212 : i32 to index
      %get3A_217 = tpu.vector_load %get3A_215[%get3A_216] {strides = array<i32>} : memref<8192xf32, #tpu.memory_space<vmem>>, vector<16xf32>,
      %mul3A_218 = arith.constant 64 : i32
      %mul3A_219 = arith.muli %add3A_199, %mul3A_218 : i32
      %add3A_220 = arith.constant 32 : i32
      %add3A_221 = arith.addi %mul3A_219, %add3A_220 : i32
      %get3A_222 = arith.constant 0 : i32
      %get3A_223 = tpu.memref_slice %arg6[%scan3A_125, %get3A_222] : memref<2x8192xf32, #tpu.memory_space<vmem>> -> memref<1x8192xf32, #tpu.memory_space<vmem>>
      %get3A_224 = tpu.memref_squeeze %get3A_223 : memref<1x8192xf32, #tpu.memory_space<vmem>> -> memref<8192xf32, #tpu.memory_space<vmem>>
      %get3A_225 = arith.index_cast %add3A_221 : i32 to index
      %get3A_226 = tpu.vector_load %get3A_224[%get3A_225] {strides = array<i32>} : memref<8192xf32, #tpu.memory_space<vmem>>, vector<16xf32>,
      %mul3A_227 = arith.constant 64 : i32
      %mul3A_228 = arith.muli %add3A_199, %mul3A_227 : i32
      %add3A_229 = arith.constant 48 : i32
      %add3A_230 = arith.addi %mul3A_228, %add3A_229 : i32
      %get3A_231 = arith.constant 0 : i32
      %get3A_232 = tpu.memref_slice %arg6[%scan3A_125, %get3A_231] : memref<2x8192xf32, #tpu.memory_space<vmem>> -> memref<1x8192xf32, #tpu.memory_space<vmem>>
      %get3A_233 = tpu.memref_squeeze %get3A_232 : memref<1x8192xf32, #tpu.memory_space<vmem>> -> memref<8192xf32, #tpu.memory_space<vmem>>
      %get3A_234 = arith.index_cast %add3A_230 : i32 to index
      %get3A_235 = tpu.vector_load %get3A_233[%get3A_234] {strides = array<i32>} : memref<8192xf32, #tpu.memory_space<vmem>>, vector<16xf32>,
      %mul3A_236 = arith.mulf %get3A_208, %get3A_30 : vector<16xf32>
      %mul3A_237 = arith.mulf %get3A_208, %get3A_38 : vector<16xf32>
      %mul3A_238 = arith.mulf %get3A_217, %get3A_32 : vector<16xf32>
      %add3A_239 = arith.addf %mul3A_236, %mul3A_238 : vector<16xf32>
      %mul3A_240 = arith.mulf %get3A_217, %get3A_40 : vector<16xf32>
      %add3A_241 = arith.addf %mul3A_237, %mul3A_240 : vector<16xf32>
      %mul3A_242 = arith.mulf %get3A_226, %get3A_34 : vector<16xf32>
      %add3A_243 = arith.addf %add3A_239, %mul3A_242 : vector<16xf32>
      %mul3A_244 = arith.mulf %get3A_226, %get3A_42 : vector<16xf32>
      %add3A_245 = arith.addf %add3A_241, %mul3A_244 : vector<16xf32>
      %mul3A_246 = arith.mulf %get3A_235, %get3A_36 : vector<16xf32>
      %add3A_247 = arith.addf %add3A_243, %mul3A_246 : vector<16xf32>
      %mul3A_248 = arith.mulf %get3A_235, %get3A_44 : vector<16xf32>
      %add3A_249 = arith.addf %add3A_245, %mul3A_248 : vector<16xf32>
      %broadcast_in_dim3A_250 = arith.constant true
      %broadcast_in_dim3A_251 = vector.broadcast %broadcast_in_dim3A_250 : i1 to vector<16xi1>
      %masked_cumsum3A_252 = tpu.scan <sum>, %add3A_247 masked %broadcast_in_dim3A_251 : vector<16xf32>, vector<16xi1> -> vector<16xf32>
      %broadcast_in_dim3A_253 = arith.constant true
      %broadcast_in_dim3A_254 = vector.broadcast %broadcast_in_dim3A_253 : i1 to vector<16xi1>
      %masked_cumsum3A_255 = tpu.scan <sum>, %add3A_249 masked %broadcast_in_dim3A_254 : vector<16xf32>, vector<16xi1> -> vector<16xf32>
      %add3A_256 = arith.constant 384 : i32
      %add3A_257 = arith.addi %add3A_256, %add3A_199 : i32
      %mul3A_258 = arith.constant 2 : i32
      %mul3A_259 = arith.muli %add3A_257, %mul3A_258 : i32
      %broadcast_in_dim3A_260 = vector.broadcast %mul3A_259 : i32 to vector<16xi32>
      tpu.vector_store_idx %arg9[%broadcast_in_dim3A_260], %masked_cumsum3A_252 masked %eq3A_46 : memref<1024xf32, #tpu.memory_space<vmem>>[vector<16xi32>], vector<16xf32>, vector<16xi1>
      %add3A_261 = arith.constant 1 : i32
      %add3A_262 = vector.broadcast %add3A_261 : i32 to vector<16xi32>
      %add3A_263 = arith.addi %broadcast_in_dim3A_260, %add3A_262 : vector<16xi32>
      tpu.vector_store_idx %arg9[%add3A_263], %masked_cumsum3A_255 masked %eq3A_46 : memref<1024xf32, #tpu.memory_space<vmem>>[vector<16xi32>], vector<16xf32>, vector<16xi1>
      %add3A_264 = arith.constant 2 : i32
      %add3A_265 = arith.addi %mul3A_133, %add3A_264 : i32
      %mul3A_266 = arith.constant 64 : i32
      %mul3A_267 = arith.muli %add3A_265, %mul3A_266 : i32
      %add3A_268 = arith.constant 0 : i32
      %add3A_269 = arith.addi %mul3A_267, %add3A_268 : i32
      %get3A_270 = arith.constant 0 : i32
      %get3A_271 = tpu.memref_slice %arg6[%scan3A_125, %get3A_270] : memref<2x8192xf32, #tpu.memory_space<vmem>> -> memref<1x8192xf32, #tpu.memory_space<vmem>>
      %get3A_272 = tpu.memref_squeeze %get3A_271 : memref<1x8192xf32, #tpu.memory_space<vmem>> -> memref<8192xf32, #tpu.memory_space<vmem>>
      %get3A_273 = arith.index_cast %add3A_269 : i32 to index
      %get3A_274 = tpu.vector_load %get3A_272[%get3A_273] {strides = array<i32>} : memref<8192xf32, #tpu.memory_space<vmem>>, vector<16xf32>,
      %mul3A_275 = arith.constant 64 : i32
      %mul3A_276 = arith.muli %add3A_265, %mul3A_275 : i32
      %add3A_277 = arith.constant 16 : i32
      %add3A_278 = arith.addi %mul3A_276, %add3A_277 : i32
      %get3A_279 = arith.constant 0 : i32
      %get3A_280 = tpu.memref_slice %arg6[%scan3A_125, %get3A_279] : memref<2x8192xf32, #tpu.memory_space<vmem>> -> memref<1x8192xf32, #tpu.memory_space<vmem>>
      %get3A_281 = tpu.memref_squeeze %get3A_280 : memref<1x8192xf32, #tpu.memory_space<vmem>> -> memref<8192xf32, #tpu.memory_space<vmem>>
      %get3A_282 = arith.index_cast %add3A_278 : i32 to index
      %get3A_283 = tpu.vector_load %get3A_281[%get3A_282] {strides = array<i32>} : memref<8192xf32, #tpu.memory_space<vmem>>, vector<16xf32>,
      %mul3A_284 = arith.constant 64 : i32
      %mul3A_285 = arith.muli %add3A_265, %mul3A_284 : i32
      %add3A_286 = arith.constant 32 : i32
      %add3A_287 = arith.addi %mul3A_285, %add3A_286 : i32
      %get3A_288 = arith.constant 0 : i32
      %get3A_289 = tpu.memref_slice %arg6[%scan3A_125, %get3A_288] : memref<2x8192xf32, #tpu.memory_space<vmem>> -> memref<1x8192xf32, #tpu.memory_space<vmem>>
      %get3A_290 = tpu.memref_squeeze %get3A_289 : memref<1x8192xf32, #tpu.memory_space<vmem>> -> memref<8192xf32, #tpu.memory_space<vmem>>
      %get3A_291 = arith.index_cast %add3A_287 : i32 to index
      %get3A_292 = tpu.vector_load %get3A_290[%get3A_291] {strides = array<i32>} : memref<8192xf32, #tpu.memory_space<vmem>>, vector<16xf32>,
      %mul3A_293 = arith.constant 64 : i32
      %mul3A_294 = arith.muli %add3A_265, %mul3A_293 : i32
      %add3A_295 = arith.constant 48 : i32
      %add3A_296 = arith.addi %mul3A_294, %add3A_295 : i32
      %get3A_297 = arith.constant 0 : i32
      %get3A_298 = tpu.memref_slice %arg6[%scan3A_125, %get3A_297] : memref<2x8192xf32, #tpu.memory_space<vmem>> -> memref<1x8192xf32, #tpu.memory_space<vmem>>
      %get3A_299 = tpu.memref_squeeze %get3A_298 : memref<1x8192xf32, #tpu.memory_space<vmem>> -> memref<8192xf32, #tpu.memory_space<vmem>>
      %get3A_300 = arith.index_cast %add3A_296 : i32 to index
      %get3A_301 = tpu.vector_load %get3A_299[%get3A_300] {strides = array<i32>} : memref<8192xf32, #tpu.memory_space<vmem>>, vector<16xf32>,
      %mul3A_302 = arith.mulf %get3A_274, %get3A_30 : vector<16xf32>
      %mul3A_303 = arith.mulf %get3A_274, %get3A_38 : vector<16xf32>
      %mul3A_304 = arith.mulf %get3A_283, %get3A_32 : vector<16xf32>
      %add3A_305 = arith.addf %mul3A_302, %mul3A_304 : vector<16xf32>
      %mul3A_306 = arith.mulf %get3A_283, %get3A_40 : vector<16xf32>
      %add3A_307 = arith.addf %mul3A_303, %mul3A_306 : vector<16xf32>
      %mul3A_308 = arith.mulf %get3A_292, %get3A_34 : vector<16xf32>
      %add3A_309 = arith.addf %add3A_305, %mul3A_308 : vector<16xf32>
      %mul3A_310 = arith.mulf %get3A_292, %get3A_42 : vector<16xf32>
      %add3A_311 = arith.addf %add3A_307, %mul3A_310 : vector<16xf32>
      %mul3A_312 = arith.mulf %get3A_301, %get3A_36 : vector<16xf32>
      %add3A_313 = arith.addf %add3A_309, %mul3A_312 : vector<16xf32>
      %mul3A_314 = arith.mulf %get3A_301, %get3A_44 : vector<16xf32>
      %add3A_315 = arith.addf %add3A_311, %mul3A_314 : vector<16xf32>
      %broadcast_in_dim3A_316 = arith.constant true
      %broadcast_in_dim3A_317 = vector.broadcast %broadcast_in_dim3A_316 : i1 to vector<16xi1>
      %masked_cumsum3A_318 = tpu.scan <sum>, %add3A_313 masked %broadcast_in_dim3A_317 : vector<16xf32>, vector<16xi1> -> vector<16xf32>
      %broadcast_in_dim3A_319 = arith.constant true
      %broadcast_in_dim3A_320 = vector.broadcast %broadcast_in_dim3A_319 : i1 to vector<16xi1>
      %masked_cumsum3A_321 = tpu.scan <sum>, %add3A_315 masked %broadcast_in_dim3A_320 : vector<16xf32>, vector<16xi1> -> vector<16xf32>
      %add3A_322 = arith.constant 384 : i32
      %add3A_323 = arith.addi %add3A_322, %add3A_265 : i32
      %mul3A_324 = arith.constant 2 : i32
      %mul3A_325 = arith.muli %add3A_323, %mul3A_324 : i32
      %broadcast_in_dim3A_326 = vector.broadcast %mul3A_325 : i32 to vector<16xi32>
      tpu.vector_store_idx %arg9[%broadcast_in_dim3A_326], %masked_cumsum3A_318 masked %eq3A_46 : memref<1024xf32, #tpu.memory_space<vmem>>[vector<16xi32>], vector<16xf32>, vector<16xi1>
      %add3A_327 = arith.constant 1 : i32
      %add3A_328 = vector.broadcast %add3A_327 : i32 to vector<16xi32>
      %add3A_329 = arith.addi %broadcast_in_dim3A_326, %add3A_328 : vector<16xi32>
      tpu.vector_store_idx %arg9[%add3A_329], %masked_cumsum3A_321 masked %eq3A_46 : memref<1024xf32, #tpu.memory_space<vmem>>[vector<16xi32>], vector<16xf32>, vector<16xi1>
      %add3A_330 = arith.constant 3 : i32
      %add3A_331 = arith.addi %mul3A_133, %add3A_330 : i32
      %mul3A_332 = arith.constant 64 : i32
      %mul3A_333 = arith.muli %add3A_331, %mul3A_332 : i32
      %add3A_334 = arith.constant 0 : i32
      %add3A_335 = arith.addi %mul3A_333, %add3A_334 : i32
      %get3A_336 = arith.constant 0 : i32
      %get3A_337 = tpu.memref_slice %arg6[%scan3A_125, %get3A_336] : memref<2x8192xf32, #tpu.memory_space<vmem>> -> memref<1x8192xf32, #tpu.memory_space<vmem>>
      %get3A_338 = tpu.memref_squeeze %get3A_337 : memref<1x8192xf32, #tpu.memory_space<vmem>> -> memref<8192xf32, #tpu.memory_space<vmem>>
      %get3A_339 = arith.index_cast %add3A_335 : i32 to index
      %get3A_340 = tpu.vector_load %get3A_338[%get3A_339] {strides = array<i32>} : memref<8192xf32, #tpu.memory_space<vmem>>, vector<16xf32>,
      %mul3A_341 = arith.constant 64 : i32
      %mul3A_342 = arith.muli %add3A_331, %mul3A_341 : i32
      %add3A_343 = arith.constant 16 : i32
      %add3A_344 = arith.addi %mul3A_342, %add3A_343 : i32
      %get3A_345 = arith.constant 0 : i32
      %get3A_346 = tpu.memref_slice %arg6[%scan3A_125, %get3A_345] : memref<2x8192xf32, #tpu.memory_space<vmem>> -> memref<1x8192xf32, #tpu.memory_space<vmem>>
      %get3A_347 = tpu.memref_squeeze %get3A_346 : memref<1x8192xf32, #tpu.memory_space<vmem>> -> memref<8192xf32, #tpu.memory_space<vmem>>
      %get3A_348 = arith.index_cast %add3A_344 : i32 to index
      %get3A_349 = tpu.vector_load %get3A_347[%get3A_348] {strides = array<i32>} : memref<8192xf32, #tpu.memory_space<vmem>>, vector<16xf32>,
      %mul3A_350 = arith.constant 64 : i32
      %mul3A_351 = arith.muli %add3A_331, %mul3A_350 : i32
      %add3A_352 = arith.constant 32 : i32
      %add3A_353 = arith.addi %mul3A_351, %add3A_352 : i32
      %get3A_354 = arith.constant 0 : i32
      %get3A_355 = tpu.memref_slice %arg6[%scan3A_125, %get3A_354] : memref<2x8192xf32, #tpu.memory_space<vmem>> -> memref<1x8192xf32, #tpu.memory_space<vmem>>
      %get3A_356 = tpu.memref_squeeze %get3A_355 : memref<1x8192xf32, #tpu.memory_space<vmem>> -> memref<8192xf32, #tpu.memory_space<vmem>>
      %get3A_357 = arith.index_cast %add3A_353 : i32 to index
      %get3A_358 = tpu.vector_load %get3A_356[%get3A_357] {strides = array<i32>} : memref<8192xf32, #tpu.memory_space<vmem>>, vector<16xf32>,
      %mul3A_359 = arith.constant 64 : i32
      %mul3A_360 = arith.muli %add3A_331, %mul3A_359 : i32
      %add3A_361 = arith.constant 48 : i32
      %add3A_362 = arith.addi %mul3A_360, %add3A_361 : i32
      %get3A_363 = arith.constant 0 : i32
      %get3A_364 = tpu.memref_slice %arg6[%scan3A_125, %get3A_363] : memref<2x8192xf32, #tpu.memory_space<vmem>> -> memref<1x8192xf32, #tpu.memory_space<vmem>>
      %get3A_365 = tpu.memref_squeeze %get3A_364 : memref<1x8192xf32, #tpu.memory_space<vmem>> -> memref<8192xf32, #tpu.memory_space<vmem>>
      %get3A_366 = arith.index_cast %add3A_362 : i32 to index
      %get3A_367 = tpu.vector_load %get3A_365[%get3A_366] {strides = array<i32>} : memref<8192xf32, #tpu.memory_space<vmem>>, vector<16xf32>,
      %mul3A_368 = arith.mulf %get3A_340, %get3A_30 : vector<16xf32>
      %mul3A_369 = arith.mulf %get3A_340, %get3A_38 : vector<16xf32>
      %mul3A_370 = arith.mulf %get3A_349, %get3A_32 : vector<16xf32>
      %add3A_371 = arith.addf %mul3A_368, %mul3A_370 : vector<16xf32>
      %mul3A_372 = arith.mulf %get3A_349, %get3A_40 : vector<16xf32>
      %add3A_373 = arith.addf %mul3A_369, %mul3A_372 : vector<16xf32>
      %mul3A_374 = arith.mulf %get3A_358, %get3A_34 : vector<16xf32>
      %add3A_375 = arith.addf %add3A_371, %mul3A_374 : vector<16xf32>
      %mul3A_376 = arith.mulf %get3A_358, %get3A_42 : vector<16xf32>
      %add3A_377 = arith.addf %add3A_373, %mul3A_376 : vector<16xf32>
      %mul3A_378 = arith.mulf %get3A_367, %get3A_36 : vector<16xf32>
      %add3A_379 = arith.addf %add3A_375, %mul3A_378 : vector<16xf32>
      %mul3A_380 = arith.mulf %get3A_367, %get3A_44 : vector<16xf32>
      %add3A_381 = arith.addf %add3A_377, %mul3A_380 : vector<16xf32>
      %broadcast_in_dim3A_382 = arith.constant true
      %broadcast_in_dim3A_383 = vector.broadcast %broadcast_in_dim3A_382 : i1 to vector<16xi1>
      %masked_cumsum3A_384 = tpu.scan <sum>, %add3A_379 masked %broadcast_in_dim3A_383 : vector<16xf32>, vector<16xi1> -> vector<16xf32>
      %broadcast_in_dim3A_385 = arith.constant true
      %broadcast_in_dim3A_386 = vector.broadcast %broadcast_in_dim3A_385 : i1 to vector<16xi1>
      %masked_cumsum3A_387 = tpu.scan <sum>, %add3A_381 masked %broadcast_in_dim3A_386 : vector<16xf32>, vector<16xi1> -> vector<16xf32>
      %add3A_388 = arith.constant 384 : i32
      %add3A_389 = arith.addi %add3A_388, %add3A_331 : i32
      %mul3A_390 = arith.constant 2 : i32
      %mul3A_391 = arith.muli %add3A_389, %mul3A_390 : i32
      %broadcast_in_dim3A_392 = vector.broadcast %mul3A_391 : i32 to vector<16xi32>
      tpu.vector_store_idx %arg9[%broadcast_in_dim3A_392], %masked_cumsum3A_384 masked %eq3A_46 : memref<1024xf32, #tpu.memory_space<vmem>>[vector<16xi32>], vector<16xf32>, vector<16xi1>
      %add3A_393 = arith.constant 1 : i32
      %add3A_394 = vector.broadcast %add3A_393 : i32 to vector<16xi32>
      %add3A_395 = arith.addi %broadcast_in_dim3A_392, %add3A_394 : vector<16xi32>
      tpu.vector_store_idx %arg9[%add3A_395], %masked_cumsum3A_387 masked %eq3A_46 : memref<1024xf32, #tpu.memory_space<vmem>>[vector<16xi32>], vector<16xf32>, vector<16xi1>
      %add3A_396 = arith.constant 4 : i32
      %add3A_397 = arith.addi %mul3A_133, %add3A_396 : i32
      %mul3A_398 = arith.constant 64 : i32
      %mul3A_399 = arith.muli %add3A_397, %mul3A_398 : i32
      %add3A_400 = arith.constant 0 : i32
      %add3A_401 = arith.addi %mul3A_399, %add3A_400 : i32
      %get3A_402 = arith.constant 0 : i32
      %get3A_403 = tpu.memref_slice %arg6[%scan3A_125, %get3A_402] : memref<2x8192xf32, #tpu.memory_space<vmem>> -> memref<1x8192xf32, #tpu.memory_space<vmem>>
      %get3A_404 = tpu.memref_squeeze %get3A_403 : memref<1x8192xf32, #tpu.memory_space<vmem>> -> memref<8192xf32, #tpu.memory_space<vmem>>
      %get3A_405 = arith.index_cast %add3A_401 : i32 to index
      %get3A_406 = tpu.vector_load %get3A_404[%get3A_405] {strides = array<i32>} : memref<8192xf32, #tpu.memory_space<vmem>>, vector<16xf32>,
      %mul3A_407 = arith.constant 64 : i32
      %mul3A_408 = arith.muli %add3A_397, %mul3A_407 : i32
      %add3A_409 = arith.constant 16 : i32
      %add3A_410 = arith.addi %mul3A_408, %add3A_409 : i32
      %get3A_411 = arith.constant 0 : i32
      %get3A_412 = tpu.memref_slice %arg6[%scan3A_125, %get3A_411] : memref<2x8192xf32, #tpu.memory_space<vmem>> -> memref<1x8192xf32, #tpu.memory_space<vmem>>
      %get3A_413 = tpu.memref_squeeze %get3A_412 : memref<1x8192xf32, #tpu.memory_space<vmem>> -> memref<8192xf32, #tpu.memory_space<vmem>>
      %get3A_414 = arith.index_cast %add3A_410 : i32 to index
      %get3A_415 = tpu.vector_load %get3A_413[%get3A_414] {strides = array<i32>} : memref<8192xf32, #tpu.memory_space<vmem>>, vector<16xf32>,
      %mul3A_416 = arith.constant 64 : i32
      %mul3A_417 = arith.muli %add3A_397, %mul3A_416 : i32
      %add3A_418 = arith.constant 32 : i32
      %add3A_419 = arith.addi %mul3A_417, %add3A_418 : i32
      %get3A_420 = arith.constant 0 : i32
      %get3A_421 = tpu.memref_slice %arg6[%scan3A_125, %get3A_420] : memref<2x8192xf32, #tpu.memory_space<vmem>> -> memref<1x8192xf32, #tpu.memory_space<vmem>>
      %get3A_422 = tpu.memref_squeeze %get3A_421 : memref<1x8192xf32, #tpu.memory_space<vmem>> -> memref<8192xf32, #tpu.memory_space<vmem>>
      %get3A_423 = arith.index_cast %add3A_419 : i32 to index
      %get3A_424 = tpu.vector_load %get3A_422[%get3A_423] {strides = array<i32>} : memref<8192xf32, #tpu.memory_space<vmem>>, vector<16xf32>,
      %mul3A_425 = arith.constant 64 : i32
      %mul3A_426 = arith.muli %add3A_397, %mul3A_425 : i32
      %add3A_427 = arith.constant 48 : i32
      %add3A_428 = arith.addi %mul3A_426, %add3A_427 : i32
      %get3A_429 = arith.constant 0 : i32
      %get3A_430 = tpu.memref_slice %arg6[%scan3A_125, %get3A_429] : memref<2x8192xf32, #tpu.memory_space<vmem>> -> memref<1x8192xf32, #tpu.memory_space<vmem>>
      %get3A_431 = tpu.memref_squeeze %get3A_430 : memref<1x8192xf32, #tpu.memory_space<vmem>> -> memref<8192xf32, #tpu.memory_space<vmem>>
      %get3A_432 = arith.index_cast %add3A_428 : i32 to index
      %get3A_433 = tpu.vector_load %get3A_431[%get3A_432] {strides = array<i32>} : memref<8192xf32, #tpu.memory_space<vmem>>, vector<16xf32>,
      %mul3A_434 = arith.mulf %get3A_406, %get3A_30 : vector<16xf32>
      %mul3A_435 = arith.mulf %get3A_406, %get3A_38 : vector<16xf32>
      %mul3A_436 = arith.mulf %get3A_415, %get3A_32 : vector<16xf32>
      %add3A_437 = arith.addf %mul3A_434, %mul3A_436 : vector<16xf32>
      %mul3A_438 = arith.mulf %get3A_415, %get3A_40 : vector<16xf32>
      %add3A_439 = arith.addf %mul3A_435, %mul3A_438 : vector<16xf32>
      %mul3A_440 = arith.mulf %get3A_424, %get3A_34 : vector<16xf32>
      %add3A_441 = arith.addf %add3A_437, %mul3A_440 : vector<16xf32>
      %mul3A_442 = arith.mulf %get3A_424, %get3A_42 : vector<16xf32>
      %add3A_443 = arith.addf %add3A_439, %mul3A_442 : vector<16xf32>
      %mul3A_444 = arith.mulf %get3A_433, %get3A_36 : vector<16xf32>
      %add3A_445 = arith.addf %add3A_441, %mul3A_444 : vector<16xf32>
      %mul3A_446 = arith.mulf %get3A_433, %get3A_44 : vector<16xf32>
      %add3A_447 = arith.addf %add3A_443, %mul3A_446 : vector<16xf32>
      %broadcast_in_dim3A_448 = arith.constant true
      %broadcast_in_dim3A_449 = vector.broadcast %broadcast_in_dim3A_448 : i1 to vector<16xi1>
      %masked_cumsum3A_450 = tpu.scan <sum>, %add3A_445 masked %broadcast_in_dim3A_449 : vector<16xf32>, vector<16xi1> -> vector<16xf32>
      %broadcast_in_dim3A_451 = arith.constant true
      %broadcast_in_dim3A_452 = vector.broadcast %broadcast_in_dim3A_451 : i1 to vector<16xi1>
      %masked_cumsum3A_453 = tpu.scan <sum>, %add3A_447 masked %broadcast_in_dim3A_452 : vector<16xf32>, vector<16xi1> -> vector<16xf32>
      %add3A_454 = arith.constant 384 : i32
      %add3A_455 = arith.addi %add3A_454, %add3A_397 : i32
      %mul3A_456 = arith.constant 2 : i32
      %mul3A_457 = arith.muli %add3A_455, %mul3A_456 : i32
      %broadcast_in_dim3A_458 = vector.broadcast %mul3A_457 : i32 to vector<16xi32>
      tpu.vector_store_idx %arg9[%broadcast_in_dim3A_458], %masked_cumsum3A_450 masked %eq3A_46 : memref<1024xf32, #tpu.memory_space<vmem>>[vector<16xi32>], vector<16xf32>, vector<16xi1>
      %add3A_459 = arith.constant 1 : i32
      %add3A_460 = vector.broadcast %add3A_459 : i32 to vector<16xi32>
      %add3A_461 = arith.addi %broadcast_in_dim3A_458, %add3A_460 : vector<16xi32>
      tpu.vector_store_idx %arg9[%add3A_461], %masked_cumsum3A_453 masked %eq3A_46 : memref<1024xf32, #tpu.memory_space<vmem>>[vector<16xi32>], vector<16xf32>, vector<16xi1>
      %add3A_462 = arith.constant 5 : i32
      %add3A_463 = arith.addi %mul3A_133, %add3A_462 : i32
      %mul3A_464 = arith.constant 64 : i32
      %mul3A_465 = arith.muli %add3A_463, %mul3A_464 : i32
      %add3A_466 = arith.constant 0 : i32
      %add3A_467 = arith.addi %mul3A_465, %add3A_466 : i32
      %get3A_468 = arith.constant 0 : i32
      %get3A_469 = tpu.memref_slice %arg6[%scan3A_125, %get3A_468] : memref<2x8192xf32, #tpu.memory_space<vmem>> -> memref<1x8192xf32, #tpu.memory_space<vmem>>
      %get3A_470 = tpu.memref_squeeze %get3A_469 : memref<1x8192xf32, #tpu.memory_space<vmem>> -> memref<8192xf32, #tpu.memory_space<vmem>>
      %get3A_471 = arith.index_cast %add3A_467 : i32 to index
      %get3A_472 = tpu.vector_load %get3A_470[%get3A_471] {strides = array<i32>} : memref<8192xf32, #tpu.memory_space<vmem>>, vector<16xf32>,
      %mul3A_473 = arith.constant 64 : i32
      %mul3A_474 = arith.muli %add3A_463, %mul3A_473 : i32
      %add3A_475 = arith.constant 16 : i32
      %add3A_476 = arith.addi %mul3A_474, %add3A_475 : i32
      %get3A_477 = arith.constant 0 : i32
      %get3A_478 = tpu.memref_slice %arg6[%scan3A_125, %get3A_477] : memref<2x8192xf32, #tpu.memory_space<vmem>> -> memref<1x8192xf32, #tpu.memory_space<vmem>>
      %get3A_479 = tpu.memref_squeeze %get3A_478 : memref<1x8192xf32, #tpu.memory_space<vmem>> -> memref<8192xf32, #tpu.memory_space<vmem>>
      %get3A_480 = arith.index_cast %add3A_476 : i32 to index
      %get3A_481 = tpu.vector_load %get3A_479[%get3A_480] {strides = array<i32>} : memref<8192xf32, #tpu.memory_space<vmem>>, vector<16xf32>,
      %mul3A_482 = arith.constant 64 : i32
      %mul3A_483 = arith.muli %add3A_463, %mul3A_482 : i32
      %add3A_484 = arith.constant 32 : i32
      %add3A_485 = arith.addi %mul3A_483, %add3A_484 : i32
      %get3A_486 = arith.constant 0 : i32
      %get3A_487 = tpu.memref_slice %arg6[%scan3A_125, %get3A_486] : memref<2x8192xf32, #tpu.memory_space<vmem>> -> memref<1x8192xf32, #tpu.memory_space<vmem>>
      %get3A_488 = tpu.memref_squeeze %get3A_487 : memref<1x8192xf32, #tpu.memory_space<vmem>> -> memref<8192xf32, #tpu.memory_space<vmem>>
      %get3A_489 = arith.index_cast %add3A_485 : i32 to index
      %get3A_490 = tpu.vector_load %get3A_488[%get3A_489] {strides = array<i32>} : memref<8192xf32, #tpu.memory_space<vmem>>, vector<16xf32>,
      %mul3A_491 = arith.constant 64 : i32
      %mul3A_492 = arith.muli %add3A_463, %mul3A_491 : i32
      %add3A_493 = arith.constant 48 : i32
      %add3A_494 = arith.addi %mul3A_492, %add3A_493 : i32
      %get3A_495 = arith.constant 0 : i32
      %get3A_496 = tpu.memref_slice %arg6[%scan3A_125, %get3A_495] : memref<2x8192xf32, #tpu.memory_space<vmem>> -> memref<1x8192xf32, #tpu.memory_space<vmem>>
      %get3A_497 = tpu.memref_squeeze %get3A_496 : memref<1x8192xf32, #tpu.memory_space<vmem>> -> memref<8192xf32, #tpu.memory_space<vmem>>
      %get3A_498 = arith.index_cast %add3A_494 : i32 to index
      %get3A_499 = tpu.vector_load %get3A_497[%get3A_498] {strides = array<i32>} : memref<8192xf32, #tpu.memory_space<vmem>>, vector<16xf32>,
      %mul3A_500 = arith.mulf %get3A_472, %get3A_30 : vector<16xf32>
      %mul3A_501 = arith.mulf %get3A_472, %get3A_38 : vector<16xf32>
      %mul3A_502 = arith.mulf %get3A_481, %get3A_32 : vector<16xf32>
      %add3A_503 = arith.addf %mul3A_500, %mul3A_502 : vector<16xf32>
      %mul3A_504 = arith.mulf %get3A_481, %get3A_40 : vector<16xf32>
      %add3A_505 = arith.addf %mul3A_501, %mul3A_504 : vector<16xf32>
      %mul3A_506 = arith.mulf %get3A_490, %get3A_34 : vector<16xf32>
      %add3A_507 = arith.addf %add3A_503, %mul3A_506 : vector<16xf32>
      %mul3A_508 = arith.mulf %get3A_490, %get3A_42 : vector<16xf32>
      %add3A_509 = arith.addf %add3A_505, %mul3A_508 : vector<16xf32>
      %mul3A_510 = arith.mulf %get3A_499, %get3A_36 : vector<16xf32>
      %add3A_511 = arith.addf %add3A_507, %mul3A_510 : vector<16xf32>
      %mul3A_512 = arith.mulf %get3A_499, %get3A_44 : vector<16xf32>
      %add3A_513 = arith.addf %add3A_509, %mul3A_512 : vector<16xf32>
      %broadcast_in_dim3A_514 = arith.constant true
      %broadcast_in_dim3A_515 = vector.broadcast %broadcast_in_dim3A_514 : i1 to vector<16xi1>
      %masked_cumsum3A_516 = tpu.scan <sum>, %add3A_511 masked %broadcast_in_dim3A_515 : vector<16xf32>, vector<16xi1> -> vector<16xf32>
      %broadcast_in_dim3A_517 = arith.constant true
      %broadcast_in_dim3A_518 = vector.broadcast %broadcast_in_dim3A_517 : i1 to vector<16xi1>
      %masked_cumsum3A_519 = tpu.scan <sum>, %add3A_513 masked %broadcast_in_dim3A_518 : vector<16xf32>, vector<16xi1> -> vector<16xf32>
      %add3A_520 = arith.constant 384 : i32
      %add3A_521 = arith.addi %add3A_520, %add3A_463 : i32
      %mul3A_522 = arith.constant 2 : i32
      %mul3A_523 = arith.muli %add3A_521, %mul3A_522 : i32
      %broadcast_in_dim3A_524 = vector.broadcast %mul3A_523 : i32 to vector<16xi32>
      tpu.vector_store_idx %arg9[%broadcast_in_dim3A_524], %masked_cumsum3A_516 masked %eq3A_46 : memref<1024xf32, #tpu.memory_space<vmem>>[vector<16xi32>], vector<16xf32>, vector<16xi1>
      %add3A_525 = arith.constant 1 : i32
      %add3A_526 = vector.broadcast %add3A_525 : i32 to vector<16xi32>
      %add3A_527 = arith.addi %broadcast_in_dim3A_524, %add3A_526 : vector<16xi32>
      tpu.vector_store_idx %arg9[%add3A_527], %masked_cumsum3A_519 masked %eq3A_46 : memref<1024xf32, #tpu.memory_space<vmem>>[vector<16xi32>], vector<16xf32>, vector<16xi1>
      %add3A_528 = arith.constant 6 : i32
      %add3A_529 = arith.addi %mul3A_133, %add3A_528 : i32
      %mul3A_530 = arith.constant 64 : i32
      %mul3A_531 = arith.muli %add3A_529, %mul3A_530 : i32
      %add3A_532 = arith.constant 0 : i32
      %add3A_533 = arith.addi %mul3A_531, %add3A_532 : i32
      %get3A_534 = arith.constant 0 : i32
      %get3A_535 = tpu.memref_slice %arg6[%scan3A_125, %get3A_534] : memref<2x8192xf32, #tpu.memory_space<vmem>> -> memref<1x8192xf32, #tpu.memory_space<vmem>>
      %get3A_536 = tpu.memref_squeeze %get3A_535 : memref<1x8192xf32, #tpu.memory_space<vmem>> -> memref<8192xf32, #tpu.memory_space<vmem>>
      %get3A_537 = arith.index_cast %add3A_533 : i32 to index
      %get3A_538 = tpu.vector_load %get3A_536[%get3A_537] {strides = array<i32>} : memref<8192xf32, #tpu.memory_space<vmem>>, vector<16xf32>,
      %mul3A_539 = arith.constant 64 : i32
      %mul3A_540 = arith.muli %add3A_529, %mul3A_539 : i32
      %add3A_541 = arith.constant 16 : i32
      %add3A_542 = arith.addi %mul3A_540, %add3A_541 : i32
      %get3A_543 = arith.constant 0 : i32
      %get3A_544 = tpu.memref_slice %arg6[%scan3A_125, %get3A_543] : memref<2x8192xf32, #tpu.memory_space<vmem>> -> memref<1x8192xf32, #tpu.memory_space<vmem>>
      %get3A_545 = tpu.memref_squeeze %get3A_544 : memref<1x8192xf32, #tpu.memory_space<vmem>> -> memref<8192xf32, #tpu.memory_space<vmem>>
      %get3A_546 = arith.index_cast %add3A_542 : i32 to index
      %get3A_547 = tpu.vector_load %get3A_545[%get3A_546] {strides = array<i32>} : memref<8192xf32, #tpu.memory_space<vmem>>, vector<16xf32>,
      %mul3A_548 = arith.constant 64 : i32
      %mul3A_549 = arith.muli %add3A_529, %mul3A_548 : i32
      %add3A_550 = arith.constant 32 : i32
      %add3A_551 = arith.addi %mul3A_549, %add3A_550 : i32
      %get3A_552 = arith.constant 0 : i32
      %get3A_553 = tpu.memref_slice %arg6[%scan3A_125, %get3A_552] : memref<2x8192xf32, #tpu.memory_space<vmem>> -> memref<1x8192xf32, #tpu.memory_space<vmem>>
      %get3A_554 = tpu.memref_squeeze %get3A_553 : memref<1x8192xf32, #tpu.memory_space<vmem>> -> memref<8192xf32, #tpu.memory_space<vmem>>
      %get3A_555 = arith.index_cast %add3A_551 : i32 to index
      %get3A_556 = tpu.vector_load %get3A_554[%get3A_555] {strides = array<i32>} : memref<8192xf32, #tpu.memory_space<vmem>>, vector<16xf32>,
      %mul3A_557 = arith.constant 64 : i32
      %mul3A_558 = arith.muli %add3A_529, %mul3A_557 : i32
      %add3A_559 = arith.constant 48 : i32
      %add3A_560 = arith.addi %mul3A_558, %add3A_559 : i32
      %get3A_561 = arith.constant 0 : i32
      %get3A_562 = tpu.memref_slice %arg6[%scan3A_125, %get3A_561] : memref<2x8192xf32, #tpu.memory_space<vmem>> -> memref<1x8192xf32, #tpu.memory_space<vmem>>
      %get3A_563 = tpu.memref_squeeze %get3A_562 : memref<1x8192xf32, #tpu.memory_space<vmem>> -> memref<8192xf32, #tpu.memory_space<vmem>>
      %get3A_564 = arith.index_cast %add3A_560 : i32 to index
      %get3A_565 = tpu.vector_load %get3A_563[%get3A_564] {strides = array<i32>} : memref<8192xf32, #tpu.memory_space<vmem>>, vector<16xf32>,
      %mul3A_566 = arith.mulf %get3A_538, %get3A_30 : vector<16xf32>
      %mul3A_567 = arith.mulf %get3A_538, %get3A_38 : vector<16xf32>
      %mul3A_568 = arith.mulf %get3A_547, %get3A_32 : vector<16xf32>
      %add3A_569 = arith.addf %mul3A_566, %mul3A_568 : vector<16xf32>
      %mul3A_570 = arith.mulf %get3A_547, %get3A_40 : vector<16xf32>
      %add3A_571 = arith.addf %mul3A_567, %mul3A_570 : vector<16xf32>
      %mul3A_572 = arith.mulf %get3A_556, %get3A_34 : vector<16xf32>
      %add3A_573 = arith.addf %add3A_569, %mul3A_572 : vector<16xf32>
      %mul3A_574 = arith.mulf %get3A_556, %get3A_42 : vector<16xf32>
      %add3A_575 = arith.addf %add3A_571, %mul3A_574 : vector<16xf32>
      %mul3A_576 = arith.mulf %get3A_565, %get3A_36 : vector<16xf32>
      %add3A_577 = arith.addf %add3A_573, %mul3A_576 : vector<16xf32>
      %mul3A_578 = arith.mulf %get3A_565, %get3A_44 : vector<16xf32>
      %add3A_579 = arith.addf %add3A_575, %mul3A_578 : vector<16xf32>
      %broadcast_in_dim3A_580 = arith.constant true
      %broadcast_in_dim3A_581 = vector.broadcast %broadcast_in_dim3A_580 : i1 to vector<16xi1>
      %masked_cumsum3A_582 = tpu.scan <sum>, %add3A_577 masked %broadcast_in_dim3A_581 : vector<16xf32>, vector<16xi1> -> vector<16xf32>
      %broadcast_in_dim3A_583 = arith.constant true
      %broadcast_in_dim3A_584 = vector.broadcast %broadcast_in_dim3A_583 : i1 to vector<16xi1>
      %masked_cumsum3A_585 = tpu.scan <sum>, %add3A_579 masked %broadcast_in_dim3A_584 : vector<16xf32>, vector<16xi1> -> vector<16xf32>
      %add3A_586 = arith.constant 384 : i32
      %add3A_587 = arith.addi %add3A_586, %add3A_529 : i32
      %mul3A_588 = arith.constant 2 : i32
      %mul3A_589 = arith.muli %add3A_587, %mul3A_588 : i32
      %broadcast_in_dim3A_590 = vector.broadcast %mul3A_589 : i32 to vector<16xi32>
      tpu.vector_store_idx %arg9[%broadcast_in_dim3A_590], %masked_cumsum3A_582 masked %eq3A_46 : memref<1024xf32, #tpu.memory_space<vmem>>[vector<16xi32>], vector<16xf32>, vector<16xi1>
      %add3A_591 = arith.constant 1 : i32
      %add3A_592 = vector.broadcast %add3A_591 : i32 to vector<16xi32>
      %add3A_593 = arith.addi %broadcast_in_dim3A_590, %add3A_592 : vector<16xi32>
      tpu.vector_store_idx %arg9[%add3A_593], %masked_cumsum3A_585 masked %eq3A_46 : memref<1024xf32, #tpu.memory_space<vmem>>[vector<16xi32>], vector<16xf32>, vector<16xi1>
      %add3A_594 = arith.constant 7 : i32
      %add3A_595 = arith.addi %mul3A_133, %add3A_594 : i32
      %mul3A_596 = arith.constant 64 : i32
      %mul3A_597 = arith.muli %add3A_595, %mul3A_596 : i32
      %add3A_598 = arith.constant 0 : i32
      %add3A_599 = arith.addi %mul3A_597, %add3A_598 : i32
      %get3A_600 = arith.constant 0 : i32
      %get3A_601 = tpu.memref_slice %arg6[%scan3A_125, %get3A_600] : memref<2x8192xf32, #tpu.memory_space<vmem>> -> memref<1x8192xf32, #tpu.memory_space<vmem>>
      %get3A_602 = tpu.memref_squeeze %get3A_601 : memref<1x8192xf32, #tpu.memory_space<vmem>> -> memref<8192xf32, #tpu.memory_space<vmem>>
      %get3A_603 = arith.index_cast %add3A_599 : i32 to index
      %get3A_604 = tpu.vector_load %get3A_602[%get3A_603] {strides = array<i32>} : memref<8192xf32, #tpu.memory_space<vmem>>, vector<16xf32>,
      %mul3A_605 = arith.constant 64 : i32
      %mul3A_606 = arith.muli %add3A_595, %mul3A_605 : i32
      %add3A_607 = arith.constant 16 : i32
      %add3A_608 = arith.addi %mul3A_606, %add3A_607 : i32
      %get3A_609 = arith.constant 0 : i32
      %get3A_610 = tpu.memref_slice %arg6[%scan3A_125, %get3A_609] : memref<2x8192xf32, #tpu.memory_space<vmem>> -> memref<1x8192xf32, #tpu.memory_space<vmem>>
      %get3A_611 = tpu.memref_squeeze %get3A_610 : memref<1x8192xf32, #tpu.memory_space<vmem>> -> memref<8192xf32, #tpu.memory_space<vmem>>
      %get3A_612 = arith.index_cast %add3A_608 : i32 to index
      %get3A_613 = tpu.vector_load %get3A_611[%get3A_612] {strides = array<i32>} : memref<8192xf32, #tpu.memory_space<vmem>>, vector<16xf32>,
      %mul3A_614 = arith.constant 64 : i32
      %mul3A_615 = arith.muli %add3A_595, %mul3A_614 : i32
      %add3A_616 = arith.constant 32 : i32
      %add3A_617 = arith.addi %mul3A_615, %add3A_616 : i32
      %get3A_618 = arith.constant 0 : i32
      %get3A_619 = tpu.memref_slice %arg6[%scan3A_125, %get3A_618] : memref<2x8192xf32, #tpu.memory_space<vmem>> -> memref<1x8192xf32, #tpu.memory_space<vmem>>
      %get3A_620 = tpu.memref_squeeze %get3A_619 : memref<1x8192xf32, #tpu.memory_space<vmem>> -> memref<8192xf32, #tpu.memory_space<vmem>>
      %get3A_621 = arith.index_cast %add3A_617 : i32 to index
      %get3A_622 = tpu.vector_load %get3A_620[%get3A_621] {strides = array<i32>} : memref<8192xf32, #tpu.memory_space<vmem>>, vector<16xf32>,
      %mul3A_623 = arith.constant 64 : i32
      %mul3A_624 = arith.muli %add3A_595, %mul3A_623 : i32
      %add3A_625 = arith.constant 48 : i32
      %add3A_626 = arith.addi %mul3A_624, %add3A_625 : i32
      %get3A_627 = arith.constant 0 : i32
      %get3A_628 = tpu.memref_slice %arg6[%scan3A_125, %get3A_627] : memref<2x8192xf32, #tpu.memory_space<vmem>> -> memref<1x8192xf32, #tpu.memory_space<vmem>>
      %get3A_629 = tpu.memref_squeeze %get3A_628 : memref<1x8192xf32, #tpu.memory_space<vmem>> -> memref<8192xf32, #tpu.memory_space<vmem>>
      %get3A_630 = arith.index_cast %add3A_626 : i32 to index
      %get3A_631 = tpu.vector_load %get3A_629[%get3A_630] {strides = array<i32>} : memref<8192xf32, #tpu.memory_space<vmem>>, vector<16xf32>,
      %mul3A_632 = arith.mulf %get3A_604, %get3A_30 : vector<16xf32>
      %mul3A_633 = arith.mulf %get3A_604, %get3A_38 : vector<16xf32>
      %mul3A_634 = arith.mulf %get3A_613, %get3A_32 : vector<16xf32>
      %add3A_635 = arith.addf %mul3A_632, %mul3A_634 : vector<16xf32>
      %mul3A_636 = arith.mulf %get3A_613, %get3A_40 : vector<16xf32>
      %add3A_637 = arith.addf %mul3A_633, %mul3A_636 : vector<16xf32>
      %mul3A_638 = arith.mulf %get3A_622, %get3A_34 : vector<16xf32>
      %add3A_639 = arith.addf %add3A_635, %mul3A_638 : vector<16xf32>
      %mul3A_640 = arith.mulf %get3A_622, %get3A_42 : vector<16xf32>
      %add3A_641 = arith.addf %add3A_637, %mul3A_640 : vector<16xf32>
      %mul3A_642 = arith.mulf %get3A_631, %get3A_36 : vector<16xf32>
      %add3A_643 = arith.addf %add3A_639, %mul3A_642 : vector<16xf32>
      %mul3A_644 = arith.mulf %get3A_631, %get3A_44 : vector<16xf32>
      %add3A_645 = arith.addf %add3A_641, %mul3A_644 : vector<16xf32>
      %broadcast_in_dim3A_646 = arith.constant true
      %broadcast_in_dim3A_647 = vector.broadcast %broadcast_in_dim3A_646 : i1 to vector<16xi1>
      %masked_cumsum3A_648 = tpu.scan <sum>, %add3A_643 masked %broadcast_in_dim3A_647 : vector<16xf32>, vector<16xi1> -> vector<16xf32>
      %broadcast_in_dim3A_649 = arith.constant true
      %broadcast_in_dim3A_650 = vector.broadcast %broadcast_in_dim3A_649 : i1 to vector<16xi1>
      %masked_cumsum3A_651 = tpu.scan <sum>, %add3A_645 masked %broadcast_in_dim3A_650 : vector<16xf32>, vector<16xi1> -> vector<16xf32>
      %add3A_652 = arith.constant 384 : i32
      %add3A_653 = arith.addi %add3A_652, %add3A_595 : i32
      %mul3A_654 = arith.constant 2 : i32
      %mul3A_655 = arith.muli %add3A_653, %mul3A_654 : i32
      %broadcast_in_dim3A_656 = vector.broadcast %mul3A_655 : i32 to vector<16xi32>
      tpu.vector_store_idx %arg9[%broadcast_in_dim3A_656], %masked_cumsum3A_648 masked %eq3A_46 : memref<1024xf32, #tpu.memory_space<vmem>>[vector<16xi32>], vector<16xf32>, vector<16xi1>
      %add3A_657 = arith.constant 1 : i32
      %add3A_658 = vector.broadcast %add3A_657 : i32 to vector<16xi32>
      %add3A_659 = arith.addi %broadcast_in_dim3A_656, %add3A_658 : vector<16xi32>
      tpu.vector_store_idx %arg9[%add3A_659], %masked_cumsum3A_651 masked %eq3A_46 : memref<1024xf32, #tpu.memory_space<vmem>>[vector<16xi32>], vector<16xf32>, vector<16xi1>
      %add3A_660 = arith.constant 8 : i32
      %add3A_661 = arith.addi %mul3A_133, %add3A_660 : i32
      %mul3A_662 = arith.constant 64 : i32
      %mul3A_663 = arith.muli %add3A_661, %mul3A_662 : i32
      %add3A_664 = arith.constant 0 : i32
      %add3A_665 = arith.addi %mul3A_663, %add3A_664 : i32
      %get3A_666 = arith.constant 0 : i32
      %get3A_667 = tpu.memref_slice %arg6[%scan3A_125, %get3A_666] : memref<2x8192xf32, #tpu.memory_space<vmem>> -> memref<1x8192xf32, #tpu.memory_space<vmem>>
      %get3A_668 = tpu.memref_squeeze %get3A_667 : memref<1x8192xf32, #tpu.memory_space<vmem>> -> memref<8192xf32, #tpu.memory_space<vmem>>
      %get3A_669 = arith.index_cast %add3A_665 : i32 to index
      %get3A_670 = tpu.vector_load %get3A_668[%get3A_669] {strides = array<i32>} : memref<8192xf32, #tpu.memory_space<vmem>>, vector<16xf32>,
      %mul3A_671 = arith.constant 64 : i32
      %mul3A_672 = arith.muli %add3A_661, %mul3A_671 : i32
      %add3A_673 = arith.constant 16 : i32
      %add3A_674 = arith.addi %mul3A_672, %add3A_673 : i32
      %get3A_675 = arith.constant 0 : i32
      %get3A_676 = tpu.memref_slice %arg6[%scan3A_125, %get3A_675] : memref<2x8192xf32, #tpu.memory_space<vmem>> -> memref<1x8192xf32, #tpu.memory_space<vmem>>
      %get3A_677 = tpu.memref_squeeze %get3A_676 : memref<1x8192xf32, #tpu.memory_space<vmem>> -> memref<8192xf32, #tpu.memory_space<vmem>>
      %get3A_678 = arith.index_cast %add3A_674 : i32 to index
      %get3A_679 = tpu.vector_load %get3A_677[%get3A_678] {strides = array<i32>} : memref<8192xf32, #tpu.memory_space<vmem>>, vector<16xf32>,
      %mul3A_680 = arith.constant 64 : i32
      %mul3A_681 = arith.muli %add3A_661, %mul3A_680 : i32
      %add3A_682 = arith.constant 32 : i32
      %add3A_683 = arith.addi %mul3A_681, %add3A_682 : i32
      %get3A_684 = arith.constant 0 : i32
      %get3A_685 = tpu.memref_slice %arg6[%scan3A_125, %get3A_684] : memref<2x8192xf32, #tpu.memory_space<vmem>> -> memref<1x8192xf32, #tpu.memory_space<vmem>>
      %get3A_686 = tpu.memref_squeeze %get3A_685 : memref<1x8192xf32, #tpu.memory_space<vmem>> -> memref<8192xf32, #tpu.memory_space<vmem>>
      %get3A_687 = arith.index_cast %add3A_683 : i32 to index
      %get3A_688 = tpu.vector_load %get3A_686[%get3A_687] {strides = array<i32>} : memref<8192xf32, #tpu.memory_space<vmem>>, vector<16xf32>,
      %mul3A_689 = arith.constant 64 : i32
      %mul3A_690 = arith.muli %add3A_661, %mul3A_689 : i32
      %add3A_691 = arith.constant 48 : i32
      %add3A_692 = arith.addi %mul3A_690, %add3A_691 : i32
      %get3A_693 = arith.constant 0 : i32
      %get3A_694 = tpu.memref_slice %arg6[%scan3A_125, %get3A_693] : memref<2x8192xf32, #tpu.memory_space<vmem>> -> memref<1x8192xf32, #tpu.memory_space<vmem>>
      %get3A_695 = tpu.memref_squeeze %get3A_694 : memref<1x8192xf32, #tpu.memory_space<vmem>> -> memref<8192xf32, #tpu.memory_space<vmem>>
      %get3A_696 = arith.index_cast %add3A_692 : i32 to index
      %get3A_697 = tpu.vector_load %get3A_695[%get3A_696] {strides = array<i32>} : memref<8192xf32, #tpu.memory_space<vmem>>, vector<16xf32>,
      %mul3A_698 = arith.mulf %get3A_670, %get3A_30 : vector<16xf32>
      %mul3A_699 = arith.mulf %get3A_670, %get3A_38 : vector<16xf32>
      %mul3A_700 = arith.mulf %get3A_679, %get3A_32 : vector<16xf32>
      %add3A_701 = arith.addf %mul3A_698, %mul3A_700 : vector<16xf32>
      %mul3A_702 = arith.mulf %get3A_679, %get3A_40 : vector<16xf32>
      %add3A_703 = arith.addf %mul3A_699, %mul3A_702 : vector<16xf32>
      %mul3A_704 = arith.mulf %get3A_688, %get3A_34 : vector<16xf32>
      %add3A_705 = arith.addf %add3A_701, %mul3A_704 : vector<16xf32>
      %mul3A_706 = arith.mulf %get3A_688, %get3A_42 : vector<16xf32>
      %add3A_707 = arith.addf %add3A_703, %mul3A_706 : vector<16xf32>
      %mul3A_708 = arith.mulf %get3A_697, %get3A_36 : vector<16xf32>
      %add3A_709 = arith.addf %add3A_705, %mul3A_708 : vector<16xf32>
      %mul3A_710 = arith.mulf %get3A_697, %get3A_44 : vector<16xf32>
      %add3A_711 = arith.addf %add3A_707, %mul3A_710 : vector<16xf32>
      %broadcast_in_dim3A_712 = arith.constant true
      %broadcast_in_dim3A_713 = vector.broadcast %broadcast_in_dim3A_712 : i1 to vector<16xi1>
      %masked_cumsum3A_714 = tpu.scan <sum>, %add3A_709 masked %broadcast_in_dim3A_713 : vector<16xf32>, vector<16xi1> -> vector<16xf32>
      %broadcast_in_dim3A_715 = arith.constant true
      %broadcast_in_dim3A_716 = vector.broadcast %broadcast_in_dim3A_715 : i1 to vector<16xi1>
      %masked_cumsum3A_717 = tpu.scan <sum>, %add3A_711 masked %broadcast_in_dim3A_716 : vector<16xf32>, vector<16xi1> -> vector<16xf32>
      %add3A_718 = arith.constant 384 : i32
      %add3A_719 = arith.addi %add3A_718, %add3A_661 : i32
      %mul3A_720 = arith.constant 2 : i32
      %mul3A_721 = arith.muli %add3A_719, %mul3A_720 : i32
      %broadcast_in_dim3A_722 = vector.broadcast %mul3A_721 : i32 to vector<16xi32>
      tpu.vector_store_idx %arg9[%broadcast_in_dim3A_722], %masked_cumsum3A_714 masked %eq3A_46 : memref<1024xf32, #tpu.memory_space<vmem>>[vector<16xi32>], vector<16xf32>, vector<16xi1>
      %add3A_723 = arith.constant 1 : i32
      %add3A_724 = vector.broadcast %add3A_723 : i32 to vector<16xi32>
      %add3A_725 = arith.addi %broadcast_in_dim3A_722, %add3A_724 : vector<16xi32>
      tpu.vector_store_idx %arg9[%add3A_725], %masked_cumsum3A_717 masked %eq3A_46 : memref<1024xf32, #tpu.memory_space<vmem>>[vector<16xi32>], vector<16xf32>, vector<16xi1>
      %add3A_726 = arith.constant 9 : i32
      %add3A_727 = arith.addi %mul3A_133, %add3A_726 : i32
      %mul3A_728 = arith.constant 64 : i32
      %mul3A_729 = arith.muli %add3A_727, %mul3A_728 : i32
      %add3A_730 = arith.constant 0 : i32
      %add3A_731 = arith.addi %mul3A_729, %add3A_730 : i32
      %get3A_732 = arith.constant 0 : i32
      %get3A_733 = tpu.memref_slice %arg6[%scan3A_125, %get3A_732] : memref<2x8192xf32, #tpu.memory_space<vmem>> -> memref<1x8192xf32, #tpu.memory_space<vmem>>
      %get3A_734 = tpu.memref_squeeze %get3A_733 : memref<1x8192xf32, #tpu.memory_space<vmem>> -> memref<8192xf32, #tpu.memory_space<vmem>>
      %get3A_735 = arith.index_cast %add3A_731 : i32 to index
      %get3A_736 = tpu.vector_load %get3A_734[%get3A_735] {strides = array<i32>} : memref<8192xf32, #tpu.memory_space<vmem>>, vector<16xf32>,
      %mul3A_737 = arith.constant 64 : i32
      %mul3A_738 = arith.muli %add3A_727, %mul3A_737 : i32
      %add3A_739 = arith.constant 16 : i32
      %add3A_740 = arith.addi %mul3A_738, %add3A_739 : i32
      %get3A_741 = arith.constant 0 : i32
      %get3A_742 = tpu.memref_slice %arg6[%scan3A_125, %get3A_741] : memref<2x8192xf32, #tpu.memory_space<vmem>> -> memref<1x8192xf32, #tpu.memory_space<vmem>>
      %get3A_743 = tpu.memref_squeeze %get3A_742 : memref<1x8192xf32, #tpu.memory_space<vmem>> -> memref<8192xf32, #tpu.memory_space<vmem>>
      %get3A_744 = arith.index_cast %add3A_740 : i32 to index
      %get3A_745 = tpu.vector_load %get3A_743[%get3A_744] {strides = array<i32>} : memref<8192xf32, #tpu.memory_space<vmem>>, vector<16xf32>,
      %mul3A_746 = arith.constant 64 : i32
      %mul3A_747 = arith.muli %add3A_727, %mul3A_746 : i32
      %add3A_748 = arith.constant 32 : i32
      %add3A_749 = arith.addi %mul3A_747, %add3A_748 : i32
      %get3A_750 = arith.constant 0 : i32
      %get3A_751 = tpu.memref_slice %arg6[%scan3A_125, %get3A_750] : memref<2x8192xf32, #tpu.memory_space<vmem>> -> memref<1x8192xf32, #tpu.memory_space<vmem>>
      %get3A_752 = tpu.memref_squeeze %get3A_751 : memref<1x8192xf32, #tpu.memory_space<vmem>> -> memref<8192xf32, #tpu.memory_space<vmem>>
      %get3A_753 = arith.index_cast %add3A_749 : i32 to index
      %get3A_754 = tpu.vector_load %get3A_752[%get3A_753] {strides = array<i32>} : memref<8192xf32, #tpu.memory_space<vmem>>, vector<16xf32>,
      %mul3A_755 = arith.constant 64 : i32
      %mul3A_756 = arith.muli %add3A_727, %mul3A_755 : i32
      %add3A_757 = arith.constant 48 : i32
      %add3A_758 = arith.addi %mul3A_756, %add3A_757 : i32
      %get3A_759 = arith.constant 0 : i32
      %get3A_760 = tpu.memref_slice %arg6[%scan3A_125, %get3A_759] : memref<2x8192xf32, #tpu.memory_space<vmem>> -> memref<1x8192xf32, #tpu.memory_space<vmem>>
      %get3A_761 = tpu.memref_squeeze %get3A_760 : memref<1x8192xf32, #tpu.memory_space<vmem>> -> memref<8192xf32, #tpu.memory_space<vmem>>
      %get3A_762 = arith.index_cast %add3A_758 : i32 to index
      %get3A_763 = tpu.vector_load %get3A_761[%get3A_762] {strides = array<i32>} : memref<8192xf32, #tpu.memory_space<vmem>>, vector<16xf32>,
      %mul3A_764 = arith.mulf %get3A_736, %get3A_30 : vector<16xf32>
      %mul3A_765 = arith.mulf %get3A_736, %get3A_38 : vector<16xf32>
      %mul3A_766 = arith.mulf %get3A_745, %get3A_32 : vector<16xf32>
      %add3A_767 = arith.addf %mul3A_764, %mul3A_766 : vector<16xf32>
      %mul3A_768 = arith.mulf %get3A_745, %get3A_40 : vector<16xf32>
      %add3A_769 = arith.addf %mul3A_765, %mul3A_768 : vector<16xf32>
      %mul3A_770 = arith.mulf %get3A_754, %get3A_34 : vector<16xf32>
      %add3A_771 = arith.addf %add3A_767, %mul3A_770 : vector<16xf32>
      %mul3A_772 = arith.mulf %get3A_754, %get3A_42 : vector<16xf32>
      %add3A_773 = arith.addf %add3A_769, %mul3A_772 : vector<16xf32>
      %mul3A_774 = arith.mulf %get3A_763, %get3A_36 : vector<16xf32>
      %add3A_775 = arith.addf %add3A_771, %mul3A_774 : vector<16xf32>
      %mul3A_776 = arith.mulf %get3A_763, %get3A_44 : vector<16xf32>
      %add3A_777 = arith.addf %add3A_773, %mul3A_776 : vector<16xf32>
      %broadcast_in_dim3A_778 = arith.constant true
      %broadcast_in_dim3A_779 = vector.broadcast %broadcast_in_dim3A_778 : i1 to vector<16xi1>
      %masked_cumsum3A_780 = tpu.scan <sum>, %add3A_775 masked %broadcast_in_dim3A_779 : vector<16xf32>, vector<16xi1> -> vector<16xf32>
      %broadcast_in_dim3A_781 = arith.constant true
      %broadcast_in_dim3A_782 = vector.broadcast %broadcast_in_dim3A_781 : i1 to vector<16xi1>
      %masked_cumsum3A_783 = tpu.scan <sum>, %add3A_777 masked %broadcast_in_dim3A_782 : vector<16xf32>, vector<16xi1> -> vector<16xf32>
      %add3A_784 = arith.constant 384 : i32
      %add3A_785 = arith.addi %add3A_784, %add3A_727 : i32
      %mul3A_786 = arith.constant 2 : i32
      %mul3A_787 = arith.muli %add3A_785, %mul3A_786 : i32
      %broadcast_in_dim3A_788 = vector.broadcast %mul3A_787 : i32 to vector<16xi32>
      tpu.vector_store_idx %arg9[%broadcast_in_dim3A_788], %masked_cumsum3A_780 masked %eq3A_46 : memref<1024xf32, #tpu.memory_space<vmem>>[vector<16xi32>], vector<16xf32>, vector<16xi1>
      %add3A_789 = arith.constant 1 : i32
      %add3A_790 = vector.broadcast %add3A_789 : i32 to vector<16xi32>
      %add3A_791 = arith.addi %broadcast_in_dim3A_788, %add3A_790 : vector<16xi32>
      tpu.vector_store_idx %arg9[%add3A_791], %masked_cumsum3A_783 masked %eq3A_46 : memref<1024xf32, #tpu.memory_space<vmem>>[vector<16xi32>], vector<16xf32>, vector<16xi1>
      %add3A_792 = arith.constant 10 : i32
      %add3A_793 = arith.addi %mul3A_133, %add3A_792 : i32
      %mul3A_794 = arith.constant 64 : i32
      %mul3A_795 = arith.muli %add3A_793, %mul3A_794 : i32
      %add3A_796 = arith.constant 0 : i32
      %add3A_797 = arith.addi %mul3A_795, %add3A_796 : i32
      %get3A_798 = arith.constant 0 : i32
      %get3A_799 = tpu.memref_slice %arg6[%scan3A_125, %get3A_798] : memref<2x8192xf32, #tpu.memory_space<vmem>> -> memref<1x8192xf32, #tpu.memory_space<vmem>>
      %get3A_800 = tpu.memref_squeeze %get3A_799 : memref<1x8192xf32, #tpu.memory_space<vmem>> -> memref<8192xf32, #tpu.memory_space<vmem>>
      %get3A_801 = arith.index_cast %add3A_797 : i32 to index
      %get3A_802 = tpu.vector_load %get3A_800[%get3A_801] {strides = array<i32>} : memref<8192xf32, #tpu.memory_space<vmem>>, vector<16xf32>,
      %mul3A_803 = arith.constant 64 : i32
      %mul3A_804 = arith.muli %add3A_793, %mul3A_803 : i32
      %add3A_805 = arith.constant 16 : i32
      %add3A_806 = arith.addi %mul3A_804, %add3A_805 : i32
      %get3A_807 = arith.constant 0 : i32
      %get3A_808 = tpu.memref_slice %arg6[%scan3A_125, %get3A_807] : memref<2x8192xf32, #tpu.memory_space<vmem>> -> memref<1x8192xf32, #tpu.memory_space<vmem>>
      %get3A_809 = tpu.memref_squeeze %get3A_808 : memref<1x8192xf32, #tpu.memory_space<vmem>> -> memref<8192xf32, #tpu.memory_space<vmem>>
      %get3A_810 = arith.index_cast %add3A_806 : i32 to index
      %get3A_811 = tpu.vector_load %get3A_809[%get3A_810] {strides = array<i32>} : memref<8192xf32, #tpu.memory_space<vmem>>, vector<16xf32>,
      %mul3A_812 = arith.constant 64 : i32
      %mul3A_813 = arith.muli %add3A_793, %mul3A_812 : i32
      %add3A_814 = arith.constant 32 : i32
      %add3A_815 = arith.addi %mul3A_813, %add3A_814 : i32
      %get3A_816 = arith.constant 0 : i32
      %get3A_817 = tpu.memref_slice %arg6[%scan3A_125, %get3A_816] : memref<2x8192xf32, #tpu.memory_space<vmem>> -> memref<1x8192xf32, #tpu.memory_space<vmem>>
      %get3A_818 = tpu.memref_squeeze %get3A_817 : memref<1x8192xf32, #tpu.memory_space<vmem>> -> memref<8192xf32, #tpu.memory_space<vmem>>
      %get3A_819 = arith.index_cast %add3A_815 : i32 to index
      %get3A_820 = tpu.vector_load %get3A_818[%get3A_819] {strides = array<i32>} : memref<8192xf32, #tpu.memory_space<vmem>>, vector<16xf32>,
      %mul3A_821 = arith.constant 64 : i32
      %mul3A_822 = arith.muli %add3A_793, %mul3A_821 : i32
      %add3A_823 = arith.constant 48 : i32
      %add3A_824 = arith.addi %mul3A_822, %add3A_823 : i32
      %get3A_825 = arith.constant 0 : i32
      %get3A_826 = tpu.memref_slice %arg6[%scan3A_125, %get3A_825] : memref<2x8192xf32, #tpu.memory_space<vmem>> -> memref<1x8192xf32, #tpu.memory_space<vmem>>
      %get3A_827 = tpu.memref_squeeze %get3A_826 : memref<1x8192xf32, #tpu.memory_space<vmem>> -> memref<8192xf32, #tpu.memory_space<vmem>>
      %get3A_828 = arith.index_cast %add3A_824 : i32 to index
      %get3A_829 = tpu.vector_load %get3A_827[%get3A_828] {strides = array<i32>} : memref<8192xf32, #tpu.memory_space<vmem>>, vector<16xf32>,
      %mul3A_830 = arith.mulf %get3A_802, %get3A_30 : vector<16xf32>
      %mul3A_831 = arith.mulf %get3A_802, %get3A_38 : vector<16xf32>
      %mul3A_832 = arith.mulf %get3A_811, %get3A_32 : vector<16xf32>
      %add3A_833 = arith.addf %mul3A_830, %mul3A_832 : vector<16xf32>
      %mul3A_834 = arith.mulf %get3A_811, %get3A_40 : vector<16xf32>
      %add3A_835 = arith.addf %mul3A_831, %mul3A_834 : vector<16xf32>
      %mul3A_836 = arith.mulf %get3A_820, %get3A_34 : vector<16xf32>
      %add3A_837 = arith.addf %add3A_833, %mul3A_836 : vector<16xf32>
      %mul3A_838 = arith.mulf %get3A_820, %get3A_42 : vector<16xf32>
      %add3A_839 = arith.addf %add3A_835, %mul3A_838 : vector<16xf32>
      %mul3A_840 = arith.mulf %get3A_829, %get3A_36 : vector<16xf32>
      %add3A_841 = arith.addf %add3A_837, %mul3A_840 : vector<16xf32>
      %mul3A_842 = arith.mulf %get3A_829, %get3A_44 : vector<16xf32>
      %add3A_843 = arith.addf %add3A_839, %mul3A_842 : vector<16xf32>
      %broadcast_in_dim3A_844 = arith.constant true
      %broadcast_in_dim3A_845 = vector.broadcast %broadcast_in_dim3A_844 : i1 to vector<16xi1>
      %masked_cumsum3A_846 = tpu.scan <sum>, %add3A_841 masked %broadcast_in_dim3A_845 : vector<16xf32>, vector<16xi1> -> vector<16xf32>
      %broadcast_in_dim3A_847 = arith.constant true
      %broadcast_in_dim3A_848 = vector.broadcast %broadcast_in_dim3A_847 : i1 to vector<16xi1>
      %masked_cumsum3A_849 = tpu.scan <sum>, %add3A_843 masked %broadcast_in_dim3A_848 : vector<16xf32>, vector<16xi1> -> vector<16xf32>
      %add3A_850 = arith.constant 384 : i32
      %add3A_851 = arith.addi %add3A_850, %add3A_793 : i32
      %mul3A_852 = arith.constant 2 : i32
      %mul3A_853 = arith.muli %add3A_851, %mul3A_852 : i32
      %broadcast_in_dim3A_854 = vector.broadcast %mul3A_853 : i32 to vector<16xi32>
      tpu.vector_store_idx %arg9[%broadcast_in_dim3A_854], %masked_cumsum3A_846 masked %eq3A_46 : memref<1024xf32, #tpu.memory_space<vmem>>[vector<16xi32>], vector<16xf32>, vector<16xi1>
      %add3A_855 = arith.constant 1 : i32
      %add3A_856 = vector.broadcast %add3A_855 : i32 to vector<16xi32>
      %add3A_857 = arith.addi %broadcast_in_dim3A_854, %add3A_856 : vector<16xi32>
      tpu.vector_store_idx %arg9[%add3A_857], %masked_cumsum3A_849 masked %eq3A_46 : memref<1024xf32, #tpu.memory_space<vmem>>[vector<16xi32>], vector<16xf32>, vector<16xi1>
      %add3A_858 = arith.constant 11 : i32
      %add3A_859 = arith.addi %mul3A_133, %add3A_858 : i32
      %mul3A_860 = arith.constant 64 : i32
      %mul3A_861 = arith.muli %add3A_859, %mul3A_860 : i32
      %add3A_862 = arith.constant 0 : i32
      %add3A_863 = arith.addi %mul3A_861, %add3A_862 : i32
      %get3A_864 = arith.constant 0 : i32
      %get3A_865 = tpu.memref_slice %arg6[%scan3A_125, %get3A_864] : memref<2x8192xf32, #tpu.memory_space<vmem>> -> memref<1x8192xf32, #tpu.memory_space<vmem>>
      %get3A_866 = tpu.memref_squeeze %get3A_865 : memref<1x8192xf32, #tpu.memory_space<vmem>> -> memref<8192xf32, #tpu.memory_space<vmem>>
      %get3A_867 = arith.index_cast %add3A_863 : i32 to index
      %get3A_868 = tpu.vector_load %get3A_866[%get3A_867] {strides = array<i32>} : memref<8192xf32, #tpu.memory_space<vmem>>, vector<16xf32>,
      %mul3A_869 = arith.constant 64 : i32
      %mul3A_870 = arith.muli %add3A_859, %mul3A_869 : i32
      %add3A_871 = arith.constant 16 : i32
      %add3A_872 = arith.addi %mul3A_870, %add3A_871 : i32
      %get3A_873 = arith.constant 0 : i32
      %get3A_874 = tpu.memref_slice %arg6[%scan3A_125, %get3A_873] : memref<2x8192xf32, #tpu.memory_space<vmem>> -> memref<1x8192xf32, #tpu.memory_space<vmem>>
      %get3A_875 = tpu.memref_squeeze %get3A_874 : memref<1x8192xf32, #tpu.memory_space<vmem>> -> memref<8192xf32, #tpu.memory_space<vmem>>
      %get3A_876 = arith.index_cast %add3A_872 : i32 to index
      %get3A_877 = tpu.vector_load %get3A_875[%get3A_876] {strides = array<i32>} : memref<8192xf32, #tpu.memory_space<vmem>>, vector<16xf32>,
      %mul3A_878 = arith.constant 64 : i32
      %mul3A_879 = arith.muli %add3A_859, %mul3A_878 : i32
      %add3A_880 = arith.constant 32 : i32
      %add3A_881 = arith.addi %mul3A_879, %add3A_880 : i32
      %get3A_882 = arith.constant 0 : i32
      %get3A_883 = tpu.memref_slice %arg6[%scan3A_125, %get3A_882] : memref<2x8192xf32, #tpu.memory_space<vmem>> -> memref<1x8192xf32, #tpu.memory_space<vmem>>
      %get3A_884 = tpu.memref_squeeze %get3A_883 : memref<1x8192xf32, #tpu.memory_space<vmem>> -> memref<8192xf32, #tpu.memory_space<vmem>>
      %get3A_885 = arith.index_cast %add3A_881 : i32 to index
      %get3A_886 = tpu.vector_load %get3A_884[%get3A_885] {strides = array<i32>} : memref<8192xf32, #tpu.memory_space<vmem>>, vector<16xf32>,
      %mul3A_887 = arith.constant 64 : i32
      %mul3A_888 = arith.muli %add3A_859, %mul3A_887 : i32
      %add3A_889 = arith.constant 48 : i32
      %add3A_890 = arith.addi %mul3A_888, %add3A_889 : i32
      %get3A_891 = arith.constant 0 : i32
      %get3A_892 = tpu.memref_slice %arg6[%scan3A_125, %get3A_891] : memref<2x8192xf32, #tpu.memory_space<vmem>> -> memref<1x8192xf32, #tpu.memory_space<vmem>>
      %get3A_893 = tpu.memref_squeeze %get3A_892 : memref<1x8192xf32, #tpu.memory_space<vmem>> -> memref<8192xf32, #tpu.memory_space<vmem>>
      %get3A_894 = arith.index_cast %add3A_890 : i32 to index
      %get3A_895 = tpu.vector_load %get3A_893[%get3A_894] {strides = array<i32>} : memref<8192xf32, #tpu.memory_space<vmem>>, vector<16xf32>,
      %mul3A_896 = arith.mulf %get3A_868, %get3A_30 : vector<16xf32>
      %mul3A_897 = arith.mulf %get3A_868, %get3A_38 : vector<16xf32>
      %mul3A_898 = arith.mulf %get3A_877, %get3A_32 : vector<16xf32>
      %add3A_899 = arith.addf %mul3A_896, %mul3A_898 : vector<16xf32>
      %mul3A_900 = arith.mulf %get3A_877, %get3A_40 : vector<16xf32>
      %add3A_901 = arith.addf %mul3A_897, %mul3A_900 : vector<16xf32>
      %mul3A_902 = arith.mulf %get3A_886, %get3A_34 : vector<16xf32>
      %add3A_903 = arith.addf %add3A_899, %mul3A_902 : vector<16xf32>
      %mul3A_904 = arith.mulf %get3A_886, %get3A_42 : vector<16xf32>
      %add3A_905 = arith.addf %add3A_901, %mul3A_904 : vector<16xf32>
      %mul3A_906 = arith.mulf %get3A_895, %get3A_36 : vector<16xf32>
      %add3A_907 = arith.addf %add3A_903, %mul3A_906 : vector<16xf32>
      %mul3A_908 = arith.mulf %get3A_895, %get3A_44 : vector<16xf32>
      %add3A_909 = arith.addf %add3A_905, %mul3A_908 : vector<16xf32>
      %broadcast_in_dim3A_910 = arith.constant true
      %broadcast_in_dim3A_911 = vector.broadcast %broadcast_in_dim3A_910 : i1 to vector<16xi1>
      %masked_cumsum3A_912 = tpu.scan <sum>, %add3A_907 masked %broadcast_in_dim3A_911 : vector<16xf32>, vector<16xi1> -> vector<16xf32>
      %broadcast_in_dim3A_913 = arith.constant true
      %broadcast_in_dim3A_914 = vector.broadcast %broadcast_in_dim3A_913 : i1 to vector<16xi1>
      %masked_cumsum3A_915 = tpu.scan <sum>, %add3A_909 masked %broadcast_in_dim3A_914 : vector<16xf32>, vector<16xi1> -> vector<16xf32>
      %add3A_916 = arith.constant 384 : i32
      %add3A_917 = arith.addi %add3A_916, %add3A_859 : i32
      %mul3A_918 = arith.constant 2 : i32
      %mul3A_919 = arith.muli %add3A_917, %mul3A_918 : i32
      %broadcast_in_dim3A_920 = vector.broadcast %mul3A_919 : i32 to vector<16xi32>
      tpu.vector_store_idx %arg9[%broadcast_in_dim3A_920], %masked_cumsum3A_912 masked %eq3A_46 : memref<1024xf32, #tpu.memory_space<vmem>>[vector<16xi32>], vector<16xf32>, vector<16xi1>
      %add3A_921 = arith.constant 1 : i32
      %add3A_922 = vector.broadcast %add3A_921 : i32 to vector<16xi32>
      %add3A_923 = arith.addi %broadcast_in_dim3A_920, %add3A_922 : vector<16xi32>
      tpu.vector_store_idx %arg9[%add3A_923], %masked_cumsum3A_915 masked %eq3A_46 : memref<1024xf32, #tpu.memory_space<vmem>>[vector<16xi32>], vector<16xf32>, vector<16xi1>
      %add3A_924 = arith.constant 12 : i32
      %add3A_925 = arith.addi %mul3A_133, %add3A_924 : i32
      %mul3A_926 = arith.constant 64 : i32
      %mul3A_927 = arith.muli %add3A_925, %mul3A_926 : i32
      %add3A_928 = arith.constant 0 : i32
      %add3A_929 = arith.addi %mul3A_927, %add3A_928 : i32
      %get3A_930 = arith.constant 0 : i32
      %get3A_931 = tpu.memref_slice %arg6[%scan3A_125, %get3A_930] : memref<2x8192xf32, #tpu.memory_space<vmem>> -> memref<1x8192xf32, #tpu.memory_space<vmem>>
      %get3A_932 = tpu.memref_squeeze %get3A_931 : memref<1x8192xf32, #tpu.memory_space<vmem>> -> memref<8192xf32, #tpu.memory_space<vmem>>
      %get3A_933 = arith.index_cast %add3A_929 : i32 to index
      %get3A_934 = tpu.vector_load %get3A_932[%get3A_933] {strides = array<i32>} : memref<8192xf32, #tpu.memory_space<vmem>>, vector<16xf32>,
      %mul3A_935 = arith.constant 64 : i32
      %mul3A_936 = arith.muli %add3A_925, %mul3A_935 : i32
      %add3A_937 = arith.constant 16 : i32
      %add3A_938 = arith.addi %mul3A_936, %add3A_937 : i32
      %get3A_939 = arith.constant 0 : i32
      %get3A_940 = tpu.memref_slice %arg6[%scan3A_125, %get3A_939] : memref<2x8192xf32, #tpu.memory_space<vmem>> -> memref<1x8192xf32, #tpu.memory_space<vmem>>
      %get3A_941 = tpu.memref_squeeze %get3A_940 : memref<1x8192xf32, #tpu.memory_space<vmem>> -> memref<8192xf32, #tpu.memory_space<vmem>>
      %get3A_942 = arith.index_cast %add3A_938 : i32 to index
      %get3A_943 = tpu.vector_load %get3A_941[%get3A_942] {strides = array<i32>} : memref<8192xf32, #tpu.memory_space<vmem>>, vector<16xf32>,
      %mul3A_944 = arith.constant 64 : i32
      %mul3A_945 = arith.muli %add3A_925, %mul3A_944 : i32
      %add3A_946 = arith.constant 32 : i32
      %add3A_947 = arith.addi %mul3A_945, %add3A_946 : i32
      %get3A_948 = arith.constant 0 : i32
      %get3A_949 = tpu.memref_slice %arg6[%scan3A_125, %get3A_948] : memref<2x8192xf32, #tpu.memory_space<vmem>> -> memref<1x8192xf32, #tpu.memory_space<vmem>>
      %get3A_950 = tpu.memref_squeeze %get3A_949 : memref<1x8192xf32, #tpu.memory_space<vmem>> -> memref<8192xf32, #tpu.memory_space<vmem>>
      %get3A_951 = arith.index_cast %add3A_947 : i32 to index
      %get3A_952 = tpu.vector_load %get3A_950[%get3A_951] {strides = array<i32>} : memref<8192xf32, #tpu.memory_space<vmem>>, vector<16xf32>,
      %mul3A_953 = arith.constant 64 : i32
      %mul3A_954 = arith.muli %add3A_925, %mul3A_953 : i32
      %add3A_955 = arith.constant 48 : i32
      %add3A_956 = arith.addi %mul3A_954, %add3A_955 : i32
      %get3A_957 = arith.constant 0 : i32
      %get3A_958 = tpu.memref_slice %arg6[%scan3A_125, %get3A_957] : memref<2x8192xf32, #tpu.memory_space<vmem>> -> memref<1x8192xf32, #tpu.memory_space<vmem>>
      %get3A_959 = tpu.memref_squeeze %get3A_958 : memref<1x8192xf32, #tpu.memory_space<vmem>> -> memref<8192xf32, #tpu.memory_space<vmem>>
      %get3A_960 = arith.index_cast %add3A_956 : i32 to index
      %get3A_961 = tpu.vector_load %get3A_959[%get3A_960] {strides = array<i32>} : memref<8192xf32, #tpu.memory_space<vmem>>, vector<16xf32>,
      %mul3A_962 = arith.mulf %get3A_934, %get3A_30 : vector<16xf32>
      %mul3A_963 = arith.mulf %get3A_934, %get3A_38 : vector<16xf32>
      %mul3A_964 = arith.mulf %get3A_943, %get3A_32 : vector<16xf32>
      %add3A_965 = arith.addf %mul3A_962, %mul3A_964 : vector<16xf32>
      %mul3A_966 = arith.mulf %get3A_943, %get3A_40 : vector<16xf32>
      %add3A_967 = arith.addf %mul3A_963, %mul3A_966 : vector<16xf32>
      %mul3A_968 = arith.mulf %get3A_952, %get3A_34 : vector<16xf32>
      %add3A_969 = arith.addf %add3A_965, %mul3A_968 : vector<16xf32>
      %mul3A_970 = arith.mulf %get3A_952, %get3A_42 : vector<16xf32>
      %add3A_971 = arith.addf %add3A_967, %mul3A_970 : vector<16xf32>
      %mul3A_972 = arith.mulf %get3A_961, %get3A_36 : vector<16xf32>
      %add3A_973 = arith.addf %add3A_969, %mul3A_972 : vector<16xf32>
      %mul3A_974 = arith.mulf %get3A_961, %get3A_44 : vector<16xf32>
      %add3A_975 = arith.addf %add3A_971, %mul3A_974 : vector<16xf32>
      %broadcast_in_dim3A_976 = arith.constant true
      %broadcast_in_dim3A_977 = vector.broadcast %broadcast_in_dim3A_976 : i1 to vector<16xi1>
      %masked_cumsum3A_978 = tpu.scan <sum>, %add3A_973 masked %broadcast_in_dim3A_977 : vector<16xf32>, vector<16xi1> -> vector<16xf32>
      %broadcast_in_dim3A_979 = arith.constant true
      %broadcast_in_dim3A_980 = vector.broadcast %broadcast_in_dim3A_979 : i1 to vector<16xi1>
      %masked_cumsum3A_981 = tpu.scan <sum>, %add3A_975 masked %broadcast_in_dim3A_980 : vector<16xf32>, vector<16xi1> -> vector<16xf32>
      %add3A_982 = arith.constant 384 : i32
      %add3A_983 = arith.addi %add3A_982, %add3A_925 : i32
      %mul3A_984 = arith.constant 2 : i32
      %mul3A_985 = arith.muli %add3A_983, %mul3A_984 : i32
      %broadcast_in_dim3A_986 = vector.broadcast %mul3A_985 : i32 to vector<16xi32>
      tpu.vector_store_idx %arg9[%broadcast_in_dim3A_986], %masked_cumsum3A_978 masked %eq3A_46 : memref<1024xf32, #tpu.memory_space<vmem>>[vector<16xi32>], vector<16xf32>, vector<16xi1>
      %add3A_987 = arith.constant 1 : i32
      %add3A_988 = vector.broadcast %add3A_987 : i32 to vector<16xi32>
      %add3A_989 = arith.addi %broadcast_in_dim3A_986, %add3A_988 : vector<16xi32>
      tpu.vector_store_idx %arg9[%add3A_989], %masked_cumsum3A_981 masked %eq3A_46 : memref<1024xf32, #tpu.memory_space<vmem>>[vector<16xi32>], vector<16xf32>, vector<16xi1>
      %add3A_990 = arith.constant 13 : i32
      %add3A_991 = arith.addi %mul3A_133, %add3A_990 : i32
      %mul3A_992 = arith.constant 64 : i32
      %mul3A_993 = arith.muli %add3A_991, %mul3A_992 : i32
      %add3A_994 = arith.constant 0 : i32
      %add3A_995 = arith.addi %mul3A_993, %add3A_994 : i32
      %get3A_996 = arith.constant 0 : i32
      %get3A_997 = tpu.memref_slice %arg6[%scan3A_125, %get3A_996] : memref<2x8192xf32, #tpu.memory_space<vmem>> -> memref<1x8192xf32, #tpu.memory_space<vmem>>
      %get3A_998 = tpu.memref_squeeze %get3A_997 : memref<1x8192xf32, #tpu.memory_space<vmem>> -> memref<8192xf32, #tpu.memory_space<vmem>>
      %get3A_999 = arith.index_cast %add3A_995 : i32 to index
      %get3A_1000 = tpu.vector_load %get3A_998[%get3A_999] {strides = array<i32>} : memref<8192xf32, #tpu.memory_space<vmem>>, vector<16xf32>,
      %mul3A_1001 = arith.constant 64 : i32
      %mul3A_1002 = arith.muli %add3A_991, %mul3A_1001 : i32
      %add3A_1003 = arith.constant 16 : i32
      %add3A_1004 = arith.addi %mul3A_1002, %add3A_1003 : i32
      %get3A_1005 = arith.constant 0 : i32
      %get3A_1006 = tpu.memref_slice %arg6[%scan3A_125, %get3A_1005] : memref<2x8192xf32, #tpu.memory_space<vmem>> -> memref<1x8192xf32, #tpu.memory_space<vmem>>
      %get3A_1007 = tpu.memref_squeeze %get3A_1006 : memref<1x8192xf32, #tpu.memory_space<vmem>> -> memref<8192xf32, #tpu.memory_space<vmem>>
      %get3A_1008 = arith.index_cast %add3A_1004 : i32 to index
      %get3A_1009 = tpu.vector_load %get3A_1007[%get3A_1008] {strides = array<i32>} : memref<8192xf32, #tpu.memory_space<vmem>>, vector<16xf32>,
      %mul3A_1010 = arith.constant 64 : i32
      %mul3A_1011 = arith.muli %add3A_991, %mul3A_1010 : i32
      %add3A_1012 = arith.constant 32 : i32
      %add3A_1013 = arith.addi %mul3A_1011, %add3A_1012 : i32
      %get3A_1014 = arith.constant 0 : i32
      %get3A_1015 = tpu.memref_slice %arg6[%scan3A_125, %get3A_1014] : memref<2x8192xf32, #tpu.memory_space<vmem>> -> memref<1x8192xf32, #tpu.memory_space<vmem>>
      %get3A_1016 = tpu.memref_squeeze %get3A_1015 : memref<1x8192xf32, #tpu.memory_space<vmem>> -> memref<8192xf32, #tpu.memory_space<vmem>>
      %get3A_1017 = arith.index_cast %add3A_1013 : i32 to index
      %get3A_1018 = tpu.vector_load %get3A_1016[%get3A_1017] {strides = array<i32>} : memref<8192xf32, #tpu.memory_space<vmem>>, vector<16xf32>,
      %mul3A_1019 = arith.constant 64 : i32
      %mul3A_1020 = arith.muli %add3A_991, %mul3A_1019 : i32
      %add3A_1021 = arith.constant 48 : i32
      %add3A_1022 = arith.addi %mul3A_1020, %add3A_1021 : i32
      %get3A_1023 = arith.constant 0 : i32
      %get3A_1024 = tpu.memref_slice %arg6[%scan3A_125, %get3A_1023] : memref<2x8192xf32, #tpu.memory_space<vmem>> -> memref<1x8192xf32, #tpu.memory_space<vmem>>
      %get3A_1025 = tpu.memref_squeeze %get3A_1024 : memref<1x8192xf32, #tpu.memory_space<vmem>> -> memref<8192xf32, #tpu.memory_space<vmem>>
      %get3A_1026 = arith.index_cast %add3A_1022 : i32 to index
      %get3A_1027 = tpu.vector_load %get3A_1025[%get3A_1026] {strides = array<i32>} : memref<8192xf32, #tpu.memory_space<vmem>>, vector<16xf32>,
      %mul3A_1028 = arith.mulf %get3A_1000, %get3A_30 : vector<16xf32>
      %mul3A_1029 = arith.mulf %get3A_1000, %get3A_38 : vector<16xf32>
      %mul3A_1030 = arith.mulf %get3A_1009, %get3A_32 : vector<16xf32>
      %add3A_1031 = arith.addf %mul3A_1028, %mul3A_1030 : vector<16xf32>
      %mul3A_1032 = arith.mulf %get3A_1009, %get3A_40 : vector<16xf32>
      %add3A_1033 = arith.addf %mul3A_1029, %mul3A_1032 : vector<16xf32>
      %mul3A_1034 = arith.mulf %get3A_1018, %get3A_34 : vector<16xf32>
      %add3A_1035 = arith.addf %add3A_1031, %mul3A_1034 : vector<16xf32>
      %mul3A_1036 = arith.mulf %get3A_1018, %get3A_42 : vector<16xf32>
      %add3A_1037 = arith.addf %add3A_1033, %mul3A_1036 : vector<16xf32>
      %mul3A_1038 = arith.mulf %get3A_1027, %get3A_36 : vector<16xf32>
      %add3A_1039 = arith.addf %add3A_1035, %mul3A_1038 : vector<16xf32>
      %mul3A_1040 = arith.mulf %get3A_1027, %get3A_44 : vector<16xf32>
      %add3A_1041 = arith.addf %add3A_1037, %mul3A_1040 : vector<16xf32>
      %broadcast_in_dim3A_1042 = arith.constant true
      %broadcast_in_dim3A_1043 = vector.broadcast %broadcast_in_dim3A_1042 : i1 to vector<16xi1>
      %masked_cumsum3A_1044 = tpu.scan <sum>, %add3A_1039 masked %broadcast_in_dim3A_1043 : vector<16xf32>, vector<16xi1> -> vector<16xf32>
      %broadcast_in_dim3A_1045 = arith.constant true
      %broadcast_in_dim3A_1046 = vector.broadcast %broadcast_in_dim3A_1045 : i1 to vector<16xi1>
      %masked_cumsum3A_1047 = tpu.scan <sum>, %add3A_1041 masked %broadcast_in_dim3A_1046 : vector<16xf32>, vector<16xi1> -> vector<16xf32>
      %add3A_1048 = arith.constant 384 : i32
      %add3A_1049 = arith.addi %add3A_1048, %add3A_991 : i32
      %mul3A_1050 = arith.constant 2 : i32
      %mul3A_1051 = arith.muli %add3A_1049, %mul3A_1050 : i32
      %broadcast_in_dim3A_1052 = vector.broadcast %mul3A_1051 : i32 to vector<16xi32>
      tpu.vector_store_idx %arg9[%broadcast_in_dim3A_1052], %masked_cumsum3A_1044 masked %eq3A_46 : memref<1024xf32, #tpu.memory_space<vmem>>[vector<16xi32>], vector<16xf32>, vector<16xi1>
      %add3A_1053 = arith.constant 1 : i32
      %add3A_1054 = vector.broadcast %add3A_1053 : i32 to vector<16xi32>
      %add3A_1055 = arith.addi %broadcast_in_dim3A_1052, %add3A_1054 : vector<16xi32>
      tpu.vector_store_idx %arg9[%add3A_1055], %masked_cumsum3A_1047 masked %eq3A_46 : memref<1024xf32, #tpu.memory_space<vmem>>[vector<16xi32>], vector<16xf32>, vector<16xi1>
      %add3A_1056 = arith.constant 14 : i32
      %add3A_1057 = arith.addi %mul3A_133, %add3A_1056 : i32
      %mul3A_1058 = arith.constant 64 : i32
      %mul3A_1059 = arith.muli %add3A_1057, %mul3A_1058 : i32
      %add3A_1060 = arith.constant 0 : i32
      %add3A_1061 = arith.addi %mul3A_1059, %add3A_1060 : i32
      %get3A_1062 = arith.constant 0 : i32
      %get3A_1063 = tpu.memref_slice %arg6[%scan3A_125, %get3A_1062] : memref<2x8192xf32, #tpu.memory_space<vmem>> -> memref<1x8192xf32, #tpu.memory_space<vmem>>
      %get3A_1064 = tpu.memref_squeeze %get3A_1063 : memref<1x8192xf32, #tpu.memory_space<vmem>> -> memref<8192xf32, #tpu.memory_space<vmem>>
      %get3A_1065 = arith.index_cast %add3A_1061 : i32 to index
      %get3A_1066 = tpu.vector_load %get3A_1064[%get3A_1065] {strides = array<i32>} : memref<8192xf32, #tpu.memory_space<vmem>>, vector<16xf32>,
      %mul3A_1067 = arith.constant 64 : i32
      %mul3A_1068 = arith.muli %add3A_1057, %mul3A_1067 : i32
      %add3A_1069 = arith.constant 16 : i32
      %add3A_1070 = arith.addi %mul3A_1068, %add3A_1069 : i32
      %get3A_1071 = arith.constant 0 : i32
      %get3A_1072 = tpu.memref_slice %arg6[%scan3A_125, %get3A_1071] : memref<2x8192xf32, #tpu.memory_space<vmem>> -> memref<1x8192xf32, #tpu.memory_space<vmem>>
      %get3A_1073 = tpu.memref_squeeze %get3A_1072 : memref<1x8192xf32, #tpu.memory_space<vmem>> -> memref<8192xf32, #tpu.memory_space<vmem>>
      %get3A_1074 = arith.index_cast %add3A_1070 : i32 to index
      %get3A_1075 = tpu.vector_load %get3A_1073[%get3A_1074] {strides = array<i32>} : memref<8192xf32, #tpu.memory_space<vmem>>, vector<16xf32>,
      %mul3A_1076 = arith.constant 64 : i32
      %mul3A_1077 = arith.muli %add3A_1057, %mul3A_1076 : i32
      %add3A_1078 = arith.constant 32 : i32
      %add3A_1079 = arith.addi %mul3A_1077, %add3A_1078 : i32
      %get3A_1080 = arith.constant 0 : i32
      %get3A_1081 = tpu.memref_slice %arg6[%scan3A_125, %get3A_1080] : memref<2x8192xf32, #tpu.memory_space<vmem>> -> memref<1x8192xf32, #tpu.memory_space<vmem>>
      %get3A_1082 = tpu.memref_squeeze %get3A_1081 : memref<1x8192xf32, #tpu.memory_space<vmem>> -> memref<8192xf32, #tpu.memory_space<vmem>>
      %get3A_1083 = arith.index_cast %add3A_1079 : i32 to index
      %get3A_1084 = tpu.vector_load %get3A_1082[%get3A_1083] {strides = array<i32>} : memref<8192xf32, #tpu.memory_space<vmem>>, vector<16xf32>,
      %mul3A_1085 = arith.constant 64 : i32
      %mul3A_1086 = arith.muli %add3A_1057, %mul3A_1085 : i32
      %add3A_1087 = arith.constant 48 : i32
      %add3A_1088 = arith.addi %mul3A_1086, %add3A_1087 : i32
      %get3A_1089 = arith.constant 0 : i32
      %get3A_1090 = tpu.memref_slice %arg6[%scan3A_125, %get3A_1089] : memref<2x8192xf32, #tpu.memory_space<vmem>> -> memref<1x8192xf32, #tpu.memory_space<vmem>>
      %get3A_1091 = tpu.memref_squeeze %get3A_1090 : memref<1x8192xf32, #tpu.memory_space<vmem>> -> memref<8192xf32, #tpu.memory_space<vmem>>
      %get3A_1092 = arith.index_cast %add3A_1088 : i32 to index
      %get3A_1093 = tpu.vector_load %get3A_1091[%get3A_1092] {strides = array<i32>} : memref<8192xf32, #tpu.memory_space<vmem>>, vector<16xf32>,
      %mul3A_1094 = arith.mulf %get3A_1066, %get3A_30 : vector<16xf32>
      %mul3A_1095 = arith.mulf %get3A_1066, %get3A_38 : vector<16xf32>
      %mul3A_1096 = arith.mulf %get3A_1075, %get3A_32 : vector<16xf32>
      %add3A_1097 = arith.addf %mul3A_1094, %mul3A_1096 : vector<16xf32>
      %mul3A_1098 = arith.mulf %get3A_1075, %get3A_40 : vector<16xf32>
      %add3A_1099 = arith.addf %mul3A_1095, %mul3A_1098 : vector<16xf32>
      %mul3A_1100 = arith.mulf %get3A_1084, %get3A_34 : vector<16xf32>
      %add3A_1101 = arith.addf %add3A_1097, %mul3A_1100 : vector<16xf32>
      %mul3A_1102 = arith.mulf %get3A_1084, %get3A_42 : vector<16xf32>
      %add3A_1103 = arith.addf %add3A_1099, %mul3A_1102 : vector<16xf32>
      %mul3A_1104 = arith.mulf %get3A_1093, %get3A_36 : vector<16xf32>
      %add3A_1105 = arith.addf %add3A_1101, %mul3A_1104 : vector<16xf32>
      %mul3A_1106 = arith.mulf %get3A_1093, %get3A_44 : vector<16xf32>
      %add3A_1107 = arith.addf %add3A_1103, %mul3A_1106 : vector<16xf32>
      %broadcast_in_dim3A_1108 = arith.constant true
      %broadcast_in_dim3A_1109 = vector.broadcast %broadcast_in_dim3A_1108 : i1 to vector<16xi1>
      %masked_cumsum3A_1110 = tpu.scan <sum>, %add3A_1105 masked %broadcast_in_dim3A_1109 : vector<16xf32>, vector<16xi1> -> vector<16xf32>
      %broadcast_in_dim3A_1111 = arith.constant true
      %broadcast_in_dim3A_1112 = vector.broadcast %broadcast_in_dim3A_1111 : i1 to vector<16xi1>
      %masked_cumsum3A_1113 = tpu.scan <sum>, %add3A_1107 masked %broadcast_in_dim3A_1112 : vector<16xf32>, vector<16xi1> -> vector<16xf32>
      %add3A_1114 = arith.constant 384 : i32
      %add3A_1115 = arith.addi %add3A_1114, %add3A_1057 : i32
      %mul3A_1116 = arith.constant 2 : i32
      %mul3A_1117 = arith.muli %add3A_1115, %mul3A_1116 : i32
      %broadcast_in_dim3A_1118 = vector.broadcast %mul3A_1117 : i32 to vector<16xi32>
      tpu.vector_store_idx %arg9[%broadcast_in_dim3A_1118], %masked_cumsum3A_1110 masked %eq3A_46 : memref<1024xf32, #tpu.memory_space<vmem>>[vector<16xi32>], vector<16xf32>, vector<16xi1>
      %add3A_1119 = arith.constant 1 : i32
      %add3A_1120 = vector.broadcast %add3A_1119 : i32 to vector<16xi32>
      %add3A_1121 = arith.addi %broadcast_in_dim3A_1118, %add3A_1120 : vector<16xi32>
      tpu.vector_store_idx %arg9[%add3A_1121], %masked_cumsum3A_1113 masked %eq3A_46 : memref<1024xf32, #tpu.memory_space<vmem>>[vector<16xi32>], vector<16xf32>, vector<16xi1>
      %add3A_1122 = arith.constant 15 : i32
      %add3A_1123 = arith.addi %mul3A_133, %add3A_1122 : i32
      %mul3A_1124 = arith.constant 64 : i32
      %mul3A_1125 = arith.muli %add3A_1123, %mul3A_1124 : i32
      %add3A_1126 = arith.constant 0 : i32
      %add3A_1127 = arith.addi %mul3A_1125, %add3A_1126 : i32
      %get3A_1128 = arith.constant 0 : i32
      %get3A_1129 = tpu.memref_slice %arg6[%scan3A_125, %get3A_1128] : memref<2x8192xf32, #tpu.memory_space<vmem>> -> memref<1x8192xf32, #tpu.memory_space<vmem>>
      %get3A_1130 = tpu.memref_squeeze %get3A_1129 : memref<1x8192xf32, #tpu.memory_space<vmem>> -> memref<8192xf32, #tpu.memory_space<vmem>>
      %get3A_1131 = arith.index_cast %add3A_1127 : i32 to index
      %get3A_1132 = tpu.vector_load %get3A_1130[%get3A_1131] {strides = array<i32>} : memref<8192xf32, #tpu.memory_space<vmem>>, vector<16xf32>,
      %mul3A_1133 = arith.constant 64 : i32
      %mul3A_1134 = arith.muli %add3A_1123, %mul3A_1133 : i32
      %add3A_1135 = arith.constant 16 : i32
      %add3A_1136 = arith.addi %mul3A_1134, %add3A_1135 : i32
      %get3A_1137 = arith.constant 0 : i32
      %get3A_1138 = tpu.memref_slice %arg6[%scan3A_125, %get3A_1137] : memref<2x8192xf32, #tpu.memory_space<vmem>> -> memref<1x8192xf32, #tpu.memory_space<vmem>>
      %get3A_1139 = tpu.memref_squeeze %get3A_1138 : memref<1x8192xf32, #tpu.memory_space<vmem>> -> memref<8192xf32, #tpu.memory_space<vmem>>
      %get3A_1140 = arith.index_cast %add3A_1136 : i32 to index
      %get3A_1141 = tpu.vector_load %get3A_1139[%get3A_1140] {strides = array<i32>} : memref<8192xf32, #tpu.memory_space<vmem>>, vector<16xf32>,
      %mul3A_1142 = arith.constant 64 : i32
      %mul3A_1143 = arith.muli %add3A_1123, %mul3A_1142 : i32
      %add3A_1144 = arith.constant 32 : i32
      %add3A_1145 = arith.addi %mul3A_1143, %add3A_1144 : i32
      %get3A_1146 = arith.constant 0 : i32
      %get3A_1147 = tpu.memref_slice %arg6[%scan3A_125, %get3A_1146] : memref<2x8192xf32, #tpu.memory_space<vmem>> -> memref<1x8192xf32, #tpu.memory_space<vmem>>
      %get3A_1148 = tpu.memref_squeeze %get3A_1147 : memref<1x8192xf32, #tpu.memory_space<vmem>> -> memref<8192xf32, #tpu.memory_space<vmem>>
      %get3A_1149 = arith.index_cast %add3A_1145 : i32 to index
      %get3A_1150 = tpu.vector_load %get3A_1148[%get3A_1149] {strides = array<i32>} : memref<8192xf32, #tpu.memory_space<vmem>>, vector<16xf32>,
      %mul3A_1151 = arith.constant 64 : i32
      %mul3A_1152 = arith.muli %add3A_1123, %mul3A_1151 : i32
      %add3A_1153 = arith.constant 48 : i32
      %add3A_1154 = arith.addi %mul3A_1152, %add3A_1153 : i32
      %get3A_1155 = arith.constant 0 : i32
      %get3A_1156 = tpu.memref_slice %arg6[%scan3A_125, %get3A_1155] : memref<2x8192xf32, #tpu.memory_space<vmem>> -> memref<1x8192xf32, #tpu.memory_space<vmem>>
      %get3A_1157 = tpu.memref_squeeze %get3A_1156 : memref<1x8192xf32, #tpu.memory_space<vmem>> -> memref<8192xf32, #tpu.memory_space<vmem>>
      %get3A_1158 = arith.index_cast %add3A_1154 : i32 to index
      %get3A_1159 = tpu.vector_load %get3A_1157[%get3A_1158] {strides = array<i32>} : memref<8192xf32, #tpu.memory_space<vmem>>, vector<16xf32>,
      %mul3A_1160 = arith.mulf %get3A_1132, %get3A_30 : vector<16xf32>
      %mul3A_1161 = arith.mulf %get3A_1132, %get3A_38 : vector<16xf32>
      %mul3A_1162 = arith.mulf %get3A_1141, %get3A_32 : vector<16xf32>
      %add3A_1163 = arith.addf %mul3A_1160, %mul3A_1162 : vector<16xf32>
      %mul3A_1164 = arith.mulf %get3A_1141, %get3A_40 : vector<16xf32>
      %add3A_1165 = arith.addf %mul3A_1161, %mul3A_1164 : vector<16xf32>
      %mul3A_1166 = arith.mulf %get3A_1150, %get3A_34 : vector<16xf32>
      %add3A_1167 = arith.addf %add3A_1163, %mul3A_1166 : vector<16xf32>
      %mul3A_1168 = arith.mulf %get3A_1150, %get3A_42 : vector<16xf32>
      %add3A_1169 = arith.addf %add3A_1165, %mul3A_1168 : vector<16xf32>
      %mul3A_1170 = arith.mulf %get3A_1159, %get3A_36 : vector<16xf32>
      %add3A_1171 = arith.addf %add3A_1167, %mul3A_1170 : vector<16xf32>
      %mul3A_1172 = arith.mulf %get3A_1159, %get3A_44 : vector<16xf32>
      %add3A_1173 = arith.addf %add3A_1169, %mul3A_1172 : vector<16xf32>
      %broadcast_in_dim3A_1174 = arith.constant true
      %broadcast_in_dim3A_1175 = vector.broadcast %broadcast_in_dim3A_1174 : i1 to vector<16xi1>
      %masked_cumsum3A_1176 = tpu.scan <sum>, %add3A_1171 masked %broadcast_in_dim3A_1175 : vector<16xf32>, vector<16xi1> -> vector<16xf32>
      %broadcast_in_dim3A_1177 = arith.constant true
      %broadcast_in_dim3A_1178 = vector.broadcast %broadcast_in_dim3A_1177 : i1 to vector<16xi1>
      %masked_cumsum3A_1179 = tpu.scan <sum>, %add3A_1173 masked %broadcast_in_dim3A_1178 : vector<16xf32>, vector<16xi1> -> vector<16xf32>
      %add3A_1180 = arith.constant 384 : i32
      %add3A_1181 = arith.addi %add3A_1180, %add3A_1123 : i32
      %mul3A_1182 = arith.constant 2 : i32
      %mul3A_1183 = arith.muli %add3A_1181, %mul3A_1182 : i32
      %broadcast_in_dim3A_1184 = vector.broadcast %mul3A_1183 : i32 to vector<16xi32>
      tpu.vector_store_idx %arg9[%broadcast_in_dim3A_1184], %masked_cumsum3A_1176 masked %eq3A_46 : memref<1024xf32, #tpu.memory_space<vmem>>[vector<16xi32>], vector<16xf32>, vector<16xi1>
      %add3A_1185 = arith.constant 1 : i32
      %add3A_1186 = vector.broadcast %add3A_1185 : i32 to vector<16xi32>
      %add3A_1187 = arith.addi %broadcast_in_dim3A_1184, %add3A_1186 : vector<16xi32>
      tpu.vector_store_idx %arg9[%add3A_1187], %masked_cumsum3A_1179 masked %eq3A_46 : memref<1024xf32, #tpu.memory_space<vmem>>[vector<16xi32>], vector<16xf32>, vector<16xi1>
    }
    %scan3A_130 = arith.constant 8 : i32
    "tpu.region"() ({
      %run_scoped3A = tpu.sem_alloc : memref<!tpu.dma_semaphore, #tpu.memory_space<semaphore_mem>>
      %dma_start3A_131 = tpu.memref_slice %arg5[%mul3A_8] : memref<32768xf32, #tpu.memory_space<hbm>> -> memref<1024xf32, #tpu.memory_space<hbm>>
      %dma_start3A_132 = tpu.memref_slice %arg5[%mul3A_8] : memref<32768xf32, #tpu.memory_space<hbm>> -> memref<1024xf32, #tpu.memory_space<hbm>>
      tpu.enqueue_dma source(%arg9 : memref<1024xf32, #tpu.memory_space<vmem>>) target(%dma_start3A_132 : memref<1024xf32, #tpu.memory_space<hbm>>) target_semaphore(%run_scoped3A : memref<!tpu.dma_semaphore, #tpu.memory_space<semaphore_mem>>)
      %dma_wait3A_133 = tpu.memref_slice %arg5[%mul3A_8] : memref<32768xf32, #tpu.memory_space<hbm>> -> memref<1024xf32, #tpu.memory_space<hbm>>
      %dma_wait3A_134 = tpu.memref_slice %arg5[%mul3A_8] : memref<32768xf32, #tpu.memory_space<hbm>> -> memref<1024xf32, #tpu.memory_space<hbm>>
      tpu.wait_dma2 semaphore(%run_scoped3A : memref<!tpu.dma_semaphore, #tpu.memory_space<semaphore_mem>>) src(%arg9 : memref<1024xf32, #tpu.memory_space<vmem>>) dst(%dma_wait3A_134 : memref<1024xf32, #tpu.memory_space<hbm>>)
      tpu.yield
    }) : () -> ()
    return
  }
}

</mosaic_0001>

<sc_bundles>
// kernel: kernel.3.cloned.1.call-start
scs
__scs_entry_jumppad:
0x0: {  	(pc) =	sbr.rel $0x88, $3  }
0x1: {  	(tag) =	ssettag $0x0;
	lr =	simm.s32 $0x1  }
0x2: {  	[smem:$0x3F9F] =	sst lr;
	_ =	strace $0xD0000000  }
0x3: {  	_ = 	snop  }
0x4: {  	_ = 	snop  }
0x5: {  	_ = 	snop  }
0x6: {  	_ = 	snop  }
0x7: {  	_ = 	snop  }
__scs_overlays_trampoline_lowered:
0x8: {  	[smem:$0x3FAE] =	sst s0  }
0x9: {  	[smem:$0x3FAF] =	sst s1  }
0xa: {  	[smem:$0x3FB0] =	sst s2  }
0xb: {  	[smem:$0x3FB1] =	sst s3  }
0xc: {  	[smem:$0x3FB2] =	sst s4  }
0xd: {  	[smem:$0x3FB3] =	sst s5  }
0xe: {  	[smem:$0x3FB4] =	sst s6  }
0xf: {  	[smem:$0x3FB5] =	sst s7  }
0x10: {  	[smem:$0x3FB6] =	sst s8  }
0x11: {  	[smem:$0x3FB7] =	sst s9;
	s0 =	simm.s32 @!p0 $0x0  }
0x12: {  	s1 =	sld [smem:$0x3F9D];
	s0 =	simm.s32 @p0 $0x1  }
0x13: {  	[smem:$0x3FB8] =	sst s0;
	s0 =	simm.s32 @!p1 $0x0  }
0x14: {  	s2 =	sld [smem:$0x3F9C];
	s0 =	simm.s32 @p1 $0x1  }
0x15: {  	[smem:$0x3FB9] =	sst s0;
	s0 =	simm.s32 @!p2 $0x0  }
0x16: {  	s3 =	sld [smem:$0x3FDB];
	s0 =	simm.s32 @p2 $0x1  }
0x17: {  	s4 =	simm.s32 $0x1BF5;
	[smem:$0x3FBB] =	sst s0  }
0x18: {  	s0 =	sld [smem:$0x3F9E];
	_ =	swait.ge [sflag:s4], $0x0  }
0x19: {  	s7 =	sld [smem:$0x3F9F]  }
0x1a: {  	s8 =	sadd.s32 $0xFFFFE003, lr  }
0x1b: {  	s9 =	sadd.s32 $0xFFFFFEF7, lr;
	s5 =	simm.s32 $0xFFFFFFFF;
	p2 =	slt.u32 s8, $0xFFFFF086  }
0x1c: {  	p1 =	slt.u32 s9, $0xF7A;
	s5 =	simm.s32 @!p2 $0x0  }
0x1d: {  	s5 =	simm.s32 @p1 $0x1;
	p0 =	seq.s32 s7, s2  }
0x1e: {  	s7 =	smul.u32 @!p0 $0xF7A, s2;
	p2 =	seq.s32 @!p0 s5, $0x0  }
0x1f: {  	s9 =	smul.u32 $0xF7A, s1;
	s8 =	simm.s32 @!p0 $0x1BF5;
	p2 =	por !p2, p0  }
0x20: {  	[sflag:s8] =	ssyncset.s32 @!p0 $0xFFFFF086;
	s6 =	sadd.s32 @!p0 s3, s7;
	s7 =	simm.s32 @!p0 $0x108  }
0x21: {  	s3 =	sadd.s32 s3, s9;
	s6 =	sadd.s32 @!p0 $0x88, s6;
	s7 =	simm.s32 @p2 $0x1082  }
0x22: {  	[simem:s7], [sflag:s8] =	dma.local @!p0 [hbm:s6], $0xF7A  }
0x23: {  	s9 =	sor.u32 $0xD0000000, s2;
	s6 =	simm.s32 $0x108;
	_ =	swait.ge @!p0 [sflag:s8], $0x0  }
0x24: {  	s3 =	sadd.s32 $0x88, s3;
	s6 =	simm.s32 @!p1 $0x1082;
	[sflag:s4] =	ssyncset.s32 $0xFFFFF086  }
0x25: {  	[simem:s6], [sflag:s4] =	dma.local [hbm:s3], $0xF7A  }
0x26: {  	[smem:$0x3F9F] =	sst s1;
	(tag) =	ssettag s2;
	_ =	strace s9  }
0x27: {  	s1 =	sld [smem:$0x3FAF]  }
0x28: {  	s2 =	sld [smem:$0x3FB0]  }
0x29: {  	s4 =	sld [smem:$0x3FB2]  }
0x2a: {  	p0 =	seq.s32 s5, $0x0;
	s5 =	sld [smem:$0x3FB3]  }
0x2b: {  	s6 =	sld [smem:$0x3FB4]  }
0x2c: {  	s7 =	sld [smem:$0x3FB5]  }
0x2d: {  	s3 =	simm.s32 $0x108;
	s8 =	sld [smem:$0x3FB6]  }
0x2e: {  	s3 =	simm.s32 @!p0 $0x1082;
	s9 =	sld [smem:$0x3FB7]  }
0x2f: {  	lr =	sadd.s32 s0, s3;
	s0 =	sld [smem:$0x3FAE]  }
0x30: {  	s3 =	sld [smem:$0x3FB1]  }
0x31: {  	[smem:$0x3FBA] =	sst s10  }
0x32: {  	s10 =	sld [smem:$0x3FB8];
	_ =	sdelay $0x3  }
0x33: {  	p0 =	seq.s32 s10, $0x1;
	s10 =	sld [smem:$0x3FBA];
	_ =	sdelay $0x3  }
0x34: {  	[smem:$0x3FBA] =	sst s10  }
0x35: {  	s10 =	sld [smem:$0x3FB9];
	_ =	sdelay $0x3  }
0x36: {  	p1 =	seq.s32 s10, $0x1;
	s10 =	sld [smem:$0x3FBA];
	_ =	sdelay $0x3  }
0x37: {  	[smem:$0x3FBA] =	sst s10  }
0x38: {  	s10 =	sld [smem:$0x3FBB]  }
0x39: {  	_ = 	snop;
	(pc) =	sbr.ind lr, $3  }
0x3a: {  	_ = 	snop  }
0x3b: {  	_ = 	snop  }
0x3c: {  	p2 =	seq.s32 s10, $0x1;
	s10 =	sld [smem:$0x3FBA]  }
0x3d: {  	_ =	shalt  }
0x3e: {  	_ =	shalt  }
0x3f: {  	_ =	shalt  }
0x40: {  	_ =	shalt  }
0x41: {  	_ =	shalt  }
0x42: {  	_ =	shalt  }
0x43: {  	_ =	shalt  }
0x44: {  	_ =	shalt  }
0x45: {  	_ =	shalt  }
0x46: {  	_ =	shalt  }
0x47: {  	_ =	shalt  }
0x48: {  	_ =	shalt  }
0x49: {  	_ =	shalt  }
0x4a: {  	_ =	shalt  }
0x4b: {  	_ =	shalt  }
0x4c: {  	_ =	shalt  }
0x4d: {  	_ =	shalt  }
0x4e: {  	_ =	shalt  }
0x4f: {  	_ =	shalt  }
0x50: {  	_ =	shalt  }
0x51: {  	_ =	shalt  }
0x52: {  	_ =	shalt  }
0x53: {  	_ =	shalt  }
0x54: {  	_ =	shalt  }
0x55: {  	_ =	shalt  }
0x56: {  	_ =	shalt  }
0x57: {  	_ =	shalt  }
0x58: {  	_ =	shalt  }
0x59: {  	_ =	shalt  }
0x5a: {  	_ =	shalt  }
0x5b: {  	_ =	shalt  }
0x5c: {  	_ =	shalt  }
0x5d: {  	_ =	shalt  }
0x5e: {  	_ =	shalt  }
0x5f: {  	_ =	shalt  }
0x60: {  	_ =	shalt  }
0x61: {  	_ =	shalt  }
0x62: {  	_ =	shalt  }
0x63: {  	_ =	shalt  }
0x64: {  	_ =	shalt  }
0x65: {  	_ =	shalt  }
0x66: {  	_ =	shalt  }
0x67: {  	_ =	shalt  }
0x68: {  	_ =	shalt  }
0x69: {  	_ =	shalt  }
0x6a: {  	_ =	shalt  }
0x6b: {  	_ =	shalt  }
0x6c: {  	_ =	shalt  }
0x6d: {  	_ =	shalt  }
0x6e: {  	_ =	shalt  }
0x6f: {  	_ =	shalt  }
0x70: {  	_ =	shalt  }
0x71: {  	_ =	shalt  }
0x72: {  	_ =	shalt  }
0x73: {  	_ =	shalt  }
0x74: {  	_ =	shalt  }
0x75: {  	_ =	shalt  }
0x76: {  	_ =	shalt  }
0x77: {  	_ =	shalt  }
0x78: {  	_ =	shalt  }
0x79: {  	_ =	shalt  }
0x7a: {  	_ =	shalt  }
0x7b: {  	_ =	shalt  }
0x7c: {  	_ =	shalt  }
0x7d: {  	_ =	shalt  }
0x7e: {  	_ =	shalt  }
0x7f: {  	_ =	shalt  }
0x80: {  	_ =	shalt  }
0x81: {  	_ =	shalt  }
0x82: {  	_ =	shalt  }
0x83: {  	_ =	shalt  }
0x84: {  	_ =	shalt  }
0x85: {  	_ =	shalt  }
0x86: {  	_ =	shalt  }
0x87: {  	_ =	shalt  }
.Lfunc_end0:
.L_simem_size_0:
called_computation_lowered:
.L_overlay_start_0:
0x88: {  	s2 =	sld [smem:$0x3FD9]  }
0x89: {  	s3 =	sld [smem:$0x3FFE];
	_ =	sdelay $0x1  }
0x8a: {  	s1 =	srdreg.scid  }
0x8b: {  	s0 =	sand.u32 $0x1, s1  }
0x8c: {  	s17 =	sshll.u32 s0, $0xA;
	s2 =	sadd.s32 s3, s2  }
0x8d: {  	s2 =	sadd.s32 s2, s17  }
0x8e: {  	[smem:$0x3FC6] =	sst s2  }
0x8f: {  	_ = 	snop  }
0x90: {  	s2 =	sld [smem:$0x3FD0];
	(tm) =	ssettm $0x1  }
0x91: {  	s18 =	sld [smem:$0x3FFB];
	_ =	sdelay $0x3  }
0x92: {  	_ =	strace s18  }
0x93: {  	s3 =	sld [smem:$0x3FFC];
	_ =	sdelay $0x3  }
0x94: {  	_ =	strace s3  }
0x95: {  	s3 =	sld [smem:$0x3FFD];
	_ =	sdelay $0x3  }
0x96: {  	_ =	strace s3  }
0x97: {  	_ =	strace $0x8FFFFFFF  }
0x98: {  	s19 =	sld [smem:$0x3FDB];
	_ =	sdelay $0x1  }
0x99: {  	s4 =	simm.s32 $_scs_section_size  }
0x9a: {  	s5 =	simm.s32 $_size__tile_overlayer_lowered;
	s6 =	simm.s32 $_tile_overlayer_lowered  }
0x9b: {  	s22 =	simm.s32 $0x1BFF;
	s21 =	sshll.u32 s6, $0x1;
	s3 =	sadd.s32 s4, s19  }
0x9c: {  	s7 =	simm.s32 $0x0;
	s20 =	sshll.u32 s5, $0x1;
	s5 =	sadd.s32 s21, s3  }
0x9d: {  	[timem:s7], [sflag:s22] =	dma.local [hbm:s5], s20  }
0x9e: {  	_ =	swait.ge [sflag:s22], s20  }
0x9f: {  	s4 =	ssub.s32 $0x0, s20;
	[sflag:s22] =	ssyncset.done $0x0  }
0xa0: {  	[sflag:s22] =	ssyncadd.s32 s4;
	_ =	sdelay $0x1  }
0xa1: {  	s23 =	simm.s32 $0x1B8B  }
0xa2: {  	_ =	swait.ge [sflag:s23], $0x1  }
0xa3: {  	[sflag:s23] =	ssyncset.done $0x0  }
0xa4: {  	s25 =	simm.s32 $0x1B8E;
	s24 =	sld [smem:$0x3FFE];
	[sflag:s23] =	ssyncadd.s32 $0xFFFFFFFF  }
0xa5: {  	s26 =	simm.s32 $execute0_lowered;
	[smem:$0x3FD2] =	sst s25  }
0xa6: {  	s5 =	sshll.u32 s26, $0x1;
	_ =	strace $0x80000046;
	[dreg:$0x1] =	wrdreg $0xFFFFFFFF  }
0xa7: {  	s28 =	simm.s32 $_size_execute0_lowered;
	s3 =	sadd.s32 s3, s5;
	[dreg:$0x0] =	wrdreg $0x0  }
0xa8: {  	s5 =	sshll.u32 s28, $0x1;
	[dreg:$0x2] =	wrdreg s3  }
0xa9: {  	[dreg:$0x3] =	wrdreg s5  }
0xaa: {  	[dreg:$0x4] =	wrdreg $0xC0  }
0xab: {  	_ =	task [dreg:s7], $0x5FFFF  }
0xac: {  	[dreg:$0x1] =	wrdreg $0xFFFFFFFF  }
0xad: {  	[dreg:$0x0] =	wrdreg $0x60  }
0xae: {  	[dreg:$0x2] =	wrdreg s24  }
0xaf: {  	[dreg:$0x3] =	wrdreg s2  }
0xb0: {  	[dreg:$0x4] =	wrdreg $0x9  }
0xb1: {  	_ =	task.clear_ibuf [dreg:s7], $0x5FFFF;
	_ =	strace $0x90000046  }
0xb2: {  	s29 =	simm.s32 $0x9;
	_ =	strace $0x80000048  }
0xb3: {  	_ =	swait.ge [sflag:s29], $0x1  }
0xb4: {  	[sflag:s29] =	ssyncadd.s32 $0xFFFFFFFF  }
0xb5: {  	_ =	strace $0x90000048  }
0xb6: {  	_ =	sfence  }
0xb7: {  	s30 =	sld [smem:$0x0];
	_ =	sdelay $0x2  }
0xb8: {  	s31 =	sshll.u32 s1, $0xD;
	s1 =	sshrl.u32 s1, $0x2  }
0xb9: {  	s3 =	sand.u32 $0x4000, s31;
	s1 =	sadd.s32 s1, s30  }
0xba: {  	s0 =	sor.u32 s3, s0;
	s1 =	sshll.u32 s1, $0x11  }
0xbb: {  	s0 =	sor.u32 s1, s0  }
0xbc: {  	s0 =	sadd.s32 $0x8F2B, s0  }
0xbd: {  	[sflag:s0] =	ssyncadd.remote.s32 $0x1  }
0xbe: {  	_ =	sfence.sel $0xFFFF  }
0xbf: {  	[dreg:$0x0] =	wrdreg $0xFFFFFFFF;
	(pc) =	sbr.abs _section_cstart, $3  }
0xc0: {  	[dreg:$0x1] =	wrdreg $0xFFFFFFFF  }
0xc1: {  	_ =	task.clear_ibuf [dreg:s7], $0x2FFFF;
	_ =	strace $0x9FFFFFFF  }
0xc2: {  	(tm) =	ssettm $0x7FFFFFFF  }
0xc3: {  	_ =	shalt  }
tec
execute0_lowered:
.L_overlay_start_1:
0x0: {  	(tag) =	ssettag $0x1  }
0x1: {  	s4 =	rddreg [dreg:$0x0]  }
0x2: {  	s1 =	srdreg.scid;
	s0 =	stileid.u32  }
0x3: {  	s9 =	rddreg [dreg:$0x1];
	s2 =	simm.s32 $0x0;
	s12 =	simm.s32 $0x3  }
0x4: {  	s13 =	simm.s32 $0x4040;
	s14 =	simm.s32 $0x2000;
	s15 =	simm.s32 $0x1  }
0x5: {  	s16 =	simm.s32 $0x4080;
	s17 =	simm.s32 $0x2;
	s18 =	simm.s32 $0x0  }
0x6: {  	s3 =	sand.u32 $0x1, s1;
	s5 =	sshll.u32 s0, $0x1;
	s1 =	rddreg [dreg:$0x2]  }
0x7: {  	[smem:$0x7FF] =	sst s2;
	s7 =	sor.u32 s3, s5;
	s6 =	ssub.s32 $0x2, s3  }
0x8: {  	_ =	strace $0x80000047;
	s3 =	sadd.s32 $0x20A00, s4;
	s5 =	sshll.u32 s7, $0xC  }
0x9: {  	s31 =	sshrl.u32 s6, $0x1;
	s11 =	sshll.u32 s7, $0x7;
	s8 =	sadd.s32 s5, s4  }
0xa: {  	s4 =	sadd.s32 $0x20800, s4;
	s10 =	ssub.s32 s6, s31;
	s9 =	sadd.s32 s9, s11  }
0xb: {  	s11 =	simm.s32 $0x4000;
	s5 =	sadd.s32 $0x800, s8;
	s6 =	sadd.s32 $0xC00, s8  }
0xc: {  	vm0 =	vcmask $0x3F3C;
	s7 =	sadd.s32 $0x1000, s8;
	s8 =	sadd.s32 $0x1400, s8;
	s10 =	smax.u32 s10, $0x1  }
.LBB2_1:
0xd: {  	[tilespmem:s11], [sflag:$0x3] =	stream.linear.gather [hbm4b:s3+s2], $0x40, $0x38;
	[tilespmem:$0x4480] =	vst v63  }
0xe: {  	_ =	swait.ge [sflag:s12], $0x40  }
0xf: {  	[sflag:s12] =	ssyncset.done $0x0  }
0x10: {  	[sflag:s12] =	ssyncadd.s32 $0xFFFFFFC0  }
0x11: {  	[tilespmem:s13], [sflag:$0x3] =	stream.linear.gather [hbm4b:s4+s2], $0x40, $0x38;
	[tilespmem:$0x4480] =	vst v63  }
0x12: {  	_ =	swait.ge [sflag:s12], $0x40  }
0x13: {  	[sflag:s12] =	ssyncset.done $0x0  }
0x14: {  	[sflag:s12] =	ssyncadd.s32 $0xFFFFFFC0  }
0x15: {  	[tilespmem:s2], [sflag:$0x1] =	stream.linear.gather [hbm4b:s5+s2], $0x2000, $0x38;
	[tilespmem:$0x4480] =	vst v63  }
0x16: {  	_ = 	snop  }
0x17: {  	[tilespmem:s14], [sflag:$0x2] =	stream.linear.gather [hbm4b:s6+s2], $0x2000, $0x38;
	[tilespmem:$0x4480] =	vst v63  }
0x18: {  	v0 =	vld [tilespmem:$0x4000]  }
0x19: {  	v1 =	vld [tilespmem:$0x4010]  }
0x1a: {  	v2 =	vld [tilespmem:$0x4020]  }
0x1b: {  	v3 =	vld [tilespmem:$0x4030]  }
0x1c: {  	v4 =	vld [tilespmem:$0x4040]  }
0x1d: {  	v5 =	vld [tilespmem:$0x4050]  }
0x1e: {  	v6 =	vld [tilespmem:$0x4060]  }
0x1f: {  	v7 =	vld [tilespmem:$0x4070];
	_ =	swait.ge [sflag:s15], $0x2000  }
0x20: {  	[sflag:s15] =	ssyncset.done $0x0  }
0x21: {  	s19 =	simm.s32 $0x200;
	s20 =	simm.s32 $0x0;
	[sflag:s15] =	ssyncadd.s32 $0xFFFFE000  }
.LBB2_2:
0x22: {  	v8 =	vld [tilespmem:s19+$0xFFFFFE00]  }
0x23: {  	v9 =	vld [tilespmem:s19+$0xFFFFFE10];
	_ =	sdelay $0x1  }
0x24: {  	v10 =	vld [tilespmem:s19+$0xFFFFFE20];
	_ =	sdelay $0x1  }
0x25: {  	v11 =	vld [tilespmem:s19+$0xFFFFFE30]  }
0x26: {  	v12 =	vmul.f32 v8, v0;
	v13 =	vmul.f32 v9, v1  }
0x27: {  	v8 =	vmul.f32 v8, v4;
	v9 =	vmul.f32 v9, v5  }
0x28: {  	v18 =	vmul.f32 v10, v2;
	v12 =	vadd.f32 v13, v12  }
0x29: {  	v19 =	vmul.f32 v10, v6;
	v8 =	vadd.f32 v9, v8  }
0x2a: {  	v21 =	vmul.f32 v11, v3;
	v20 =	vadd.f32 v18, v12  }
0x2b: {  	v22 =	vmul.f32 v11, v7;
	v8 =	vadd.f32 v19, v8  }
0x2c: {  	v10 =	vadd.f32 v21, v20  }
0x2d: {  	v8 =	vadd.f32 v22, v8  }
0x2e: {  	(xrf2) =	vadd.scan.msk.f32 $0xffff, v10  }
0x2f: {  	(xrf2) =	vadd.scan.msk.f32 $0xffff, v8;
	_ =	sdelay $0x4  }
0x30: {  	v8 =	vmov s20  }
0x31: {  	v23 =	vor.u32 $0x1, v8;
	_ =	sdelay $0x2  }
0x32: {  	v10, _, _ =	vpop (xrf2)  }
0x33: {  	v24, _, _ =	vpop (xrf2);
	[tilespmem:v8+s16+$0x0] =	vst.idx.msk vm0, v10  }
0x34: {  	[tilespmem:v23+s16+$0x0] =	vst.idx.msk vm0, v24  }
0x35: {  	v8 =	vld [tilespmem:s19+$0xFFFFFE40]  }
0x36: {  	v9 =	vld [tilespmem:s19+$0xFFFFFE50];
	_ =	sdelay $0x1  }
0x37: {  	v10 =	vld [tilespmem:s19+$0xFFFFFE60];
	_ =	sdelay $0x1  }
0x38: {  	v11 =	vld [tilespmem:s19+$0xFFFFFE70]  }
0x39: {  	v25 =	vmul.f32 v8, v0;
	v26 =	vmul.f32 v9, v1  }
0x3a: {  	v8 =	vmul.f32 v8, v4;
	v9 =	vmul.f32 v9, v5  }
0x3b: {  	v27 =	vmul.f32 v10, v2;
	v12 =	vadd.f32 v26, v25  }
0x3c: {  	v28 =	vmul.f32 v10, v6;
	v8 =	vadd.f32 v9, v8  }
0x3d: {  	v30 =	vmul.f32 v11, v3;
	v29 =	vadd.f32 v27, v12  }
0x3e: {  	v31 =	vmul.f32 v11, v7;
	v8 =	vadd.f32 v28, v8  }
0x3f: {  	v10 =	vadd.f32 v30, v29  }
0x40: {  	v8 =	vadd.f32 v31, v8  }
0x41: {  	(xrf2) =	vadd.scan.msk.f32 $0xffff, v10  }
0x42: {  	(xrf2) =	vadd.scan.msk.f32 $0xffff, v8;
	_ =	sdelay $0x3  }
0x43: {  	s21 =	sadd.s32 $0x2, s20  }
0x44: {  	v8 =	vmov s21  }
0x45: {  	v32 =	vor.u32 $0x3, v8;
	_ =	sdelay $0x2  }
0x46: {  	v10, _, _ =	vpop (xrf2)  }
0x47: {  	v33, _, _ =	vpop (xrf2);
	[tilespmem:v8+s16+$0x0] =	vst.idx.msk vm0, v10  }
0x48: {  	[tilespmem:v32+s16+$0x0] =	vst.idx.msk vm0, v33  }
0x49: {  	v8 =	vld [tilespmem:s19+$0xFFFFFE80]  }
0x4a: {  	v9 =	vld [tilespmem:s19+$0xFFFFFE90];
	_ =	sdelay $0x1  }
0x4b: {  	v10 =	vld [tilespmem:s19+$0xFFFFFEA0];
	_ =	sdelay $0x1  }
0x4c: {  	v11 =	vld [tilespmem:s19+$0xFFFFFEB0]  }
0x4d: {  	v34 =	vmul.f32 v8, v0;
	v35 =	vmul.f32 v9, v1  }
0x4e: {  	v8 =	vmul.f32 v8, v4;
	v9 =	vmul.f32 v9, v5  }
0x4f: {  	v36 =	vmul.f32 v10, v2;
	v12 =	vadd.f32 v35, v34  }
0x50: {  	v37 =	vmul.f32 v10, v6;
	v8 =	vadd.f32 v9, v8  }
0x51: {  	v39 =	vmul.f32 v11, v3;
	v38 =	vadd.f32 v36, v12  }
0x52: {  	v40 =	vmul.f32 v11, v7;
	v8 =	vadd.f32 v37, v8  }
0x53: {  	v10 =	vadd.f32 v39, v38  }
0x54: {  	v8 =	vadd.f32 v40, v8  }
0x55: {  	(xrf2) =	vadd.scan.msk.f32 $0xffff, v10  }
0x56: {  	(xrf2) =	vadd.scan.msk.f32 $0xffff, v8;
	_ =	sdelay $0x3  }
0x57: {  	s26 =	sadd.s32 $0x4, s20  }
0x58: {  	v8 =	vmov s26  }
0x59: {  	v41 =	vor.u32 $0x5, v8;
	_ =	sdelay $0x2  }
0x5a: {  	v10, _, _ =	vpop (xrf2)  }
0x5b: {  	v42, _, _ =	vpop (xrf2);
	[tilespmem:v8+s16+$0x0] =	vst.idx.msk vm0, v10  }
0x5c: {  	[tilespmem:v41+s16+$0x0] =	vst.idx.msk vm0, v42  }
0x5d: {  	v8 =	vld [tilespmem:s19+$0xFFFFFEC0]  }
0x5e: {  	v9 =	vld [tilespmem:s19+$0xFFFFFED0];
	_ =	sdelay $0x1  }
0x5f: {  	v10 =	vld [tilespmem:s19+$0xFFFFFEE0];
	_ =	sdelay $0x1  }
0x60: {  	v11 =	vld [tilespmem:s19+$0xFFFFFEF0]  }
0x61: {  	v43 =	vmul.f32 v8, v0;
	v44 =	vmul.f32 v9, v1  }
0x62: {  	v8 =	vmul.f32 v8, v4;
	v9 =	vmul.f32 v9, v5  }
0x63: {  	v45 =	vmul.f32 v10, v2;
	v12 =	vadd.f32 v44, v43  }
0x64: {  	v46 =	vmul.f32 v10, v6;
	v8 =	vadd.f32 v9, v8  }
0x65: {  	v48 =	vmul.f32 v11, v3;
	v47 =	vadd.f32 v45, v12  }
0x66: {  	v49 =	vmul.f32 v11, v7;
	v8 =	vadd.f32 v46, v8  }
0x67: {  	v10 =	vadd.f32 v48, v47  }
0x68: {  	v8 =	vadd.f32 v49, v8  }
0x69: {  	(xrf2) =	vadd.scan.msk.f32 $0xffff, v10  }
0x6a: {  	(xrf2) =	vadd.scan.msk.f32 $0xffff, v8;
	_ =	sdelay $0x3  }
0x6b: {  	s28 =	sadd.s32 $0x6, s20  }
0x6c: {  	v8 =	vmov s28  }
0x6d: {  	v50 =	vor.u32 $0x7, v8;
	_ =	sdelay $0x2  }
0x6e: {  	v10, _, _ =	vpop (xrf2)  }
0x6f: {  	v51, _, _ =	vpop (xrf2);
	[tilespmem:v8+s16+$0x0] =	vst.idx.msk vm0, v10  }
0x70: {  	[tilespmem:v50+s16+$0x0] =	vst.idx.msk vm0, v51  }
0x71: {  	v8 =	vld [tilespmem:s19+$0xFFFFFF00]  }
0x72: {  	v9 =	vld [tilespmem:s19+$0xFFFFFF10];
	_ =	sdelay $0x1  }
0x73: {  	v10 =	vld [tilespmem:s19+$0xFFFFFF20];
	_ =	sdelay $0x1  }
0x74: {  	v11 =	vld [tilespmem:s19+$0xFFFFFF30]  }
0x75: {  	v52 =	vmul.f32 v8, v0;
	v53 =	vmul.f32 v9, v1  }
0x76: {  	v8 =	vmul.f32 v8, v4;
	v9 =	vmul.f32 v9, v5  }
0x77: {  	v54 =	vmul.f32 v10, v2;
	v12 =	vadd.f32 v53, v52  }
0x78: {  	v55 =	vmul.f32 v10, v6;
	v8 =	vadd.f32 v9, v8  }
0x79: {  	v57 =	vmul.f32 v11, v3;
	v56 =	vadd.f32 v54, v12  }
0x7a: {  	v58 =	vmul.f32 v11, v7;
	v8 =	vadd.f32 v55, v8  }
0x7b: {  	v10 =	vadd.f32 v57, v56  }
0x7c: {  	v8 =	vadd.f32 v58, v8  }
0x7d: {  	(xrf2) =	vadd.scan.msk.f32 $0xffff, v10  }
0x7e: {  	(xrf2) =	vadd.scan.msk.f32 $0xffff, v8;
	_ =	sdelay $0x3  }
0x7f: {  	s29 =	sadd.s32 $0x8, s20  }
0x80: {  	v8 =	vmov s29  }
0x81: {  	v59 =	vor.u32 $0x1, v8;
	_ =	sdelay $0x2  }
0x82: {  	v10, _, _ =	vpop (xrf2)  }
0x83: {  	v60, _, _ =	vpop (xrf2);
	[tilespmem:v8+s16+$0x0] =	vst.idx.msk vm0, v10  }
0x84: {  	[tilespmem:v59+s16+$0x0] =	vst.idx.msk vm0, v60  }
0x85: {  	v8 =	vld [tilespmem:s19+$0xFFFFFF40]  }
0x86: {  	v9 =	vld [tilespmem:s19+$0xFFFFFF50];
	_ =	sdelay $0x1  }
0x87: {  	v10 =	vld [tilespmem:s19+$0xFFFFFF60];
	_ =	sdelay $0x1  }
0x88: {  	v11 =	vld [tilespmem:s19+$0xFFFFFF70]  }
0x89: {  	v61 =	vmul.f32 v8, v0;
	v62 =	vmul.f32 v9, v1  }
0x8a: {  	v8 =	vmul.f32 v8, v4;
	v9 =	vmul.f32 v9, v5  }
0x8b: {  	v63 =	vmul.f32 v10, v2;
	v12 =	vadd.f32 v62, v61  }
0x8c: {  	v16 =	vmul.f32 v10, v6;
	v8 =	vadd.f32 v9, v8  }
0x8d: {  	v18 =	vmul.f32 v11, v3;
	v17 =	vadd.f32 v63, v12  }
0x8e: {  	v19 =	vmul.f32 v11, v7;
	v8 =	vadd.f32 v16, v8  }
0x8f: {  	v10 =	vadd.f32 v18, v17  }
0x90: {  	v8 =	vadd.f32 v19, v8  }
0x91: {  	(xrf2) =	vadd.scan.msk.f32 $0xffff, v10  }
0x92: {  	(xrf2) =	vadd.scan.msk.f32 $0xffff, v8;
	_ =	sdelay $0x3  }
0x93: {  	s30 =	sadd.s32 $0xA, s20  }
0x94: {  	v8 =	vmov s30  }
0x95: {  	v20 =	vor.u32 $0x3, v8;
	_ =	sdelay $0x2  }
0x96: {  	v10, _, _ =	vpop (xrf2)  }
0x97: {  	v21, _, _ =	vpop (xrf2);
	[tilespmem:v8+s16+$0x0] =	vst.idx.msk vm0, v10  }
0x98: {  	[tilespmem:v20+s16+$0x0] =	vst.idx.msk vm0, v21  }
0x99: {  	v8 =	vld [tilespmem:s19+$0xFFFFFF80]  }
0x9a: {  	v9 =	vld [tilespmem:s19+$0xFFFFFF90];
	_ =	sdelay $0x1  }
0x9b: {  	v10 =	vld [tilespmem:s19+$0xFFFFFFA0];
	_ =	sdelay $0x1  }
0x9c: {  	v11 =	vld [tilespmem:s19+$0xFFFFFFB0]  }
0x9d: {  	v22 =	vmul.f32 v8, v0;
	v23 =	vmul.f32 v9, v1  }
0x9e: {  	v8 =	vmul.f32 v8, v4;
	v9 =	vmul.f32 v9, v5  }
0x9f: {  	v24 =	vmul.f32 v10, v2;
	v12 =	vadd.f32 v23, v22  }
0xa0: {  	v25 =	vmul.f32 v10, v6;
	v8 =	vadd.f32 v9, v8  }
0xa1: {  	v27 =	vmul.f32 v11, v3;
	v26 =	vadd.f32 v24, v12  }
0xa2: {  	v28 =	vmul.f32 v11, v7;
	v8 =	vadd.f32 v25, v8  }
0xa3: {  	v10 =	vadd.f32 v27, v26  }
0xa4: {  	v8 =	vadd.f32 v28, v8  }
0xa5: {  	(xrf2) =	vadd.scan.msk.f32 $0xffff, v10  }
0xa6: {  	(xrf2) =	vadd.scan.msk.f32 $0xffff, v8;
	_ =	sdelay $0x3  }
0xa7: {  	s31 =	sadd.s32 $0xC, s20  }
0xa8: {  	v8 =	vmov s31  }
0xa9: {  	v29 =	vor.u32 $0x5, v8;
	_ =	sdelay $0x2  }
0xaa: {  	v10, _, _ =	vpop (xrf2)  }
0xab: {  	v30, _, _ =	vpop (xrf2);
	[tilespmem:v8+s16+$0x0] =	vst.idx.msk vm0, v10  }
0xac: {  	[tilespmem:v29+s16+$0x0] =	vst.idx.msk vm0, v30  }
0xad: {  	v8 =	vld [tilespmem:s19+$0xFFFFFFC0]  }
0xae: {  	v9 =	vld [tilespmem:s19+$0xFFFFFFD0];
	_ =	sdelay $0x1  }
0xaf: {  	v10 =	vld [tilespmem:s19+$0xFFFFFFE0];
	_ =	sdelay $0x1  }
0xb0: {  	v11 =	vld [tilespmem:s19+$0xFFFFFFF0]  }
0xb1: {  	v31 =	vmul.f32 v8, v0;
	v32 =	vmul.f32 v9, v1  }
0xb2: {  	v8 =	vmul.f32 v8, v4;
	v9 =	vmul.f32 v9, v5  }
0xb3: {  	v33 =	vmul.f32 v10, v2;
	v12 =	vadd.f32 v32, v31  }
0xb4: {  	v34 =	vmul.f32 v10, v6;
	v8 =	vadd.f32 v9, v8  }
0xb5: {  	v36 =	vmul.f32 v11, v3;
	v35 =	vadd.f32 v33, v12  }
0xb6: {  	v37 =	vmul.f32 v11, v7;
	v8 =	vadd.f32 v34, v8  }
0xb7: {  	v10 =	vadd.f32 v36, v35  }
0xb8: {  	v8 =	vadd.f32 v37, v8  }
0xb9: {  	(xrf2) =	vadd.scan.msk.f32 $0xffff, v10  }
0xba: {  	(xrf2) =	vadd.scan.msk.f32 $0xffff, v8;
	_ =	sdelay $0x3  }
0xbb: {  	s22 =	sadd.s32 $0xE, s20  }
0xbc: {  	v8 =	vmov s22  }
0xbd: {  	v38 =	vor.u32 $0x7, v8;
	_ =	sdelay $0x2  }
0xbe: {  	v10, _, _ =	vpop (xrf2)  }
0xbf: {  	v39, _, _ =	vpop (xrf2);
	[tilespmem:v8+s16+$0x0] =	vst.idx.msk vm0, v10  }
0xc0: {  	[tilespmem:v38+s16+$0x0] =	vst.idx.msk vm0, v39  }
0xc1: {  	v8 =	vld [tilespmem:s19+$0x0]  }
0xc2: {  	v9 =	vld [tilespmem:s19+$0x10];
	_ =	sdelay $0x1  }
0xc3: {  	v10 =	vld [tilespmem:s19+$0x20];
	_ =	sdelay $0x1  }
0xc4: {  	v11 =	vld [tilespmem:s19+$0x30]  }
0xc5: {  	v40 =	vmul.f32 v8, v0;
	v41 =	vmul.f32 v9, v1  }
0xc6: {  	v8 =	vmul.f32 v8, v4;
	v9 =	vmul.f32 v9, v5  }
0xc7: {  	v42 =	vmul.f32 v10, v2;
	v12 =	vadd.f32 v41, v40  }
0xc8: {  	v43 =	vmul.f32 v10, v6;
	v8 =	vadd.f32 v9, v8  }
0xc9: {  	v45 =	vmul.f32 v11, v3;
	v44 =	vadd.f32 v42, v12  }
0xca: {  	v46 =	vmul.f32 v11, v7;
	v8 =	vadd.f32 v43, v8  }
0xcb: {  	v10 =	vadd.f32 v45, v44  }
0xcc: {  	v8 =	vadd.f32 v46, v8  }
0xcd: {  	(xrf2) =	vadd.scan.msk.f32 $0xffff, v10  }
0xce: {  	(xrf2) =	vadd.scan.msk.f32 $0xffff, v8;
	_ =	sdelay $0x3  }
0xcf: {  	s23 =	sadd.s32 $0x10, s20  }
0xd0: {  	v8 =	vmov s23  }
0xd1: {  	v47 =	vor.u32 $0x1, v8;
	_ =	sdelay $0x2  }
0xd2: {  	v10, _, _ =	vpop (xrf2)  }
0xd3: {  	v48, _, _ =	vpop (xrf2);
	[tilespmem:v8+s16+$0x0] =	vst.idx.msk vm0, v10  }
0xd4: {  	[tilespmem:v47+s16+$0x0] =	vst.idx.msk vm0, v48  }
0xd5: {  	v8 =	vld [tilespmem:s19+$0x40]  }
0xd6: {  	v9 =	vld [tilespmem:s19+$0x50];
	_ =	sdelay $0x1  }
0xd7: {  	v10 =	vld [tilespmem:s19+$0x60];
	_ =	sdelay $0x1  }
0xd8: {  	v11 =	vld [tilespmem:s19+$0x70]  }
0xd9: {  	v49 =	vmul.f32 v8, v0;
	v50 =	vmul.f32 v9, v1  }
0xda: {  	v8 =	vmul.f32 v8, v4;
	v9 =	vmul.f32 v9, v5  }
0xdb: {  	v51 =	vmul.f32 v10, v2;
	v12 =	vadd.f32 v50, v49  }
0xdc: {  	v52 =	vmul.f32 v10, v6;
	v8 =	vadd.f32 v9, v8  }
0xdd: {  	v54 =	vmul.f32 v11, v3;
	v53 =	vadd.f32 v51, v12  }
0xde: {  	v55 =	vmul.f32 v11, v7;
	v8 =	vadd.f32 v52, v8  }
0xdf: {  	v10 =	vadd.f32 v54, v53  }
0xe0: {  	v8 =	vadd.f32 v55, v8  }
0xe1: {  	(xrf2) =	vadd.scan.msk.f32 $0xffff, v10  }
0xe2: {  	(xrf2) =	vadd.scan.msk.f32 $0xffff, v8;
	_ =	sdelay $0x3  }
0xe3: {  	s24 =	sadd.s32 $0x12, s20  }
0xe4: {  	v8 =	vmov s24  }
0xe5: {  	v56 =	vor.u32 $0x3, v8;
	_ =	sdelay $0x2  }
0xe6: {  	v10, _, _ =	vpop (xrf2)  }
0xe7: {  	v57, _, _ =	vpop (xrf2);
	[tilespmem:v8+s16+$0x0] =	vst.idx.msk vm0, v10  }
0xe8: {  	[tilespmem:v56+s16+$0x0] =	vst.idx.msk vm0, v57  }
0xe9: {  	v8 =	vld [tilespmem:s19+$0x80]  }
0xea: {  	v9 =	vld [tilespmem:s19+$0x90];
	_ =	sdelay $0x1  }
0xeb: {  	v10 =	vld [tilespmem:s19+$0xA0];
	_ =	sdelay $0x1  }
0xec: {  	v11 =	vld [tilespmem:s19+$0xB0]  }
0xed: {  	v58 =	vmul.f32 v8, v0;
	v59 =	vmul.f32 v9, v1  }
0xee: {  	v8 =	vmul.f32 v8, v4;
	v9 =	vmul.f32 v9, v5  }
0xef: {  	v60 =	vmul.f32 v10, v2;
	v12 =	vadd.f32 v59, v58  }
0xf0: {  	v61 =	vmul.f32 v10, v6;
	v8 =	vadd.f32 v9, v8  }
0xf1: {  	v63 =	vmul.f32 v11, v3;
	v62 =	vadd.f32 v60, v12  }
0xf2: {  	v16 =	vmul.f32 v11, v7;
	v8 =	vadd.f32 v61, v8  }
0xf3: {  	v10 =	vadd.f32 v63, v62  }
0xf4: {  	v8 =	vadd.f32 v16, v8  }
0xf5: {  	(xrf2) =	vadd.scan.msk.f32 $0xffff, v10  }
0xf6: {  	(xrf2) =	vadd.scan.msk.f32 $0xffff, v8;
	_ =	sdelay $0x3  }
0xf7: {  	s25 =	sadd.s32 $0x14, s20  }
0xf8: {  	v8 =	vmov s25  }
0xf9: {  	v17 =	vor.u32 $0x5, v8;
	_ =	sdelay $0x2  }
0xfa: {  	v10, _, _ =	vpop (xrf2)  }
0xfb: {  	v18, _, _ =	vpop (xrf2);
	[tilespmem:v8+s16+$0x0] =	vst.idx.msk vm0, v10  }
0xfc: {  	[tilespmem:v17+s16+$0x0] =	vst.idx.msk vm0, v18  }
0xfd: {  	v8 =	vld [tilespmem:s19+$0xC0]  }
0xfe: {  	v9 =	vld [tilespmem:s19+$0xD0];
	_ =	sdelay $0x1  }
0xff: {  	v10 =	vld [tilespmem:s19+$0xE0];
	_ =	sdelay $0x1  }
0x100: {  	v11 =	vld [tilespmem:s19+$0xF0]  }
0x101: {  	v19 =	vmul.f32 v8, v0;
	v20 =	vmul.f32 v9, v1  }
0x102: {  	v8 =	vmul.f32 v8, v4;
	v9 =	vmul.f32 v9, v5  }
0x103: {  	v21 =	vmul.f32 v10, v2;
	v12 =	vadd.f32 v20, v19  }
0x104: {  	v22 =	vmul.f32 v10, v6;
	v8 =	vadd.f32 v9, v8  }
0x105: {  	v24 =	vmul.f32 v11, v3;
	v23 =	vadd.f32 v21, v12  }
0x106: {  	v25 =	vmul.f32 v11, v7;
	v8 =	vadd.f32 v22, v8  }
0x107: {  	v10 =	vadd.f32 v24, v23  }
0x108: {  	v8 =	vadd.f32 v25, v8  }
0x109: {  	(xrf2) =	vadd.scan.msk.f32 $0xffff, v10  }
0x10a: {  	(xrf2) =	vadd.scan.msk.f32 $0xffff, v8;
	_ =	sdelay $0x3  }
0x10b: {  	s26 =	sadd.s32 $0x16, s20  }
0x10c: {  	v8 =	vmov s26  }
0x10d: {  	v26 =	vor.u32 $0x7, v8;
	_ =	sdelay $0x2  }
0x10e: {  	v10, _, _ =	vpop (xrf2)  }
0x10f: {  	v27, _, _ =	vpop (xrf2);
	[tilespmem:v8+s16+$0x0] =	vst.idx.msk vm0, v10  }
0x110: {  	[tilespmem:v26+s16+$0x0] =	vst.idx.msk vm0, v27  }
0x111: {  	v8 =	vld [tilespmem:s19+$0x100]  }
0x112: {  	v9 =	vld [tilespmem:s19+$0x110];
	_ =	sdelay $0x1  }
0x113: {  	v10 =	vld [tilespmem:s19+$0x120];
	_ =	sdelay $0x1  }
0x114: {  	v11 =	vld [tilespmem:s19+$0x130]  }
0x115: {  	v28 =	vmul.f32 v8, v0;
	v29 =	vmul.f32 v9, v1  }
0x116: {  	v8 =	vmul.f32 v8, v4;
	v9 =	vmul.f32 v9, v5  }
0x117: {  	v30 =	vmul.f32 v10, v2;
	v12 =	vadd.f32 v29, v28  }
0x118: {  	v31 =	vmul.f32 v10, v6;
	v8 =	vadd.f32 v9, v8  }
0x119: {  	v33 =	vmul.f32 v11, v3;
	v32 =	vadd.f32 v30, v12  }
0x11a: {  	v34 =	vmul.f32 v11, v7;
	v8 =	vadd.f32 v31, v8  }
0x11b: {  	v10 =	vadd.f32 v33, v32  }
0x11c: {  	v8 =	vadd.f32 v34, v8  }
0x11d: {  	(xrf2) =	vadd.scan.msk.f32 $0xffff, v10  }
0x11e: {  	(xrf2) =	vadd.scan.msk.f32 $0xffff, v8;
	_ =	sdelay $0x3  }
0x11f: {  	s28 =	sadd.s32 $0x18, s20  }
0x120: {  	v8 =	vmov s28  }
0x121: {  	v35 =	vor.u32 $0x1, v8;
	_ =	sdelay $0x2  }
0x122: {  	v10, _, _ =	vpop (xrf2)  }
0x123: {  	v36, _, _ =	vpop (xrf2);
	[tilespmem:v8+s16+$0x0] =	vst.idx.msk vm0, v10  }
0x124: {  	[tilespmem:v35+s16+$0x0] =	vst.idx.msk vm0, v36  }
0x125: {  	v8 =	vld [tilespmem:s19+$0x140]  }
0x126: {  	v9 =	vld [tilespmem:s19+$0x150];
	_ =	sdelay $0x1  }
0x127: {  	v10 =	vld [tilespmem:s19+$0x160];
	_ =	sdelay $0x1  }
0x128: {  	v11 =	vld [tilespmem:s19+$0x170]  }
0x129: {  	v37 =	vmul.f32 v8, v0;
	v38 =	vmul.f32 v9, v1  }
0x12a: {  	v8 =	vmul.f32 v8, v4;
	v9 =	vmul.f32 v9, v5  }
0x12b: {  	v39 =	vmul.f32 v10, v2;
	v12 =	vadd.f32 v38, v37  }
0x12c: {  	v40 =	vmul.f32 v10, v6;
	v8 =	vadd.f32 v9, v8  }
0x12d: {  	v42 =	vmul.f32 v11, v3;
	v41 =	vadd.f32 v39, v12  }
0x12e: {  	v43 =	vmul.f32 v11, v7;
	v8 =	vadd.f32 v40, v8  }
0x12f: {  	v10 =	vadd.f32 v42, v41  }
0x130: {  	v8 =	vadd.f32 v43, v8  }
0x131: {  	(xrf2) =	vadd.scan.msk.f32 $0xffff, v10  }
0x132: {  	(xrf2) =	vadd.scan.msk.f32 $0xffff, v8;
	_ =	sdelay $0x3  }
0x133: {  	s29 =	sadd.s32 $0x1A, s20  }
0x134: {  	v8 =	vmov s29  }
0x135: {  	v44 =	vor.u32 $0x3, v8;
	_ =	sdelay $0x2  }
0x136: {  	v10, _, _ =	vpop (xrf2)  }
0x137: {  	v45, _, _ =	vpop (xrf2);
	[tilespmem:v8+s16+$0x0] =	vst.idx.msk vm0, v10  }
0x138: {  	[tilespmem:v44+s16+$0x0] =	vst.idx.msk vm0, v45  }
0x139: {  	v8 =	vld [tilespmem:s19+$0x180]  }
0x13a: {  	v9 =	vld [tilespmem:s19+$0x190];
	_ =	sdelay $0x1  }
0x13b: {  	v10 =	vld [tilespmem:s19+$0x1A0];
	_ =	sdelay $0x1  }
0x13c: {  	v11 =	vld [tilespmem:s19+$0x1B0]  }
0x13d: {  	v46 =	vmul.f32 v8, v0;
	v47 =	vmul.f32 v9, v1  }
0x13e: {  	v8 =	vmul.f32 v8, v4;
	v9 =	vmul.f32 v9, v5  }
0x13f: {  	v48 =	vmul.f32 v10, v2;
	v12 =	vadd.f32 v47, v46  }
0x140: {  	v49 =	vmul.f32 v10, v6;
	v8 =	vadd.f32 v9, v8  }
0x141: {  	v51 =	vmul.f32 v11, v3;
	v50 =	vadd.f32 v48, v12  }
0x142: {  	v52 =	vmul.f32 v11, v7;
	v8 =	vadd.f32 v49, v8  }
0x143: {  	v10 =	vadd.f32 v51, v50  }
0x144: {  	v8 =	vadd.f32 v52, v8  }
0x145: {  	(xrf2) =	vadd.scan.msk.f32 $0xffff, v10  }
0x146: {  	(xrf2) =	vadd.scan.msk.f32 $0xffff, v8;
	_ =	sdelay $0x3  }
0x147: {  	s30 =	sadd.s32 $0x1C, s20  }
0x148: {  	v8 =	vmov s30  }
0x149: {  	v53 =	vor.u32 $0x5, v8;
	_ =	sdelay $0x2  }
0x14a: {  	v10, _, _ =	vpop (xrf2)  }
0x14b: {  	v54, _, _ =	vpop (xrf2);
	[tilespmem:v8+s16+$0x0] =	vst.idx.msk vm0, v10  }
0x14c: {  	[tilespmem:v53+s16+$0x0] =	vst.idx.msk vm0, v54  }
0x14d: {  	v8 =	vld [tilespmem:s19+$0x1C0]  }
0x14e: {  	v9 =	vld [tilespmem:s19+$0x1D0];
	_ =	sdelay $0x1  }
0x14f: {  	v10 =	vld [tilespmem:s19+$0x1E0];
	_ =	sdelay $0x1  }
0x150: {  	v11 =	vld [tilespmem:s19+$0x1F0]  }
0x151: {  	v55 =	vmul.f32 v8, v0;
	v56 =	vmul.f32 v9, v1  }
0x152: {  	v8 =	vmul.f32 v8, v4;
	v9 =	vmul.f32 v9, v5  }
0x153: {  	v57 =	vmul.f32 v10, v2;
	v12 =	vadd.f32 v56, v55  }
0x154: {  	v58 =	vmul.f32 v10, v6;
	v8 =	vadd.f32 v9, v8  }
0x155: {  	v60 =	vmul.f32 v11, v3;
	v59 =	vadd.f32 v57, v12  }
0x156: {  	v61 =	vmul.f32 v11, v7;
	v8 =	vadd.f32 v58, v8  }
0x157: {  	v10 =	vadd.f32 v60, v59  }
0x158: {  	v8 =	vadd.f32 v61, v8  }
0x159: {  	(xrf2) =	vadd.scan.msk.f32 $0xffff, v10  }
0x15a: {  	(xrf2) =	vadd.scan.msk.f32 $0xffff, v8;
	_ =	sdelay $0x3  }
0x15b: {  	s31 =	sadd.s32 $0x1E, s20  }
0x15c: {  	v8 =	vmov s31  }
0x15d: {  	p0 =	sne.s32 s20, $0xE0;
	v62 =	vor.u32 $0x7, v8  }
.Ltmp0:
0x15e: {  	_ = 	snop;
	(pc) =	sbr.rel @p0 .LBB2_2-.Ltmp0, $4  }
0x15f: {  	_ = 	snop  }
0x160: {  	v10, _, _ =	vpop (xrf2)  }
0x161: {  	v63, _, _ =	vpop (xrf2);
	[tilespmem:v8+s16+$0x0] =	vst.idx.msk vm0, v10  }
0x162: {  	s20 =	sadd.s32 $0x20, s20;
	s19 =	sadd.s32 $0x400, s19;
	[tilespmem:v62+s16+$0x0] =	vst.idx.msk vm0, v63  }
0x163: {  	[tilespmem:s2], [sflag:$0x1] =	stream.linear.gather [hbm4b:s7+s2], $0x2000, $0x38;
	[tilespmem:$0x4480] =	vst v63  }
0x164: {  	_ =	swait.ge [sflag:s17], $0x2000  }
0x165: {  	[sflag:s17] =	ssyncset.done $0x0  }
0x166: {  	s19 =	simm.s32 $0x100;
	s20 =	simm.s32 $0x23F0;
	[sflag:s17] =	ssyncadd.s32 $0xFFFFE000  }
.LBB2_4:
0x167: {  	v8 =	vld [tilespmem:s20+$0xFFFFFC10]  }
0x168: {  	v9 =	vld [tilespmem:s20+$0xFFFFFC20];
	_ =	sdelay $0x1  }
0x169: {  	v10 =	vld [tilespmem:s20+$0xFFFFFC30];
	_ =	sdelay $0x1  }
0x16a: {  	v11 =	vld [tilespmem:s20+$0xFFFFFC40]  }
0x16b: {  	v12 =	vmul.f32 v8, v0;
	v13 =	vmul.f32 v9, v1  }
0x16c: {  	v8 =	vmul.f32 v8, v4;
	v9 =	vmul.f32 v9, v5  }
0x16d: {  	v18 =	vmul.f32 v10, v2;
	v12 =	vadd.f32 v13, v12  }
0x16e: {  	v19 =	vmul.f32 v10, v6;
	v8 =	vadd.f32 v9, v8  }
0x16f: {  	v21 =	vmul.f32 v11, v3;
	v20 =	vadd.f32 v18, v12  }
0x170: {  	v22 =	vmul.f32 v11, v7;
	v8 =	vadd.f32 v19, v8  }
0x171: {  	v10 =	vadd.f32 v21, v20  }
0x172: {  	v8 =	vadd.f32 v22, v8  }
0x173: {  	(xrf2) =	vadd.scan.msk.f32 $0xffff, v10  }
0x174: {  	(xrf2) =	vadd.scan.msk.f32 $0xffff, v8;
	_ =	sdelay $0x4  }
0x175: {  	v8 =	vmov s19  }
0x176: {  	v23 =	vor.u32 $0x1, v8;
	_ =	sdelay $0x2  }
0x177: {  	v10, _, _ =	vpop (xrf2)  }
0x178: {  	v24, _, _ =	vpop (xrf2);
	[tilespmem:v8+s16+$0x0] =	vst.idx.msk vm0, v10  }
0x179: {  	[tilespmem:v23+s16+$0x0] =	vst.idx.msk vm0, v24  }
0x17a: {  	v8 =	vld [tilespmem:s20+$0xFFFFFC50]  }
0x17b: {  	v9 =	vld [tilespmem:s20+$0xFFFFFC60];
	_ =	sdelay $0x1  }
0x17c: {  	v10 =	vld [tilespmem:s20+$0xFFFFFC70];
	_ =	sdelay $0x1  }
0x17d: {  	v11 =	vld [tilespmem:s20+$0xFFFFFC80]  }
0x17e: {  	v25 =	vmul.f32 v8, v0;
	v26 =	vmul.f32 v9, v1  }
0x17f: {  	v8 =	vmul.f32 v8, v4;
	v9 =	vmul.f32 v9, v5  }
0x180: {  	v27 =	vmul.f32 v10, v2;
	v12 =	vadd.f32 v26, v25  }
0x181: {  	v28 =	vmul.f32 v10, v6;
	v8 =	vadd.f32 v9, v8  }
0x182: {  	v30 =	vmul.f32 v11, v3;
	v29 =	vadd.f32 v27, v12  }
0x183: {  	v31 =	vmul.f32 v11, v7;
	v8 =	vadd.f32 v28, v8  }
0x184: {  	v10 =	vadd.f32 v30, v29  }
0x185: {  	v8 =	vadd.f32 v31, v8  }
0x186: {  	(xrf2) =	vadd.scan.msk.f32 $0xffff, v10  }
0x187: {  	(xrf2) =	vadd.scan.msk.f32 $0xffff, v8;
	_ =	sdelay $0x3  }
0x188: {  	s21 =	sadd.s32 $0x2, s19  }
0x189: {  	v8 =	vmov s21  }
0x18a: {  	v32 =	vor.u32 $0x3, v8;
	_ =	sdelay $0x2  }
0x18b: {  	v10, _, _ =	vpop (xrf2)  }
0x18c: {  	v33, _, _ =	vpop (xrf2);
	[tilespmem:v8+s16+$0x0] =	vst.idx.msk vm0, v10  }
0x18d: {  	[tilespmem:v32+s16+$0x0] =	vst.idx.msk vm0, v33  }
0x18e: {  	v8 =	vld [tilespmem:s20+$0xFFFFFC90]  }
0x18f: {  	v9 =	vld [tilespmem:s20+$0xFFFFFCA0];
	_ =	sdelay $0x1  }
0x190: {  	v10 =	vld [tilespmem:s20+$0xFFFFFCB0];
	_ =	sdelay $0x1  }
0x191: {  	v11 =	vld [tilespmem:s20+$0xFFFFFCC0]  }
0x192: {  	v34 =	vmul.f32 v8, v0;
	v35 =	vmul.f32 v9, v1  }
0x193: {  	v8 =	vmul.f32 v8, v4;
	v9 =	vmul.f32 v9, v5  }
0x194: {  	v36 =	vmul.f32 v10, v2;
	v12 =	vadd.f32 v35, v34  }
0x195: {  	v37 =	vmul.f32 v10, v6;
	v8 =	vadd.f32 v9, v8  }
0x196: {  	v39 =	vmul.f32 v11, v3;
	v38 =	vadd.f32 v36, v12  }
0x197: {  	v40 =	vmul.f32 v11, v7;
	v8 =	vadd.f32 v37, v8  }
0x198: {  	v10 =	vadd.f32 v39, v38  }
0x199: {  	v8 =	vadd.f32 v40, v8  }
0x19a: {  	(xrf2) =	vadd.scan.msk.f32 $0xffff, v10  }
0x19b: {  	(xrf2) =	vadd.scan.msk.f32 $0xffff, v8;
	_ =	sdelay $0x3  }
0x19c: {  	s26 =	sadd.s32 $0x4, s19  }
0x19d: {  	v8 =	vmov s26  }
0x19e: {  	v41 =	vor.u32 $0x5, v8;
	_ =	sdelay $0x2  }
0x19f: {  	v10, _, _ =	vpop (xrf2)  }
0x1a0: {  	v42, _, _ =	vpop (xrf2);
	[tilespmem:v8+s16+$0x0] =	vst.idx.msk vm0, v10  }
0x1a1: {  	[tilespmem:v41+s16+$0x0] =	vst.idx.msk vm0, v42  }
0x1a2: {  	v8 =	vld [tilespmem:s20+$0xFFFFFCD0]  }
0x1a3: {  	v9 =	vld [tilespmem:s20+$0xFFFFFCE0];
	_ =	sdelay $0x1  }
0x1a4: {  	v10 =	vld [tilespmem:s20+$0xFFFFFCF0];
	_ =	sdelay $0x1  }
0x1a5: {  	v11 =	vld [tilespmem:s20+$0xFFFFFD00]  }
0x1a6: {  	v43 =	vmul.f32 v8, v0;
	v44 =	vmul.f32 v9, v1  }
0x1a7: {  	v8 =	vmul.f32 v8, v4;
	v9 =	vmul.f32 v9, v5  }
0x1a8: {  	v45 =	vmul.f32 v10, v2;
	v12 =	vadd.f32 v44, v43  }
0x1a9: {  	v46 =	vmul.f32 v10, v6;
	v8 =	vadd.f32 v9, v8  }
0x1aa: {  	v48 =	vmul.f32 v11, v3;
	v47 =	vadd.f32 v45, v12  }
0x1ab: {  	v49 =	vmul.f32 v11, v7;
	v8 =	vadd.f32 v46, v8  }
0x1ac: {  	v10 =	vadd.f32 v48, v47  }
0x1ad: {  	v8 =	vadd.f32 v49, v8  }
0x1ae: {  	(xrf2) =	vadd.scan.msk.f32 $0xffff, v10  }
0x1af: {  	(xrf2) =	vadd.scan.msk.f32 $0xffff, v8;
	_ =	sdelay $0x3  }
0x1b0: {  	s28 =	sadd.s32 $0x6, s19  }
0x1b1: {  	v8 =	vmov s28  }
0x1b2: {  	v50 =	vor.u32 $0x7, v8;
	_ =	sdelay $0x2  }
0x1b3: {  	v10, _, _ =	vpop (xrf2)  }
0x1b4: {  	v51, _, _ =	vpop (xrf2);
	[tilespmem:v8+s16+$0x0] =	vst.idx.msk vm0, v10  }
0x1b5: {  	[tilespmem:v50+s16+$0x0] =	vst.idx.msk vm0, v51  }
0x1b6: {  	v8 =	vld [tilespmem:s20+$0xFFFFFD10]  }
0x1b7: {  	v9 =	vld [tilespmem:s20+$0xFFFFFD20];
	_ =	sdelay $0x1  }
0x1b8: {  	v10 =	vld [tilespmem:s20+$0xFFFFFD30];
	_ =	sdelay $0x1  }
0x1b9: {  	v11 =	vld [tilespmem:s20+$0xFFFFFD40]  }
0x1ba: {  	v52 =	vmul.f32 v8, v0;
	v53 =	vmul.f32 v9, v1  }
0x1bb: {  	v8 =	vmul.f32 v8, v4;
	v9 =	vmul.f32 v9, v5  }
0x1bc: {  	v54 =	vmul.f32 v10, v2;
	v12 =	vadd.f32 v53, v52  }
0x1bd: {  	v55 =	vmul.f32 v10, v6;
	v8 =	vadd.f32 v9, v8  }
0x1be: {  	v57 =	vmul.f32 v11, v3;
	v56 =	vadd.f32 v54, v12  }
0x1bf: {  	v58 =	vmul.f32 v11, v7;
	v8 =	vadd.f32 v55, v8  }
0x1c0: {  	v10 =	vadd.f32 v57, v56  }
0x1c1: {  	v8 =	vadd.f32 v58, v8  }
0x1c2: {  	(xrf2) =	vadd.scan.msk.f32 $0xffff, v10  }
0x1c3: {  	(xrf2) =	vadd.scan.msk.f32 $0xffff, v8;
	_ =	sdelay $0x3  }
0x1c4: {  	s29 =	sadd.s32 $0x8, s19  }
0x1c5: {  	v8 =	vmov s29  }
0x1c6: {  	v59 =	vor.u32 $0x1, v8;
	_ =	sdelay $0x2  }
0x1c7: {  	v10, _, _ =	vpop (xrf2)  }
0x1c8: {  	v60, _, _ =	vpop (xrf2);
	[tilespmem:v8+s16+$0x0] =	vst.idx.msk vm0, v10  }
0x1c9: {  	[tilespmem:v59+s16+$0x0] =	vst.idx.msk vm0, v60  }
0x1ca: {  	v8 =	vld [tilespmem:s20+$0xFFFFFD50]  }
0x1cb: {  	v9 =	vld [tilespmem:s20+$0xFFFFFD60];
	_ =	sdelay $0x1  }
0x1cc: {  	v10 =	vld [tilespmem:s20+$0xFFFFFD70];
	_ =	sdelay $0x1  }
0x1cd: {  	v11 =	vld [tilespmem:s20+$0xFFFFFD80]  }
0x1ce: {  	v61 =	vmul.f32 v8, v0;
	v62 =	vmul.f32 v9, v1  }
0x1cf: {  	v8 =	vmul.f32 v8, v4;
	v9 =	vmul.f32 v9, v5  }
0x1d0: {  	v63 =	vmul.f32 v10, v2;
	v12 =	vadd.f32 v62, v61  }
0x1d1: {  	v16 =	vmul.f32 v10, v6;
	v8 =	vadd.f32 v9, v8  }
0x1d2: {  	v18 =	vmul.f32 v11, v3;
	v17 =	vadd.f32 v63, v12  }
0x1d3: {  	v19 =	vmul.f32 v11, v7;
	v8 =	vadd.f32 v16, v8  }
0x1d4: {  	v10 =	vadd.f32 v18, v17  }
0x1d5: {  	v8 =	vadd.f32 v19, v8  }
0x1d6: {  	(xrf2) =	vadd.scan.msk.f32 $0xffff, v10  }
0x1d7: {  	(xrf2) =	vadd.scan.msk.f32 $0xffff, v8;
	_ =	sdelay $0x3  }
0x1d8: {  	s30 =	sadd.s32 $0xA, s19  }
0x1d9: {  	v8 =	vmov s30  }
0x1da: {  	v20 =	vor.u32 $0x3, v8;
	_ =	sdelay $0x2  }
0x1db: {  	v10, _, _ =	vpop (xrf2)  }
0x1dc: {  	v21, _, _ =	vpop (xrf2);
	[tilespmem:v8+s16+$0x0] =	vst.idx.msk vm0, v10  }
0x1dd: {  	[tilespmem:v20+s16+$0x0] =	vst.idx.msk vm0, v21  }
0x1de: {  	v8 =	vld [tilespmem:s20+$0xFFFFFD90]  }
0x1df: {  	v9 =	vld [tilespmem:s20+$0xFFFFFDA0];
	_ =	sdelay $0x1  }
0x1e0: {  	v10 =	vld [tilespmem:s20+$0xFFFFFDB0];
	_ =	sdelay $0x1  }
0x1e1: {  	v11 =	vld [tilespmem:s20+$0xFFFFFDC0]  }
0x1e2: {  	v22 =	vmul.f32 v8, v0;
	v23 =	vmul.f32 v9, v1  }
0x1e3: {  	v8 =	vmul.f32 v8, v4;
	v9 =	vmul.f32 v9, v5  }
0x1e4: {  	v24 =	vmul.f32 v10, v2;
	v12 =	vadd.f32 v23, v22  }
0x1e5: {  	v25 =	vmul.f32 v10, v6;
	v8 =	vadd.f32 v9, v8  }
0x1e6: {  	v27 =	vmul.f32 v11, v3;
	v26 =	vadd.f32 v24, v12  }
0x1e7: {  	v28 =	vmul.f32 v11, v7;
	v8 =	vadd.f32 v25, v8  }
0x1e8: {  	v10 =	vadd.f32 v27, v26  }
0x1e9: {  	v8 =	vadd.f32 v28, v8  }
0x1ea: {  	(xrf2) =	vadd.scan.msk.f32 $0xffff, v10  }
0x1eb: {  	(xrf2) =	vadd.scan.msk.f32 $0xffff, v8;
	_ =	sdelay $0x3  }
0x1ec: {  	s31 =	sadd.s32 $0xC, s19  }
0x1ed: {  	v8 =	vmov s31  }
0x1ee: {  	v29 =	vor.u32 $0x5, v8;
	_ =	sdelay $0x2  }
0x1ef: {  	v10, _, _ =	vpop (xrf2)  }
0x1f0: {  	v30, _, _ =	vpop (xrf2);
	[tilespmem:v8+s16+$0x0] =	vst.idx.msk vm0, v10  }
0x1f1: {  	[tilespmem:v29+s16+$0x0] =	vst.idx.msk vm0, v30  }
0x1f2: {  	v8 =	vld [tilespmem:s20+$0xFFFFFDD0]  }
0x1f3: {  	v9 =	vld [tilespmem:s20+$0xFFFFFDE0];
	_ =	sdelay $0x1  }
0x1f4: {  	v10 =	vld [tilespmem:s20+$0xFFFFFDF0];
	_ =	sdelay $0x1  }
0x1f5: {  	v11 =	vld [tilespmem:s20+$0xFFFFFE00]  }
0x1f6: {  	v31 =	vmul.f32 v8, v0;
	v32 =	vmul.f32 v9, v1  }
0x1f7: {  	v8 =	vmul.f32 v8, v4;
	v9 =	vmul.f32 v9, v5  }
0x1f8: {  	v33 =	vmul.f32 v10, v2;
	v12 =	vadd.f32 v32, v31  }
0x1f9: {  	v34 =	vmul.f32 v10, v6;
	v8 =	vadd.f32 v9, v8  }
0x1fa: {  	v36 =	vmul.f32 v11, v3;
	v35 =	vadd.f32 v33, v12  }
0x1fb: {  	v37 =	vmul.f32 v11, v7;
	v8 =	vadd.f32 v34, v8  }
0x1fc: {  	v10 =	vadd.f32 v36, v35  }
0x1fd: {  	v8 =	vadd.f32 v37, v8  }
0x1fe: {  	(xrf2) =	vadd.scan.msk.f32 $0xffff, v10  }
0x1ff: {  	(xrf2) =	vadd.scan.msk.f32 $0xffff, v8;
	_ =	sdelay $0x3  }
0x200: {  	s22 =	sadd.s32 $0xE, s19  }
0x201: {  	v8 =	vmov s22  }
0x202: {  	v38 =	vor.u32 $0x7, v8;
	_ =	sdelay $0x2  }
0x203: {  	v10, _, _ =	vpop (xrf2)  }
0x204: {  	v39, _, _ =	vpop (xrf2);
	[tilespmem:v8+s16+$0x0] =	vst.idx.msk vm0, v10  }
0x205: {  	[tilespmem:v38+s16+$0x0] =	vst.idx.msk vm0, v39  }
0x206: {  	v8 =	vld [tilespmem:s20+$0xFFFFFE10]  }
0x207: {  	v9 =	vld [tilespmem:s20+$0xFFFFFE20];
	_ =	sdelay $0x1  }
0x208: {  	v10 =	vld [tilespmem:s20+$0xFFFFFE30];
	_ =	sdelay $0x1  }
0x209: {  	v11 =	vld [tilespmem:s20+$0xFFFFFE40]  }
0x20a: {  	v40 =	vmul.f32 v8, v0;
	v41 =	vmul.f32 v9, v1  }
0x20b: {  	v8 =	vmul.f32 v8, v4;
	v9 =	vmul.f32 v9, v5  }
0x20c: {  	v42 =	vmul.f32 v10, v2;
	v12 =	vadd.f32 v41, v40  }
0x20d: {  	v43 =	vmul.f32 v10, v6;
	v8 =	vadd.f32 v9, v8  }
0x20e: {  	v45 =	vmul.f32 v11, v3;
	v44 =	vadd.f32 v42, v12  }
0x20f: {  	v46 =	vmul.f32 v11, v7;
	v8 =	vadd.f32 v43, v8  }
0x210: {  	v10 =	vadd.f32 v45, v44  }
0x211: {  	v8 =	vadd.f32 v46, v8  }
0x212: {  	(xrf2) =	vadd.scan.msk.f32 $0xffff, v10  }
0x213: {  	(xrf2) =	vadd.scan.msk.f32 $0xffff, v8;
	_ =	sdelay $0x3  }
0x214: {  	s23 =	sadd.s32 $0x10, s19  }
0x215: {  	v8 =	vmov s23  }
0x216: {  	v47 =	vor.u32 $0x1, v8;
	_ =	sdelay $0x2  }
0x217: {  	v10, _, _ =	vpop (xrf2)  }
0x218: {  	v48, _, _ =	vpop (xrf2);
	[tilespmem:v8+s16+$0x0] =	vst.idx.msk vm0, v10  }
0x219: {  	[tilespmem:v47+s16+$0x0] =	vst.idx.msk vm0, v48  }
0x21a: {  	v8 =	vld [tilespmem:s20+$0xFFFFFE50]  }
0x21b: {  	v9 =	vld [tilespmem:s20+$0xFFFFFE60];
	_ =	sdelay $0x1  }
0x21c: {  	v10 =	vld [tilespmem:s20+$0xFFFFFE70];
	_ =	sdelay $0x1  }
0x21d: {  	v11 =	vld [tilespmem:s20+$0xFFFFFE80]  }
0x21e: {  	v49 =	vmul.f32 v8, v0;
	v50 =	vmul.f32 v9, v1  }
0x21f: {  	v8 =	vmul.f32 v8, v4;
	v9 =	vmul.f32 v9, v5  }
0x220: {  	v51 =	vmul.f32 v10, v2;
	v12 =	vadd.f32 v50, v49  }
0x221: {  	v52 =	vmul.f32 v10, v6;
	v8 =	vadd.f32 v9, v8  }
0x222: {  	v54 =	vmul.f32 v11, v3;
	v53 =	vadd.f32 v51, v12  }
0x223: {  	v55 =	vmul.f32 v11, v7;
	v8 =	vadd.f32 v52, v8  }
0x224: {  	v10 =	vadd.f32 v54, v53  }
0x225: {  	v8 =	vadd.f32 v55, v8  }
0x226: {  	(xrf2) =	vadd.scan.msk.f32 $0xffff, v10  }
0x227: {  	(xrf2) =	vadd.scan.msk.f32 $0xffff, v8;
	_ =	sdelay $0x3  }
0x228: {  	s24 =	sadd.s32 $0x12, s19  }
0x229: {  	v8 =	vmov s24  }
0x22a: {  	v56 =	vor.u32 $0x3, v8;
	_ =	sdelay $0x2  }
0x22b: {  	v10, _, _ =	vpop (xrf2)  }
0x22c: {  	v57, _, _ =	vpop (xrf2);
	[tilespmem:v8+s16+$0x0] =	vst.idx.msk vm0, v10  }
0x22d: {  	[tilespmem:v56+s16+$0x0] =	vst.idx.msk vm0, v57  }
0x22e: {  	v8 =	vld [tilespmem:s20+$0xFFFFFE90]  }
0x22f: {  	v9 =	vld [tilespmem:s20+$0xFFFFFEA0];
	_ =	sdelay $0x1  }
0x230: {  	v10 =	vld [tilespmem:s20+$0xFFFFFEB0];
	_ =	sdelay $0x1  }
0x231: {  	v11 =	vld [tilespmem:s20+$0xFFFFFEC0]  }
0x232: {  	v58 =	vmul.f32 v8, v0;
	v59 =	vmul.f32 v9, v1  }
0x233: {  	v8 =	vmul.f32 v8, v4;
	v9 =	vmul.f32 v9, v5  }
0x234: {  	v60 =	vmul.f32 v10, v2;
	v12 =	vadd.f32 v59, v58  }
0x235: {  	v61 =	vmul.f32 v10, v6;
	v8 =	vadd.f32 v9, v8  }
0x236: {  	v63 =	vmul.f32 v11, v3;
	v62 =	vadd.f32 v60, v12  }
0x237: {  	v16 =	vmul.f32 v11, v7;
	v8 =	vadd.f32 v61, v8  }
0x238: {  	v10 =	vadd.f32 v63, v62  }
0x239: {  	v8 =	vadd.f32 v16, v8  }
0x23a: {  	(xrf2) =	vadd.scan.msk.f32 $0xffff, v10  }
0x23b: {  	(xrf2) =	vadd.scan.msk.f32 $0xffff, v8;
	_ =	sdelay $0x3  }
0x23c: {  	s25 =	sadd.s32 $0x14, s19  }
0x23d: {  	v8 =	vmov s25  }
0x23e: {  	v17 =	vor.u32 $0x5, v8;
	_ =	sdelay $0x2  }
0x23f: {  	v10, _, _ =	vpop (xrf2)  }
0x240: {  	v18, _, _ =	vpop (xrf2);
	[tilespmem:v8+s16+$0x0] =	vst.idx.msk vm0, v10  }
0x241: {  	[tilespmem:v17+s16+$0x0] =	vst.idx.msk vm0, v18  }
0x242: {  	v8 =	vld [tilespmem:s20+$0xFFFFFED0]  }
0x243: {  	v9 =	vld [tilespmem:s20+$0xFFFFFEE0];
	_ =	sdelay $0x1  }
0x244: {  	v10 =	vld [tilespmem:s20+$0xFFFFFEF0];
	_ =	sdelay $0x1  }
0x245: {  	v11 =	vld [tilespmem:s20+$0xFFFFFF00]  }
0x246: {  	v19 =	vmul.f32 v8, v0;
	v20 =	vmul.f32 v9, v1  }
0x247: {  	v8 =	vmul.f32 v8, v4;
	v9 =	vmul.f32 v9, v5  }
0x248: {  	v21 =	vmul.f32 v10, v2;
	v12 =	vadd.f32 v20, v19  }
0x249: {  	v22 =	vmul.f32 v10, v6;
	v8 =	vadd.f32 v9, v8  }
0x24a: {  	v24 =	vmul.f32 v11, v3;
	v23 =	vadd.f32 v21, v12  }
0x24b: {  	v25 =	vmul.f32 v11, v7;
	v8 =	vadd.f32 v22, v8  }
0x24c: {  	v10 =	vadd.f32 v24, v23  }
0x24d: {  	v8 =	vadd.f32 v25, v8  }
0x24e: {  	(xrf2) =	vadd.scan.msk.f32 $0xffff, v10  }
0x24f: {  	(xrf2) =	vadd.scan.msk.f32 $0xffff, v8;
	_ =	sdelay $0x3  }
0x250: {  	s26 =	sadd.s32 $0x16, s19  }
0x251: {  	v8 =	vmov s26  }
0x252: {  	v26 =	vor.u32 $0x7, v8;
	_ =	sdelay $0x2  }
0x253: {  	v10, _, _ =	vpop (xrf2)  }
0x254: {  	v27, _, _ =	vpop (xrf2);
	[tilespmem:v8+s16+$0x0] =	vst.idx.msk vm0, v10  }
0x255: {  	[tilespmem:v26+s16+$0x0] =	vst.idx.msk vm0, v27  }
0x256: {  	v8 =	vld [tilespmem:s20+$0xFFFFFF10]  }
0x257: {  	v9 =	vld [tilespmem:s20+$0xFFFFFF20];
	_ =	sdelay $0x1  }
0x258: {  	v10 =	vld [tilespmem:s20+$0xFFFFFF30];
	_ =	sdelay $0x1  }
0x259: {  	v11 =	vld [tilespmem:s20+$0xFFFFFF40]  }
0x25a: {  	v28 =	vmul.f32 v8, v0;
	v29 =	vmul.f32 v9, v1  }
0x25b: {  	v8 =	vmul.f32 v8, v4;
	v9 =	vmul.f32 v9, v5  }
0x25c: {  	v30 =	vmul.f32 v10, v2;
	v12 =	vadd.f32 v29, v28  }
0x25d: {  	v31 =	vmul.f32 v10, v6;
	v8 =	vadd.f32 v9, v8  }
0x25e: {  	v33 =	vmul.f32 v11, v3;
	v32 =	vadd.f32 v30, v12  }
0x25f: {  	v34 =	vmul.f32 v11, v7;
	v8 =	vadd.f32 v31, v8  }
0x260: {  	v10 =	vadd.f32 v33, v32  }
0x261: {  	v8 =	vadd.f32 v34, v8  }
0x262: {  	(xrf2) =	vadd.scan.msk.f32 $0xffff, v10  }
0x263: {  	(xrf2) =	vadd.scan.msk.f32 $0xffff, v8;
	_ =	sdelay $0x3  }
0x264: {  	s28 =	sadd.s32 $0x18, s19  }
0x265: {  	v8 =	vmov s28  }
0x266: {  	v35 =	vor.u32 $0x1, v8;
	_ =	sdelay $0x2  }
0x267: {  	v10, _, _ =	vpop (xrf2)  }
0x268: {  	v36, _, _ =	vpop (xrf2);
	[tilespmem:v8+s16+$0x0] =	vst.idx.msk vm0, v10  }
0x269: {  	[tilespmem:v35+s16+$0x0] =	vst.idx.msk vm0, v36  }
0x26a: {  	v8 =	vld [tilespmem:s20+$0xFFFFFF50]  }
0x26b: {  	v9 =	vld [tilespmem:s20+$0xFFFFFF60];
	_ =	sdelay $0x1  }
0x26c: {  	v10 =	vld [tilespmem:s20+$0xFFFFFF70];
	_ =	sdelay $0x1  }
0x26d: {  	v11 =	vld [tilespmem:s20+$0xFFFFFF80]  }
0x26e: {  	v37 =	vmul.f32 v8, v0;
	v38 =	vmul.f32 v9, v1  }
0x26f: {  	v8 =	vmul.f32 v8, v4;
	v9 =	vmul.f32 v9, v5  }
0x270: {  	v39 =	vmul.f32 v10, v2;
	v12 =	vadd.f32 v38, v37  }
0x271: {  	v40 =	vmul.f32 v10, v6;
	v8 =	vadd.f32 v9, v8  }
0x272: {  	v42 =	vmul.f32 v11, v3;
	v41 =	vadd.f32 v39, v12  }
0x273: {  	v43 =	vmul.f32 v11, v7;
	v8 =	vadd.f32 v40, v8  }
0x274: {  	v10 =	vadd.f32 v42, v41  }
0x275: {  	v8 =	vadd.f32 v43, v8  }
0x276: {  	(xrf2) =	vadd.scan.msk.f32 $0xffff, v10  }
0x277: {  	(xrf2) =	vadd.scan.msk.f32 $0xffff, v8;
	_ =	sdelay $0x3  }
0x278: {  	s29 =	sadd.s32 $0x1A, s19  }
0x279: {  	v8 =	vmov s29  }
0x27a: {  	v44 =	vor.u32 $0x3, v8;
	_ =	sdelay $0x2  }
0x27b: {  	v10, _, _ =	vpop (xrf2)  }
0x27c: {  	v45, _, _ =	vpop (xrf2);
	[tilespmem:v8+s16+$0x0] =	vst.idx.msk vm0, v10  }
0x27d: {  	[tilespmem:v44+s16+$0x0] =	vst.idx.msk vm0, v45  }
0x27e: {  	v8 =	vld [tilespmem:s20+$0xFFFFFF90]  }
0x27f: {  	v9 =	vld [tilespmem:s20+$0xFFFFFFA0];
	_ =	sdelay $0x1  }
0x280: {  	v10 =	vld [tilespmem:s20+$0xFFFFFFB0];
	_ =	sdelay $0x1  }
0x281: {  	v11 =	vld [tilespmem:s20+$0xFFFFFFC0]  }
0x282: {  	v46 =	vmul.f32 v8, v0;
	v47 =	vmul.f32 v9, v1  }
0x283: {  	v8 =	vmul.f32 v8, v4;
	v9 =	vmul.f32 v9, v5  }
0x284: {  	v48 =	vmul.f32 v10, v2;
	v12 =	vadd.f32 v47, v46  }
0x285: {  	v49 =	vmul.f32 v10, v6;
	v8 =	vadd.f32 v9, v8  }
0x286: {  	v51 =	vmul.f32 v11, v3;
	v50 =	vadd.f32 v48, v12  }
0x287: {  	v52 =	vmul.f32 v11, v7;
	v8 =	vadd.f32 v49, v8  }
0x288: {  	v10 =	vadd.f32 v51, v50  }
0x289: {  	v8 =	vadd.f32 v52, v8  }
0x28a: {  	(xrf2) =	vadd.scan.msk.f32 $0xffff, v10  }
0x28b: {  	(xrf2) =	vadd.scan.msk.f32 $0xffff, v8;
	_ =	sdelay $0x3  }
0x28c: {  	s30 =	sadd.s32 $0x1C, s19  }
0x28d: {  	v8 =	vmov s30  }
0x28e: {  	v53 =	vor.u32 $0x5, v8;
	_ =	sdelay $0x2  }
0x28f: {  	v10, _, _ =	vpop (xrf2)  }
0x290: {  	v54, _, _ =	vpop (xrf2);
	[tilespmem:v8+s16+$0x0] =	vst.idx.msk vm0, v10  }
0x291: {  	[tilespmem:v53+s16+$0x0] =	vst.idx.msk vm0, v54  }
0x292: {  	v8 =	vld [tilespmem:s20+$0xFFFFFFD0]  }
0x293: {  	v9 =	vld [tilespmem:s20+$0xFFFFFFE0];
	_ =	sdelay $0x1  }
0x294: {  	v10 =	vld [tilespmem:s20+$0xFFFFFFF0];
	_ =	sdelay $0x1  }
0x295: {  	v11 =	vld [tilespmem:s20+$0x0]  }
0x296: {  	v55 =	vmul.f32 v8, v0;
	v56 =	vmul.f32 v9, v1  }
0x297: {  	v8 =	vmul.f32 v8, v4;
	v9 =	vmul.f32 v9, v5  }
0x298: {  	v57 =	vmul.f32 v10, v2;
	v12 =	vadd.f32 v56, v55  }
0x299: {  	v58 =	vmul.f32 v10, v6;
	v8 =	vadd.f32 v9, v8  }
0x29a: {  	v60 =	vmul.f32 v11, v3;
	v59 =	vadd.f32 v57, v12  }
0x29b: {  	v61 =	vmul.f32 v11, v7;
	v8 =	vadd.f32 v58, v8  }
0x29c: {  	v10 =	vadd.f32 v60, v59  }
0x29d: {  	v8 =	vadd.f32 v61, v8  }
0x29e: {  	(xrf2) =	vadd.scan.msk.f32 $0xffff, v10  }
0x29f: {  	(xrf2) =	vadd.scan.msk.f32 $0xffff, v8;
	_ =	sdelay $0x3  }
0x2a0: {  	s31 =	sadd.s32 $0x1E, s19  }
0x2a1: {  	v8 =	vmov s31  }
0x2a2: {  	p0 =	sne.s32 s19, $0x1E0;
	v62 =	vor.u32 $0x7, v8  }
.Ltmp1:
0x2a3: {  	_ = 	snop;
	(pc) =	sbr.rel @p0 .LBB2_4-.Ltmp1, $4  }
0x2a4: {  	_ = 	snop  }
0x2a5: {  	v10, _, _ =	vpop (xrf2)  }
0x2a6: {  	v63, _, _ =	vpop (xrf2);
	[tilespmem:v8+s16+$0x0] =	vst.idx.msk vm0, v10  }
0x2a7: {  	s19 =	sadd.s32 $0x20, s19;
	s20 =	sadd.s32 $0x400, s20;
	[tilespmem:v62+s16+$0x0] =	vst.idx.msk vm0, v63  }
0x2a8: {  	[tilespmem:s14], [sflag:$0x2] =	stream.linear.gather [hbm4b:s8+s2], $0x2000, $0x38;
	[tilespmem:$0x4480] =	vst v63  }
0x2a9: {  	_ =	swait.ge [sflag:s15], $0x2000  }
0x2aa: {  	[sflag:s15] =	ssyncset.done $0x0  }
0x2ab: {  	s19 =	simm.s32 $0x200;
	s20 =	simm.s32 $0x200;
	[sflag:s15] =	ssyncadd.s32 $0xFFFFE000  }
.LBB2_6:
0x2ac: {  	v8 =	vld [tilespmem:s19+$0xFFFFFE00]  }
0x2ad: {  	v9 =	vld [tilespmem:s19+$0xFFFFFE10];
	_ =	sdelay $0x1  }
0x2ae: {  	v10 =	vld [tilespmem:s19+$0xFFFFFE20];
	_ =	sdelay $0x1  }
0x2af: {  	v11 =	vld [tilespmem:s19+$0xFFFFFE30]  }
0x2b0: {  	v12 =	vmul.f32 v8, v0;
	v13 =	vmul.f32 v9, v1  }
0x2b1: {  	v8 =	vmul.f32 v8, v4;
	v9 =	vmul.f32 v9, v5  }
0x2b2: {  	v18 =	vmul.f32 v10, v2;
	v12 =	vadd.f32 v13, v12  }
0x2b3: {  	v19 =	vmul.f32 v10, v6;
	v8 =	vadd.f32 v9, v8  }
0x2b4: {  	v21 =	vmul.f32 v11, v3;
	v20 =	vadd.f32 v18, v12  }
0x2b5: {  	v22 =	vmul.f32 v11, v7;
	v8 =	vadd.f32 v19, v8  }
0x2b6: {  	v10 =	vadd.f32 v21, v20  }
0x2b7: {  	v8 =	vadd.f32 v22, v8  }
0x2b8: {  	(xrf2) =	vadd.scan.msk.f32 $0xffff, v10  }
0x2b9: {  	(xrf2) =	vadd.scan.msk.f32 $0xffff, v8;
	_ =	sdelay $0x4  }
0x2ba: {  	v8 =	vmov s20  }
0x2bb: {  	v23 =	vor.u32 $0x1, v8;
	_ =	sdelay $0x2  }
0x2bc: {  	v10, _, _ =	vpop (xrf2)  }
0x2bd: {  	v24, _, _ =	vpop (xrf2);
	[tilespmem:v8+s16+$0x0] =	vst.idx.msk vm0, v10  }
0x2be: {  	[tilespmem:v23+s16+$0x0] =	vst.idx.msk vm0, v24  }
0x2bf: {  	v8 =	vld [tilespmem:s19+$0xFFFFFE40]  }
0x2c0: {  	v9 =	vld [tilespmem:s19+$0xFFFFFE50];
	_ =	sdelay $0x1  }
0x2c1: {  	v10 =	vld [tilespmem:s19+$0xFFFFFE60];
	_ =	sdelay $0x1  }
0x2c2: {  	v11 =	vld [tilespmem:s19+$0xFFFFFE70]  }
0x2c3: {  	v25 =	vmul.f32 v8, v0;
	v26 =	vmul.f32 v9, v1  }
0x2c4: {  	v8 =	vmul.f32 v8, v4;
	v9 =	vmul.f32 v9, v5  }
0x2c5: {  	v27 =	vmul.f32 v10, v2;
	v12 =	vadd.f32 v26, v25  }
0x2c6: {  	v28 =	vmul.f32 v10, v6;
	v8 =	vadd.f32 v9, v8  }
0x2c7: {  	v30 =	vmul.f32 v11, v3;
	v29 =	vadd.f32 v27, v12  }
0x2c8: {  	v31 =	vmul.f32 v11, v7;
	v8 =	vadd.f32 v28, v8  }
0x2c9: {  	v10 =	vadd.f32 v30, v29  }
0x2ca: {  	v8 =	vadd.f32 v31, v8  }
0x2cb: {  	(xrf2) =	vadd.scan.msk.f32 $0xffff, v10  }
0x2cc: {  	(xrf2) =	vadd.scan.msk.f32 $0xffff, v8;
	_ =	sdelay $0x3  }
0x2cd: {  	s21 =	sadd.s32 $0x2, s20  }
0x2ce: {  	v8 =	vmov s21  }
0x2cf: {  	v32 =	vor.u32 $0x3, v8;
	_ =	sdelay $0x2  }
0x2d0: {  	v10, _, _ =	vpop (xrf2)  }
0x2d1: {  	v33, _, _ =	vpop (xrf2);
	[tilespmem:v8+s16+$0x0] =	vst.idx.msk vm0, v10  }
0x2d2: {  	[tilespmem:v32+s16+$0x0] =	vst.idx.msk vm0, v33  }
0x2d3: {  	v8 =	vld [tilespmem:s19+$0xFFFFFE80]  }
0x2d4: {  	v9 =	vld [tilespmem:s19+$0xFFFFFE90];
	_ =	sdelay $0x1  }
0x2d5: {  	v10 =	vld [tilespmem:s19+$0xFFFFFEA0];
	_ =	sdelay $0x1  }
0x2d6: {  	v11 =	vld [tilespmem:s19+$0xFFFFFEB0]  }
0x2d7: {  	v34 =	vmul.f32 v8, v0;
	v35 =	vmul.f32 v9, v1  }
0x2d8: {  	v8 =	vmul.f32 v8, v4;
	v9 =	vmul.f32 v9, v5  }
0x2d9: {  	v36 =	vmul.f32 v10, v2;
	v12 =	vadd.f32 v35, v34  }
0x2da: {  	v37 =	vmul.f32 v10, v6;
	v8 =	vadd.f32 v9, v8  }
0x2db: {  	v39 =	vmul.f32 v11, v3;
	v38 =	vadd.f32 v36, v12  }
0x2dc: {  	v40 =	vmul.f32 v11, v7;
	v8 =	vadd.f32 v37, v8  }
0x2dd: {  	v10 =	vadd.f32 v39, v38  }
0x2de: {  	v8 =	vadd.f32 v40, v8  }
0x2df: {  	(xrf2) =	vadd.scan.msk.f32 $0xffff, v10  }
0x2e0: {  	(xrf2) =	vadd.scan.msk.f32 $0xffff, v8;
	_ =	sdelay $0x3  }
0x2e1: {  	s26 =	sadd.s32 $0x4, s20  }
0x2e2: {  	v8 =	vmov s26  }
0x2e3: {  	v41 =	vor.u32 $0x5, v8;
	_ =	sdelay $0x2  }
0x2e4: {  	v10, _, _ =	vpop (xrf2)  }
0x2e5: {  	v42, _, _ =	vpop (xrf2);
	[tilespmem:v8+s16+$0x0] =	vst.idx.msk vm0, v10  }
0x2e6: {  	[tilespmem:v41+s16+$0x0] =	vst.idx.msk vm0, v42  }
0x2e7: {  	v8 =	vld [tilespmem:s19+$0xFFFFFEC0]  }
0x2e8: {  	v9 =	vld [tilespmem:s19+$0xFFFFFED0];
	_ =	sdelay $0x1  }
0x2e9: {  	v10 =	vld [tilespmem:s19+$0xFFFFFEE0];
	_ =	sdelay $0x1  }
0x2ea: {  	v11 =	vld [tilespmem:s19+$0xFFFFFEF0]  }
0x2eb: {  	v43 =	vmul.f32 v8, v0;
	v44 =	vmul.f32 v9, v1  }
0x2ec: {  	v8 =	vmul.f32 v8, v4;
	v9 =	vmul.f32 v9, v5  }
0x2ed: {  	v45 =	vmul.f32 v10, v2;
	v12 =	vadd.f32 v44, v43  }
0x2ee: {  	v46 =	vmul.f32 v10, v6;
	v8 =	vadd.f32 v9, v8  }
0x2ef: {  	v48 =	vmul.f32 v11, v3;
	v47 =	vadd.f32 v45, v12  }
0x2f0: {  	v49 =	vmul.f32 v11, v7;
	v8 =	vadd.f32 v46, v8  }
0x2f1: {  	v10 =	vadd.f32 v48, v47  }
0x2f2: {  	v8 =	vadd.f32 v49, v8  }
0x2f3: {  	(xrf2) =	vadd.scan.msk.f32 $0xffff, v10  }
0x2f4: {  	(xrf2) =	vadd.scan.msk.f32 $0xffff, v8;
	_ =	sdelay $0x3  }
0x2f5: {  	s28 =	sadd.s32 $0x6, s20  }
0x2f6: {  	v8 =	vmov s28  }
0x2f7: {  	v50 =	vor.u32 $0x7, v8;
	_ =	sdelay $0x2  }
0x2f8: {  	v10, _, _ =	vpop (xrf2)  }
0x2f9: {  	v51, _, _ =	vpop (xrf2);
	[tilespmem:v8+s16+$0x0] =	vst.idx.msk vm0, v10  }
0x2fa: {  	[tilespmem:v50+s16+$0x0] =	vst.idx.msk vm0, v51  }
0x2fb: {  	v8 =	vld [tilespmem:s19+$0xFFFFFF00]  }
0x2fc: {  	v9 =	vld [tilespmem:s19+$0xFFFFFF10];
	_ =	sdelay $0x1  }
0x2fd: {  	v10 =	vld [tilespmem:s19+$0xFFFFFF20];
	_ =	sdelay $0x1  }
0x2fe: {  	v11 =	vld [tilespmem:s19+$0xFFFFFF30]  }
0x2ff: {  	v52 =	vmul.f32 v8, v0;
	v53 =	vmul.f32 v9, v1  }
0x300: {  	v8 =	vmul.f32 v8, v4;
	v9 =	vmul.f32 v9, v5  }
0x301: {  	v54 =	vmul.f32 v10, v2;
	v12 =	vadd.f32 v53, v52  }
0x302: {  	v55 =	vmul.f32 v10, v6;
	v8 =	vadd.f32 v9, v8  }
0x303: {  	v57 =	vmul.f32 v11, v3;
	v56 =	vadd.f32 v54, v12  }
0x304: {  	v58 =	vmul.f32 v11, v7;
	v8 =	vadd.f32 v55, v8  }
0x305: {  	v10 =	vadd.f32 v57, v56  }
0x306: {  	v8 =	vadd.f32 v58, v8  }
0x307: {  	(xrf2) =	vadd.scan.msk.f32 $0xffff, v10  }
0x308: {  	(xrf2) =	vadd.scan.msk.f32 $0xffff, v8;
	_ =	sdelay $0x3  }
0x309: {  	s29 =	sadd.s32 $0x8, s20  }
0x30a: {  	v8 =	vmov s29  }
0x30b: {  	v59 =	vor.u32 $0x1, v8;
	_ =	sdelay $0x2  }
0x30c: {  	v10, _, _ =	vpop (xrf2)  }
0x30d: {  	v60, _, _ =	vpop (xrf2);
	[tilespmem:v8+s16+$0x0] =	vst.idx.msk vm0, v10  }
0x30e: {  	[tilespmem:v59+s16+$0x0] =	vst.idx.msk vm0, v60  }
0x30f: {  	v8 =	vld [tilespmem:s19+$0xFFFFFF40]  }
0x310: {  	v9 =	vld [tilespmem:s19+$0xFFFFFF50];
	_ =	sdelay $0x1  }
0x311: {  	v10 =	vld [tilespmem:s19+$0xFFFFFF60];
	_ =	sdelay $0x1  }
0x312: {  	v11 =	vld [tilespmem:s19+$0xFFFFFF70]  }
0x313: {  	v61 =	vmul.f32 v8, v0;
	v62 =	vmul.f32 v9, v1  }
0x314: {  	v8 =	vmul.f32 v8, v4;
	v9 =	vmul.f32 v9, v5  }
0x315: {  	v63 =	vmul.f32 v10, v2;
	v12 =	vadd.f32 v62, v61  }
0x316: {  	v16 =	vmul.f32 v10, v6;
	v8 =	vadd.f32 v9, v8  }
0x317: {  	v18 =	vmul.f32 v11, v3;
	v17 =	vadd.f32 v63, v12  }
0x318: {  	v19 =	vmul.f32 v11, v7;
	v8 =	vadd.f32 v16, v8  }
0x319: {  	v10 =	vadd.f32 v18, v17  }
0x31a: {  	v8 =	vadd.f32 v19, v8  }
0x31b: {  	(xrf2) =	vadd.scan.msk.f32 $0xffff, v10  }
0x31c: {  	(xrf2) =	vadd.scan.msk.f32 $0xffff, v8;
	_ =	sdelay $0x3  }
0x31d: {  	s30 =	sadd.s32 $0xA, s20  }
0x31e: {  	v8 =	vmov s30  }
0x31f: {  	v20 =	vor.u32 $0x3, v8;
	_ =	sdelay $0x2  }
0x320: {  	v10, _, _ =	vpop (xrf2)  }
0x321: {  	v21, _, _ =	vpop (xrf2);
	[tilespmem:v8+s16+$0x0] =	vst.idx.msk vm0, v10  }
0x322: {  	[tilespmem:v20+s16+$0x0] =	vst.idx.msk vm0, v21  }
0x323: {  	v8 =	vld [tilespmem:s19+$0xFFFFFF80]  }
0x324: {  	v9 =	vld [tilespmem:s19+$0xFFFFFF90];
	_ =	sdelay $0x1  }
0x325: {  	v10 =	vld [tilespmem:s19+$0xFFFFFFA0];
	_ =	sdelay $0x1  }
0x326: {  	v11 =	vld [tilespmem:s19+$0xFFFFFFB0]  }
0x327: {  	v22 =	vmul.f32 v8, v0;
	v23 =	vmul.f32 v9, v1  }
0x328: {  	v8 =	vmul.f32 v8, v4;
	v9 =	vmul.f32 v9, v5  }
0x329: {  	v24 =	vmul.f32 v10, v2;
	v12 =	vadd.f32 v23, v22  }
0x32a: {  	v25 =	vmul.f32 v10, v6;
	v8 =	vadd.f32 v9, v8  }
0x32b: {  	v27 =	vmul.f32 v11, v3;
	v26 =	vadd.f32 v24, v12  }
0x32c: {  	v28 =	vmul.f32 v11, v7;
	v8 =	vadd.f32 v25, v8  }
0x32d: {  	v10 =	vadd.f32 v27, v26  }
0x32e: {  	v8 =	vadd.f32 v28, v8  }
0x32f: {  	(xrf2) =	vadd.scan.msk.f32 $0xffff, v10  }
0x330: {  	(xrf2) =	vadd.scan.msk.f32 $0xffff, v8;
	_ =	sdelay $0x3  }
0x331: {  	s31 =	sadd.s32 $0xC, s20  }
0x332: {  	v8 =	vmov s31  }
0x333: {  	v29 =	vor.u32 $0x5, v8;
	_ =	sdelay $0x2  }
0x334: {  	v10, _, _ =	vpop (xrf2)  }
0x335: {  	v30, _, _ =	vpop (xrf2);
	[tilespmem:v8+s16+$0x0] =	vst.idx.msk vm0, v10  }
0x336: {  	[tilespmem:v29+s16+$0x0] =	vst.idx.msk vm0, v30  }
0x337: {  	v8 =	vld [tilespmem:s19+$0xFFFFFFC0]  }
0x338: {  	v9 =	vld [tilespmem:s19+$0xFFFFFFD0];
	_ =	sdelay $0x1  }
0x339: {  	v10 =	vld [tilespmem:s19+$0xFFFFFFE0];
	_ =	sdelay $0x1  }
0x33a: {  	v11 =	vld [tilespmem:s19+$0xFFFFFFF0]  }
0x33b: {  	v31 =	vmul.f32 v8, v0;
	v32 =	vmul.f32 v9, v1  }
0x33c: {  	v8 =	vmul.f32 v8, v4;
	v9 =	vmul.f32 v9, v5  }
0x33d: {  	v33 =	vmul.f32 v10, v2;
	v12 =	vadd.f32 v32, v31  }
0x33e: {  	v34 =	vmul.f32 v10, v6;
	v8 =	vadd.f32 v9, v8  }
0x33f: {  	v36 =	vmul.f32 v11, v3;
	v35 =	vadd.f32 v33, v12  }
0x340: {  	v37 =	vmul.f32 v11, v7;
	v8 =	vadd.f32 v34, v8  }
0x341: {  	v10 =	vadd.f32 v36, v35  }
0x342: {  	v8 =	vadd.f32 v37, v8  }
0x343: {  	(xrf2) =	vadd.scan.msk.f32 $0xffff, v10  }
0x344: {  	(xrf2) =	vadd.scan.msk.f32 $0xffff, v8;
	_ =	sdelay $0x3  }
0x345: {  	s22 =	sadd.s32 $0xE, s20  }
0x346: {  	v8 =	vmov s22  }
0x347: {  	v38 =	vor.u32 $0x7, v8;
	_ =	sdelay $0x2  }
0x348: {  	v10, _, _ =	vpop (xrf2)  }
0x349: {  	v39, _, _ =	vpop (xrf2);
	[tilespmem:v8+s16+$0x0] =	vst.idx.msk vm0, v10  }
0x34a: {  	[tilespmem:v38+s16+$0x0] =	vst.idx.msk vm0, v39  }
0x34b: {  	v8 =	vld [tilespmem:s19+$0x0]  }
0x34c: {  	v9 =	vld [tilespmem:s19+$0x10];
	_ =	sdelay $0x1  }
0x34d: {  	v10 =	vld [tilespmem:s19+$0x20];
	_ =	sdelay $0x1  }
0x34e: {  	v11 =	vld [tilespmem:s19+$0x30]  }
0x34f: {  	v40 =	vmul.f32 v8, v0;
	v41 =	vmul.f32 v9, v1  }
0x350: {  	v8 =	vmul.f32 v8, v4;
	v9 =	vmul.f32 v9, v5  }
0x351: {  	v42 =	vmul.f32 v10, v2;
	v12 =	vadd.f32 v41, v40  }
0x352: {  	v43 =	vmul.f32 v10, v6;
	v8 =	vadd.f32 v9, v8  }
0x353: {  	v45 =	vmul.f32 v11, v3;
	v44 =	vadd.f32 v42, v12  }
0x354: {  	v46 =	vmul.f32 v11, v7;
	v8 =	vadd.f32 v43, v8  }
0x355: {  	v10 =	vadd.f32 v45, v44  }
0x356: {  	v8 =	vadd.f32 v46, v8  }
0x357: {  	(xrf2) =	vadd.scan.msk.f32 $0xffff, v10  }
0x358: {  	(xrf2) =	vadd.scan.msk.f32 $0xffff, v8;
	_ =	sdelay $0x3  }
0x359: {  	s23 =	sadd.s32 $0x10, s20  }
0x35a: {  	v8 =	vmov s23  }
0x35b: {  	v47 =	vor.u32 $0x1, v8;
	_ =	sdelay $0x2  }
0x35c: {  	v10, _, _ =	vpop (xrf2)  }
0x35d: {  	v48, _, _ =	vpop (xrf2);
	[tilespmem:v8+s16+$0x0] =	vst.idx.msk vm0, v10  }
0x35e: {  	[tilespmem:v47+s16+$0x0] =	vst.idx.msk vm0, v48  }
0x35f: {  	v8 =	vld [tilespmem:s19+$0x40]  }
0x360: {  	v9 =	vld [tilespmem:s19+$0x50];
	_ =	sdelay $0x1  }
0x361: {  	v10 =	vld [tilespmem:s19+$0x60];
	_ =	sdelay $0x1  }
0x362: {  	v11 =	vld [tilespmem:s19+$0x70]  }
0x363: {  	v49 =	vmul.f32 v8, v0;
	v50 =	vmul.f32 v9, v1  }
0x364: {  	v8 =	vmul.f32 v8, v4;
	v9 =	vmul.f32 v9, v5  }
0x365: {  	v51 =	vmul.f32 v10, v2;
	v12 =	vadd.f32 v50, v49  }
0x366: {  	v52 =	vmul.f32 v10, v6;
	v8 =	vadd.f32 v9, v8  }
0x367: {  	v54 =	vmul.f32 v11, v3;
	v53 =	vadd.f32 v51, v12  }
0x368: {  	v55 =	vmul.f32 v11, v7;
	v8 =	vadd.f32 v52, v8  }
0x369: {  	v10 =	vadd.f32 v54, v53  }
0x36a: {  	v8 =	vadd.f32 v55, v8  }
0x36b: {  	(xrf2) =	vadd.scan.msk.f32 $0xffff, v10  }
0x36c: {  	(xrf2) =	vadd.scan.msk.f32 $0xffff, v8;
	_ =	sdelay $0x3  }
0x36d: {  	s24 =	sadd.s32 $0x12, s20  }
0x36e: {  	v8 =	vmov s24  }
0x36f: {  	v56 =	vor.u32 $0x3, v8;
	_ =	sdelay $0x2  }
0x370: {  	v10, _, _ =	vpop (xrf2)  }
0x371: {  	v57, _, _ =	vpop (xrf2);
	[tilespmem:v8+s16+$0x0] =	vst.idx.msk vm0, v10  }
0x372: {  	[tilespmem:v56+s16+$0x0] =	vst.idx.msk vm0, v57  }
0x373: {  	v8 =	vld [tilespmem:s19+$0x80]  }
0x374: {  	v9 =	vld [tilespmem:s19+$0x90];
	_ =	sdelay $0x1  }
0x375: {  	v10 =	vld [tilespmem:s19+$0xA0];
	_ =	sdelay $0x1  }
0x376: {  	v11 =	vld [tilespmem:s19+$0xB0]  }
0x377: {  	v58 =	vmul.f32 v8, v0;
	v59 =	vmul.f32 v9, v1  }
0x378: {  	v8 =	vmul.f32 v8, v4;
	v9 =	vmul.f32 v9, v5  }
0x379: {  	v60 =	vmul.f32 v10, v2;
	v12 =	vadd.f32 v59, v58  }
0x37a: {  	v61 =	vmul.f32 v10, v6;
	v8 =	vadd.f32 v9, v8  }
0x37b: {  	v63 =	vmul.f32 v11, v3;
	v62 =	vadd.f32 v60, v12  }
0x37c: {  	v16 =	vmul.f32 v11, v7;
	v8 =	vadd.f32 v61, v8  }
0x37d: {  	v10 =	vadd.f32 v63, v62  }
0x37e: {  	v8 =	vadd.f32 v16, v8  }
0x37f: {  	(xrf2) =	vadd.scan.msk.f32 $0xffff, v10  }
0x380: {  	(xrf2) =	vadd.scan.msk.f32 $0xffff, v8;
	_ =	sdelay $0x3  }
0x381: {  	s25 =	sadd.s32 $0x14, s20  }
0x382: {  	v8 =	vmov s25  }
0x383: {  	v17 =	vor.u32 $0x5, v8;
	_ =	sdelay $0x2  }
0x384: {  	v10, _, _ =	vpop (xrf2)  }
0x385: {  	v18, _, _ =	vpop (xrf2);
	[tilespmem:v8+s16+$0x0] =	vst.idx.msk vm0, v10  }
0x386: {  	[tilespmem:v17+s16+$0x0] =	vst.idx.msk vm0, v18  }
0x387: {  	v8 =	vld [tilespmem:s19+$0xC0]  }
0x388: {  	v9 =	vld [tilespmem:s19+$0xD0];
	_ =	sdelay $0x1  }
0x389: {  	v10 =	vld [tilespmem:s19+$0xE0];
	_ =	sdelay $0x1  }
0x38a: {  	v11 =	vld [tilespmem:s19+$0xF0]  }
0x38b: {  	v19 =	vmul.f32 v8, v0;
	v20 =	vmul.f32 v9, v1  }
0x38c: {  	v8 =	vmul.f32 v8, v4;
	v9 =	vmul.f32 v9, v5  }
0x38d: {  	v21 =	vmul.f32 v10, v2;
	v12 =	vadd.f32 v20, v19  }
0x38e: {  	v22 =	vmul.f32 v10, v6;
	v8 =	vadd.f32 v9, v8  }
0x38f: {  	v24 =	vmul.f32 v11, v3;
	v23 =	vadd.f32 v21, v12  }
0x390: {  	v25 =	vmul.f32 v11, v7;
	v8 =	vadd.f32 v22, v8  }
0x391: {  	v10 =	vadd.f32 v24, v23  }
0x392: {  	v8 =	vadd.f32 v25, v8  }
0x393: {  	(xrf2) =	vadd.scan.msk.f32 $0xffff, v10  }
0x394: {  	(xrf2) =	vadd.scan.msk.f32 $0xffff, v8;
	_ =	sdelay $0x3  }
0x395: {  	s26 =	sadd.s32 $0x16, s20  }
0x396: {  	v8 =	vmov s26  }
0x397: {  	v26 =	vor.u32 $0x7, v8;
	_ =	sdelay $0x2  }
0x398: {  	v10, _, _ =	vpop (xrf2)  }
0x399: {  	v27, _, _ =	vpop (xrf2);
	[tilespmem:v8+s16+$0x0] =	vst.idx.msk vm0, v10  }
0x39a: {  	[tilespmem:v26+s16+$0x0] =	vst.idx.msk vm0, v27  }
0x39b: {  	v8 =	vld [tilespmem:s19+$0x100]  }
0x39c: {  	v9 =	vld [tilespmem:s19+$0x110];
	_ =	sdelay $0x1  }
0x39d: {  	v10 =	vld [tilespmem:s19+$0x120];
	_ =	sdelay $0x1  }
0x39e: {  	v11 =	vld [tilespmem:s19+$0x130]  }
0x39f: {  	v28 =	vmul.f32 v8, v0;
	v29 =	vmul.f32 v9, v1  }
0x3a0: {  	v8 =	vmul.f32 v8, v4;
	v9 =	vmul.f32 v9, v5  }
0x3a1: {  	v30 =	vmul.f32 v10, v2;
	v12 =	vadd.f32 v29, v28  }
0x3a2: {  	v31 =	vmul.f32 v10, v6;
	v8 =	vadd.f32 v9, v8  }
0x3a3: {  	v33 =	vmul.f32 v11, v3;
	v32 =	vadd.f32 v30, v12  }
0x3a4: {  	v34 =	vmul.f32 v11, v7;
	v8 =	vadd.f32 v31, v8  }
0x3a5: {  	v10 =	vadd.f32 v33, v32  }
0x3a6: {  	v8 =	vadd.f32 v34, v8  }
0x3a7: {  	(xrf2) =	vadd.scan.msk.f32 $0xffff, v10  }
0x3a8: {  	(xrf2) =	vadd.scan.msk.f32 $0xffff, v8;
	_ =	sdelay $0x3  }
0x3a9: {  	s28 =	sadd.s32 $0x18, s20  }
0x3aa: {  	v8 =	vmov s28  }
0x3ab: {  	v35 =	vor.u32 $0x1, v8;
	_ =	sdelay $0x2  }
0x3ac: {  	v10, _, _ =	vpop (xrf2)  }
0x3ad: {  	v36, _, _ =	vpop (xrf2);
	[tilespmem:v8+s16+$0x0] =	vst.idx.msk vm0, v10  }
0x3ae: {  	[tilespmem:v35+s16+$0x0] =	vst.idx.msk vm0, v36  }
0x3af: {  	v8 =	vld [tilespmem:s19+$0x140]  }
0x3b0: {  	v9 =	vld [tilespmem:s19+$0x150];
	_ =	sdelay $0x1  }
0x3b1: {  	v10 =	vld [tilespmem:s19+$0x160];
	_ =	sdelay $0x1  }
0x3b2: {  	v11 =	vld [tilespmem:s19+$0x170]  }
0x3b3: {  	v37 =	vmul.f32 v8, v0;
	v38 =	vmul.f32 v9, v1  }
0x3b4: {  	v8 =	vmul.f32 v8, v4;
	v9 =	vmul.f32 v9, v5  }
0x3b5: {  	v39 =	vmul.f32 v10, v2;
	v12 =	vadd.f32 v38, v37  }
0x3b6: {  	v40 =	vmul.f32 v10, v6;
	v8 =	vadd.f32 v9, v8  }
0x3b7: {  	v42 =	vmul.f32 v11, v3;
	v41 =	vadd.f32 v39, v12  }
0x3b8: {  	v43 =	vmul.f32 v11, v7;
	v8 =	vadd.f32 v40, v8  }
0x3b9: {  	v10 =	vadd.f32 v42, v41  }
0x3ba: {  	v8 =	vadd.f32 v43, v8  }
0x3bb: {  	(xrf2) =	vadd.scan.msk.f32 $0xffff, v10  }
0x3bc: {  	(xrf2) =	vadd.scan.msk.f32 $0xffff, v8;
	_ =	sdelay $0x3  }
0x3bd: {  	s29 =	sadd.s32 $0x1A, s20  }
0x3be: {  	v8 =	vmov s29  }
0x3bf: {  	v44 =	vor.u32 $0x3, v8;
	_ =	sdelay $0x2  }
0x3c0: {  	v10, _, _ =	vpop (xrf2)  }
0x3c1: {  	v45, _, _ =	vpop (xrf2);
	[tilespmem:v8+s16+$0x0] =	vst.idx.msk vm0, v10  }
0x3c2: {  	[tilespmem:v44+s16+$0x0] =	vst.idx.msk vm0, v45  }
0x3c3: {  	v8 =	vld [tilespmem:s19+$0x180]  }
0x3c4: {  	v9 =	vld [tilespmem:s19+$0x190];
	_ =	sdelay $0x1  }
0x3c5: {  	v10 =	vld [tilespmem:s19+$0x1A0];
	_ =	sdelay $0x1  }
0x3c6: {  	v11 =	vld [tilespmem:s19+$0x1B0]  }
0x3c7: {  	v46 =	vmul.f32 v8, v0;
	v47 =	vmul.f32 v9, v1  }
0x3c8: {  	v8 =	vmul.f32 v8, v4;
	v9 =	vmul.f32 v9, v5  }
0x3c9: {  	v48 =	vmul.f32 v10, v2;
	v12 =	vadd.f32 v47, v46  }
0x3ca: {  	v49 =	vmul.f32 v10, v6;
	v8 =	vadd.f32 v9, v8  }
0x3cb: {  	v51 =	vmul.f32 v11, v3;
	v50 =	vadd.f32 v48, v12  }
0x3cc: {  	v52 =	vmul.f32 v11, v7;
	v8 =	vadd.f32 v49, v8  }
0x3cd: {  	v10 =	vadd.f32 v51, v50  }
0x3ce: {  	v8 =	vadd.f32 v52, v8  }
0x3cf: {  	(xrf2) =	vadd.scan.msk.f32 $0xffff, v10  }
0x3d0: {  	(xrf2) =	vadd.scan.msk.f32 $0xffff, v8;
	_ =	sdelay $0x3  }
0x3d1: {  	s30 =	sadd.s32 $0x1C, s20  }
0x3d2: {  	v8 =	vmov s30  }
0x3d3: {  	v53 =	vor.u32 $0x5, v8;
	_ =	sdelay $0x2  }
0x3d4: {  	v10, _, _ =	vpop (xrf2)  }
0x3d5: {  	v54, _, _ =	vpop (xrf2);
	[tilespmem:v8+s16+$0x0] =	vst.idx.msk vm0, v10  }
0x3d6: {  	[tilespmem:v53+s16+$0x0] =	vst.idx.msk vm0, v54  }
0x3d7: {  	v8 =	vld [tilespmem:s19+$0x1C0]  }
0x3d8: {  	v9 =	vld [tilespmem:s19+$0x1D0];
	_ =	sdelay $0x1  }
0x3d9: {  	v10 =	vld [tilespmem:s19+$0x1E0];
	_ =	sdelay $0x1  }
0x3da: {  	v11 =	vld [tilespmem:s19+$0x1F0]  }
0x3db: {  	v55 =	vmul.f32 v8, v0;
	v56 =	vmul.f32 v9, v1  }
0x3dc: {  	v8 =	vmul.f32 v8, v4;
	v9 =	vmul.f32 v9, v5  }
0x3dd: {  	v57 =	vmul.f32 v10, v2;
	v12 =	vadd.f32 v56, v55  }
0x3de: {  	v58 =	vmul.f32 v10, v6;
	v8 =	vadd.f32 v9, v8  }
0x3df: {  	v60 =	vmul.f32 v11, v3;
	v59 =	vadd.f32 v57, v12  }
0x3e0: {  	v61 =	vmul.f32 v11, v7;
	v8 =	vadd.f32 v58, v8  }
0x3e1: {  	v10 =	vadd.f32 v60, v59  }
0x3e2: {  	v8 =	vadd.f32 v61, v8  }
0x3e3: {  	(xrf2) =	vadd.scan.msk.f32 $0xffff, v10  }
0x3e4: {  	(xrf2) =	vadd.scan.msk.f32 $0xffff, v8;
	_ =	sdelay $0x3  }
0x3e5: {  	s31 =	sadd.s32 $0x1E, s20  }
0x3e6: {  	v8 =	vmov s31  }
0x3e7: {  	p0 =	sne.s32 s20, $0x2E0;
	v62 =	vor.u32 $0x7, v8  }
.Ltmp2:
0x3e8: {  	_ = 	snop;
	(pc) =	sbr.rel @p0 .LBB2_6-.Ltmp2, $4  }
0x3e9: {  	_ = 	snop  }
0x3ea: {  	v10, _, _ =	vpop (xrf2)  }
0x3eb: {  	v63, _, _ =	vpop (xrf2);
	[tilespmem:v8+s16+$0x0] =	vst.idx.msk vm0, v10  }
0x3ec: {  	s20 =	sadd.s32 $0x20, s20;
	s19 =	sadd.s32 $0x400, s19;
	[tilespmem:v62+s16+$0x0] =	vst.idx.msk vm0, v63  }
0x3ed: {  	_ =	swait.ge [sflag:s17], $0x2000  }
0x3ee: {  	[sflag:s17] =	ssyncset.done $0x0  }
0x3ef: {  	s19 =	simm.s32 $0x300;
	s20 =	simm.s32 $0x23F0;
	[sflag:s17] =	ssyncadd.s32 $0xFFFFE000  }
.LBB2_8:
0x3f0: {  	v8 =	vld [tilespmem:s20+$0xFFFFFC10]  }
0x3f1: {  	v9 =	vld [tilespmem:s20+$0xFFFFFC20];
	_ =	sdelay $0x1  }
0x3f2: {  	v10 =	vld [tilespmem:s20+$0xFFFFFC30];
	_ =	sdelay $0x1  }
0x3f3: {  	v11 =	vld [tilespmem:s20+$0xFFFFFC40]  }
0x3f4: {  	v12 =	vmul.f32 v8, v0;
	v13 =	vmul.f32 v9, v1  }
0x3f5: {  	v8 =	vmul.f32 v8, v4;
	v9 =	vmul.f32 v9, v5  }
0x3f6: {  	v18 =	vmul.f32 v10, v2;
	v12 =	vadd.f32 v13, v12  }
0x3f7: {  	v19 =	vmul.f32 v10, v6;
	v8 =	vadd.f32 v9, v8  }
0x3f8: {  	v21 =	vmul.f32 v11, v3;
	v20 =	vadd.f32 v18, v12  }
0x3f9: {  	v22 =	vmul.f32 v11, v7;
	v8 =	vadd.f32 v19, v8  }
0x3fa: {  	v10 =	vadd.f32 v21, v20  }
0x3fb: {  	v8 =	vadd.f32 v22, v8  }
0x3fc: {  	(xrf2) =	vadd.scan.msk.f32 $0xffff, v10  }
0x3fd: {  	(xrf2) =	vadd.scan.msk.f32 $0xffff, v8;
	_ =	sdelay $0x4  }
0x3fe: {  	v8 =	vmov s19  }
0x3ff: {  	v23 =	vor.u32 $0x1, v8;
	_ =	sdelay $0x2  }
0x400: {  	v10, _, _ =	vpop (xrf2)  }
0x401: {  	v24, _, _ =	vpop (xrf2);
	[tilespmem:v8+s16+$0x0] =	vst.idx.msk vm0, v10  }
0x402: {  	[tilespmem:v23+s16+$0x0] =	vst.idx.msk vm0, v24  }
0x403: {  	v8 =	vld [tilespmem:s20+$0xFFFFFC50]  }
0x404: {  	v9 =	vld [tilespmem:s20+$0xFFFFFC60];
	_ =	sdelay $0x1  }
0x405: {  	v10 =	vld [tilespmem:s20+$0xFFFFFC70];
	_ =	sdelay $0x1  }
0x406: {  	v11 =	vld [tilespmem:s20+$0xFFFFFC80]  }
0x407: {  	v25 =	vmul.f32 v8, v0;
	v26 =	vmul.f32 v9, v1  }
0x408: {  	v8 =	vmul.f32 v8, v4;
	v9 =	vmul.f32 v9, v5  }
0x409: {  	v27 =	vmul.f32 v10, v2;
	v12 =	vadd.f32 v26, v25  }
0x40a: {  	v28 =	vmul.f32 v10, v6;
	v8 =	vadd.f32 v9, v8  }
0x40b: {  	v30 =	vmul.f32 v11, v3;
	v29 =	vadd.f32 v27, v12  }
0x40c: {  	v31 =	vmul.f32 v11, v7;
	v8 =	vadd.f32 v28, v8  }
0x40d: {  	v10 =	vadd.f32 v30, v29  }
0x40e: {  	v8 =	vadd.f32 v31, v8  }
0x40f: {  	(xrf2) =	vadd.scan.msk.f32 $0xffff, v10  }
0x410: {  	(xrf2) =	vadd.scan.msk.f32 $0xffff, v8;
	_ =	sdelay $0x3  }
0x411: {  	s21 =	sadd.s32 $0x2, s19  }
0x412: {  	v8 =	vmov s21  }
0x413: {  	v32 =	vor.u32 $0x3, v8;
	_ =	sdelay $0x2  }
0x414: {  	v10, _, _ =	vpop (xrf2)  }
0x415: {  	v33, _, _ =	vpop (xrf2);
	[tilespmem:v8+s16+$0x0] =	vst.idx.msk vm0, v10  }
0x416: {  	[tilespmem:v32+s16+$0x0] =	vst.idx.msk vm0, v33  }
0x417: {  	v8 =	vld [tilespmem:s20+$0xFFFFFC90]  }
0x418: {  	v9 =	vld [tilespmem:s20+$0xFFFFFCA0];
	_ =	sdelay $0x1  }
0x419: {  	v10 =	vld [tilespmem:s20+$0xFFFFFCB0];
	_ =	sdelay $0x1  }
0x41a: {  	v11 =	vld [tilespmem:s20+$0xFFFFFCC0]  }
0x41b: {  	v34 =	vmul.f32 v8, v0;
	v35 =	vmul.f32 v9, v1  }
0x41c: {  	v8 =	vmul.f32 v8, v4;
	v9 =	vmul.f32 v9, v5  }
0x41d: {  	v36 =	vmul.f32 v10, v2;
	v12 =	vadd.f32 v35, v34  }
0x41e: {  	v37 =	vmul.f32 v10, v6;
	v8 =	vadd.f32 v9, v8  }
0x41f: {  	v39 =	vmul.f32 v11, v3;
	v38 =	vadd.f32 v36, v12  }
0x420: {  	v40 =	vmul.f32 v11, v7;
	v8 =	vadd.f32 v37, v8  }
0x421: {  	v10 =	vadd.f32 v39, v38  }
0x422: {  	v8 =	vadd.f32 v40, v8  }
0x423: {  	(xrf2) =	vadd.scan.msk.f32 $0xffff, v10  }
0x424: {  	(xrf2) =	vadd.scan.msk.f32 $0xffff, v8;
	_ =	sdelay $0x3  }
0x425: {  	s26 =	sadd.s32 $0x4, s19  }
0x426: {  	v8 =	vmov s26  }
0x427: {  	v41 =	vor.u32 $0x5, v8;
	_ =	sdelay $0x2  }
0x428: {  	v10, _, _ =	vpop (xrf2)  }
0x429: {  	v42, _, _ =	vpop (xrf2);
	[tilespmem:v8+s16+$0x0] =	vst.idx.msk vm0, v10  }
0x42a: {  	[tilespmem:v41+s16+$0x0] =	vst.idx.msk vm0, v42  }
0x42b: {  	v8 =	vld [tilespmem:s20+$0xFFFFFCD0]  }
0x42c: {  	v9 =	vld [tilespmem:s20+$0xFFFFFCE0];
	_ =	sdelay $0x1  }
0x42d: {  	v10 =	vld [tilespmem:s20+$0xFFFFFCF0];
	_ =	sdelay $0x1  }
0x42e: {  	v11 =	vld [tilespmem:s20+$0xFFFFFD00]  }
0x42f: {  	v43 =	vmul.f32 v8, v0;
	v44 =	vmul.f32 v9, v1  }
0x430: {  	v8 =	vmul.f32 v8, v4;
	v9 =	vmul.f32 v9, v5  }
0x431: {  	v45 =	vmul.f32 v10, v2;
	v12 =	vadd.f32 v44, v43  }
0x432: {  	v46 =	vmul.f32 v10, v6;
	v8 =	vadd.f32 v9, v8  }
0x433: {  	v48 =	vmul.f32 v11, v3;
	v47 =	vadd.f32 v45, v12  }
0x434: {  	v49 =	vmul.f32 v11, v7;
	v8 =	vadd.f32 v46, v8  }
0x435: {  	v10 =	vadd.f32 v48, v47  }
0x436: {  	v8 =	vadd.f32 v49, v8  }
0x437: {  	(xrf2) =	vadd.scan.msk.f32 $0xffff, v10  }
0x438: {  	(xrf2) =	vadd.scan.msk.f32 $0xffff, v8;
	_ =	sdelay $0x3  }
0x439: {  	s28 =	sadd.s32 $0x6, s19  }
0x43a: {  	v8 =	vmov s28  }
0x43b: {  	v50 =	vor.u32 $0x7, v8;
	_ =	sdelay $0x2  }
0x43c: {  	v10, _, _ =	vpop (xrf2)  }
0x43d: {  	v51, _, _ =	vpop (xrf2);
	[tilespmem:v8+s16+$0x0] =	vst.idx.msk vm0, v10  }
0x43e: {  	[tilespmem:v50+s16+$0x0] =	vst.idx.msk vm0, v51  }
0x43f: {  	v8 =	vld [tilespmem:s20+$0xFFFFFD10]  }
0x440: {  	v9 =	vld [tilespmem:s20+$0xFFFFFD20];
	_ =	sdelay $0x1  }
0x441: {  	v10 =	vld [tilespmem:s20+$0xFFFFFD30];
	_ =	sdelay $0x1  }
0x442: {  	v11 =	vld [tilespmem:s20+$0xFFFFFD40]  }
0x443: {  	v52 =	vmul.f32 v8, v0;
	v53 =	vmul.f32 v9, v1  }
0x444: {  	v8 =	vmul.f32 v8, v4;
	v9 =	vmul.f32 v9, v5  }
0x445: {  	v54 =	vmul.f32 v10, v2;
	v12 =	vadd.f32 v53, v52  }
0x446: {  	v55 =	vmul.f32 v10, v6;
	v8 =	vadd.f32 v9, v8  }
0x447: {  	v57 =	vmul.f32 v11, v3;
	v56 =	vadd.f32 v54, v12  }
0x448: {  	v58 =	vmul.f32 v11, v7;
	v8 =	vadd.f32 v55, v8  }
0x449: {  	v10 =	vadd.f32 v57, v56  }
0x44a: {  	v8 =	vadd.f32 v58, v8  }
0x44b: {  	(xrf2) =	vadd.scan.msk.f32 $0xffff, v10  }
0x44c: {  	(xrf2) =	vadd.scan.msk.f32 $0xffff, v8;
	_ =	sdelay $0x3  }
0x44d: {  	s29 =	sadd.s32 $0x8, s19  }
0x44e: {  	v8 =	vmov s29  }
0x44f: {  	v59 =	vor.u32 $0x1, v8;
	_ =	sdelay $0x2  }
0x450: {  	v10, _, _ =	vpop (xrf2)  }
0x451: {  	v60, _, _ =	vpop (xrf2);
	[tilespmem:v8+s16+$0x0] =	vst.idx.msk vm0, v10  }
0x452: {  	[tilespmem:v59+s16+$0x0] =	vst.idx.msk vm0, v60  }
0x453: {  	v8 =	vld [tilespmem:s20+$0xFFFFFD50]  }
0x454: {  	v9 =	vld [tilespmem:s20+$0xFFFFFD60];
	_ =	sdelay $0x1  }
0x455: {  	v10 =	vld [tilespmem:s20+$0xFFFFFD70];
	_ =	sdelay $0x1  }
0x456: {  	v11 =	vld [tilespmem:s20+$0xFFFFFD80]  }
0x457: {  	v61 =	vmul.f32 v8, v0;
	v62 =	vmul.f32 v9, v1  }
0x458: {  	v8 =	vmul.f32 v8, v4;
	v9 =	vmul.f32 v9, v5  }
0x459: {  	v63 =	vmul.f32 v10, v2;
	v12 =	vadd.f32 v62, v61  }
0x45a: {  	v16 =	vmul.f32 v10, v6;
	v8 =	vadd.f32 v9, v8  }
0x45b: {  	v18 =	vmul.f32 v11, v3;
	v17 =	vadd.f32 v63, v12  }
0x45c: {  	v19 =	vmul.f32 v11, v7;
	v8 =	vadd.f32 v16, v8  }
0x45d: {  	v10 =	vadd.f32 v18, v17  }
0x45e: {  	v8 =	vadd.f32 v19, v8  }
0x45f: {  	(xrf2) =	vadd.scan.msk.f32 $0xffff, v10  }
0x460: {  	(xrf2) =	vadd.scan.msk.f32 $0xffff, v8;
	_ =	sdelay $0x3  }
0x461: {  	s30 =	sadd.s32 $0xA, s19  }
0x462: {  	v8 =	vmov s30  }
0x463: {  	v20 =	vor.u32 $0x3, v8;
	_ =	sdelay $0x2  }
0x464: {  	v10, _, _ =	vpop (xrf2)  }
0x465: {  	v21, _, _ =	vpop (xrf2);
	[tilespmem:v8+s16+$0x0] =	vst.idx.msk vm0, v10  }
0x466: {  	[tilespmem:v20+s16+$0x0] =	vst.idx.msk vm0, v21  }
0x467: {  	v8 =	vld [tilespmem:s20+$0xFFFFFD90]  }
0x468: {  	v9 =	vld [tilespmem:s20+$0xFFFFFDA0];
	_ =	sdelay $0x1  }
0x469: {  	v10 =	vld [tilespmem:s20+$0xFFFFFDB0];
	_ =	sdelay $0x1  }
0x46a: {  	v11 =	vld [tilespmem:s20+$0xFFFFFDC0]  }
0x46b: {  	v22 =	vmul.f32 v8, v0;
	v23 =	vmul.f32 v9, v1  }
0x46c: {  	v8 =	vmul.f32 v8, v4;
	v9 =	vmul.f32 v9, v5  }
0x46d: {  	v24 =	vmul.f32 v10, v2;
	v12 =	vadd.f32 v23, v22  }
0x46e: {  	v25 =	vmul.f32 v10, v6;
	v8 =	vadd.f32 v9, v8  }
0x46f: {  	v27 =	vmul.f32 v11, v3;
	v26 =	vadd.f32 v24, v12  }
0x470: {  	v28 =	vmul.f32 v11, v7;
	v8 =	vadd.f32 v25, v8  }
0x471: {  	v10 =	vadd.f32 v27, v26  }
0x472: {  	v8 =	vadd.f32 v28, v8  }
0x473: {  	(xrf2) =	vadd.scan.msk.f32 $0xffff, v10  }
0x474: {  	(xrf2) =	vadd.scan.msk.f32 $0xffff, v8;
	_ =	sdelay $0x3  }
0x475: {  	s31 =	sadd.s32 $0xC, s19  }
0x476: {  	v8 =	vmov s31  }
0x477: {  	v29 =	vor.u32 $0x5, v8;
	_ =	sdelay $0x2  }
0x478: {  	v10, _, _ =	vpop (xrf2)  }
0x479: {  	v30, _, _ =	vpop (xrf2);
	[tilespmem:v8+s16+$0x0] =	vst.idx.msk vm0, v10  }
0x47a: {  	[tilespmem:v29+s16+$0x0] =	vst.idx.msk vm0, v30  }
0x47b: {  	v8 =	vld [tilespmem:s20+$0xFFFFFDD0]  }
0x47c: {  	v9 =	vld [tilespmem:s20+$0xFFFFFDE0];
	_ =	sdelay $0x1  }
0x47d: {  	v10 =	vld [tilespmem:s20+$0xFFFFFDF0];
	_ =	sdelay $0x1  }
0x47e: {  	v11 =	vld [tilespmem:s20+$0xFFFFFE00]  }
0x47f: {  	v31 =	vmul.f32 v8, v0;
	v32 =	vmul.f32 v9, v1  }
0x480: {  	v8 =	vmul.f32 v8, v4;
	v9 =	vmul.f32 v9, v5  }
0x481: {  	v33 =	vmul.f32 v10, v2;
	v12 =	vadd.f32 v32, v31  }
0x482: {  	v34 =	vmul.f32 v10, v6;
	v8 =	vadd.f32 v9, v8  }
0x483: {  	v36 =	vmul.f32 v11, v3;
	v35 =	vadd.f32 v33, v12  }
0x484: {  	v37 =	vmul.f32 v11, v7;
	v8 =	vadd.f32 v34, v8  }
0x485: {  	v10 =	vadd.f32 v36, v35  }
0x486: {  	v8 =	vadd.f32 v37, v8  }
0x487: {  	(xrf2) =	vadd.scan.msk.f32 $0xffff, v10  }
0x488: {  	(xrf2) =	vadd.scan.msk.f32 $0xffff, v8;
	_ =	sdelay $0x3  }
0x489: {  	s22 =	sadd.s32 $0xE, s19  }
0x48a: {  	v8 =	vmov s22  }
0x48b: {  	v38 =	vor.u32 $0x7, v8;
	_ =	sdelay $0x2  }
0x48c: {  	v10, _, _ =	vpop (xrf2)  }
0x48d: {  	v39, _, _ =	vpop (xrf2);
	[tilespmem:v8+s16+$0x0] =	vst.idx.msk vm0, v10  }
0x48e: {  	[tilespmem:v38+s16+$0x0] =	vst.idx.msk vm0, v39  }
0x48f: {  	v8 =	vld [tilespmem:s20+$0xFFFFFE10]  }
0x490: {  	v9 =	vld [tilespmem:s20+$0xFFFFFE20];
	_ =	sdelay $0x1  }
0x491: {  	v10 =	vld [tilespmem:s20+$0xFFFFFE30];
	_ =	sdelay $0x1  }
0x492: {  	v11 =	vld [tilespmem:s20+$0xFFFFFE40]  }
0x493: {  	v40 =	vmul.f32 v8, v0;
	v41 =	vmul.f32 v9, v1  }
0x494: {  	v8 =	vmul.f32 v8, v4;
	v9 =	vmul.f32 v9, v5  }
0x495: {  	v42 =	vmul.f32 v10, v2;
	v12 =	vadd.f32 v41, v40  }
0x496: {  	v43 =	vmul.f32 v10, v6;
	v8 =	vadd.f32 v9, v8  }
0x497: {  	v45 =	vmul.f32 v11, v3;
	v44 =	vadd.f32 v42, v12  }
0x498: {  	v46 =	vmul.f32 v11, v7;
	v8 =	vadd.f32 v43, v8  }
0x499: {  	v10 =	vadd.f32 v45, v44  }
0x49a: {  	v8 =	vadd.f32 v46, v8  }
0x49b: {  	(xrf2) =	vadd.scan.msk.f32 $0xffff, v10  }
0x49c: {  	(xrf2) =	vadd.scan.msk.f32 $0xffff, v8;
	_ =	sdelay $0x3  }
0x49d: {  	s23 =	sadd.s32 $0x10, s19  }
0x49e: {  	v8 =	vmov s23  }
0x49f: {  	v47 =	vor.u32 $0x1, v8;
	_ =	sdelay $0x2  }
0x4a0: {  	v10, _, _ =	vpop (xrf2)  }
0x4a1: {  	v48, _, _ =	vpop (xrf2);
	[tilespmem:v8+s16+$0x0] =	vst.idx.msk vm0, v10  }
0x4a2: {  	[tilespmem:v47+s16+$0x0] =	vst.idx.msk vm0, v48  }
0x4a3: {  	v8 =	vld [tilespmem:s20+$0xFFFFFE50]  }
0x4a4: {  	v9 =	vld [tilespmem:s20+$0xFFFFFE60];
	_ =	sdelay $0x1  }
0x4a5: {  	v10 =	vld [tilespmem:s20+$0xFFFFFE70];
	_ =	sdelay $0x1  }
0x4a6: {  	v11 =	vld [tilespmem:s20+$0xFFFFFE80]  }
0x4a7: {  	v49 =	vmul.f32 v8, v0;
	v50 =	vmul.f32 v9, v1  }
0x4a8: {  	v8 =	vmul.f32 v8, v4;
	v9 =	vmul.f32 v9, v5  }
0x4a9: {  	v51 =	vmul.f32 v10, v2;
	v12 =	vadd.f32 v50, v49  }
0x4aa: {  	v52 =	vmul.f32 v10, v6;
	v8 =	vadd.f32 v9, v8  }
0x4ab: {  	v54 =	vmul.f32 v11, v3;
	v53 =	vadd.f32 v51, v12  }
0x4ac: {  	v55 =	vmul.f32 v11, v7;
	v8 =	vadd.f32 v52, v8  }
0x4ad: {  	v10 =	vadd.f32 v54, v53  }
0x4ae: {  	v8 =	vadd.f32 v55, v8  }
0x4af: {  	(xrf2) =	vadd.scan.msk.f32 $0xffff, v10  }
0x4b0: {  	(xrf2) =	vadd.scan.msk.f32 $0xffff, v8;
	_ =	sdelay $0x3  }
0x4b1: {  	s24 =	sadd.s32 $0x12, s19  }
0x4b2: {  	v8 =	vmov s24  }
0x4b3: {  	v56 =	vor.u32 $0x3, v8;
	_ =	sdelay $0x2  }
0x4b4: {  	v10, _, _ =	vpop (xrf2)  }
0x4b5: {  	v57, _, _ =	vpop (xrf2);
	[tilespmem:v8+s16+$0x0] =	vst.idx.msk vm0, v10  }
0x4b6: {  	[tilespmem:v56+s16+$0x0] =	vst.idx.msk vm0, v57  }
0x4b7: {  	v8 =	vld [tilespmem:s20+$0xFFFFFE90]  }
0x4b8: {  	v9 =	vld [tilespmem:s20+$0xFFFFFEA0];
	_ =	sdelay $0x1  }
0x4b9: {  	v10 =	vld [tilespmem:s20+$0xFFFFFEB0];
	_ =	sdelay $0x1  }
0x4ba: {  	v11 =	vld [tilespmem:s20+$0xFFFFFEC0]  }
0x4bb: {  	v58 =	vmul.f32 v8, v0;
	v59 =	vmul.f32 v9, v1  }
0x4bc: {  	v8 =	vmul.f32 v8, v4;
	v9 =	vmul.f32 v9, v5  }
0x4bd: {  	v60 =	vmul.f32 v10, v2;
	v12 =	vadd.f32 v59, v58  }
0x4be: {  	v61 =	vmul.f32 v10, v6;
	v8 =	vadd.f32 v9, v8  }
0x4bf: {  	v63 =	vmul.f32 v11, v3;
	v62 =	vadd.f32 v60, v12  }
0x4c0: {  	v16 =	vmul.f32 v11, v7;
	v8 =	vadd.f32 v61, v8  }
0x4c1: {  	v10 =	vadd.f32 v63, v62  }
0x4c2: {  	v8 =	vadd.f32 v16, v8  }
0x4c3: {  	(xrf2) =	vadd.scan.msk.f32 $0xffff, v10  }
0x4c4: {  	(xrf2) =	vadd.scan.msk.f32 $0xffff, v8;
	_ =	sdelay $0x3  }
0x4c5: {  	s25 =	sadd.s32 $0x14, s19  }
0x4c6: {  	v8 =	vmov s25  }
0x4c7: {  	v17 =	vor.u32 $0x5, v8;
	_ =	sdelay $0x2  }
0x4c8: {  	v10, _, _ =	vpop (xrf2)  }
0x4c9: {  	v18, _, _ =	vpop (xrf2);
	[tilespmem:v8+s16+$0x0] =	vst.idx.msk vm0, v10  }
0x4ca: {  	[tilespmem:v17+s16+$0x0] =	vst.idx.msk vm0, v18  }
0x4cb: {  	v8 =	vld [tilespmem:s20+$0xFFFFFED0]  }
0x4cc: {  	v9 =	vld [tilespmem:s20+$0xFFFFFEE0];
	_ =	sdelay $0x1  }
0x4cd: {  	v10 =	vld [tilespmem:s20+$0xFFFFFEF0];
	_ =	sdelay $0x1  }
0x4ce: {  	v11 =	vld [tilespmem:s20+$0xFFFFFF00]  }
0x4cf: {  	v19 =	vmul.f32 v8, v0;
	v20 =	vmul.f32 v9, v1  }
0x4d0: {  	v8 =	vmul.f32 v8, v4;
	v9 =	vmul.f32 v9, v5  }
0x4d1: {  	v21 =	vmul.f32 v10, v2;
	v12 =	vadd.f32 v20, v19  }
0x4d2: {  	v22 =	vmul.f32 v10, v6;
	v8 =	vadd.f32 v9, v8  }
0x4d3: {  	v24 =	vmul.f32 v11, v3;
	v23 =	vadd.f32 v21, v12  }
0x4d4: {  	v25 =	vmul.f32 v11, v7;
	v8 =	vadd.f32 v22, v8  }
0x4d5: {  	v10 =	vadd.f32 v24, v23  }
0x4d6: {  	v8 =	vadd.f32 v25, v8  }
0x4d7: {  	(xrf2) =	vadd.scan.msk.f32 $0xffff, v10  }
0x4d8: {  	(xrf2) =	vadd.scan.msk.f32 $0xffff, v8;
	_ =	sdelay $0x3  }
0x4d9: {  	s26 =	sadd.s32 $0x16, s19  }
0x4da: {  	v8 =	vmov s26  }
0x4db: {  	v26 =	vor.u32 $0x7, v8;
	_ =	sdelay $0x2  }
0x4dc: {  	v10, _, _ =	vpop (xrf2)  }
0x4dd: {  	v27, _, _ =	vpop (xrf2);
	[tilespmem:v8+s16+$0x0] =	vst.idx.msk vm0, v10  }
0x4de: {  	[tilespmem:v26+s16+$0x0] =	vst.idx.msk vm0, v27  }
0x4df: {  	v8 =	vld [tilespmem:s20+$0xFFFFFF10]  }
0x4e0: {  	v9 =	vld [tilespmem:s20+$0xFFFFFF20];
	_ =	sdelay $0x1  }
0x4e1: {  	v10 =	vld [tilespmem:s20+$0xFFFFFF30];
	_ =	sdelay $0x1  }
0x4e2: {  	v11 =	vld [tilespmem:s20+$0xFFFFFF40]  }
0x4e3: {  	v28 =	vmul.f32 v8, v0;
	v29 =	vmul.f32 v9, v1  }
0x4e4: {  	v8 =	vmul.f32 v8, v4;
	v9 =	vmul.f32 v9, v5  }
0x4e5: {  	v30 =	vmul.f32 v10, v2;
	v12 =	vadd.f32 v29, v28  }
0x4e6: {  	v31 =	vmul.f32 v10, v6;
	v8 =	vadd.f32 v9, v8  }
0x4e7: {  	v33 =	vmul.f32 v11, v3;
	v32 =	vadd.f32 v30, v12  }
0x4e8: {  	v34 =	vmul.f32 v11, v7;
	v8 =	vadd.f32 v31, v8  }
0x4e9: {  	v10 =	vadd.f32 v33, v32  }
0x4ea: {  	v8 =	vadd.f32 v34, v8  }
0x4eb: {  	(xrf2) =	vadd.scan.msk.f32 $0xffff, v10  }
0x4ec: {  	(xrf2) =	vadd.scan.msk.f32 $0xffff, v8;
	_ =	sdelay $0x3  }
0x4ed: {  	s28 =	sadd.s32 $0x18, s19  }
0x4ee: {  	v8 =	vmov s28  }
0x4ef: {  	v35 =	vor.u32 $0x1, v8;
	_ =	sdelay $0x2  }
0x4f0: {  	v10, _, _ =	vpop (xrf2)  }
0x4f1: {  	v36, _, _ =	vpop (xrf2);
	[tilespmem:v8+s16+$0x0] =	vst.idx.msk vm0, v10  }
0x4f2: {  	[tilespmem:v35+s16+$0x0] =	vst.idx.msk vm0, v36  }
0x4f3: {  	v8 =	vld [tilespmem:s20+$0xFFFFFF50]  }
0x4f4: {  	v9 =	vld [tilespmem:s20+$0xFFFFFF60];
	_ =	sdelay $0x1  }
0x4f5: {  	v10 =	vld [tilespmem:s20+$0xFFFFFF70];
	_ =	sdelay $0x1  }
0x4f6: {  	v11 =	vld [tilespmem:s20+$0xFFFFFF80]  }
0x4f7: {  	v37 =	vmul.f32 v8, v0;
	v38 =	vmul.f32 v9, v1  }
0x4f8: {  	v8 =	vmul.f32 v8, v4;
	v9 =	vmul.f32 v9, v5  }
0x4f9: {  	v39 =	vmul.f32 v10, v2;
	v12 =	vadd.f32 v38, v37  }
0x4fa: {  	v40 =	vmul.f32 v10, v6;
	v8 =	vadd.f32 v9, v8  }
0x4fb: {  	v42 =	vmul.f32 v11, v3;
	v41 =	vadd.f32 v39, v12  }
0x4fc: {  	v43 =	vmul.f32 v11, v7;
	v8 =	vadd.f32 v40, v8  }
0x4fd: {  	v10 =	vadd.f32 v42, v41  }
0x4fe: {  	v8 =	vadd.f32 v43, v8  }
0x4ff: {  	(xrf2) =	vadd.scan.msk.f32 $0xffff, v10  }
0x500: {  	(xrf2) =	vadd.scan.msk.f32 $0xffff, v8;
	_ =	sdelay $0x3  }
0x501: {  	s29 =	sadd.s32 $0x1A, s19  }
0x502: {  	v8 =	vmov s29  }
0x503: {  	v44 =	vor.u32 $0x3, v8;
	_ =	sdelay $0x2  }
0x504: {  	v10, _, _ =	vpop (xrf2)  }
0x505: {  	v45, _, _ =	vpop (xrf2);
	[tilespmem:v8+s16+$0x0] =	vst.idx.msk vm0, v10  }
0x506: {  	[tilespmem:v44+s16+$0x0] =	vst.idx.msk vm0, v45  }
0x507: {  	v8 =	vld [tilespmem:s20+$0xFFFFFF90]  }
0x508: {  	v9 =	vld [tilespmem:s20+$0xFFFFFFA0];
	_ =	sdelay $0x1  }
0x509: {  	v10 =	vld [tilespmem:s20+$0xFFFFFFB0];
	_ =	sdelay $0x1  }
0x50a: {  	v11 =	vld [tilespmem:s20+$0xFFFFFFC0]  }
0x50b: {  	v46 =	vmul.f32 v8, v0;
	v47 =	vmul.f32 v9, v1  }
0x50c: {  	v8 =	vmul.f32 v8, v4;
	v9 =	vmul.f32 v9, v5  }
0x50d: {  	v48 =	vmul.f32 v10, v2;
	v12 =	vadd.f32 v47, v46  }
0x50e: {  	v49 =	vmul.f32 v10, v6;
	v8 =	vadd.f32 v9, v8  }
0x50f: {  	v51 =	vmul.f32 v11, v3;
	v50 =	vadd.f32 v48, v12  }
0x510: {  	v52 =	vmul.f32 v11, v7;
	v8 =	vadd.f32 v49, v8  }
0x511: {  	v10 =	vadd.f32 v51, v50  }
0x512: {  	v8 =	vadd.f32 v52, v8  }
0x513: {  	(xrf2) =	vadd.scan.msk.f32 $0xffff, v10  }
0x514: {  	(xrf2) =	vadd.scan.msk.f32 $0xffff, v8;
	_ =	sdelay $0x3  }
0x515: {  	s30 =	sadd.s32 $0x1C, s19  }
0x516: {  	v8 =	vmov s30  }
0x517: {  	v53 =	vor.u32 $0x5, v8;
	_ =	sdelay $0x2  }
0x518: {  	v10, _, _ =	vpop (xrf2)  }
0x519: {  	v54, _, _ =	vpop (xrf2);
	[tilespmem:v8+s16+$0x0] =	vst.idx.msk vm0, v10  }
0x51a: {  	[tilespmem:v53+s16+$0x0] =	vst.idx.msk vm0, v54  }
0x51b: {  	v8 =	vld [tilespmem:s20+$0xFFFFFFD0]  }
0x51c: {  	v9 =	vld [tilespmem:s20+$0xFFFFFFE0];
	_ =	sdelay $0x1  }
0x51d: {  	v10 =	vld [tilespmem:s20+$0xFFFFFFF0];
	_ =	sdelay $0x1  }
0x51e: {  	v11 =	vld [tilespmem:s20+$0x0]  }
0x51f: {  	v55 =	vmul.f32 v8, v0;
	v56 =	vmul.f32 v9, v1  }
0x520: {  	v8 =	vmul.f32 v8, v4;
	v9 =	vmul.f32 v9, v5  }
0x521: {  	v57 =	vmul.f32 v10, v2;
	v12 =	vadd.f32 v56, v55  }
0x522: {  	v58 =	vmul.f32 v10, v6;
	v8 =	vadd.f32 v9, v8  }
0x523: {  	v60 =	vmul.f32 v11, v3;
	v59 =	vadd.f32 v57, v12  }
0x524: {  	v61 =	vmul.f32 v11, v7;
	v8 =	vadd.f32 v58, v8  }
0x525: {  	v10 =	vadd.f32 v60, v59  }
0x526: {  	v8 =	vadd.f32 v61, v8  }
0x527: {  	(xrf2) =	vadd.scan.msk.f32 $0xffff, v10  }
0x528: {  	(xrf2) =	vadd.scan.msk.f32 $0xffff, v8;
	_ =	sdelay $0x3  }
0x529: {  	s31 =	sadd.s32 $0x1E, s19  }
0x52a: {  	v8 =	vmov s31  }
0x52b: {  	p0 =	sne.s32 s19, $0x3E0;
	v62 =	vor.u32 $0x7, v8  }
.Ltmp3:
0x52c: {  	_ = 	snop;
	(pc) =	sbr.rel @p0 .LBB2_8-.Ltmp3, $4  }
0x52d: {  	_ = 	snop  }
0x52e: {  	v10, _, _ =	vpop (xrf2)  }
0x52f: {  	v63, _, _ =	vpop (xrf2);
	[tilespmem:v8+s16+$0x0] =	vst.idx.msk vm0, v10  }
0x530: {  	s19 =	sadd.s32 $0x20, s19;
	s20 =	sadd.s32 $0x400, s20;
	[tilespmem:v62+s16+$0x0] =	vst.idx.msk vm0, v63  }
0x531: {  	s18 =	sadd.s32 $0x1, s18  }
0x532: {  	p0 =	sne.s32 s18, s10  }
.Ltmp4:
0x533: {  	_ = 	snop;
	(pc) =	sbr.rel @p0 .LBB2_1-.Ltmp4, $4  }
0x534: {  	[hbm4b:s9+s2] =	stream.linear.scatter [tilespmem:s16], [sflag:$0x3], $0x400, $0x38;
	[tilespmem:$0x4480] =	vst v63  }
0x535: {  	_ =	swait.ge [sflag:s12], $0x400  }
0x536: {  	[sflag:s12] =	ssyncset.done $0x0  }
0x537: {  	[sflag:s12] =	ssyncadd.s32 $0xFFFFFC00  }
0x538: {  	_ =	sfence.sel $0x180000  }
0x539: {  	[bflag:$0x0] =	sbarrier.arrive $0xFFFF  }
0x53a: {  	p0 =	sne.s32 s0, $0x0;
	_ =	strace $0x90000047  }
0x53b: {  	s0 =	sadd.s32 @!p0 $0x100000, s1;
	[bflag:$0x2] =	sbarrier.arrive $0xFFFF  }
0x53c: {  	[sflag:s0] =	ssyncadd.tile.s32 @!p0 $0x1;
	_ =	shalt  }
.Lfunc_end2:
_tile_overlayer_lowered:
.L_overlay_start_2:
0x53d: {  	(tag) =	ssettag $0x2  }
0x53e: {  	s0 =	rddreg [dreg:$0x0];
	s2 =	stileid.u32  }
0x53f: {  	s1 =	rddreg [dreg:$0x1];
	p0 =	sne.s32 s2, $0x0  }
0x540: {  	s3 =	rddreg [dreg:$0x2];
	[bflag:$0x3] =	sbarrier.arrive $0xFFFF;
	s2 =	simm.s32 @!p0 $0x1C03  }
0x541: {  	[timem:s3], [sflag:s2] =	dma.local @!p0 [hbm:s0], s1  }
0x542: {  	s0 =	simm.s32 @!p0 $0x3  }
0x543: {  	_ =	swait.ge @!p0 [sflag:s0], s1  }
0x544: {  	s1 =	ssub.s32 @!p0 $0x0, s1;
	[sflag:s0] =	ssyncset.done @!p0 $0x0  }
0x545: {  	[sflag:s0] =	ssyncadd.s32 @!p0 s1  }
0x546: {  	[bflag:$0x3] =	sbarrier.arrive $0xFFFF  }
0x547: {  	_ =	shalt  }

</sc_bundles>
